<compile_context>
chip_gen: v7x
topology: tpu7x:2x2x1
jax: 0.10.2.dev20260603
libtpu: 0.0.44.dev20260713+nightly
codegen_flags: <defaults>
</compile_context>

<pallas_src>
import functools

import jax
import jax.numpy as jnp
from jax import lax
from jax.experimental import pallas as pl
from jax.experimental.pallas import tpu as pltpu
from jax.experimental.pallas import tpu_sc as plsc

TOK = 32768
DIM = 256
NSEG = 16
EPS = 1e-5

NW = 32
SC_TOK = 8192
CHUNK = SC_TOK // NW
BLK = 64
BLKP = BLK + 8
LANES = 16
NSTRIP = DIM // LANES
CU_PAD = 32


def _sc_body(x_hbm, cu_hbm, psum_hbm, psq_hbm, xbuf0, xbuf1, asum, asq,
             cu_v, sem0, sem1):
    wid = lax.axis_index("s") * 2 + lax.axis_index("c")
    base = wid * CHUNK
    pltpu.async_copy(cu_hbm, cu_v, sem0)
    zeros = jnp.zeros((LANES,), jnp.float32)

    def cu_at(i):
        return cu_v[pl.ds(i, LANES)][0]

    def zero_body(s, carry):
        for k in range(NSTRIP):
            sl = pl.ds(k * LANES, LANES)
            asum[s, sl] = zeros
            asq[s, sl] = zeros
        return carry

    lax.fori_loop(0, NSEG, zero_body, jnp.int32(0))
    pltpu.make_async_copy(cu_hbm, cu_v, sem0).wait()

    limit = base + CHUNK

    def seg_body(s, carry0):
        lo = jnp.maximum(cu_at(s), base)
        hi = jnp.minimum(cu_at(s + 1), limit)
        seg_len = jnp.maximum(hi - lo, 0)
        nblk = (seg_len + BLK - 1) >> 6

        def window(j):
            blk_lo = lo + j * BLK
            start = jnp.minimum(jnp.bitwise_and(blk_lo, -8), TOK - BLKP)
            return pl.multiple_of(start, 8)

        def accumulate(buf, j):
            blk_lo = lo + j * BLK
            start = window(j)
            loc_lo = blk_lo - start
            loc_hi = jnp.minimum(hi, blk_lo + BLK) - start

            def tok_body(t, c):
                out = []
                for k in range(NSTRIP):
                    row = buf[t, pl.ds(k * LANES, LANES)]
                    out.append(c[2 * k] + row)
                    out.append(c[2 * k + 1] + row * row)
                return tuple(out)

            acc = lax.fori_loop(loc_lo, jnp.maximum(loc_hi, loc_lo),
                                tok_body, (zeros,) * (2 * NSTRIP))
            for k in range(NSTRIP):
                sl = pl.ds(k * LANES, LANES)
                asum[s, sl] = asum[s, sl] + acc[2 * k]
                asq[s, sl] = asq[s, sl] + acc[2 * k + 1]

        def fetch(j, buf, sem):
            pltpu.async_copy(x_hbm.at[pl.ds(window(j), BLKP)], buf, sem)

        def wait(buf, sem):
            pltpu.make_async_copy(
                x_hbm.at[pl.ds(window(0), BLKP)], buf, sem).wait()

        @pl.when(nblk > 0)
        def _():
            fetch(0, xbuf0, sem0)
            npair = (nblk + 1) >> 1

            def pair_body(m, carry):
                j0 = 2 * m
                wait(xbuf0, sem0)
                fetch(jnp.minimum(j0 + 1, nblk - 1), xbuf1, sem1)
                accumulate(xbuf0, j0)
                wait(xbuf1, sem1)
                fetch(jnp.minimum(j0 + 2, nblk - 1), xbuf0, sem0)
                accumulate(xbuf1, j0 + 1)
                return carry

            lax.fori_loop(0, npair, pair_body, jnp.int32(0))
            wait(xbuf0, sem0)

        return carry0

    lax.fori_loop(0, NSEG, seg_body, jnp.int32(0))
    pltpu.async_copy(asum, psum_hbm.at[wid], sem0)
    pltpu.async_copy(asq, psq_hbm.at[wid], sem1)
    pltpu.make_async_copy(asum, psum_hbm.at[wid], sem0).wait()
    pltpu.make_async_copy(asq, psq_hbm.at[wid], sem1).wait()


_sc_partials = functools.partial(
    pl.kernel,
    out_type=(
        jax.ShapeDtypeStruct((NW, NSEG, DIM), jnp.float32),
        jax.ShapeDtypeStruct((NW, NSEG, DIM), jnp.float32),
    ),
    mesh=plsc.VectorSubcoreMesh(
        core_axis_name="c", subcore_axis_name="s",
        num_cores=2, num_subcores=16),
    scratch_types=[
        pltpu.VMEM((BLKP, DIM), jnp.float32),
        pltpu.VMEM((BLKP, DIM), jnp.float32),
        pltpu.VMEM((NSEG, DIM), jnp.float32),
        pltpu.VMEM((NSEG, DIM), jnp.float32),
        pltpu.VMEM((CU_PAD,), jnp.int32),
        pltpu.SemaphoreType.DMA,
        pltpu.SemaphoreType.DMA,
    ],
)(_sc_body)


PBLK = 4096
PGRID = (TOK - SC_TOK) // PBLK


def _seg_onehot(cu_smem, tok0, n):
    tok = tok0 + lax.broadcasted_iota(jnp.int32, (n, 1), 0)
    bid = jnp.zeros((n, 1), jnp.int32)
    for j in range(1, NSEG):
        bid += (tok >= cu_smem[j]).astype(jnp.int32)
    seg = lax.broadcasted_iota(jnp.int32, (1, NSEG), 1)
    return (bid == seg).astype(jnp.float32)


def _tc_part_body(cu_smem, x_ref, ps_ref, pq_ref, acc_s, acc_q):
    pid = pl.program_id(0)
    oh = _seg_onehot(cu_smem, SC_TOK + pid * PBLK, PBLK)
    xs = x_ref[...]
    dn = (((0,), (0,)), ((), ()))
    ps = lax.dot_general(oh, xs, dn, preferred_element_type=jnp.float32)
    pq = lax.dot_general(oh, xs * xs, dn,
                         preferred_element_type=jnp.float32)

    @pl.when(pid == 0)
    def _():
        acc_s[...] = ps
        acc_q[...] = pq

    @pl.when(pid > 0)
    def _():
        acc_s[...] = acc_s[...] + ps
        acc_q[...] = acc_q[...] + pq

    @pl.when(pid == PGRID - 1)
    def _():
        ps_ref[...] = acc_s[...]
        pq_ref[...] = acc_q[...]


_tc_partials = pl.pallas_call(
    _tc_part_body,
    grid=(PGRID,),
    in_specs=[
        pl.BlockSpec(memory_space=pltpu.SMEM),
        pl.BlockSpec((PBLK, DIM), lambda i: (i + SC_TOK // PBLK, 0)),
    ],
    out_specs=(
        pl.BlockSpec((NSEG, DIM), lambda i: (0, 0)),
        pl.BlockSpec((NSEG, DIM), lambda i: (0, 0)),
    ),
    out_shape=(
        jax.ShapeDtypeStruct((NSEG, DIM), jnp.float32),
        jax.ShapeDtypeStruct((NSEG, DIM), jnp.float32),
    ),
    scratch_shapes=[
        pltpu.VMEM((NSEG, DIM), jnp.float32),
        pltpu.VMEM((NSEG, DIM), jnp.float32),
    ],
)


TBLK = 4096
GRID = TOK // TBLK


def _tc_body(cu_smem, psum_ref, psq_ref, tps_ref, tpq_ref,
             x_ref, o_ref, mean_sc, rstd_sc):
    pid = pl.program_id(0)

    @pl.when(pid == 0)
    def _():
        s = jnp.sum(psum_ref[...], axis=0) + tps_ref[...]
        q = jnp.sum(psq_ref[...], axis=0) + tpq_ref[...]
        cnt = jnp.stack(
            [jnp.maximum(cu_smem[j + 1] - cu_smem[j], 1)
             for j in range(NSEG)]).astype(jnp.float32).reshape(NSEG, 1)
        mean = s / cnt
        var = jnp.maximum(q / cnt - mean * mean, 0.0)
        mean_sc[...] = mean
        rstd_sc[...] = lax.rsqrt(var + EPS)

    oh = _seg_onehot(cu_smem, pid * TBLK, TBLK)
    mu = jnp.dot(oh, mean_sc[...], preferred_element_type=jnp.float32)
    rs = jnp.dot(oh, rstd_sc[...], preferred_element_type=jnp.float32)
    o_ref[...] = (x_ref[...] - mu) * rs


_tc_norm = pl.pallas_call(
    _tc_body,
    grid=(GRID,),
    in_specs=[
        pl.BlockSpec(memory_space=pltpu.SMEM),
        pl.BlockSpec((NW, NSEG, DIM), lambda i: (0, 0, 0)),
        pl.BlockSpec((NW, NSEG, DIM), lambda i: (0, 0, 0)),
        pl.BlockSpec((NSEG, DIM), lambda i: (0, 0)),
        pl.BlockSpec((NSEG, DIM), lambda i: (0, 0)),
        pl.BlockSpec((TBLK, DIM), lambda i: (i, 0)),
    ],
    out_specs=pl.BlockSpec((TBLK, DIM), lambda i: (i, 0)),
    out_shape=jax.ShapeDtypeStruct((TOK, DIM), jnp.float32),
    scratch_shapes=[
        pltpu.VMEM((NSEG, DIM), jnp.float32),
        pltpu.VMEM((NSEG, DIM), jnp.float32),
    ],
)


def kernel(x, cu_seqlens):
    cu = cu_seqlens.astype(jnp.int32)
    cu32 = jnp.concatenate(
        [cu, jnp.full((CU_PAD - NSEG - 1,), TOK, jnp.int32)])
    psum, psq = _sc_partials(x, cu32)
    tps, tpq = _tc_partials(cu32, x)
    return _tc_norm(cu32, psum, psq, tps, tpq, x)

# --- scband reference (transcript-rebuilt; emitter-appended) ---
"""Pipeline reference for scband-point-instance-norm-85023172591852 (READ-ONLY COPY).

The authoritative reference and input builder live on the scoring server;
editing this copy changes nothing except your own understanding.
"""

import jax, jax.numpy as jnp
import numpy as np

TOTAL_TOK = 32768
NUM_SEG = 16
DIM = 256
EPS = 1e-05


def setup_inputs(seed: int = 0) -> dict:
    key = jax.random.key(seed)
    k1, k2 = jax.random.split(key)
    x = jax.random.normal(k1, (TOTAL_TOK, DIM), dtype=jnp.float32)
    inner = jnp.sort(jax.random.randint(k2, (NUM_SEG - 1,), 0, TOTAL_TOK)).astype(jnp.int32)
    cu_seqlens = jnp.concatenate([
        jnp.array([0], dtype=jnp.int32),
        inner,
        jnp.array([TOTAL_TOK], dtype=jnp.int32),
    ])
    return {"x": x, "cu_seqlens": cu_seqlens}


def reference(x, cu_seqlens):
    B = cu_seqlens.shape[0] - 1
    N = x.shape[0]
    # seqlen_to_batch_index: map each flat token to its batch/segment id
    bidx = jnp.searchsorted(cu_seqlens, jnp.arange(N, dtype=cu_seqlens.dtype), side='right') - 1
    bidx = jnp.clip(bidx, 0, B - 1)
    counts = jax.ops.segment_sum(jnp.ones((N,), dtype=x.dtype), bidx, num_segments=B)
    counts = jnp.maximum(counts, 1.0)[:, None]
    # scatter_mean(x, bidx, 0, dim_size=B)
    mean = jax.ops.segment_sum(x, bidx, num_segments=B) / counts
    x_hat = x - mean[bidx]
    var = jax.ops.segment_sum(x_hat ** 2, bidx, num_segments=B) / counts
    std = jnp.sqrt(var + EPS)[bidx]
    x_hat = x_hat / std
    return x_hat

if __name__ == "__main__":
    import jax
    _d = setup_inputs()
    print(jax.jit(kernel)(*tuple(_d.values())))

</pallas_src>

<mosaic_0001>
#map = affine_map<(d0, d1) -> (0, 0)>
#map1 = affine_map<(d0, d1) -> (0)>
#map2 = affine_map<(d0, d1) -> (0, 0, 0)>
module attributes {stable_mosaic.version = 14 : i64} {
  func.func @_sc_body(%arg0: i32, %arg1: i32, %arg2: memref<32768x256xf32, #tpu.memory_space<hbm>>, %arg3: memref<32xi32, #tpu.memory_space<hbm>>, %arg4: memref<32x16x256xf32, #tpu.memory_space<hbm>>, %arg5: memref<32x16x256xf32, #tpu.memory_space<hbm>>, %arg6: memref<72x256xf32, #tpu.memory_space<vmem>>, %arg7: memref<72x256xf32, #tpu.memory_space<vmem>>, %arg8: memref<16x256xf32, #tpu.memory_space<vmem>>, %arg9: memref<16x256xf32, #tpu.memory_space<vmem>>, %arg10: memref<32xi32, #tpu.memory_space<vmem>>, %arg11: memref<!tpu.dma_semaphore, #tpu.memory_space<semaphore_mem>>, %arg12: memref<!tpu.dma_semaphore, #tpu.memory_space<semaphore_mem>>) attributes {dimension_semantics = [#tpu.dimension_semantics<core_parallel>, #tpu.dimension_semantics<subcore_parallel>], iteration_bounds = array<i64: 2, 16>, scalar_prefetch = 0 : i64, scratch_operands = 7 : i64, tpu.core_type = #tpu.core_type<sc_vector_subcore>, window_params = [{transform_indices = #map}, {transform_indices = #map1}, {transform_indices = #map2}, {transform_indices = #map2}]} {
    %mul3A = arith.constant 2 : i32
    %mul3A_0 = arith.muli %arg1, %mul3A : i32
    %add3A = arith.addi %mul3A_0, %arg0 : i32
    %mul3A_1 = arith.constant 256 : i32
    %mul3A_2 = arith.muli %add3A, %mul3A_1 : i32
    tpu.enqueue_dma source(%arg3 : memref<32xi32, #tpu.memory_space<hbm>>) target(%arg10 : memref<32xi32, #tpu.memory_space<vmem>>) target_semaphore(%arg11 : memref<!tpu.dma_semaphore, #tpu.memory_space<semaphore_mem>>)
    %broadcast_in_dim3A = arith.constant 0.000000e+00 : f32
    %broadcast_in_dim3A_3 = vector.broadcast %broadcast_in_dim3A : f32 to vector<16xf32>
    %scan3A = arith.constant 0 : i32
    %scan3A_4 = arith.constant 0 : i32
    %scan3A_5 = arith.constant 16 : i32
    %scan3A_6 = arith.addi %scan3A_4, %scan3A_5 : i32
    %scan3A_7 = arith.constant 1 : i32
    scf.for %scan3A_47 = %scan3A_4 to %scan3A_6 step %scan3A_7  : i32 {
      %swap3A = arith.index_cast %scan3A_47 : i32 to index
      %swap3A_48 = arith.constant 0 : index
      %swap3A_49 = tpu.vector_load %arg8[%swap3A, %swap3A_48] {strides = array<i32>} : memref<16x256xf32, #tpu.memory_space<vmem>>, vector<1x16xf32>,
      %swap3A_50 = vector.shape_cast %swap3A_49 : vector<1x16xf32> to vector<16xf32>
      %swap3A_51 = vector.shape_cast %broadcast_in_dim3A_3 : vector<16xf32> to vector<1x16xf32>
      tpu.vector_store %arg8[%swap3A, %swap3A_48], %swap3A_51 {strides = array<i32>} : memref<16x256xf32, #tpu.memory_space<vmem>>, vector<1x16xf32>,
      %swap3A_52 = arith.index_cast %scan3A_47 : i32 to index
      %swap3A_53 = arith.constant 0 : index
      %swap3A_54 = tpu.vector_load %arg9[%swap3A_52, %swap3A_53] {strides = array<i32>} : memref<16x256xf32, #tpu.memory_space<vmem>>, vector<1x16xf32>,
      %swap3A_55 = vector.shape_cast %swap3A_54 : vector<1x16xf32> to vector<16xf32>
      %swap3A_56 = vector.shape_cast %broadcast_in_dim3A_3 : vector<16xf32> to vector<1x16xf32>
      tpu.vector_store %arg9[%swap3A_52, %swap3A_53], %swap3A_56 {strides = array<i32>} : memref<16x256xf32, #tpu.memory_space<vmem>>, vector<1x16xf32>,
      %swap3A_57 = arith.index_cast %scan3A_47 : i32 to index
      %swap3A_58 = arith.constant 16 : index
      %swap3A_59 = tpu.vector_load %arg8[%swap3A_57, %swap3A_58] {strides = array<i32>} : memref<16x256xf32, #tpu.memory_space<vmem>>, vector<1x16xf32>,
      %swap3A_60 = vector.shape_cast %swap3A_59 : vector<1x16xf32> to vector<16xf32>
      %swap3A_61 = vector.shape_cast %broadcast_in_dim3A_3 : vector<16xf32> to vector<1x16xf32>
      tpu.vector_store %arg8[%swap3A_57, %swap3A_58], %swap3A_61 {strides = array<i32>} : memref<16x256xf32, #tpu.memory_space<vmem>>, vector<1x16xf32>,
      %swap3A_62 = arith.index_cast %scan3A_47 : i32 to index
      %swap3A_63 = arith.constant 16 : index
      %swap3A_64 = tpu.vector_load %arg9[%swap3A_62, %swap3A_63] {strides = array<i32>} : memref<16x256xf32, #tpu.memory_space<vmem>>, vector<1x16xf32>,
      %swap3A_65 = vector.shape_cast %swap3A_64 : vector<1x16xf32> to vector<16xf32>
      %swap3A_66 = vector.shape_cast %broadcast_in_dim3A_3 : vector<16xf32> to vector<1x16xf32>
      tpu.vector_store %arg9[%swap3A_62, %swap3A_63], %swap3A_66 {strides = array<i32>} : memref<16x256xf32, #tpu.memory_space<vmem>>, vector<1x16xf32>,
      %swap3A_67 = arith.index_cast %scan3A_47 : i32 to index
      %swap3A_68 = arith.constant 32 : index
      %swap3A_69 = tpu.vector_load %arg8[%swap3A_67, %swap3A_68] {strides = array<i32>} : memref<16x256xf32, #tpu.memory_space<vmem>>, vector<1x16xf32>,
      %swap3A_70 = vector.shape_cast %swap3A_69 : vector<1x16xf32> to vector<16xf32>
      %swap3A_71 = vector.shape_cast %broadcast_in_dim3A_3 : vector<16xf32> to vector<1x16xf32>
      tpu.vector_store %arg8[%swap3A_67, %swap3A_68], %swap3A_71 {strides = array<i32>} : memref<16x256xf32, #tpu.memory_space<vmem>>, vector<1x16xf32>,
      %swap3A_72 = arith.index_cast %scan3A_47 : i32 to index
      %swap3A_73 = arith.constant 32 : index
      %swap3A_74 = tpu.vector_load %arg9[%swap3A_72, %swap3A_73] {strides = array<i32>} : memref<16x256xf32, #tpu.memory_space<vmem>>, vector<1x16xf32>,
      %swap3A_75 = vector.shape_cast %swap3A_74 : vector<1x16xf32> to vector<16xf32>
      %swap3A_76 = vector.shape_cast %broadcast_in_dim3A_3 : vector<16xf32> to vector<1x16xf32>
      tpu.vector_store %arg9[%swap3A_72, %swap3A_73], %swap3A_76 {strides = array<i32>} : memref<16x256xf32, #tpu.memory_space<vmem>>, vector<1x16xf32>,
      %swap3A_77 = arith.index_cast %scan3A_47 : i32 to index
      %swap3A_78 = arith.constant 48 : index
      %swap3A_79 = tpu.vector_load %arg8[%swap3A_77, %swap3A_78] {strides = array<i32>} : memref<16x256xf32, #tpu.memory_space<vmem>>, vector<1x16xf32>,
      %swap3A_80 = vector.shape_cast %swap3A_79 : vector<1x16xf32> to vector<16xf32>
      %swap3A_81 = vector.shape_cast %broadcast_in_dim3A_3 : vector<16xf32> to vector<1x16xf32>
      tpu.vector_store %arg8[%swap3A_77, %swap3A_78], %swap3A_81 {strides = array<i32>} : memref<16x256xf32, #tpu.memory_space<vmem>>, vector<1x16xf32>,
      %swap3A_82 = arith.index_cast %scan3A_47 : i32 to index
      %swap3A_83 = arith.constant 48 : index
      %swap3A_84 = tpu.vector_load %arg9[%swap3A_82, %swap3A_83] {strides = array<i32>} : memref<16x256xf32, #tpu.memory_space<vmem>>, vector<1x16xf32>,
      %swap3A_85 = vector.shape_cast %swap3A_84 : vector<1x16xf32> to vector<16xf32>
      %swap3A_86 = vector.shape_cast %broadcast_in_dim3A_3 : vector<16xf32> to vector<1x16xf32>
      tpu.vector_store %arg9[%swap3A_82, %swap3A_83], %swap3A_86 {strides = array<i32>} : memref<16x256xf32, #tpu.memory_space<vmem>>, vector<1x16xf32>,
      %swap3A_87 = arith.index_cast %scan3A_47 : i32 to index
      %swap3A_88 = arith.constant 64 : index
      %swap3A_89 = tpu.vector_load %arg8[%swap3A_87, %swap3A_88] {strides = array<i32>} : memref<16x256xf32, #tpu.memory_space<vmem>>, vector<1x16xf32>,
      %swap3A_90 = vector.shape_cast %swap3A_89 : vector<1x16xf32> to vector<16xf32>
      %swap3A_91 = vector.shape_cast %broadcast_in_dim3A_3 : vector<16xf32> to vector<1x16xf32>
      tpu.vector_store %arg8[%swap3A_87, %swap3A_88], %swap3A_91 {strides = array<i32>} : memref<16x256xf32, #tpu.memory_space<vmem>>, vector<1x16xf32>,
      %swap3A_92 = arith.index_cast %scan3A_47 : i32 to index
      %swap3A_93 = arith.constant 64 : index
      %swap3A_94 = tpu.vector_load %arg9[%swap3A_92, %swap3A_93] {strides = array<i32>} : memref<16x256xf32, #tpu.memory_space<vmem>>, vector<1x16xf32>,
      %swap3A_95 = vector.shape_cast %swap3A_94 : vector<1x16xf32> to vector<16xf32>
      %swap3A_96 = vector.shape_cast %broadcast_in_dim3A_3 : vector<16xf32> to vector<1x16xf32>
      tpu.vector_store %arg9[%swap3A_92, %swap3A_93], %swap3A_96 {strides = array<i32>} : memref<16x256xf32, #tpu.memory_space<vmem>>, vector<1x16xf32>,
      %swap3A_97 = arith.index_cast %scan3A_47 : i32 to index
      %swap3A_98 = arith.constant 80 : index
      %swap3A_99 = tpu.vector_load %arg8[%swap3A_97, %swap3A_98] {strides = array<i32>} : memref<16x256xf32, #tpu.memory_space<vmem>>, vector<1x16xf32>,
      %swap3A_100 = vector.shape_cast %swap3A_99 : vector<1x16xf32> to vector<16xf32>
      %swap3A_101 = vector.shape_cast %broadcast_in_dim3A_3 : vector<16xf32> to vector<1x16xf32>
      tpu.vector_store %arg8[%swap3A_97, %swap3A_98], %swap3A_101 {strides = array<i32>} : memref<16x256xf32, #tpu.memory_space<vmem>>, vector<1x16xf32>,
      %swap3A_102 = arith.index_cast %scan3A_47 : i32 to index
      %swap3A_103 = arith.constant 80 : index
      %swap3A_104 = tpu.vector_load %arg9[%swap3A_102, %swap3A_103] {strides = array<i32>} : memref<16x256xf32, #tpu.memory_space<vmem>>, vector<1x16xf32>,
      %swap3A_105 = vector.shape_cast %swap3A_104 : vector<1x16xf32> to vector<16xf32>
      %swap3A_106 = vector.shape_cast %broadcast_in_dim3A_3 : vector<16xf32> to vector<1x16xf32>
      tpu.vector_store %arg9[%swap3A_102, %swap3A_103], %swap3A_106 {strides = array<i32>} : memref<16x256xf32, #tpu.memory_space<vmem>>, vector<1x16xf32>,
      %swap3A_107 = arith.index_cast %scan3A_47 : i32 to index
      %swap3A_108 = arith.constant 96 : index
      %swap3A_109 = tpu.vector_load %arg8[%swap3A_107, %swap3A_108] {strides = array<i32>} : memref<16x256xf32, #tpu.memory_space<vmem>>, vector<1x16xf32>,
      %swap3A_110 = vector.shape_cast %swap3A_109 : vector<1x16xf32> to vector<16xf32>
      %swap3A_111 = vector.shape_cast %broadcast_in_dim3A_3 : vector<16xf32> to vector<1x16xf32>
      tpu.vector_store %arg8[%swap3A_107, %swap3A_108], %swap3A_111 {strides = array<i32>} : memref<16x256xf32, #tpu.memory_space<vmem>>, vector<1x16xf32>,
      %swap3A_112 = arith.index_cast %scan3A_47 : i32 to index
      %swap3A_113 = arith.constant 96 : index
      %swap3A_114 = tpu.vector_load %arg9[%swap3A_112, %swap3A_113] {strides = array<i32>} : memref<16x256xf32, #tpu.memory_space<vmem>>, vector<1x16xf32>,
      %swap3A_115 = vector.shape_cast %swap3A_114 : vector<1x16xf32> to vector<16xf32>
      %swap3A_116 = vector.shape_cast %broadcast_in_dim3A_3 : vector<16xf32> to vector<1x16xf32>
      tpu.vector_store %arg9[%swap3A_112, %swap3A_113], %swap3A_116 {strides = array<i32>} : memref<16x256xf32, #tpu.memory_space<vmem>>, vector<1x16xf32>,
      %swap3A_117 = arith.index_cast %scan3A_47 : i32 to index
      %swap3A_118 = arith.constant 112 : index
      %swap3A_119 = tpu.vector_load %arg8[%swap3A_117, %swap3A_118] {strides = array<i32>} : memref<16x256xf32, #tpu.memory_space<vmem>>, vector<1x16xf32>,
      %swap3A_120 = vector.shape_cast %swap3A_119 : vector<1x16xf32> to vector<16xf32>
      %swap3A_121 = vector.shape_cast %broadcast_in_dim3A_3 : vector<16xf32> to vector<1x16xf32>
      tpu.vector_store %arg8[%swap3A_117, %swap3A_118], %swap3A_121 {strides = array<i32>} : memref<16x256xf32, #tpu.memory_space<vmem>>, vector<1x16xf32>,
      %swap3A_122 = arith.index_cast %scan3A_47 : i32 to index
      %swap3A_123 = arith.constant 112 : index
      %swap3A_124 = tpu.vector_load %arg9[%swap3A_122, %swap3A_123] {strides = array<i32>} : memref<16x256xf32, #tpu.memory_space<vmem>>, vector<1x16xf32>,
      %swap3A_125 = vector.shape_cast %swap3A_124 : vector<1x16xf32> to vector<16xf32>
      %swap3A_126 = vector.shape_cast %broadcast_in_dim3A_3 : vector<16xf32> to vector<1x16xf32>
      tpu.vector_store %arg9[%swap3A_122, %swap3A_123], %swap3A_126 {strides = array<i32>} : memref<16x256xf32, #tpu.memory_space<vmem>>, vector<1x16xf32>,
      %swap3A_127 = arith.index_cast %scan3A_47 : i32 to index
      %swap3A_128 = arith.constant 128 : index
      %swap3A_129 = tpu.vector_load %arg8[%swap3A_127, %swap3A_128] {strides = array<i32>} : memref<16x256xf32, #tpu.memory_space<vmem>>, vector<1x16xf32>,
      %swap3A_130 = vector.shape_cast %swap3A_129 : vector<1x16xf32> to vector<16xf32>
      %swap3A_131 = vector.shape_cast %broadcast_in_dim3A_3 : vector<16xf32> to vector<1x16xf32>
      tpu.vector_store %arg8[%swap3A_127, %swap3A_128], %swap3A_131 {strides = array<i32>} : memref<16x256xf32, #tpu.memory_space<vmem>>, vector<1x16xf32>,
      %swap3A_132 = arith.index_cast %scan3A_47 : i32 to index
      %swap3A_133 = arith.constant 128 : index
      %swap3A_134 = tpu.vector_load %arg9[%swap3A_132, %swap3A_133] {strides = array<i32>} : memref<16x256xf32, #tpu.memory_space<vmem>>, vector<1x16xf32>,
      %swap3A_135 = vector.shape_cast %swap3A_134 : vector<1x16xf32> to vector<16xf32>
      %swap3A_136 = vector.shape_cast %broadcast_in_dim3A_3 : vector<16xf32> to vector<1x16xf32>
      tpu.vector_store %arg9[%swap3A_132, %swap3A_133], %swap3A_136 {strides = array<i32>} : memref<16x256xf32, #tpu.memory_space<vmem>>, vector<1x16xf32>,
      %swap3A_137 = arith.index_cast %scan3A_47 : i32 to index
      %swap3A_138 = arith.constant 144 : index
      %swap3A_139 = tpu.vector_load %arg8[%swap3A_137, %swap3A_138] {strides = array<i32>} : memref<16x256xf32, #tpu.memory_space<vmem>>, vector<1x16xf32>,
      %swap3A_140 = vector.shape_cast %swap3A_139 : vector<1x16xf32> to vector<16xf32>
      %swap3A_141 = vector.shape_cast %broadcast_in_dim3A_3 : vector<16xf32> to vector<1x16xf32>
      tpu.vector_store %arg8[%swap3A_137, %swap3A_138], %swap3A_141 {strides = array<i32>} : memref<16x256xf32, #tpu.memory_space<vmem>>, vector<1x16xf32>,
      %swap3A_142 = arith.index_cast %scan3A_47 : i32 to index
      %swap3A_143 = arith.constant 144 : index
      %swap3A_144 = tpu.vector_load %arg9[%swap3A_142, %swap3A_143] {strides = array<i32>} : memref<16x256xf32, #tpu.memory_space<vmem>>, vector<1x16xf32>,
      %swap3A_145 = vector.shape_cast %swap3A_144 : vector<1x16xf32> to vector<16xf32>
      %swap3A_146 = vector.shape_cast %broadcast_in_dim3A_3 : vector<16xf32> to vector<1x16xf32>
      tpu.vector_store %arg9[%swap3A_142, %swap3A_143], %swap3A_146 {strides = array<i32>} : memref<16x256xf32, #tpu.memory_space<vmem>>, vector<1x16xf32>,
      %swap3A_147 = arith.index_cast %scan3A_47 : i32 to index
      %swap3A_148 = arith.constant 160 : index
      %swap3A_149 = tpu.vector_load %arg8[%swap3A_147, %swap3A_148] {strides = array<i32>} : memref<16x256xf32, #tpu.memory_space<vmem>>, vector<1x16xf32>,
      %swap3A_150 = vector.shape_cast %swap3A_149 : vector<1x16xf32> to vector<16xf32>
      %swap3A_151 = vector.shape_cast %broadcast_in_dim3A_3 : vector<16xf32> to vector<1x16xf32>
      tpu.vector_store %arg8[%swap3A_147, %swap3A_148], %swap3A_151 {strides = array<i32>} : memref<16x256xf32, #tpu.memory_space<vmem>>, vector<1x16xf32>,
      %swap3A_152 = arith.index_cast %scan3A_47 : i32 to index
      %swap3A_153 = arith.constant 160 : index
      %swap3A_154 = tpu.vector_load %arg9[%swap3A_152, %swap3A_153] {strides = array<i32>} : memref<16x256xf32, #tpu.memory_space<vmem>>, vector<1x16xf32>,
      %swap3A_155 = vector.shape_cast %swap3A_154 : vector<1x16xf32> to vector<16xf32>
      %swap3A_156 = vector.shape_cast %broadcast_in_dim3A_3 : vector<16xf32> to vector<1x16xf32>
      tpu.vector_store %arg9[%swap3A_152, %swap3A_153], %swap3A_156 {strides = array<i32>} : memref<16x256xf32, #tpu.memory_space<vmem>>, vector<1x16xf32>,
      %swap3A_157 = arith.index_cast %scan3A_47 : i32 to index
      %swap3A_158 = arith.constant 176 : index
      %swap3A_159 = tpu.vector_load %arg8[%swap3A_157, %swap3A_158] {strides = array<i32>} : memref<16x256xf32, #tpu.memory_space<vmem>>, vector<1x16xf32>,
      %swap3A_160 = vector.shape_cast %swap3A_159 : vector<1x16xf32> to vector<16xf32>
      %swap3A_161 = vector.shape_cast %broadcast_in_dim3A_3 : vector<16xf32> to vector<1x16xf32>
      tpu.vector_store %arg8[%swap3A_157, %swap3A_158], %swap3A_161 {strides = array<i32>} : memref<16x256xf32, #tpu.memory_space<vmem>>, vector<1x16xf32>,
      %swap3A_162 = arith.index_cast %scan3A_47 : i32 to index
      %swap3A_163 = arith.constant 176 : index
      %swap3A_164 = tpu.vector_load %arg9[%swap3A_162, %swap3A_163] {strides = array<i32>} : memref<16x256xf32, #tpu.memory_space<vmem>>, vector<1x16xf32>,
      %swap3A_165 = vector.shape_cast %swap3A_164 : vector<1x16xf32> to vector<16xf32>
      %swap3A_166 = vector.shape_cast %broadcast_in_dim3A_3 : vector<16xf32> to vector<1x16xf32>
      tpu.vector_store %arg9[%swap3A_162, %swap3A_163], %swap3A_166 {strides = array<i32>} : memref<16x256xf32, #tpu.memory_space<vmem>>, vector<1x16xf32>,
      %swap3A_167 = arith.index_cast %scan3A_47 : i32 to index
      %swap3A_168 = arith.constant 192 : index
      %swap3A_169 = tpu.vector_load %arg8[%swap3A_167, %swap3A_168] {strides = array<i32>} : memref<16x256xf32, #tpu.memory_space<vmem>>, vector<1x16xf32>,
      %swap3A_170 = vector.shape_cast %swap3A_169 : vector<1x16xf32> to vector<16xf32>
      %swap3A_171 = vector.shape_cast %broadcast_in_dim3A_3 : vector<16xf32> to vector<1x16xf32>
      tpu.vector_store %arg8[%swap3A_167, %swap3A_168], %swap3A_171 {strides = array<i32>} : memref<16x256xf32, #tpu.memory_space<vmem>>, vector<1x16xf32>,
      %swap3A_172 = arith.index_cast %scan3A_47 : i32 to index
      %swap3A_173 = arith.constant 192 : index
      %swap3A_174 = tpu.vector_load %arg9[%swap3A_172, %swap3A_173] {strides = array<i32>} : memref<16x256xf32, #tpu.memory_space<vmem>>, vector<1x16xf32>,
      %swap3A_175 = vector.shape_cast %swap3A_174 : vector<1x16xf32> to vector<16xf32>
      %swap3A_176 = vector.shape_cast %broadcast_in_dim3A_3 : vector<16xf32> to vector<1x16xf32>
      tpu.vector_store %arg9[%swap3A_172, %swap3A_173], %swap3A_176 {strides = array<i32>} : memref<16x256xf32, #tpu.memory_space<vmem>>, vector<1x16xf32>,
      %swap3A_177 = arith.index_cast %scan3A_47 : i32 to index
      %swap3A_178 = arith.constant 208 : index
      %swap3A_179 = tpu.vector_load %arg8[%swap3A_177, %swap3A_178] {strides = array<i32>} : memref<16x256xf32, #tpu.memory_space<vmem>>, vector<1x16xf32>,
      %swap3A_180 = vector.shape_cast %swap3A_179 : vector<1x16xf32> to vector<16xf32>
      %swap3A_181 = vector.shape_cast %broadcast_in_dim3A_3 : vector<16xf32> to vector<1x16xf32>
      tpu.vector_store %arg8[%swap3A_177, %swap3A_178], %swap3A_181 {strides = array<i32>} : memref<16x256xf32, #tpu.memory_space<vmem>>, vector<1x16xf32>,
      %swap3A_182 = arith.index_cast %scan3A_47 : i32 to index
      %swap3A_183 = arith.constant 208 : index
      %swap3A_184 = tpu.vector_load %arg9[%swap3A_182, %swap3A_183] {strides = array<i32>} : memref<16x256xf32, #tpu.memory_space<vmem>>, vector<1x16xf32>,
      %swap3A_185 = vector.shape_cast %swap3A_184 : vector<1x16xf32> to vector<16xf32>
      %swap3A_186 = vector.shape_cast %broadcast_in_dim3A_3 : vector<16xf32> to vector<1x16xf32>
      tpu.vector_store %arg9[%swap3A_182, %swap3A_183], %swap3A_186 {strides = array<i32>} : memref<16x256xf32, #tpu.memory_space<vmem>>, vector<1x16xf32>,
      %swap3A_187 = arith.index_cast %scan3A_47 : i32 to index
      %swap3A_188 = arith.constant 224 : index
      %swap3A_189 = tpu.vector_load %arg8[%swap3A_187, %swap3A_188] {strides = array<i32>} : memref<16x256xf32, #tpu.memory_space<vmem>>, vector<1x16xf32>,
      %swap3A_190 = vector.shape_cast %swap3A_189 : vector<1x16xf32> to vector<16xf32>
      %swap3A_191 = vector.shape_cast %broadcast_in_dim3A_3 : vector<16xf32> to vector<1x16xf32>
      tpu.vector_store %arg8[%swap3A_187, %swap3A_188], %swap3A_191 {strides = array<i32>} : memref<16x256xf32, #tpu.memory_space<vmem>>, vector<1x16xf32>,
      %swap3A_192 = arith.index_cast %scan3A_47 : i32 to index
      %swap3A_193 = arith.constant 224 : index
      %swap3A_194 = tpu.vector_load %arg9[%swap3A_192, %swap3A_193] {strides = array<i32>} : memref<16x256xf32, #tpu.memory_space<vmem>>, vector<1x16xf32>,
      %swap3A_195 = vector.shape_cast %swap3A_194 : vector<1x16xf32> to vector<16xf32>
      %swap3A_196 = vector.shape_cast %broadcast_in_dim3A_3 : vector<16xf32> to vector<1x16xf32>
      tpu.vector_store %arg9[%swap3A_192, %swap3A_193], %swap3A_196 {strides = array<i32>} : memref<16x256xf32, #tpu.memory_space<vmem>>, vector<1x16xf32>,
      %swap3A_197 = arith.index_cast %scan3A_47 : i32 to index
      %swap3A_198 = arith.constant 240 : index
      %swap3A_199 = tpu.vector_load %arg8[%swap3A_197, %swap3A_198] {strides = array<i32>} : memref<16x256xf32, #tpu.memory_space<vmem>>, vector<1x16xf32>,
      %swap3A_200 = vector.shape_cast %swap3A_199 : vector<1x16xf32> to vector<16xf32>
      %swap3A_201 = vector.shape_cast %broadcast_in_dim3A_3 : vector<16xf32> to vector<1x16xf32>
      tpu.vector_store %arg8[%swap3A_197, %swap3A_198], %swap3A_201 {strides = array<i32>} : memref<16x256xf32, #tpu.memory_space<vmem>>, vector<1x16xf32>,
      %swap3A_202 = arith.index_cast %scan3A_47 : i32 to index
      %swap3A_203 = arith.constant 240 : index
      %swap3A_204 = tpu.vector_load %arg9[%swap3A_202, %swap3A_203] {strides = array<i32>} : memref<16x256xf32, #tpu.memory_space<vmem>>, vector<1x16xf32>,
      %swap3A_205 = vector.shape_cast %swap3A_204 : vector<1x16xf32> to vector<16xf32>
      %swap3A_206 = vector.shape_cast %broadcast_in_dim3A_3 : vector<16xf32> to vector<1x16xf32>
      tpu.vector_store %arg9[%swap3A_202, %swap3A_203], %swap3A_206 {strides = array<i32>} : memref<16x256xf32, #tpu.memory_space<vmem>>, vector<1x16xf32>,
    }
    %scan3A_8 = arith.constant 16 : i32
    tpu.wait_dma2 semaphore(%arg11 : memref<!tpu.dma_semaphore, #tpu.memory_space<semaphore_mem>>) src(%arg3 : memref<32xi32, #tpu.memory_space<hbm>>) dst(%arg10 : memref<32xi32, #tpu.memory_space<vmem>>)
    %add3A_9 = arith.constant 256 : i32
    %add3A_10 = arith.addi %mul3A_2, %add3A_9 : i32
    %scan3A_11 = arith.constant 0 : i32
    %scan3A_12 = arith.constant 0 : i32
    %scan3A_13 = arith.constant 16 : i32
    %scan3A_14 = arith.addi %scan3A_12, %scan3A_13 : i32
    %scan3A_15 = arith.constant 1 : i32
    scf.for %scan3A_47 = %scan3A_12 to %scan3A_14 step %scan3A_15  : i32 {
      %get3A = arith.index_cast %scan3A_47 : i32 to index
      %get3A_48 = tpu.vector_load %arg10[%get3A] {strides = array<i32>} : memref<32xi32, #tpu.memory_space<vmem>>, vector<16xi32>,
      %get3A_49 = vector.shape_cast %get3A_48 : vector<16xi32> to vector<16xi32>
      %slice3A = vector.extract_strided_slice %get3A_49 {offsets = [0], sizes = [1], strides = [1]} : vector<16xi32> to vector<1xi32>
      %squeeze3A = vector.extract %slice3A[0] : i32 from vector<1xi32>
      %max3A = arith.maxsi %squeeze3A, %mul3A_2 : i32
      %add3A_50 = arith.constant 1 : i32
      %add3A_51 = arith.addi %scan3A_47, %add3A_50 : i32
      %get3A_52 = arith.index_cast %add3A_51 : i32 to index
      %get3A_53 = tpu.vector_load %arg10[%get3A_52] {strides = array<i32>} : memref<32xi32, #tpu.memory_space<vmem>>, vector<16xi32>,
      %get3A_54 = vector.shape_cast %get3A_53 : vector<16xi32> to vector<16xi32>
      %slice3A_55 = vector.extract_strided_slice %get3A_54 {offsets = [0], sizes = [1], strides = [1]} : vector<16xi32> to vector<1xi32>
      %squeeze3A_56 = vector.extract %slice3A_55[0] : i32 from vector<1xi32>
      %min3A = arith.minsi %squeeze3A_56, %add3A_10 : i32
      %sub3A = arith.subi %min3A, %max3A : i32
      %max3A_57 = arith.constant 0 : i32
      %max3A_58 = arith.maxsi %sub3A, %max3A_57 : i32
      %add3A_59 = arith.constant 64 : i32
      %add3A_60 = arith.addi %max3A_58, %add3A_59 : i32
      %sub3A_61 = arith.constant 1 : i32
      %sub3A_62 = arith.subi %add3A_60, %sub3A_61 : i32
      %shift_right_arithmetic3A = arith.constant 6 : i32
      %shift_right_arithmetic3A_63 = arith.shrsi %sub3A_62, %shift_right_arithmetic3A : i32
      %gt3A = arith.constant 0 : i32
      %gt3A_64 = arith.cmpi sgt, %shift_right_arithmetic3A_63, %gt3A : i32
      %convert_element_type3A = arith.extui %gt3A_64 : i1 to i32
      %cond3A = arith.constant 0 : i32
      %cond3A_65 = arith.cmpi ne, %convert_element_type3A, %cond3A : i32
      scf.if %cond3A_65 {
        %add3A_66 = arith.constant 0 : i32
        %add3A_67 = arith.addi %max3A, %add3A_66 : i32
        %and3A = arith.constant -8 : i32
        %and3A_68 = arith.andi %add3A_67, %and3A : i32
        %min3A_69 = arith.constant 32696 : i32
        %min3A_70 = arith.minsi %and3A_68, %min3A_69 : i32
        %multiple_of3A = tpu.assume_multiple %min3A_70, 8 : i32
        %dma_start3A_71 = arith.constant 0 : i32
        %dma_start3A_72 = tpu.memref_slice %arg2[%multiple_of3A, %dma_start3A_71] : memref<32768x256xf32, #tpu.memory_space<hbm>> -> memref<72x256xf32, #tpu.memory_space<hbm>>
        %dma_start3A_73 = arith.constant 0 : i32
        %dma_start3A_74 = tpu.memref_slice %arg2[%multiple_of3A, %dma_start3A_73] : memref<32768x256xf32, #tpu.memory_space<hbm>> -> memref<72x256xf32, #tpu.memory_space<hbm>>
        tpu.enqueue_dma source(%dma_start3A_74 : memref<72x256xf32, #tpu.memory_space<hbm>>) target(%arg6 : memref<72x256xf32, #tpu.memory_space<vmem>>) target_semaphore(%arg11 : memref<!tpu.dma_semaphore, #tpu.memory_space<semaphore_mem>>)
        %add3A_75 = arith.constant 1 : i32
        %add3A_76 = arith.addi %shift_right_arithmetic3A_63, %add3A_75 : i32
        %shift_right_arithmetic3A_77 = arith.constant 1 : i32
        %shift_right_arithmetic3A_78 = arith.shrsi %add3A_76, %shift_right_arithmetic3A_77 : i32
        %while3A = arith.constant 0 : i32
        %while3A_79 = arith.constant 0 : i32
        %while3A_80 = arith.subi %shift_right_arithmetic3A_78, %while3A_79 : i32
        %while3A_81 = arith.addi %while3A_79, %while3A_80 : i32
        %while3A_82 = arith.constant 1 : i32
        %while3A_83 = arith.divsi %while3A_80, %while3A_82 : i32
        %while3A_84 = arith.muli %while3A_83, %while3A_82 : i32
        %while3A_85 = arith.addi %while3A_79, %while3A_84 : i32
        %while3A_86 = arith.constant 1 : i32
        scf.for %while3A_99 = %while3A_79 to %while3A_85 step %while3A_86  : i32 {
          %mul3A_100 = arith.constant 2 : i32
          %mul3A_101 = arith.muli %mul3A_100, %while3A_99 : i32
          %add3A_102 = arith.constant 0 : i32
          %add3A_103 = arith.addi %max3A, %add3A_102 : i32
          %and3A_104 = arith.constant -8 : i32
          %and3A_105 = arith.andi %add3A_103, %and3A_104 : i32
          %min3A_106 = arith.constant 32696 : i32
          %min3A_107 = arith.minsi %and3A_105, %min3A_106 : i32
          %multiple_of3A_108 = tpu.assume_multiple %min3A_107, 8 : i32
          %dma_wait3A_109 = arith.constant 0 : i32
          %dma_wait3A_110 = tpu.memref_slice %arg2[%multiple_of3A_108, %dma_wait3A_109] : memref<32768x256xf32, #tpu.memory_space<hbm>> -> memref<72x256xf32, #tpu.memory_space<hbm>>
          %dma_wait3A_111 = arith.constant 0 : i32
          %dma_wait3A_112 = tpu.memref_slice %arg2[%multiple_of3A_108, %dma_wait3A_111] : memref<32768x256xf32, #tpu.memory_space<hbm>> -> memref<72x256xf32, #tpu.memory_space<hbm>>
          tpu.wait_dma2 semaphore(%arg11 : memref<!tpu.dma_semaphore, #tpu.memory_space<semaphore_mem>>) src(%dma_wait3A_112 : memref<72x256xf32, #tpu.memory_space<hbm>>) dst(%arg6 : memref<72x256xf32, #tpu.memory_space<vmem>>)
          %add3A_113 = arith.constant 1 : i32
          %add3A_114 = arith.addi %mul3A_101, %add3A_113 : i32
          %sub3A_115 = arith.constant 1 : i32
          %sub3A_116 = arith.subi %shift_right_arithmetic3A_63, %sub3A_115 : i32
          %min3A_117 = arith.minsi %add3A_114, %sub3A_116 : i32
          %mul3A_118 = arith.constant 64 : i32
          %mul3A_119 = arith.muli %min3A_117, %mul3A_118 : i32
          %add3A_120 = arith.addi %max3A, %mul3A_119 : i32
          %and3A_121 = arith.constant -8 : i32
          %and3A_122 = arith.andi %add3A_120, %and3A_121 : i32
          %min3A_123 = arith.constant 32696 : i32
          %min3A_124 = arith.minsi %and3A_122, %min3A_123 : i32
          %multiple_of3A_125 = tpu.assume_multiple %min3A_124, 8 : i32
          %dma_start3A_126 = arith.constant 0 : i32
          %dma_start3A_127 = tpu.memref_slice %arg2[%multiple_of3A_125, %dma_start3A_126] : memref<32768x256xf32, #tpu.memory_space<hbm>> -> memref<72x256xf32, #tpu.memory_space<hbm>>
          %dma_start3A_128 = arith.constant 0 : i32
          %dma_start3A_129 = tpu.memref_slice %arg2[%multiple_of3A_125, %dma_start3A_128] : memref<32768x256xf32, #tpu.memory_space<hbm>> -> memref<72x256xf32, #tpu.memory_space<hbm>>
          tpu.enqueue_dma source(%dma_start3A_129 : memref<72x256xf32, #tpu.memory_space<hbm>>) target(%arg7 : memref<72x256xf32, #tpu.memory_space<vmem>>) target_semaphore(%arg12 : memref<!tpu.dma_semaphore, #tpu.memory_space<semaphore_mem>>)
          %mul3A_130 = arith.constant 64 : i32
          %mul3A_131 = arith.muli %mul3A_101, %mul3A_130 : i32
          %add3A_132 = arith.addi %max3A, %mul3A_131 : i32
          %mul3A_133 = arith.constant 64 : i32
          %mul3A_134 = arith.muli %mul3A_101, %mul3A_133 : i32
          %add3A_135 = arith.addi %max3A, %mul3A_134 : i32
          %and3A_136 = arith.constant -8 : i32
          %and3A_137 = arith.andi %add3A_135, %and3A_136 : i32
          %min3A_138 = arith.constant 32696 : i32
          %min3A_139 = arith.minsi %and3A_137, %min3A_138 : i32
          %multiple_of3A_140 = tpu.assume_multiple %min3A_139, 8 : i32
          %sub3A_141 = arith.subi %add3A_132, %multiple_of3A_140 : i32
          %add3A_142 = arith.constant 64 : i32
          %add3A_143 = arith.addi %add3A_132, %add3A_142 : i32
          %min3A_144 = arith.minsi %min3A, %add3A_143 : i32
          %sub3A_145 = arith.subi %min3A_144, %multiple_of3A_140 : i32
          %max3A_146 = arith.maxsi %sub3A_145, %sub3A_141 : i32
          %while3A_147 = arith.subi %max3A_146, %sub3A_141 : i32
          %while3A_148 = arith.addi %sub3A_141, %while3A_147 : i32
          %while3A_149 = arith.constant 1 : i32
          %while3A_150 = arith.divsi %while3A_147, %while3A_149 : i32
          %while3A_151 = arith.muli %while3A_150, %while3A_149 : i32
          %while3A_152 = arith.addi %sub3A_141, %while3A_151 : i32
          %while3A_153 = arith.constant 1 : i32
          %while3A_154:32 = scf.for %while3A_853 = %sub3A_141 to %while3A_152 step %while3A_153 iter_args(%while3A_854 = %broadcast_in_dim3A_3, %while3A_855 = %broadcast_in_dim3A_3, %while3A_856 = %broadcast_in_dim3A_3, %while3A_857 = %broadcast_in_dim3A_3, %while3A_858 = %broadcast_in_dim3A_3, %while3A_859 = %broadcast_in_dim3A_3, %while3A_860 = %broadcast_in_dim3A_3, %while3A_861 = %broadcast_in_dim3A_3, %while3A_862 = %broadcast_in_dim3A_3, %while3A_863 = %broadcast_in_dim3A_3, %while3A_864 = %broadcast_in_dim3A_3, %while3A_865 = %broadcast_in_dim3A_3, %while3A_866 = %broadcast_in_dim3A_3, %while3A_867 = %broadcast_in_dim3A_3, %while3A_868 = %broadcast_in_dim3A_3, %while3A_869 = %broadcast_in_dim3A_3, %while3A_870 = %broadcast_in_dim3A_3, %while3A_871 = %broadcast_in_dim3A_3, %while3A_872 = %broadcast_in_dim3A_3, %while3A_873 = %broadcast_in_dim3A_3, %while3A_874 = %broadcast_in_dim3A_3, %while3A_875 = %broadcast_in_dim3A_3, %while3A_876 = %broadcast_in_dim3A_3, %while3A_877 = %broadcast_in_dim3A_3, %while3A_878 = %broadcast_in_dim3A_3, %while3A_879 = %broadcast_in_dim3A_3, %while3A_880 = %broadcast_in_dim3A_3, %while3A_881 = %broadcast_in_dim3A_3, %while3A_882 = %broadcast_in_dim3A_3, %while3A_883 = %broadcast_in_dim3A_3, %while3A_884 = %broadcast_in_dim3A_3, %while3A_885 = %broadcast_in_dim3A_3) -> (vector<16xf32>, vector<16xf32>, vector<16xf32>, vector<16xf32>, vector<16xf32>, vector<16xf32>, vector<16xf32>, vector<16xf32>, vector<16xf32>, vector<16xf32>, vector<16xf32>, vector<16xf32>, vector<16xf32>, vector<16xf32>, vector<16xf32>, vector<16xf32>, vector<16xf32>, vector<16xf32>, vector<16xf32>, vector<16xf32>, vector<16xf32>, vector<16xf32>, vector<16xf32>, vector<16xf32>, vector<16xf32>, vector<16xf32>, vector<16xf32>, vector<16xf32>, vector<16xf32>, vector<16xf32>, vector<16xf32>, vector<16xf32>)  : i32 {
            %get3A_886 = arith.index_cast %while3A_853 : i32 to index
            %get3A_887 = arith.constant 0 : index
            %get3A_888 = tpu.vector_load %arg6[%get3A_886, %get3A_887] {strides = array<i32>} : memref<72x256xf32, #tpu.memory_space<vmem>>, vector<1x16xf32>,
            %get3A_889 = vector.shape_cast %get3A_888 : vector<1x16xf32> to vector<16xf32>
            %add3A_890 = arith.addf %while3A_854, %get3A_889 : vector<16xf32>
            %mul3A_891 = arith.mulf %get3A_889, %get3A_889 : vector<16xf32>
            %add3A_892 = arith.addf %while3A_855, %mul3A_891 : vector<16xf32>
            %get3A_893 = arith.index_cast %while3A_853 : i32 to index
            %get3A_894 = arith.constant 16 : index
            %get3A_895 = tpu.vector_load %arg6[%get3A_893, %get3A_894] {strides = array<i32>} : memref<72x256xf32, #tpu.memory_space<vmem>>, vector<1x16xf32>,
            %get3A_896 = vector.shape_cast %get3A_895 : vector<1x16xf32> to vector<16xf32>
            %add3A_897 = arith.addf %while3A_856, %get3A_896 : vector<16xf32>
            %mul3A_898 = arith.mulf %get3A_896, %get3A_896 : vector<16xf32>
            %add3A_899 = arith.addf %while3A_857, %mul3A_898 : vector<16xf32>
            %get3A_900 = arith.index_cast %while3A_853 : i32 to index
            %get3A_901 = arith.constant 32 : index
            %get3A_902 = tpu.vector_load %arg6[%get3A_900, %get3A_901] {strides = array<i32>} : memref<72x256xf32, #tpu.memory_space<vmem>>, vector<1x16xf32>,
            %get3A_903 = vector.shape_cast %get3A_902 : vector<1x16xf32> to vector<16xf32>
            %add3A_904 = arith.addf %while3A_858, %get3A_903 : vector<16xf32>
            %mul3A_905 = arith.mulf %get3A_903, %get3A_903 : vector<16xf32>
            %add3A_906 = arith.addf %while3A_859, %mul3A_905 : vector<16xf32>
            %get3A_907 = arith.index_cast %while3A_853 : i32 to index
            %get3A_908 = arith.constant 48 : index
            %get3A_909 = tpu.vector_load %arg6[%get3A_907, %get3A_908] {strides = array<i32>} : memref<72x256xf32, #tpu.memory_space<vmem>>, vector<1x16xf32>,
            %get3A_910 = vector.shape_cast %get3A_909 : vector<1x16xf32> to vector<16xf32>
            %add3A_911 = arith.addf %while3A_860, %get3A_910 : vector<16xf32>
            %mul3A_912 = arith.mulf %get3A_910, %get3A_910 : vector<16xf32>
            %add3A_913 = arith.addf %while3A_861, %mul3A_912 : vector<16xf32>
            %get3A_914 = arith.index_cast %while3A_853 : i32 to index
            %get3A_915 = arith.constant 64 : index
            %get3A_916 = tpu.vector_load %arg6[%get3A_914, %get3A_915] {strides = array<i32>} : memref<72x256xf32, #tpu.memory_space<vmem>>, vector<1x16xf32>,
            %get3A_917 = vector.shape_cast %get3A_916 : vector<1x16xf32> to vector<16xf32>
            %add3A_918 = arith.addf %while3A_862, %get3A_917 : vector<16xf32>
            %mul3A_919 = arith.mulf %get3A_917, %get3A_917 : vector<16xf32>
            %add3A_920 = arith.addf %while3A_863, %mul3A_919 : vector<16xf32>
            %get3A_921 = arith.index_cast %while3A_853 : i32 to index
            %get3A_922 = arith.constant 80 : index
            %get3A_923 = tpu.vector_load %arg6[%get3A_921, %get3A_922] {strides = array<i32>} : memref<72x256xf32, #tpu.memory_space<vmem>>, vector<1x16xf32>,
            %get3A_924 = vector.shape_cast %get3A_923 : vector<1x16xf32> to vector<16xf32>
            %add3A_925 = arith.addf %while3A_864, %get3A_924 : vector<16xf32>
            %mul3A_926 = arith.mulf %get3A_924, %get3A_924 : vector<16xf32>
            %add3A_927 = arith.addf %while3A_865, %mul3A_926 : vector<16xf32>
            %get3A_928 = arith.index_cast %while3A_853 : i32 to index
            %get3A_929 = arith.constant 96 : index
            %get3A_930 = tpu.vector_load %arg6[%get3A_928, %get3A_929] {strides = array<i32>} : memref<72x256xf32, #tpu.memory_space<vmem>>, vector<1x16xf32>,
            %get3A_931 = vector.shape_cast %get3A_930 : vector<1x16xf32> to vector<16xf32>
            %add3A_932 = arith.addf %while3A_866, %get3A_931 : vector<16xf32>
            %mul3A_933 = arith.mulf %get3A_931, %get3A_931 : vector<16xf32>
            %add3A_934 = arith.addf %while3A_867, %mul3A_933 : vector<16xf32>
            %get3A_935 = arith.index_cast %while3A_853 : i32 to index
            %get3A_936 = arith.constant 112 : index
            %get3A_937 = tpu.vector_load %arg6[%get3A_935, %get3A_936] {strides = array<i32>} : memref<72x256xf32, #tpu.memory_space<vmem>>, vector<1x16xf32>,
            %get3A_938 = vector.shape_cast %get3A_937 : vector<1x16xf32> to vector<16xf32>
            %add3A_939 = arith.addf %while3A_868, %get3A_938 : vector<16xf32>
            %mul3A_940 = arith.mulf %get3A_938, %get3A_938 : vector<16xf32>
            %add3A_941 = arith.addf %while3A_869, %mul3A_940 : vector<16xf32>
            %get3A_942 = arith.index_cast %while3A_853 : i32 to index
            %get3A_943 = arith.constant 128 : index
            %get3A_944 = tpu.vector_load %arg6[%get3A_942, %get3A_943] {strides = array<i32>} : memref<72x256xf32, #tpu.memory_space<vmem>>, vector<1x16xf32>,
            %get3A_945 = vector.shape_cast %get3A_944 : vector<1x16xf32> to vector<16xf32>
            %add3A_946 = arith.addf %while3A_870, %get3A_945 : vector<16xf32>
            %mul3A_947 = arith.mulf %get3A_945, %get3A_945 : vector<16xf32>
            %add3A_948 = arith.addf %while3A_871, %mul3A_947 : vector<16xf32>
            %get3A_949 = arith.index_cast %while3A_853 : i32 to index
            %get3A_950 = arith.constant 144 : index
            %get3A_951 = tpu.vector_load %arg6[%get3A_949, %get3A_950] {strides = array<i32>} : memref<72x256xf32, #tpu.memory_space<vmem>>, vector<1x16xf32>,
            %get3A_952 = vector.shape_cast %get3A_951 : vector<1x16xf32> to vector<16xf32>
            %add3A_953 = arith.addf %while3A_872, %get3A_952 : vector<16xf32>
            %mul3A_954 = arith.mulf %get3A_952, %get3A_952 : vector<16xf32>
            %add3A_955 = arith.addf %while3A_873, %mul3A_954 : vector<16xf32>
            %get3A_956 = arith.index_cast %while3A_853 : i32 to index
            %get3A_957 = arith.constant 160 : index
            %get3A_958 = tpu.vector_load %arg6[%get3A_956, %get3A_957] {strides = array<i32>} : memref<72x256xf32, #tpu.memory_space<vmem>>, vector<1x16xf32>,
            %get3A_959 = vector.shape_cast %get3A_958 : vector<1x16xf32> to vector<16xf32>
            %add3A_960 = arith.addf %while3A_874, %get3A_959 : vector<16xf32>
            %mul3A_961 = arith.mulf %get3A_959, %get3A_959 : vector<16xf32>
            %add3A_962 = arith.addf %while3A_875, %mul3A_961 : vector<16xf32>
            %get3A_963 = arith.index_cast %while3A_853 : i32 to index
            %get3A_964 = arith.constant 176 : index
            %get3A_965 = tpu.vector_load %arg6[%get3A_963, %get3A_964] {strides = array<i32>} : memref<72x256xf32, #tpu.memory_space<vmem>>, vector<1x16xf32>,
            %get3A_966 = vector.shape_cast %get3A_965 : vector<1x16xf32> to vector<16xf32>
            %add3A_967 = arith.addf %while3A_876, %get3A_966 : vector<16xf32>
            %mul3A_968 = arith.mulf %get3A_966, %get3A_966 : vector<16xf32>
            %add3A_969 = arith.addf %while3A_877, %mul3A_968 : vector<16xf32>
            %get3A_970 = arith.index_cast %while3A_853 : i32 to index
            %get3A_971 = arith.constant 192 : index
            %get3A_972 = tpu.vector_load %arg6[%get3A_970, %get3A_971] {strides = array<i32>} : memref<72x256xf32, #tpu.memory_space<vmem>>, vector<1x16xf32>,
            %get3A_973 = vector.shape_cast %get3A_972 : vector<1x16xf32> to vector<16xf32>
            %add3A_974 = arith.addf %while3A_878, %get3A_973 : vector<16xf32>
            %mul3A_975 = arith.mulf %get3A_973, %get3A_973 : vector<16xf32>
            %add3A_976 = arith.addf %while3A_879, %mul3A_975 : vector<16xf32>
            %get3A_977 = arith.index_cast %while3A_853 : i32 to index
            %get3A_978 = arith.constant 208 : index
            %get3A_979 = tpu.vector_load %arg6[%get3A_977, %get3A_978] {strides = array<i32>} : memref<72x256xf32, #tpu.memory_space<vmem>>, vector<1x16xf32>,
            %get3A_980 = vector.shape_cast %get3A_979 : vector<1x16xf32> to vector<16xf32>
            %add3A_981 = arith.addf %while3A_880, %get3A_980 : vector<16xf32>
            %mul3A_982 = arith.mulf %get3A_980, %get3A_980 : vector<16xf32>
            %add3A_983 = arith.addf %while3A_881, %mul3A_982 : vector<16xf32>
            %get3A_984 = arith.index_cast %while3A_853 : i32 to index
            %get3A_985 = arith.constant 224 : index
            %get3A_986 = tpu.vector_load %arg6[%get3A_984, %get3A_985] {strides = array<i32>} : memref<72x256xf32, #tpu.memory_space<vmem>>, vector<1x16xf32>,
            %get3A_987 = vector.shape_cast %get3A_986 : vector<1x16xf32> to vector<16xf32>
            %add3A_988 = arith.addf %while3A_882, %get3A_987 : vector<16xf32>
            %mul3A_989 = arith.mulf %get3A_987, %get3A_987 : vector<16xf32>
            %add3A_990 = arith.addf %while3A_883, %mul3A_989 : vector<16xf32>
            %get3A_991 = arith.index_cast %while3A_853 : i32 to index
            %get3A_992 = arith.constant 240 : index
            %get3A_993 = tpu.vector_load %arg6[%get3A_991, %get3A_992] {strides = array<i32>} : memref<72x256xf32, #tpu.memory_space<vmem>>, vector<1x16xf32>,
            %get3A_994 = vector.shape_cast %get3A_993 : vector<1x16xf32> to vector<16xf32>
            %add3A_995 = arith.addf %while3A_884, %get3A_994 : vector<16xf32>
            %mul3A_996 = arith.mulf %get3A_994, %get3A_994 : vector<16xf32>
            %add3A_997 = arith.addf %while3A_885, %mul3A_996 : vector<16xf32>
            scf.yield %add3A_890, %add3A_892, %add3A_897, %add3A_899, %add3A_904, %add3A_906, %add3A_911, %add3A_913, %add3A_918, %add3A_920, %add3A_925, %add3A_927, %add3A_932, %add3A_934, %add3A_939, %add3A_941, %add3A_946, %add3A_948, %add3A_953, %add3A_955, %add3A_960, %add3A_962, %add3A_967, %add3A_969, %add3A_974, %add3A_976, %add3A_981, %add3A_983, %add3A_988, %add3A_990, %add3A_995, %add3A_997 : vector<16xf32>, vector<16xf32>, vector<16xf32>, vector<16xf32>, vector<16xf32>, vector<16xf32>, vector<16xf32>, vector<16xf32>, vector<16xf32>, vector<16xf32>, vector<16xf32>, vector<16xf32>, vector<16xf32>, vector<16xf32>, vector<16xf32>, vector<16xf32>, vector<16xf32>, vector<16xf32>, vector<16xf32>, vector<16xf32>, vector<16xf32>, vector<16xf32>, vector<16xf32>, vector<16xf32>, vector<16xf32>, vector<16xf32>, vector<16xf32>, vector<16xf32>, vector<16xf32>, vector<16xf32>, vector<16xf32>, vector<16xf32>
          }
          %while3A_155 = arith.constant 1 : i32
          %while3A_156:32 = scf.for %while3A_853 = %while3A_152 to %while3A_148 step %while3A_155 iter_args(%while3A_854 = %while3A_154#0, %while3A_855 = %while3A_154#1, %while3A_856 = %while3A_154#2, %while3A_857 = %while3A_154#3, %while3A_858 = %while3A_154#4, %while3A_859 = %while3A_154#5, %while3A_860 = %while3A_154#6, %while3A_861 = %while3A_154#7, %while3A_862 = %while3A_154#8, %while3A_863 = %while3A_154#9, %while3A_864 = %while3A_154#10, %while3A_865 = %while3A_154#11, %while3A_866 = %while3A_154#12, %while3A_867 = %while3A_154#13, %while3A_868 = %while3A_154#14, %while3A_869 = %while3A_154#15, %while3A_870 = %while3A_154#16, %while3A_871 = %while3A_154#17, %while3A_872 = %while3A_154#18, %while3A_873 = %while3A_154#19, %while3A_874 = %while3A_154#20, %while3A_875 = %while3A_154#21, %while3A_876 = %while3A_154#22, %while3A_877 = %while3A_154#23, %while3A_878 = %while3A_154#24, %while3A_879 = %while3A_154#25, %while3A_880 = %while3A_154#26, %while3A_881 = %while3A_154#27, %while3A_882 = %while3A_154#28, %while3A_883 = %while3A_154#29, %while3A_884 = %while3A_154#30, %while3A_885 = %while3A_154#31) -> (vector<16xf32>, vector<16xf32>, vector<16xf32>, vector<16xf32>, vector<16xf32>, vector<16xf32>, vector<16xf32>, vector<16xf32>, vector<16xf32>, vector<16xf32>, vector<16xf32>, vector<16xf32>, vector<16xf32>, vector<16xf32>, vector<16xf32>, vector<16xf32>, vector<16xf32>, vector<16xf32>, vector<16xf32>, vector<16xf32>, vector<16xf32>, vector<16xf32>, vector<16xf32>, vector<16xf32>, vector<16xf32>, vector<16xf32>, vector<16xf32>, vector<16xf32>, vector<16xf32>, vector<16xf32>, vector<16xf32>, vector<16xf32>)  : i32 {
            %get3A_886 = arith.index_cast %while3A_853 : i32 to index
            %get3A_887 = arith.constant 0 : index
            %get3A_888 = tpu.vector_load %arg6[%get3A_886, %get3A_887] {strides = array<i32>} : memref<72x256xf32, #tpu.memory_space<vmem>>, vector<1x16xf32>,
            %get3A_889 = vector.shape_cast %get3A_888 : vector<1x16xf32> to vector<16xf32>
            %add3A_890 = arith.addf %while3A_854, %get3A_889 : vector<16xf32>
            %mul3A_891 = arith.mulf %get3A_889, %get3A_889 : vector<16xf32>
            %add3A_892 = arith.addf %while3A_855, %mul3A_891 : vector<16xf32>
            %get3A_893 = arith.index_cast %while3A_853 : i32 to index
            %get3A_894 = arith.constant 16 : index
            %get3A_895 = tpu.vector_load %arg6[%get3A_893, %get3A_894] {strides = array<i32>} : memref<72x256xf32, #tpu.memory_space<vmem>>, vector<1x16xf32>,
            %get3A_896 = vector.shape_cast %get3A_895 : vector<1x16xf32> to vector<16xf32>
            %add3A_897 = arith.addf %while3A_856, %get3A_896 : vector<16xf32>
            %mul3A_898 = arith.mulf %get3A_896, %get3A_896 : vector<16xf32>
            %add3A_899 = arith.addf %while3A_857, %mul3A_898 : vector<16xf32>
            %get3A_900 = arith.index_cast %while3A_853 : i32 to index
            %get3A_901 = arith.constant 32 : index
            %get3A_902 = tpu.vector_load %arg6[%get3A_900, %get3A_901] {strides = array<i32>} : memref<72x256xf32, #tpu.memory_space<vmem>>, vector<1x16xf32>,
            %get3A_903 = vector.shape_cast %get3A_902 : vector<1x16xf32> to vector<16xf32>
            %add3A_904 = arith.addf %while3A_858, %get3A_903 : vector<16xf32>
            %mul3A_905 = arith.mulf %get3A_903, %get3A_903 : vector<16xf32>
            %add3A_906 = arith.addf %while3A_859, %mul3A_905 : vector<16xf32>
            %get3A_907 = arith.index_cast %while3A_853 : i32 to index
            %get3A_908 = arith.constant 48 : index
            %get3A_909 = tpu.vector_load %arg6[%get3A_907, %get3A_908] {strides = array<i32>} : memref<72x256xf32, #tpu.memory_space<vmem>>, vector<1x16xf32>,
            %get3A_910 = vector.shape_cast %get3A_909 : vector<1x16xf32> to vector<16xf32>
            %add3A_911 = arith.addf %while3A_860, %get3A_910 : vector<16xf32>
            %mul3A_912 = arith.mulf %get3A_910, %get3A_910 : vector<16xf32>
            %add3A_913 = arith.addf %while3A_861, %mul3A_912 : vector<16xf32>
            %get3A_914 = arith.index_cast %while3A_853 : i32 to index
            %get3A_915 = arith.constant 64 : index
            %get3A_916 = tpu.vector_load %arg6[%get3A_914, %get3A_915] {strides = array<i32>} : memref<72x256xf32, #tpu.memory_space<vmem>>, vector<1x16xf32>,
            %get3A_917 = vector.shape_cast %get3A_916 : vector<1x16xf32> to vector<16xf32>
            %add3A_918 = arith.addf %while3A_862, %get3A_917 : vector<16xf32>
            %mul3A_919 = arith.mulf %get3A_917, %get3A_917 : vector<16xf32>
            %add3A_920 = arith.addf %while3A_863, %mul3A_919 : vector<16xf32>
            %get3A_921 = arith.index_cast %while3A_853 : i32 to index
            %get3A_922 = arith.constant 80 : index
            %get3A_923 = tpu.vector_load %arg6[%get3A_921, %get3A_922] {strides = array<i32>} : memref<72x256xf32, #tpu.memory_space<vmem>>, vector<1x16xf32>,
            %get3A_924 = vector.shape_cast %get3A_923 : vector<1x16xf32> to vector<16xf32>
            %add3A_925 = arith.addf %while3A_864, %get3A_924 : vector<16xf32>
            %mul3A_926 = arith.mulf %get3A_924, %get3A_924 : vector<16xf32>
            %add3A_927 = arith.addf %while3A_865, %mul3A_926 : vector<16xf32>
            %get3A_928 = arith.index_cast %while3A_853 : i32 to index
            %get3A_929 = arith.constant 96 : index
            %get3A_930 = tpu.vector_load %arg6[%get3A_928, %get3A_929] {strides = array<i32>} : memref<72x256xf32, #tpu.memory_space<vmem>>, vector<1x16xf32>,
            %get3A_931 = vector.shape_cast %get3A_930 : vector<1x16xf32> to vector<16xf32>
            %add3A_932 = arith.addf %while3A_866, %get3A_931 : vector<16xf32>
            %mul3A_933 = arith.mulf %get3A_931, %get3A_931 : vector<16xf32>
            %add3A_934 = arith.addf %while3A_867, %mul3A_933 : vector<16xf32>
            %get3A_935 = arith.index_cast %while3A_853 : i32 to index
            %get3A_936 = arith.constant 112 : index
            %get3A_937 = tpu.vector_load %arg6[%get3A_935, %get3A_936] {strides = array<i32>} : memref<72x256xf32, #tpu.memory_space<vmem>>, vector<1x16xf32>,
            %get3A_938 = vector.shape_cast %get3A_937 : vector<1x16xf32> to vector<16xf32>
            %add3A_939 = arith.addf %while3A_868, %get3A_938 : vector<16xf32>
            %mul3A_940 = arith.mulf %get3A_938, %get3A_938 : vector<16xf32>
            %add3A_941 = arith.addf %while3A_869, %mul3A_940 : vector<16xf32>
            %get3A_942 = arith.index_cast %while3A_853 : i32 to index
            %get3A_943 = arith.constant 128 : index
            %get3A_944 = tpu.vector_load %arg6[%get3A_942, %get3A_943] {strides = array<i32>} : memref<72x256xf32, #tpu.memory_space<vmem>>, vector<1x16xf32>,
            %get3A_945 = vector.shape_cast %get3A_944 : vector<1x16xf32> to vector<16xf32>
            %add3A_946 = arith.addf %while3A_870, %get3A_945 : vector<16xf32>
            %mul3A_947 = arith.mulf %get3A_945, %get3A_945 : vector<16xf32>
            %add3A_948 = arith.addf %while3A_871, %mul3A_947 : vector<16xf32>
            %get3A_949 = arith.index_cast %while3A_853 : i32 to index
            %get3A_950 = arith.constant 144 : index
            %get3A_951 = tpu.vector_load %arg6[%get3A_949, %get3A_950] {strides = array<i32>} : memref<72x256xf32, #tpu.memory_space<vmem>>, vector<1x16xf32>,
            %get3A_952 = vector.shape_cast %get3A_951 : vector<1x16xf32> to vector<16xf32>
            %add3A_953 = arith.addf %while3A_872, %get3A_952 : vector<16xf32>
            %mul3A_954 = arith.mulf %get3A_952, %get3A_952 : vector<16xf32>
            %add3A_955 = arith.addf %while3A_873, %mul3A_954 : vector<16xf32>
            %get3A_956 = arith.index_cast %while3A_853 : i32 to index
            %get3A_957 = arith.constant 160 : index
            %get3A_958 = tpu.vector_load %arg6[%get3A_956, %get3A_957] {strides = array<i32>} : memref<72x256xf32, #tpu.memory_space<vmem>>, vector<1x16xf32>,
            %get3A_959 = vector.shape_cast %get3A_958 : vector<1x16xf32> to vector<16xf32>
            %add3A_960 = arith.addf %while3A_874, %get3A_959 : vector<16xf32>
            %mul3A_961 = arith.mulf %get3A_959, %get3A_959 : vector<16xf32>
            %add3A_962 = arith.addf %while3A_875, %mul3A_961 : vector<16xf32>
            %get3A_963 = arith.index_cast %while3A_853 : i32 to index
            %get3A_964 = arith.constant 176 : index
            %get3A_965 = tpu.vector_load %arg6[%get3A_963, %get3A_964] {strides = array<i32>} : memref<72x256xf32, #tpu.memory_space<vmem>>, vector<1x16xf32>,
            %get3A_966 = vector.shape_cast %get3A_965 : vector<1x16xf32> to vector<16xf32>
            %add3A_967 = arith.addf %while3A_876, %get3A_966 : vector<16xf32>
            %mul3A_968 = arith.mulf %get3A_966, %get3A_966 : vector<16xf32>
            %add3A_969 = arith.addf %while3A_877, %mul3A_968 : vector<16xf32>
            %get3A_970 = arith.index_cast %while3A_853 : i32 to index
            %get3A_971 = arith.constant 192 : index
            %get3A_972 = tpu.vector_load %arg6[%get3A_970, %get3A_971] {strides = array<i32>} : memref<72x256xf32, #tpu.memory_space<vmem>>, vector<1x16xf32>,
            %get3A_973 = vector.shape_cast %get3A_972 : vector<1x16xf32> to vector<16xf32>
            %add3A_974 = arith.addf %while3A_878, %get3A_973 : vector<16xf32>
            %mul3A_975 = arith.mulf %get3A_973, %get3A_973 : vector<16xf32>
            %add3A_976 = arith.addf %while3A_879, %mul3A_975 : vector<16xf32>
            %get3A_977 = arith.index_cast %while3A_853 : i32 to index
            %get3A_978 = arith.constant 208 : index
            %get3A_979 = tpu.vector_load %arg6[%get3A_977, %get3A_978] {strides = array<i32>} : memref<72x256xf32, #tpu.memory_space<vmem>>, vector<1x16xf32>,
            %get3A_980 = vector.shape_cast %get3A_979 : vector<1x16xf32> to vector<16xf32>
            %add3A_981 = arith.addf %while3A_880, %get3A_980 : vector<16xf32>
            %mul3A_982 = arith.mulf %get3A_980, %get3A_980 : vector<16xf32>
            %add3A_983 = arith.addf %while3A_881, %mul3A_982 : vector<16xf32>
            %get3A_984 = arith.index_cast %while3A_853 : i32 to index
            %get3A_985 = arith.constant 224 : index
            %get3A_986 = tpu.vector_load %arg6[%get3A_984, %get3A_985] {strides = array<i32>} : memref<72x256xf32, #tpu.memory_space<vmem>>, vector<1x16xf32>,
            %get3A_987 = vector.shape_cast %get3A_986 : vector<1x16xf32> to vector<16xf32>
            %add3A_988 = arith.addf %while3A_882, %get3A_987 : vector<16xf32>
            %mul3A_989 = arith.mulf %get3A_987, %get3A_987 : vector<16xf32>
            %add3A_990 = arith.addf %while3A_883, %mul3A_989 : vector<16xf32>
            %get3A_991 = arith.index_cast %while3A_853 : i32 to index
            %get3A_992 = arith.constant 240 : index
            %get3A_993 = tpu.vector_load %arg6[%get3A_991, %get3A_992] {strides = array<i32>} : memref<72x256xf32, #tpu.memory_space<vmem>>, vector<1x16xf32>,
            %get3A_994 = vector.shape_cast %get3A_993 : vector<1x16xf32> to vector<16xf32>
            %add3A_995 = arith.addf %while3A_884, %get3A_994 : vector<16xf32>
            %mul3A_996 = arith.mulf %get3A_994, %get3A_994 : vector<16xf32>
            %add3A_997 = arith.addf %while3A_885, %mul3A_996 : vector<16xf32>
            scf.yield %add3A_890, %add3A_892, %add3A_897, %add3A_899, %add3A_904, %add3A_906, %add3A_911, %add3A_913, %add3A_918, %add3A_920, %add3A_925, %add3A_927, %add3A_932, %add3A_934, %add3A_939, %add3A_941, %add3A_946, %add3A_948, %add3A_953, %add3A_955, %add3A_960, %add3A_962, %add3A_967, %add3A_969, %add3A_974, %add3A_976, %add3A_981, %add3A_983, %add3A_988, %add3A_990, %add3A_995, %add3A_997 : vector<16xf32>, vector<16xf32>, vector<16xf32>, vector<16xf32>, vector<16xf32>, vector<16xf32>, vector<16xf32>, vector<16xf32>, vector<16xf32>, vector<16xf32>, vector<16xf32>, vector<16xf32>, vector<16xf32>, vector<16xf32>, vector<16xf32>, vector<16xf32>, vector<16xf32>, vector<16xf32>, vector<16xf32>, vector<16xf32>, vector<16xf32>, vector<16xf32>, vector<16xf32>, vector<16xf32>, vector<16xf32>, vector<16xf32>, vector<16xf32>, vector<16xf32>, vector<16xf32>, vector<16xf32>, vector<16xf32>, vector<16xf32>
          }
          %get3A_157 = arith.index_cast %scan3A_47 : i32 to index
          %get3A_158 = arith.constant 0 : index
          %get3A_159 = tpu.vector_load %arg8[%get3A_157, %get3A_158] {strides = array<i32>} : memref<16x256xf32, #tpu.memory_space<vmem>>, vector<1x16xf32>,
          %get3A_160 = vector.shape_cast %get3A_159 : vector<1x16xf32> to vector<16xf32>
          %add3A_161 = arith.addf %get3A_160, %while3A_156#0 : vector<16xf32>
          %swap3A = arith.index_cast %scan3A_47 : i32 to index
          %swap3A_162 = arith.constant 0 : index
          %swap3A_163 = tpu.vector_load %arg8[%swap3A, %swap3A_162] {strides = array<i32>} : memref<16x256xf32, #tpu.memory_space<vmem>>, vector<1x16xf32>,
          %swap3A_164 = vector.shape_cast %swap3A_163 : vector<1x16xf32> to vector<16xf32>
          %swap3A_165 = vector.shape_cast %add3A_161 : vector<16xf32> to vector<1x16xf32>
          tpu.vector_store %arg8[%swap3A, %swap3A_162], %swap3A_165 {strides = array<i32>} : memref<16x256xf32, #tpu.memory_space<vmem>>, vector<1x16xf32>,
          %get3A_166 = arith.index_cast %scan3A_47 : i32 to index
          %get3A_167 = arith.constant 0 : index
          %get3A_168 = tpu.vector_load %arg9[%get3A_166, %get3A_167] {strides = array<i32>} : memref<16x256xf32, #tpu.memory_space<vmem>>, vector<1x16xf32>,
          %get3A_169 = vector.shape_cast %get3A_168 : vector<1x16xf32> to vector<16xf32>
          %add3A_170 = arith.addf %get3A_169, %while3A_156#1 : vector<16xf32>
          %swap3A_171 = arith.index_cast %scan3A_47 : i32 to index
          %swap3A_172 = arith.constant 0 : index
          %swap3A_173 = tpu.vector_load %arg9[%swap3A_171, %swap3A_172] {strides = array<i32>} : memref<16x256xf32, #tpu.memory_space<vmem>>, vector<1x16xf32>,
          %swap3A_174 = vector.shape_cast %swap3A_173 : vector<1x16xf32> to vector<16xf32>
          %swap3A_175 = vector.shape_cast %add3A_170 : vector<16xf32> to vector<1x16xf32>
          tpu.vector_store %arg9[%swap3A_171, %swap3A_172], %swap3A_175 {strides = array<i32>} : memref<16x256xf32, #tpu.memory_space<vmem>>, vector<1x16xf32>,
          %get3A_176 = arith.index_cast %scan3A_47 : i32 to index
          %get3A_177 = arith.constant 16 : index
          %get3A_178 = tpu.vector_load %arg8[%get3A_176, %get3A_177] {strides = array<i32>} : memref<16x256xf32, #tpu.memory_space<vmem>>, vector<1x16xf32>,
          %get3A_179 = vector.shape_cast %get3A_178 : vector<1x16xf32> to vector<16xf32>
          %add3A_180 = arith.addf %get3A_179, %while3A_156#2 : vector<16xf32>
          %swap3A_181 = arith.index_cast %scan3A_47 : i32 to index
          %swap3A_182 = arith.constant 16 : index
          %swap3A_183 = tpu.vector_load %arg8[%swap3A_181, %swap3A_182] {strides = array<i32>} : memref<16x256xf32, #tpu.memory_space<vmem>>, vector<1x16xf32>,
          %swap3A_184 = vector.shape_cast %swap3A_183 : vector<1x16xf32> to vector<16xf32>
          %swap3A_185 = vector.shape_cast %add3A_180 : vector<16xf32> to vector<1x16xf32>
          tpu.vector_store %arg8[%swap3A_181, %swap3A_182], %swap3A_185 {strides = array<i32>} : memref<16x256xf32, #tpu.memory_space<vmem>>, vector<1x16xf32>,
          %get3A_186 = arith.index_cast %scan3A_47 : i32 to index
          %get3A_187 = arith.constant 16 : index
          %get3A_188 = tpu.vector_load %arg9[%get3A_186, %get3A_187] {strides = array<i32>} : memref<16x256xf32, #tpu.memory_space<vmem>>, vector<1x16xf32>,
          %get3A_189 = vector.shape_cast %get3A_188 : vector<1x16xf32> to vector<16xf32>
          %add3A_190 = arith.addf %get3A_189, %while3A_156#3 : vector<16xf32>
          %swap3A_191 = arith.index_cast %scan3A_47 : i32 to index
          %swap3A_192 = arith.constant 16 : index
          %swap3A_193 = tpu.vector_load %arg9[%swap3A_191, %swap3A_192] {strides = array<i32>} : memref<16x256xf32, #tpu.memory_space<vmem>>, vector<1x16xf32>,
          %swap3A_194 = vector.shape_cast %swap3A_193 : vector<1x16xf32> to vector<16xf32>
          %swap3A_195 = vector.shape_cast %add3A_190 : vector<16xf32> to vector<1x16xf32>
          tpu.vector_store %arg9[%swap3A_191, %swap3A_192], %swap3A_195 {strides = array<i32>} : memref<16x256xf32, #tpu.memory_space<vmem>>, vector<1x16xf32>,
          %get3A_196 = arith.index_cast %scan3A_47 : i32 to index
          %get3A_197 = arith.constant 32 : index
          %get3A_198 = tpu.vector_load %arg8[%get3A_196, %get3A_197] {strides = array<i32>} : memref<16x256xf32, #tpu.memory_space<vmem>>, vector<1x16xf32>,
          %get3A_199 = vector.shape_cast %get3A_198 : vector<1x16xf32> to vector<16xf32>
          %add3A_200 = arith.addf %get3A_199, %while3A_156#4 : vector<16xf32>
          %swap3A_201 = arith.index_cast %scan3A_47 : i32 to index
          %swap3A_202 = arith.constant 32 : index
          %swap3A_203 = tpu.vector_load %arg8[%swap3A_201, %swap3A_202] {strides = array<i32>} : memref<16x256xf32, #tpu.memory_space<vmem>>, vector<1x16xf32>,
          %swap3A_204 = vector.shape_cast %swap3A_203 : vector<1x16xf32> to vector<16xf32>
          %swap3A_205 = vector.shape_cast %add3A_200 : vector<16xf32> to vector<1x16xf32>
          tpu.vector_store %arg8[%swap3A_201, %swap3A_202], %swap3A_205 {strides = array<i32>} : memref<16x256xf32, #tpu.memory_space<vmem>>, vector<1x16xf32>,
          %get3A_206 = arith.index_cast %scan3A_47 : i32 to index
          %get3A_207 = arith.constant 32 : index
          %get3A_208 = tpu.vector_load %arg9[%get3A_206, %get3A_207] {strides = array<i32>} : memref<16x256xf32, #tpu.memory_space<vmem>>, vector<1x16xf32>,
          %get3A_209 = vector.shape_cast %get3A_208 : vector<1x16xf32> to vector<16xf32>
          %add3A_210 = arith.addf %get3A_209, %while3A_156#5 : vector<16xf32>
          %swap3A_211 = arith.index_cast %scan3A_47 : i32 to index
          %swap3A_212 = arith.constant 32 : index
          %swap3A_213 = tpu.vector_load %arg9[%swap3A_211, %swap3A_212] {strides = array<i32>} : memref<16x256xf32, #tpu.memory_space<vmem>>, vector<1x16xf32>,
          %swap3A_214 = vector.shape_cast %swap3A_213 : vector<1x16xf32> to vector<16xf32>
          %swap3A_215 = vector.shape_cast %add3A_210 : vector<16xf32> to vector<1x16xf32>
          tpu.vector_store %arg9[%swap3A_211, %swap3A_212], %swap3A_215 {strides = array<i32>} : memref<16x256xf32, #tpu.memory_space<vmem>>, vector<1x16xf32>,
          %get3A_216 = arith.index_cast %scan3A_47 : i32 to index
          %get3A_217 = arith.constant 48 : index
          %get3A_218 = tpu.vector_load %arg8[%get3A_216, %get3A_217] {strides = array<i32>} : memref<16x256xf32, #tpu.memory_space<vmem>>, vector<1x16xf32>,
          %get3A_219 = vector.shape_cast %get3A_218 : vector<1x16xf32> to vector<16xf32>
          %add3A_220 = arith.addf %get3A_219, %while3A_156#6 : vector<16xf32>
          %swap3A_221 = arith.index_cast %scan3A_47 : i32 to index
          %swap3A_222 = arith.constant 48 : index
          %swap3A_223 = tpu.vector_load %arg8[%swap3A_221, %swap3A_222] {strides = array<i32>} : memref<16x256xf32, #tpu.memory_space<vmem>>, vector<1x16xf32>,
          %swap3A_224 = vector.shape_cast %swap3A_223 : vector<1x16xf32> to vector<16xf32>
          %swap3A_225 = vector.shape_cast %add3A_220 : vector<16xf32> to vector<1x16xf32>
          tpu.vector_store %arg8[%swap3A_221, %swap3A_222], %swap3A_225 {strides = array<i32>} : memref<16x256xf32, #tpu.memory_space<vmem>>, vector<1x16xf32>,
          %get3A_226 = arith.index_cast %scan3A_47 : i32 to index
          %get3A_227 = arith.constant 48 : index
          %get3A_228 = tpu.vector_load %arg9[%get3A_226, %get3A_227] {strides = array<i32>} : memref<16x256xf32, #tpu.memory_space<vmem>>, vector<1x16xf32>,
          %get3A_229 = vector.shape_cast %get3A_228 : vector<1x16xf32> to vector<16xf32>
          %add3A_230 = arith.addf %get3A_229, %while3A_156#7 : vector<16xf32>
          %swap3A_231 = arith.index_cast %scan3A_47 : i32 to index
          %swap3A_232 = arith.constant 48 : index
          %swap3A_233 = tpu.vector_load %arg9[%swap3A_231, %swap3A_232] {strides = array<i32>} : memref<16x256xf32, #tpu.memory_space<vmem>>, vector<1x16xf32>,
          %swap3A_234 = vector.shape_cast %swap3A_233 : vector<1x16xf32> to vector<16xf32>
          %swap3A_235 = vector.shape_cast %add3A_230 : vector<16xf32> to vector<1x16xf32>
          tpu.vector_store %arg9[%swap3A_231, %swap3A_232], %swap3A_235 {strides = array<i32>} : memref<16x256xf32, #tpu.memory_space<vmem>>, vector<1x16xf32>,
          %get3A_236 = arith.index_cast %scan3A_47 : i32 to index
          %get3A_237 = arith.constant 64 : index
          %get3A_238 = tpu.vector_load %arg8[%get3A_236, %get3A_237] {strides = array<i32>} : memref<16x256xf32, #tpu.memory_space<vmem>>, vector<1x16xf32>,
          %get3A_239 = vector.shape_cast %get3A_238 : vector<1x16xf32> to vector<16xf32>
          %add3A_240 = arith.addf %get3A_239, %while3A_156#8 : vector<16xf32>
          %swap3A_241 = arith.index_cast %scan3A_47 : i32 to index
          %swap3A_242 = arith.constant 64 : index
          %swap3A_243 = tpu.vector_load %arg8[%swap3A_241, %swap3A_242] {strides = array<i32>} : memref<16x256xf32, #tpu.memory_space<vmem>>, vector<1x16xf32>,
          %swap3A_244 = vector.shape_cast %swap3A_243 : vector<1x16xf32> to vector<16xf32>
          %swap3A_245 = vector.shape_cast %add3A_240 : vector<16xf32> to vector<1x16xf32>
          tpu.vector_store %arg8[%swap3A_241, %swap3A_242], %swap3A_245 {strides = array<i32>} : memref<16x256xf32, #tpu.memory_space<vmem>>, vector<1x16xf32>,
          %get3A_246 = arith.index_cast %scan3A_47 : i32 to index
          %get3A_247 = arith.constant 64 : index
          %get3A_248 = tpu.vector_load %arg9[%get3A_246, %get3A_247] {strides = array<i32>} : memref<16x256xf32, #tpu.memory_space<vmem>>, vector<1x16xf32>,
          %get3A_249 = vector.shape_cast %get3A_248 : vector<1x16xf32> to vector<16xf32>
          %add3A_250 = arith.addf %get3A_249, %while3A_156#9 : vector<16xf32>
          %swap3A_251 = arith.index_cast %scan3A_47 : i32 to index
          %swap3A_252 = arith.constant 64 : index
          %swap3A_253 = tpu.vector_load %arg9[%swap3A_251, %swap3A_252] {strides = array<i32>} : memref<16x256xf32, #tpu.memory_space<vmem>>, vector<1x16xf32>,
          %swap3A_254 = vector.shape_cast %swap3A_253 : vector<1x16xf32> to vector<16xf32>
          %swap3A_255 = vector.shape_cast %add3A_250 : vector<16xf32> to vector<1x16xf32>
          tpu.vector_store %arg9[%swap3A_251, %swap3A_252], %swap3A_255 {strides = array<i32>} : memref<16x256xf32, #tpu.memory_space<vmem>>, vector<1x16xf32>,
          %get3A_256 = arith.index_cast %scan3A_47 : i32 to index
          %get3A_257 = arith.constant 80 : index
          %get3A_258 = tpu.vector_load %arg8[%get3A_256, %get3A_257] {strides = array<i32>} : memref<16x256xf32, #tpu.memory_space<vmem>>, vector<1x16xf32>,
          %get3A_259 = vector.shape_cast %get3A_258 : vector<1x16xf32> to vector<16xf32>
          %add3A_260 = arith.addf %get3A_259, %while3A_156#10 : vector<16xf32>
          %swap3A_261 = arith.index_cast %scan3A_47 : i32 to index
          %swap3A_262 = arith.constant 80 : index
          %swap3A_263 = tpu.vector_load %arg8[%swap3A_261, %swap3A_262] {strides = array<i32>} : memref<16x256xf32, #tpu.memory_space<vmem>>, vector<1x16xf32>,
          %swap3A_264 = vector.shape_cast %swap3A_263 : vector<1x16xf32> to vector<16xf32>
          %swap3A_265 = vector.shape_cast %add3A_260 : vector<16xf32> to vector<1x16xf32>
          tpu.vector_store %arg8[%swap3A_261, %swap3A_262], %swap3A_265 {strides = array<i32>} : memref<16x256xf32, #tpu.memory_space<vmem>>, vector<1x16xf32>,
          %get3A_266 = arith.index_cast %scan3A_47 : i32 to index
          %get3A_267 = arith.constant 80 : index
          %get3A_268 = tpu.vector_load %arg9[%get3A_266, %get3A_267] {strides = array<i32>} : memref<16x256xf32, #tpu.memory_space<vmem>>, vector<1x16xf32>,
          %get3A_269 = vector.shape_cast %get3A_268 : vector<1x16xf32> to vector<16xf32>
          %add3A_270 = arith.addf %get3A_269, %while3A_156#11 : vector<16xf32>
          %swap3A_271 = arith.index_cast %scan3A_47 : i32 to index
          %swap3A_272 = arith.constant 80 : index
          %swap3A_273 = tpu.vector_load %arg9[%swap3A_271, %swap3A_272] {strides = array<i32>} : memref<16x256xf32, #tpu.memory_space<vmem>>, vector<1x16xf32>,
          %swap3A_274 = vector.shape_cast %swap3A_273 : vector<1x16xf32> to vector<16xf32>
          %swap3A_275 = vector.shape_cast %add3A_270 : vector<16xf32> to vector<1x16xf32>
          tpu.vector_store %arg9[%swap3A_271, %swap3A_272], %swap3A_275 {strides = array<i32>} : memref<16x256xf32, #tpu.memory_space<vmem>>, vector<1x16xf32>,
          %get3A_276 = arith.index_cast %scan3A_47 : i32 to index
          %get3A_277 = arith.constant 96 : index
          %get3A_278 = tpu.vector_load %arg8[%get3A_276, %get3A_277] {strides = array<i32>} : memref<16x256xf32, #tpu.memory_space<vmem>>, vector<1x16xf32>,
          %get3A_279 = vector.shape_cast %get3A_278 : vector<1x16xf32> to vector<16xf32>
          %add3A_280 = arith.addf %get3A_279, %while3A_156#12 : vector<16xf32>
          %swap3A_281 = arith.index_cast %scan3A_47 : i32 to index
          %swap3A_282 = arith.constant 96 : index
          %swap3A_283 = tpu.vector_load %arg8[%swap3A_281, %swap3A_282] {strides = array<i32>} : memref<16x256xf32, #tpu.memory_space<vmem>>, vector<1x16xf32>,
          %swap3A_284 = vector.shape_cast %swap3A_283 : vector<1x16xf32> to vector<16xf32>
          %swap3A_285 = vector.shape_cast %add3A_280 : vector<16xf32> to vector<1x16xf32>
          tpu.vector_store %arg8[%swap3A_281, %swap3A_282], %swap3A_285 {strides = array<i32>} : memref<16x256xf32, #tpu.memory_space<vmem>>, vector<1x16xf32>,
          %get3A_286 = arith.index_cast %scan3A_47 : i32 to index
          %get3A_287 = arith.constant 96 : index
          %get3A_288 = tpu.vector_load %arg9[%get3A_286, %get3A_287] {strides = array<i32>} : memref<16x256xf32, #tpu.memory_space<vmem>>, vector<1x16xf32>,
          %get3A_289 = vector.shape_cast %get3A_288 : vector<1x16xf32> to vector<16xf32>
          %add3A_290 = arith.addf %get3A_289, %while3A_156#13 : vector<16xf32>
          %swap3A_291 = arith.index_cast %scan3A_47 : i32 to index
          %swap3A_292 = arith.constant 96 : index
          %swap3A_293 = tpu.vector_load %arg9[%swap3A_291, %swap3A_292] {strides = array<i32>} : memref<16x256xf32, #tpu.memory_space<vmem>>, vector<1x16xf32>,
          %swap3A_294 = vector.shape_cast %swap3A_293 : vector<1x16xf32> to vector<16xf32>
          %swap3A_295 = vector.shape_cast %add3A_290 : vector<16xf32> to vector<1x16xf32>
          tpu.vector_store %arg9[%swap3A_291, %swap3A_292], %swap3A_295 {strides = array<i32>} : memref<16x256xf32, #tpu.memory_space<vmem>>, vector<1x16xf32>,
          %get3A_296 = arith.index_cast %scan3A_47 : i32 to index
          %get3A_297 = arith.constant 112 : index
          %get3A_298 = tpu.vector_load %arg8[%get3A_296, %get3A_297] {strides = array<i32>} : memref<16x256xf32, #tpu.memory_space<vmem>>, vector<1x16xf32>,
          %get3A_299 = vector.shape_cast %get3A_298 : vector<1x16xf32> to vector<16xf32>
          %add3A_300 = arith.addf %get3A_299, %while3A_156#14 : vector<16xf32>
          %swap3A_301 = arith.index_cast %scan3A_47 : i32 to index
          %swap3A_302 = arith.constant 112 : index
          %swap3A_303 = tpu.vector_load %arg8[%swap3A_301, %swap3A_302] {strides = array<i32>} : memref<16x256xf32, #tpu.memory_space<vmem>>, vector<1x16xf32>,
          %swap3A_304 = vector.shape_cast %swap3A_303 : vector<1x16xf32> to vector<16xf32>
          %swap3A_305 = vector.shape_cast %add3A_300 : vector<16xf32> to vector<1x16xf32>
          tpu.vector_store %arg8[%swap3A_301, %swap3A_302], %swap3A_305 {strides = array<i32>} : memref<16x256xf32, #tpu.memory_space<vmem>>, vector<1x16xf32>,
          %get3A_306 = arith.index_cast %scan3A_47 : i32 to index
          %get3A_307 = arith.constant 112 : index
          %get3A_308 = tpu.vector_load %arg9[%get3A_306, %get3A_307] {strides = array<i32>} : memref<16x256xf32, #tpu.memory_space<vmem>>, vector<1x16xf32>,
          %get3A_309 = vector.shape_cast %get3A_308 : vector<1x16xf32> to vector<16xf32>
          %add3A_310 = arith.addf %get3A_309, %while3A_156#15 : vector<16xf32>
          %swap3A_311 = arith.index_cast %scan3A_47 : i32 to index
          %swap3A_312 = arith.constant 112 : index
          %swap3A_313 = tpu.vector_load %arg9[%swap3A_311, %swap3A_312] {strides = array<i32>} : memref<16x256xf32, #tpu.memory_space<vmem>>, vector<1x16xf32>,
          %swap3A_314 = vector.shape_cast %swap3A_313 : vector<1x16xf32> to vector<16xf32>
          %swap3A_315 = vector.shape_cast %add3A_310 : vector<16xf32> to vector<1x16xf32>
          tpu.vector_store %arg9[%swap3A_311, %swap3A_312], %swap3A_315 {strides = array<i32>} : memref<16x256xf32, #tpu.memory_space<vmem>>, vector<1x16xf32>,
          %get3A_316 = arith.index_cast %scan3A_47 : i32 to index
          %get3A_317 = arith.constant 128 : index
          %get3A_318 = tpu.vector_load %arg8[%get3A_316, %get3A_317] {strides = array<i32>} : memref<16x256xf32, #tpu.memory_space<vmem>>, vector<1x16xf32>,
          %get3A_319 = vector.shape_cast %get3A_318 : vector<1x16xf32> to vector<16xf32>
          %add3A_320 = arith.addf %get3A_319, %while3A_156#16 : vector<16xf32>
          %swap3A_321 = arith.index_cast %scan3A_47 : i32 to index
          %swap3A_322 = arith.constant 128 : index
          %swap3A_323 = tpu.vector_load %arg8[%swap3A_321, %swap3A_322] {strides = array<i32>} : memref<16x256xf32, #tpu.memory_space<vmem>>, vector<1x16xf32>,
          %swap3A_324 = vector.shape_cast %swap3A_323 : vector<1x16xf32> to vector<16xf32>
          %swap3A_325 = vector.shape_cast %add3A_320 : vector<16xf32> to vector<1x16xf32>
          tpu.vector_store %arg8[%swap3A_321, %swap3A_322], %swap3A_325 {strides = array<i32>} : memref<16x256xf32, #tpu.memory_space<vmem>>, vector<1x16xf32>,
          %get3A_326 = arith.index_cast %scan3A_47 : i32 to index
          %get3A_327 = arith.constant 128 : index
          %get3A_328 = tpu.vector_load %arg9[%get3A_326, %get3A_327] {strides = array<i32>} : memref<16x256xf32, #tpu.memory_space<vmem>>, vector<1x16xf32>,
          %get3A_329 = vector.shape_cast %get3A_328 : vector<1x16xf32> to vector<16xf32>
          %add3A_330 = arith.addf %get3A_329, %while3A_156#17 : vector<16xf32>
          %swap3A_331 = arith.index_cast %scan3A_47 : i32 to index
          %swap3A_332 = arith.constant 128 : index
          %swap3A_333 = tpu.vector_load %arg9[%swap3A_331, %swap3A_332] {strides = array<i32>} : memref<16x256xf32, #tpu.memory_space<vmem>>, vector<1x16xf32>,
          %swap3A_334 = vector.shape_cast %swap3A_333 : vector<1x16xf32> to vector<16xf32>
          %swap3A_335 = vector.shape_cast %add3A_330 : vector<16xf32> to vector<1x16xf32>
          tpu.vector_store %arg9[%swap3A_331, %swap3A_332], %swap3A_335 {strides = array<i32>} : memref<16x256xf32, #tpu.memory_space<vmem>>, vector<1x16xf32>,
          %get3A_336 = arith.index_cast %scan3A_47 : i32 to index
          %get3A_337 = arith.constant 144 : index
          %get3A_338 = tpu.vector_load %arg8[%get3A_336, %get3A_337] {strides = array<i32>} : memref<16x256xf32, #tpu.memory_space<vmem>>, vector<1x16xf32>,
          %get3A_339 = vector.shape_cast %get3A_338 : vector<1x16xf32> to vector<16xf32>
          %add3A_340 = arith.addf %get3A_339, %while3A_156#18 : vector<16xf32>
          %swap3A_341 = arith.index_cast %scan3A_47 : i32 to index
          %swap3A_342 = arith.constant 144 : index
          %swap3A_343 = tpu.vector_load %arg8[%swap3A_341, %swap3A_342] {strides = array<i32>} : memref<16x256xf32, #tpu.memory_space<vmem>>, vector<1x16xf32>,
          %swap3A_344 = vector.shape_cast %swap3A_343 : vector<1x16xf32> to vector<16xf32>
          %swap3A_345 = vector.shape_cast %add3A_340 : vector<16xf32> to vector<1x16xf32>
          tpu.vector_store %arg8[%swap3A_341, %swap3A_342], %swap3A_345 {strides = array<i32>} : memref<16x256xf32, #tpu.memory_space<vmem>>, vector<1x16xf32>,
          %get3A_346 = arith.index_cast %scan3A_47 : i32 to index
          %get3A_347 = arith.constant 144 : index
          %get3A_348 = tpu.vector_load %arg9[%get3A_346, %get3A_347] {strides = array<i32>} : memref<16x256xf32, #tpu.memory_space<vmem>>, vector<1x16xf32>,
          %get3A_349 = vector.shape_cast %get3A_348 : vector<1x16xf32> to vector<16xf32>
          %add3A_350 = arith.addf %get3A_349, %while3A_156#19 : vector<16xf32>
          %swap3A_351 = arith.index_cast %scan3A_47 : i32 to index
          %swap3A_352 = arith.constant 144 : index
          %swap3A_353 = tpu.vector_load %arg9[%swap3A_351, %swap3A_352] {strides = array<i32>} : memref<16x256xf32, #tpu.memory_space<vmem>>, vector<1x16xf32>,
          %swap3A_354 = vector.shape_cast %swap3A_353 : vector<1x16xf32> to vector<16xf32>
          %swap3A_355 = vector.shape_cast %add3A_350 : vector<16xf32> to vector<1x16xf32>
          tpu.vector_store %arg9[%swap3A_351, %swap3A_352], %swap3A_355 {strides = array<i32>} : memref<16x256xf32, #tpu.memory_space<vmem>>, vector<1x16xf32>,
          %get3A_356 = arith.index_cast %scan3A_47 : i32 to index
          %get3A_357 = arith.constant 160 : index
          %get3A_358 = tpu.vector_load %arg8[%get3A_356, %get3A_357] {strides = array<i32>} : memref<16x256xf32, #tpu.memory_space<vmem>>, vector<1x16xf32>,
          %get3A_359 = vector.shape_cast %get3A_358 : vector<1x16xf32> to vector<16xf32>
          %add3A_360 = arith.addf %get3A_359, %while3A_156#20 : vector<16xf32>
          %swap3A_361 = arith.index_cast %scan3A_47 : i32 to index
          %swap3A_362 = arith.constant 160 : index
          %swap3A_363 = tpu.vector_load %arg8[%swap3A_361, %swap3A_362] {strides = array<i32>} : memref<16x256xf32, #tpu.memory_space<vmem>>, vector<1x16xf32>,
          %swap3A_364 = vector.shape_cast %swap3A_363 : vector<1x16xf32> to vector<16xf32>
          %swap3A_365 = vector.shape_cast %add3A_360 : vector<16xf32> to vector<1x16xf32>
          tpu.vector_store %arg8[%swap3A_361, %swap3A_362], %swap3A_365 {strides = array<i32>} : memref<16x256xf32, #tpu.memory_space<vmem>>, vector<1x16xf32>,
          %get3A_366 = arith.index_cast %scan3A_47 : i32 to index
          %get3A_367 = arith.constant 160 : index
          %get3A_368 = tpu.vector_load %arg9[%get3A_366, %get3A_367] {strides = array<i32>} : memref<16x256xf32, #tpu.memory_space<vmem>>, vector<1x16xf32>,
          %get3A_369 = vector.shape_cast %get3A_368 : vector<1x16xf32> to vector<16xf32>
          %add3A_370 = arith.addf %get3A_369, %while3A_156#21 : vector<16xf32>
          %swap3A_371 = arith.index_cast %scan3A_47 : i32 to index
          %swap3A_372 = arith.constant 160 : index
          %swap3A_373 = tpu.vector_load %arg9[%swap3A_371, %swap3A_372] {strides = array<i32>} : memref<16x256xf32, #tpu.memory_space<vmem>>, vector<1x16xf32>,
          %swap3A_374 = vector.shape_cast %swap3A_373 : vector<1x16xf32> to vector<16xf32>
          %swap3A_375 = vector.shape_cast %add3A_370 : vector<16xf32> to vector<1x16xf32>
          tpu.vector_store %arg9[%swap3A_371, %swap3A_372], %swap3A_375 {strides = array<i32>} : memref<16x256xf32, #tpu.memory_space<vmem>>, vector<1x16xf32>,
          %get3A_376 = arith.index_cast %scan3A_47 : i32 to index
          %get3A_377 = arith.constant 176 : index
          %get3A_378 = tpu.vector_load %arg8[%get3A_376, %get3A_377] {strides = array<i32>} : memref<16x256xf32, #tpu.memory_space<vmem>>, vector<1x16xf32>,
          %get3A_379 = vector.shape_cast %get3A_378 : vector<1x16xf32> to vector<16xf32>
          %add3A_380 = arith.addf %get3A_379, %while3A_156#22 : vector<16xf32>
          %swap3A_381 = arith.index_cast %scan3A_47 : i32 to index
          %swap3A_382 = arith.constant 176 : index
          %swap3A_383 = tpu.vector_load %arg8[%swap3A_381, %swap3A_382] {strides = array<i32>} : memref<16x256xf32, #tpu.memory_space<vmem>>, vector<1x16xf32>,
          %swap3A_384 = vector.shape_cast %swap3A_383 : vector<1x16xf32> to vector<16xf32>
          %swap3A_385 = vector.shape_cast %add3A_380 : vector<16xf32> to vector<1x16xf32>
          tpu.vector_store %arg8[%swap3A_381, %swap3A_382], %swap3A_385 {strides = array<i32>} : memref<16x256xf32, #tpu.memory_space<vmem>>, vector<1x16xf32>,
          %get3A_386 = arith.index_cast %scan3A_47 : i32 to index
          %get3A_387 = arith.constant 176 : index
          %get3A_388 = tpu.vector_load %arg9[%get3A_386, %get3A_387] {strides = array<i32>} : memref<16x256xf32, #tpu.memory_space<vmem>>, vector<1x16xf32>,
          %get3A_389 = vector.shape_cast %get3A_388 : vector<1x16xf32> to vector<16xf32>
          %add3A_390 = arith.addf %get3A_389, %while3A_156#23 : vector<16xf32>
          %swap3A_391 = arith.index_cast %scan3A_47 : i32 to index
          %swap3A_392 = arith.constant 176 : index
          %swap3A_393 = tpu.vector_load %arg9[%swap3A_391, %swap3A_392] {strides = array<i32>} : memref<16x256xf32, #tpu.memory_space<vmem>>, vector<1x16xf32>,
          %swap3A_394 = vector.shape_cast %swap3A_393 : vector<1x16xf32> to vector<16xf32>
          %swap3A_395 = vector.shape_cast %add3A_390 : vector<16xf32> to vector<1x16xf32>
          tpu.vector_store %arg9[%swap3A_391, %swap3A_392], %swap3A_395 {strides = array<i32>} : memref<16x256xf32, #tpu.memory_space<vmem>>, vector<1x16xf32>,
          %get3A_396 = arith.index_cast %scan3A_47 : i32 to index
          %get3A_397 = arith.constant 192 : index
          %get3A_398 = tpu.vector_load %arg8[%get3A_396, %get3A_397] {strides = array<i32>} : memref<16x256xf32, #tpu.memory_space<vmem>>, vector<1x16xf32>,
          %get3A_399 = vector.shape_cast %get3A_398 : vector<1x16xf32> to vector<16xf32>
          %add3A_400 = arith.addf %get3A_399, %while3A_156#24 : vector<16xf32>
          %swap3A_401 = arith.index_cast %scan3A_47 : i32 to index
          %swap3A_402 = arith.constant 192 : index
          %swap3A_403 = tpu.vector_load %arg8[%swap3A_401, %swap3A_402] {strides = array<i32>} : memref<16x256xf32, #tpu.memory_space<vmem>>, vector<1x16xf32>,
          %swap3A_404 = vector.shape_cast %swap3A_403 : vector<1x16xf32> to vector<16xf32>
          %swap3A_405 = vector.shape_cast %add3A_400 : vector<16xf32> to vector<1x16xf32>
          tpu.vector_store %arg8[%swap3A_401, %swap3A_402], %swap3A_405 {strides = array<i32>} : memref<16x256xf32, #tpu.memory_space<vmem>>, vector<1x16xf32>,
          %get3A_406 = arith.index_cast %scan3A_47 : i32 to index
          %get3A_407 = arith.constant 192 : index
          %get3A_408 = tpu.vector_load %arg9[%get3A_406, %get3A_407] {strides = array<i32>} : memref<16x256xf32, #tpu.memory_space<vmem>>, vector<1x16xf32>,
          %get3A_409 = vector.shape_cast %get3A_408 : vector<1x16xf32> to vector<16xf32>
          %add3A_410 = arith.addf %get3A_409, %while3A_156#25 : vector<16xf32>
          %swap3A_411 = arith.index_cast %scan3A_47 : i32 to index
          %swap3A_412 = arith.constant 192 : index
          %swap3A_413 = tpu.vector_load %arg9[%swap3A_411, %swap3A_412] {strides = array<i32>} : memref<16x256xf32, #tpu.memory_space<vmem>>, vector<1x16xf32>,
          %swap3A_414 = vector.shape_cast %swap3A_413 : vector<1x16xf32> to vector<16xf32>
          %swap3A_415 = vector.shape_cast %add3A_410 : vector<16xf32> to vector<1x16xf32>
          tpu.vector_store %arg9[%swap3A_411, %swap3A_412], %swap3A_415 {strides = array<i32>} : memref<16x256xf32, #tpu.memory_space<vmem>>, vector<1x16xf32>,
          %get3A_416 = arith.index_cast %scan3A_47 : i32 to index
          %get3A_417 = arith.constant 208 : index
          %get3A_418 = tpu.vector_load %arg8[%get3A_416, %get3A_417] {strides = array<i32>} : memref<16x256xf32, #tpu.memory_space<vmem>>, vector<1x16xf32>,
          %get3A_419 = vector.shape_cast %get3A_418 : vector<1x16xf32> to vector<16xf32>
          %add3A_420 = arith.addf %get3A_419, %while3A_156#26 : vector<16xf32>
          %swap3A_421 = arith.index_cast %scan3A_47 : i32 to index
          %swap3A_422 = arith.constant 208 : index
          %swap3A_423 = tpu.vector_load %arg8[%swap3A_421, %swap3A_422] {strides = array<i32>} : memref<16x256xf32, #tpu.memory_space<vmem>>, vector<1x16xf32>,
          %swap3A_424 = vector.shape_cast %swap3A_423 : vector<1x16xf32> to vector<16xf32>
          %swap3A_425 = vector.shape_cast %add3A_420 : vector<16xf32> to vector<1x16xf32>
          tpu.vector_store %arg8[%swap3A_421, %swap3A_422], %swap3A_425 {strides = array<i32>} : memref<16x256xf32, #tpu.memory_space<vmem>>, vector<1x16xf32>,
          %get3A_426 = arith.index_cast %scan3A_47 : i32 to index
          %get3A_427 = arith.constant 208 : index
          %get3A_428 = tpu.vector_load %arg9[%get3A_426, %get3A_427] {strides = array<i32>} : memref<16x256xf32, #tpu.memory_space<vmem>>, vector<1x16xf32>,
          %get3A_429 = vector.shape_cast %get3A_428 : vector<1x16xf32> to vector<16xf32>
          %add3A_430 = arith.addf %get3A_429, %while3A_156#27 : vector<16xf32>
          %swap3A_431 = arith.index_cast %scan3A_47 : i32 to index
          %swap3A_432 = arith.constant 208 : index
          %swap3A_433 = tpu.vector_load %arg9[%swap3A_431, %swap3A_432] {strides = array<i32>} : memref<16x256xf32, #tpu.memory_space<vmem>>, vector<1x16xf32>,
          %swap3A_434 = vector.shape_cast %swap3A_433 : vector<1x16xf32> to vector<16xf32>
          %swap3A_435 = vector.shape_cast %add3A_430 : vector<16xf32> to vector<1x16xf32>
          tpu.vector_store %arg9[%swap3A_431, %swap3A_432], %swap3A_435 {strides = array<i32>} : memref<16x256xf32, #tpu.memory_space<vmem>>, vector<1x16xf32>,
          %get3A_436 = arith.index_cast %scan3A_47 : i32 to index
          %get3A_437 = arith.constant 224 : index
          %get3A_438 = tpu.vector_load %arg8[%get3A_436, %get3A_437] {strides = array<i32>} : memref<16x256xf32, #tpu.memory_space<vmem>>, vector<1x16xf32>,
          %get3A_439 = vector.shape_cast %get3A_438 : vector<1x16xf32> to vector<16xf32>
          %add3A_440 = arith.addf %get3A_439, %while3A_156#28 : vector<16xf32>
          %swap3A_441 = arith.index_cast %scan3A_47 : i32 to index
          %swap3A_442 = arith.constant 224 : index
          %swap3A_443 = tpu.vector_load %arg8[%swap3A_441, %swap3A_442] {strides = array<i32>} : memref<16x256xf32, #tpu.memory_space<vmem>>, vector<1x16xf32>,
          %swap3A_444 = vector.shape_cast %swap3A_443 : vector<1x16xf32> to vector<16xf32>
          %swap3A_445 = vector.shape_cast %add3A_440 : vector<16xf32> to vector<1x16xf32>
          tpu.vector_store %arg8[%swap3A_441, %swap3A_442], %swap3A_445 {strides = array<i32>} : memref<16x256xf32, #tpu.memory_space<vmem>>, vector<1x16xf32>,
          %get3A_446 = arith.index_cast %scan3A_47 : i32 to index
          %get3A_447 = arith.constant 224 : index
          %get3A_448 = tpu.vector_load %arg9[%get3A_446, %get3A_447] {strides = array<i32>} : memref<16x256xf32, #tpu.memory_space<vmem>>, vector<1x16xf32>,
          %get3A_449 = vector.shape_cast %get3A_448 : vector<1x16xf32> to vector<16xf32>
          %add3A_450 = arith.addf %get3A_449, %while3A_156#29 : vector<16xf32>
          %swap3A_451 = arith.index_cast %scan3A_47 : i32 to index
          %swap3A_452 = arith.constant 224 : index
          %swap3A_453 = tpu.vector_load %arg9[%swap3A_451, %swap3A_452] {strides = array<i32>} : memref<16x256xf32, #tpu.memory_space<vmem>>, vector<1x16xf32>,
          %swap3A_454 = vector.shape_cast %swap3A_453 : vector<1x16xf32> to vector<16xf32>
          %swap3A_455 = vector.shape_cast %add3A_450 : vector<16xf32> to vector<1x16xf32>
          tpu.vector_store %arg9[%swap3A_451, %swap3A_452], %swap3A_455 {strides = array<i32>} : memref<16x256xf32, #tpu.memory_space<vmem>>, vector<1x16xf32>,
          %get3A_456 = arith.index_cast %scan3A_47 : i32 to index
          %get3A_457 = arith.constant 240 : index
          %get3A_458 = tpu.vector_load %arg8[%get3A_456, %get3A_457] {strides = array<i32>} : memref<16x256xf32, #tpu.memory_space<vmem>>, vector<1x16xf32>,
          %get3A_459 = vector.shape_cast %get3A_458 : vector<1x16xf32> to vector<16xf32>
          %add3A_460 = arith.addf %get3A_459, %while3A_156#30 : vector<16xf32>
          %swap3A_461 = arith.index_cast %scan3A_47 : i32 to index
          %swap3A_462 = arith.constant 240 : index
          %swap3A_463 = tpu.vector_load %arg8[%swap3A_461, %swap3A_462] {strides = array<i32>} : memref<16x256xf32, #tpu.memory_space<vmem>>, vector<1x16xf32>,
          %swap3A_464 = vector.shape_cast %swap3A_463 : vector<1x16xf32> to vector<16xf32>
          %swap3A_465 = vector.shape_cast %add3A_460 : vector<16xf32> to vector<1x16xf32>
          tpu.vector_store %arg8[%swap3A_461, %swap3A_462], %swap3A_465 {strides = array<i32>} : memref<16x256xf32, #tpu.memory_space<vmem>>, vector<1x16xf32>,
          %get3A_466 = arith.index_cast %scan3A_47 : i32 to index
          %get3A_467 = arith.constant 240 : index
          %get3A_468 = tpu.vector_load %arg9[%get3A_466, %get3A_467] {strides = array<i32>} : memref<16x256xf32, #tpu.memory_space<vmem>>, vector<1x16xf32>,
          %get3A_469 = vector.shape_cast %get3A_468 : vector<1x16xf32> to vector<16xf32>
          %add3A_470 = arith.addf %get3A_469, %while3A_156#31 : vector<16xf32>
          %swap3A_471 = arith.index_cast %scan3A_47 : i32 to index
          %swap3A_472 = arith.constant 240 : index
          %swap3A_473 = tpu.vector_load %arg9[%swap3A_471, %swap3A_472] {strides = array<i32>} : memref<16x256xf32, #tpu.memory_space<vmem>>, vector<1x16xf32>,
          %swap3A_474 = vector.shape_cast %swap3A_473 : vector<1x16xf32> to vector<16xf32>
          %swap3A_475 = vector.shape_cast %add3A_470 : vector<16xf32> to vector<1x16xf32>
          tpu.vector_store %arg9[%swap3A_471, %swap3A_472], %swap3A_475 {strides = array<i32>} : memref<16x256xf32, #tpu.memory_space<vmem>>, vector<1x16xf32>,
          %add3A_476 = arith.constant 0 : i32
          %add3A_477 = arith.addi %max3A, %add3A_476 : i32
          %and3A_478 = arith.constant -8 : i32
          %and3A_479 = arith.andi %add3A_477, %and3A_478 : i32
          %min3A_480 = arith.constant 32696 : i32
          %min3A_481 = arith.minsi %and3A_479, %min3A_480 : i32
          %multiple_of3A_482 = tpu.assume_multiple %min3A_481, 8 : i32
          %dma_wait3A_483 = arith.constant 0 : i32
          %dma_wait3A_484 = tpu.memref_slice %arg2[%multiple_of3A_482, %dma_wait3A_483] : memref<32768x256xf32, #tpu.memory_space<hbm>> -> memref<72x256xf32, #tpu.memory_space<hbm>>
          %dma_wait3A_485 = arith.constant 0 : i32
          %dma_wait3A_486 = tpu.memref_slice %arg2[%multiple_of3A_482, %dma_wait3A_485] : memref<32768x256xf32, #tpu.memory_space<hbm>> -> memref<72x256xf32, #tpu.memory_space<hbm>>
          tpu.wait_dma2 semaphore(%arg12 : memref<!tpu.dma_semaphore, #tpu.memory_space<semaphore_mem>>) src(%dma_wait3A_486 : memref<72x256xf32, #tpu.memory_space<hbm>>) dst(%arg7 : memref<72x256xf32, #tpu.memory_space<vmem>>)
          %add3A_487 = arith.constant 2 : i32
          %add3A_488 = arith.addi %mul3A_101, %add3A_487 : i32
          %sub3A_489 = arith.constant 1 : i32
          %sub3A_490 = arith.subi %shift_right_arithmetic3A_63, %sub3A_489 : i32
          %min3A_491 = arith.minsi %add3A_488, %sub3A_490 : i32
          %mul3A_492 = arith.constant 64 : i32
          %mul3A_493 = arith.muli %min3A_491, %mul3A_492 : i32
          %add3A_494 = arith.addi %max3A, %mul3A_493 : i32
          %and3A_495 = arith.constant -8 : i32
          %and3A_496 = arith.andi %add3A_494, %and3A_495 : i32
          %min3A_497 = arith.constant 32696 : i32
          %min3A_498 = arith.minsi %and3A_496, %min3A_497 : i32
          %multiple_of3A_499 = tpu.assume_multiple %min3A_498, 8 : i32
          %dma_start3A_500 = arith.constant 0 : i32
          %dma_start3A_501 = tpu.memref_slice %arg2[%multiple_of3A_499, %dma_start3A_500] : memref<32768x256xf32, #tpu.memory_space<hbm>> -> memref<72x256xf32, #tpu.memory_space<hbm>>
          %dma_start3A_502 = arith.constant 0 : i32
          %dma_start3A_503 = tpu.memref_slice %arg2[%multiple_of3A_499, %dma_start3A_502] : memref<32768x256xf32, #tpu.memory_space<hbm>> -> memref<72x256xf32, #tpu.memory_space<hbm>>
          tpu.enqueue_dma source(%dma_start3A_503 : memref<72x256xf32, #tpu.memory_space<hbm>>) target(%arg6 : memref<72x256xf32, #tpu.memory_space<vmem>>) target_semaphore(%arg11 : memref<!tpu.dma_semaphore, #tpu.memory_space<semaphore_mem>>)
          %add3A_504 = arith.constant 1 : i32
          %add3A_505 = arith.addi %mul3A_101, %add3A_504 : i32
          %mul3A_506 = arith.constant 64 : i32
          %mul3A_507 = arith.muli %add3A_505, %mul3A_506 : i32
          %add3A_508 = arith.addi %max3A, %mul3A_507 : i32
          %mul3A_509 = arith.constant 64 : i32
          %mul3A_510 = arith.muli %add3A_505, %mul3A_509 : i32
          %add3A_511 = arith.addi %max3A, %mul3A_510 : i32
          %and3A_512 = arith.constant -8 : i32
          %and3A_513 = arith.andi %add3A_511, %and3A_512 : i32
          %min3A_514 = arith.constant 32696 : i32
          %min3A_515 = arith.minsi %and3A_513, %min3A_514 : i32
          %multiple_of3A_516 = tpu.assume_multiple %min3A_515, 8 : i32
          %sub3A_517 = arith.subi %add3A_508, %multiple_of3A_516 : i32
          %add3A_518 = arith.constant 64 : i32
          %add3A_519 = arith.addi %add3A_508, %add3A_518 : i32
          %min3A_520 = arith.minsi %min3A, %add3A_519 : i32
          %sub3A_521 = arith.subi %min3A_520, %multiple_of3A_516 : i32
          %max3A_522 = arith.maxsi %sub3A_521, %sub3A_517 : i32
          %while3A_523 = arith.subi %max3A_522, %sub3A_517 : i32
          %while3A_524 = arith.addi %sub3A_517, %while3A_523 : i32
          %while3A_525 = arith.constant 1 : i32
          %while3A_526 = arith.divsi %while3A_523, %while3A_525 : i32
          %while3A_527 = arith.muli %while3A_526, %while3A_525 : i32
          %while3A_528 = arith.addi %sub3A_517, %while3A_527 : i32
          %while3A_529 = arith.constant 1 : i32
          %while3A_530:32 = scf.for %while3A_853 = %sub3A_517 to %while3A_528 step %while3A_529 iter_args(%while3A_854 = %broadcast_in_dim3A_3, %while3A_855 = %broadcast_in_dim3A_3, %while3A_856 = %broadcast_in_dim3A_3, %while3A_857 = %broadcast_in_dim3A_3, %while3A_858 = %broadcast_in_dim3A_3, %while3A_859 = %broadcast_in_dim3A_3, %while3A_860 = %broadcast_in_dim3A_3, %while3A_861 = %broadcast_in_dim3A_3, %while3A_862 = %broadcast_in_dim3A_3, %while3A_863 = %broadcast_in_dim3A_3, %while3A_864 = %broadcast_in_dim3A_3, %while3A_865 = %broadcast_in_dim3A_3, %while3A_866 = %broadcast_in_dim3A_3, %while3A_867 = %broadcast_in_dim3A_3, %while3A_868 = %broadcast_in_dim3A_3, %while3A_869 = %broadcast_in_dim3A_3, %while3A_870 = %broadcast_in_dim3A_3, %while3A_871 = %broadcast_in_dim3A_3, %while3A_872 = %broadcast_in_dim3A_3, %while3A_873 = %broadcast_in_dim3A_3, %while3A_874 = %broadcast_in_dim3A_3, %while3A_875 = %broadcast_in_dim3A_3, %while3A_876 = %broadcast_in_dim3A_3, %while3A_877 = %broadcast_in_dim3A_3, %while3A_878 = %broadcast_in_dim3A_3, %while3A_879 = %broadcast_in_dim3A_3, %while3A_880 = %broadcast_in_dim3A_3, %while3A_881 = %broadcast_in_dim3A_3, %while3A_882 = %broadcast_in_dim3A_3, %while3A_883 = %broadcast_in_dim3A_3, %while3A_884 = %broadcast_in_dim3A_3, %while3A_885 = %broadcast_in_dim3A_3) -> (vector<16xf32>, vector<16xf32>, vector<16xf32>, vector<16xf32>, vector<16xf32>, vector<16xf32>, vector<16xf32>, vector<16xf32>, vector<16xf32>, vector<16xf32>, vector<16xf32>, vector<16xf32>, vector<16xf32>, vector<16xf32>, vector<16xf32>, vector<16xf32>, vector<16xf32>, vector<16xf32>, vector<16xf32>, vector<16xf32>, vector<16xf32>, vector<16xf32>, vector<16xf32>, vector<16xf32>, vector<16xf32>, vector<16xf32>, vector<16xf32>, vector<16xf32>, vector<16xf32>, vector<16xf32>, vector<16xf32>, vector<16xf32>)  : i32 {
            %get3A_886 = arith.index_cast %while3A_853 : i32 to index
            %get3A_887 = arith.constant 0 : index
            %get3A_888 = tpu.vector_load %arg7[%get3A_886, %get3A_887] {strides = array<i32>} : memref<72x256xf32, #tpu.memory_space<vmem>>, vector<1x16xf32>,
            %get3A_889 = vector.shape_cast %get3A_888 : vector<1x16xf32> to vector<16xf32>
            %add3A_890 = arith.addf %while3A_854, %get3A_889 : vector<16xf32>
            %mul3A_891 = arith.mulf %get3A_889, %get3A_889 : vector<16xf32>
            %add3A_892 = arith.addf %while3A_855, %mul3A_891 : vector<16xf32>
            %get3A_893 = arith.index_cast %while3A_853 : i32 to index
            %get3A_894 = arith.constant 16 : index
            %get3A_895 = tpu.vector_load %arg7[%get3A_893, %get3A_894] {strides = array<i32>} : memref<72x256xf32, #tpu.memory_space<vmem>>, vector<1x16xf32>,
            %get3A_896 = vector.shape_cast %get3A_895 : vector<1x16xf32> to vector<16xf32>
            %add3A_897 = arith.addf %while3A_856, %get3A_896 : vector<16xf32>
            %mul3A_898 = arith.mulf %get3A_896, %get3A_896 : vector<16xf32>
            %add3A_899 = arith.addf %while3A_857, %mul3A_898 : vector<16xf32>
            %get3A_900 = arith.index_cast %while3A_853 : i32 to index
            %get3A_901 = arith.constant 32 : index
            %get3A_902 = tpu.vector_load %arg7[%get3A_900, %get3A_901] {strides = array<i32>} : memref<72x256xf32, #tpu.memory_space<vmem>>, vector<1x16xf32>,
            %get3A_903 = vector.shape_cast %get3A_902 : vector<1x16xf32> to vector<16xf32>
            %add3A_904 = arith.addf %while3A_858, %get3A_903 : vector<16xf32>
            %mul3A_905 = arith.mulf %get3A_903, %get3A_903 : vector<16xf32>
            %add3A_906 = arith.addf %while3A_859, %mul3A_905 : vector<16xf32>
            %get3A_907 = arith.index_cast %while3A_853 : i32 to index
            %get3A_908 = arith.constant 48 : index
            %get3A_909 = tpu.vector_load %arg7[%get3A_907, %get3A_908] {strides = array<i32>} : memref<72x256xf32, #tpu.memory_space<vmem>>, vector<1x16xf32>,
            %get3A_910 = vector.shape_cast %get3A_909 : vector<1x16xf32> to vector<16xf32>
            %add3A_911 = arith.addf %while3A_860, %get3A_910 : vector<16xf32>
            %mul3A_912 = arith.mulf %get3A_910, %get3A_910 : vector<16xf32>
            %add3A_913 = arith.addf %while3A_861, %mul3A_912 : vector<16xf32>
            %get3A_914 = arith.index_cast %while3A_853 : i32 to index
            %get3A_915 = arith.constant 64 : index
            %get3A_916 = tpu.vector_load %arg7[%get3A_914, %get3A_915] {strides = array<i32>} : memref<72x256xf32, #tpu.memory_space<vmem>>, vector<1x16xf32>,
            %get3A_917 = vector.shape_cast %get3A_916 : vector<1x16xf32> to vector<16xf32>
            %add3A_918 = arith.addf %while3A_862, %get3A_917 : vector<16xf32>
            %mul3A_919 = arith.mulf %get3A_917, %get3A_917 : vector<16xf32>
            %add3A_920 = arith.addf %while3A_863, %mul3A_919 : vector<16xf32>
            %get3A_921 = arith.index_cast %while3A_853 : i32 to index
            %get3A_922 = arith.constant 80 : index
            %get3A_923 = tpu.vector_load %arg7[%get3A_921, %get3A_922] {strides = array<i32>} : memref<72x256xf32, #tpu.memory_space<vmem>>, vector<1x16xf32>,
            %get3A_924 = vector.shape_cast %get3A_923 : vector<1x16xf32> to vector<16xf32>
            %add3A_925 = arith.addf %while3A_864, %get3A_924 : vector<16xf32>
            %mul3A_926 = arith.mulf %get3A_924, %get3A_924 : vector<16xf32>
            %add3A_927 = arith.addf %while3A_865, %mul3A_926 : vector<16xf32>
            %get3A_928 = arith.index_cast %while3A_853 : i32 to index
            %get3A_929 = arith.constant 96 : index
            %get3A_930 = tpu.vector_load %arg7[%get3A_928, %get3A_929] {strides = array<i32>} : memref<72x256xf32, #tpu.memory_space<vmem>>, vector<1x16xf32>,
            %get3A_931 = vector.shape_cast %get3A_930 : vector<1x16xf32> to vector<16xf32>
            %add3A_932 = arith.addf %while3A_866, %get3A_931 : vector<16xf32>
            %mul3A_933 = arith.mulf %get3A_931, %get3A_931 : vector<16xf32>
            %add3A_934 = arith.addf %while3A_867, %mul3A_933 : vector<16xf32>
            %get3A_935 = arith.index_cast %while3A_853 : i32 to index
            %get3A_936 = arith.constant 112 : index
            %get3A_937 = tpu.vector_load %arg7[%get3A_935, %get3A_936] {strides = array<i32>} : memref<72x256xf32, #tpu.memory_space<vmem>>, vector<1x16xf32>,
            %get3A_938 = vector.shape_cast %get3A_937 : vector<1x16xf32> to vector<16xf32>
            %add3A_939 = arith.addf %while3A_868, %get3A_938 : vector<16xf32>
            %mul3A_940 = arith.mulf %get3A_938, %get3A_938 : vector<16xf32>
            %add3A_941 = arith.addf %while3A_869, %mul3A_940 : vector<16xf32>
            %get3A_942 = arith.index_cast %while3A_853 : i32 to index
            %get3A_943 = arith.constant 128 : index
            %get3A_944 = tpu.vector_load %arg7[%get3A_942, %get3A_943] {strides = array<i32>} : memref<72x256xf32, #tpu.memory_space<vmem>>, vector<1x16xf32>,
            %get3A_945 = vector.shape_cast %get3A_944 : vector<1x16xf32> to vector<16xf32>
            %add3A_946 = arith.addf %while3A_870, %get3A_945 : vector<16xf32>
            %mul3A_947 = arith.mulf %get3A_945, %get3A_945 : vector<16xf32>
            %add3A_948 = arith.addf %while3A_871, %mul3A_947 : vector<16xf32>
            %get3A_949 = arith.index_cast %while3A_853 : i32 to index
            %get3A_950 = arith.constant 144 : index
            %get3A_951 = tpu.vector_load %arg7[%get3A_949, %get3A_950] {strides = array<i32>} : memref<72x256xf32, #tpu.memory_space<vmem>>, vector<1x16xf32>,
            %get3A_952 = vector.shape_cast %get3A_951 : vector<1x16xf32> to vector<16xf32>
            %add3A_953 = arith.addf %while3A_872, %get3A_952 : vector<16xf32>
            %mul3A_954 = arith.mulf %get3A_952, %get3A_952 : vector<16xf32>
            %add3A_955 = arith.addf %while3A_873, %mul3A_954 : vector<16xf32>
            %get3A_956 = arith.index_cast %while3A_853 : i32 to index
            %get3A_957 = arith.constant 160 : index
            %get3A_958 = tpu.vector_load %arg7[%get3A_956, %get3A_957] {strides = array<i32>} : memref<72x256xf32, #tpu.memory_space<vmem>>, vector<1x16xf32>,
            %get3A_959 = vector.shape_cast %get3A_958 : vector<1x16xf32> to vector<16xf32>
            %add3A_960 = arith.addf %while3A_874, %get3A_959 : vector<16xf32>
            %mul3A_961 = arith.mulf %get3A_959, %get3A_959 : vector<16xf32>
            %add3A_962 = arith.addf %while3A_875, %mul3A_961 : vector<16xf32>
            %get3A_963 = arith.index_cast %while3A_853 : i32 to index
            %get3A_964 = arith.constant 176 : index
            %get3A_965 = tpu.vector_load %arg7[%get3A_963, %get3A_964] {strides = array<i32>} : memref<72x256xf32, #tpu.memory_space<vmem>>, vector<1x16xf32>,
            %get3A_966 = vector.shape_cast %get3A_965 : vector<1x16xf32> to vector<16xf32>
            %add3A_967 = arith.addf %while3A_876, %get3A_966 : vector<16xf32>
            %mul3A_968 = arith.mulf %get3A_966, %get3A_966 : vector<16xf32>
            %add3A_969 = arith.addf %while3A_877, %mul3A_968 : vector<16xf32>
            %get3A_970 = arith.index_cast %while3A_853 : i32 to index
            %get3A_971 = arith.constant 192 : index
            %get3A_972 = tpu.vector_load %arg7[%get3A_970, %get3A_971] {strides = array<i32>} : memref<72x256xf32, #tpu.memory_space<vmem>>, vector<1x16xf32>,
            %get3A_973 = vector.shape_cast %get3A_972 : vector<1x16xf32> to vector<16xf32>
            %add3A_974 = arith.addf %while3A_878, %get3A_973 : vector<16xf32>
            %mul3A_975 = arith.mulf %get3A_973, %get3A_973 : vector<16xf32>
            %add3A_976 = arith.addf %while3A_879, %mul3A_975 : vector<16xf32>
            %get3A_977 = arith.index_cast %while3A_853 : i32 to index
            %get3A_978 = arith.constant 208 : index
            %get3A_979 = tpu.vector_load %arg7[%get3A_977, %get3A_978] {strides = array<i32>} : memref<72x256xf32, #tpu.memory_space<vmem>>, vector<1x16xf32>,
            %get3A_980 = vector.shape_cast %get3A_979 : vector<1x16xf32> to vector<16xf32>
            %add3A_981 = arith.addf %while3A_880, %get3A_980 : vector<16xf32>
            %mul3A_982 = arith.mulf %get3A_980, %get3A_980 : vector<16xf32>
            %add3A_983 = arith.addf %while3A_881, %mul3A_982 : vector<16xf32>
            %get3A_984 = arith.index_cast %while3A_853 : i32 to index
            %get3A_985 = arith.constant 224 : index
            %get3A_986 = tpu.vector_load %arg7[%get3A_984, %get3A_985] {strides = array<i32>} : memref<72x256xf32, #tpu.memory_space<vmem>>, vector<1x16xf32>,
            %get3A_987 = vector.shape_cast %get3A_986 : vector<1x16xf32> to vector<16xf32>
            %add3A_988 = arith.addf %while3A_882, %get3A_987 : vector<16xf32>
            %mul3A_989 = arith.mulf %get3A_987, %get3A_987 : vector<16xf32>
            %add3A_990 = arith.addf %while3A_883, %mul3A_989 : vector<16xf32>
            %get3A_991 = arith.index_cast %while3A_853 : i32 to index
            %get3A_992 = arith.constant 240 : index
            %get3A_993 = tpu.vector_load %arg7[%get3A_991, %get3A_992] {strides = array<i32>} : memref<72x256xf32, #tpu.memory_space<vmem>>, vector<1x16xf32>,
            %get3A_994 = vector.shape_cast %get3A_993 : vector<1x16xf32> to vector<16xf32>
            %add3A_995 = arith.addf %while3A_884, %get3A_994 : vector<16xf32>
            %mul3A_996 = arith.mulf %get3A_994, %get3A_994 : vector<16xf32>
            %add3A_997 = arith.addf %while3A_885, %mul3A_996 : vector<16xf32>
            scf.yield %add3A_890, %add3A_892, %add3A_897, %add3A_899, %add3A_904, %add3A_906, %add3A_911, %add3A_913, %add3A_918, %add3A_920, %add3A_925, %add3A_927, %add3A_932, %add3A_934, %add3A_939, %add3A_941, %add3A_946, %add3A_948, %add3A_953, %add3A_955, %add3A_960, %add3A_962, %add3A_967, %add3A_969, %add3A_974, %add3A_976, %add3A_981, %add3A_983, %add3A_988, %add3A_990, %add3A_995, %add3A_997 : vector<16xf32>, vector<16xf32>, vector<16xf32>, vector<16xf32>, vector<16xf32>, vector<16xf32>, vector<16xf32>, vector<16xf32>, vector<16xf32>, vector<16xf32>, vector<16xf32>, vector<16xf32>, vector<16xf32>, vector<16xf32>, vector<16xf32>, vector<16xf32>, vector<16xf32>, vector<16xf32>, vector<16xf32>, vector<16xf32>, vector<16xf32>, vector<16xf32>, vector<16xf32>, vector<16xf32>, vector<16xf32>, vector<16xf32>, vector<16xf32>, vector<16xf32>, vector<16xf32>, vector<16xf32>, vector<16xf32>, vector<16xf32>
          }
          %while3A_531 = arith.constant 1 : i32
          %while3A_532:32 = scf.for %while3A_853 = %while3A_528 to %while3A_524 step %while3A_531 iter_args(%while3A_854 = %while3A_530#0, %while3A_855 = %while3A_530#1, %while3A_856 = %while3A_530#2, %while3A_857 = %while3A_530#3, %while3A_858 = %while3A_530#4, %while3A_859 = %while3A_530#5, %while3A_860 = %while3A_530#6, %while3A_861 = %while3A_530#7, %while3A_862 = %while3A_530#8, %while3A_863 = %while3A_530#9, %while3A_864 = %while3A_530#10, %while3A_865 = %while3A_530#11, %while3A_866 = %while3A_530#12, %while3A_867 = %while3A_530#13, %while3A_868 = %while3A_530#14, %while3A_869 = %while3A_530#15, %while3A_870 = %while3A_530#16, %while3A_871 = %while3A_530#17, %while3A_872 = %while3A_530#18, %while3A_873 = %while3A_530#19, %while3A_874 = %while3A_530#20, %while3A_875 = %while3A_530#21, %while3A_876 = %while3A_530#22, %while3A_877 = %while3A_530#23, %while3A_878 = %while3A_530#24, %while3A_879 = %while3A_530#25, %while3A_880 = %while3A_530#26, %while3A_881 = %while3A_530#27, %while3A_882 = %while3A_530#28, %while3A_883 = %while3A_530#29, %while3A_884 = %while3A_530#30, %while3A_885 = %while3A_530#31) -> (vector<16xf32>, vector<16xf32>, vector<16xf32>, vector<16xf32>, vector<16xf32>, vector<16xf32>, vector<16xf32>, vector<16xf32>, vector<16xf32>, vector<16xf32>, vector<16xf32>, vector<16xf32>, vector<16xf32>, vector<16xf32>, vector<16xf32>, vector<16xf32>, vector<16xf32>, vector<16xf32>, vector<16xf32>, vector<16xf32>, vector<16xf32>, vector<16xf32>, vector<16xf32>, vector<16xf32>, vector<16xf32>, vector<16xf32>, vector<16xf32>, vector<16xf32>, vector<16xf32>, vector<16xf32>, vector<16xf32>, vector<16xf32>)  : i32 {
            %get3A_886 = arith.index_cast %while3A_853 : i32 to index
            %get3A_887 = arith.constant 0 : index
            %get3A_888 = tpu.vector_load %arg7[%get3A_886, %get3A_887] {strides = array<i32>} : memref<72x256xf32, #tpu.memory_space<vmem>>, vector<1x16xf32>,
            %get3A_889 = vector.shape_cast %get3A_888 : vector<1x16xf32> to vector<16xf32>
            %add3A_890 = arith.addf %while3A_854, %get3A_889 : vector<16xf32>
            %mul3A_891 = arith.mulf %get3A_889, %get3A_889 : vector<16xf32>
            %add3A_892 = arith.addf %while3A_855, %mul3A_891 : vector<16xf32>
            %get3A_893 = arith.index_cast %while3A_853 : i32 to index
            %get3A_894 = arith.constant 16 : index
            %get3A_895 = tpu.vector_load %arg7[%get3A_893, %get3A_894] {strides = array<i32>} : memref<72x256xf32, #tpu.memory_space<vmem>>, vector<1x16xf32>,
            %get3A_896 = vector.shape_cast %get3A_895 : vector<1x16xf32> to vector<16xf32>
            %add3A_897 = arith.addf %while3A_856, %get3A_896 : vector<16xf32>
            %mul3A_898 = arith.mulf %get3A_896, %get3A_896 : vector<16xf32>
            %add3A_899 = arith.addf %while3A_857, %mul3A_898 : vector<16xf32>
            %get3A_900 = arith.index_cast %while3A_853 : i32 to index
            %get3A_901 = arith.constant 32 : index
            %get3A_902 = tpu.vector_load %arg7[%get3A_900, %get3A_901] {strides = array<i32>} : memref<72x256xf32, #tpu.memory_space<vmem>>, vector<1x16xf32>,
            %get3A_903 = vector.shape_cast %get3A_902 : vector<1x16xf32> to vector<16xf32>
            %add3A_904 = arith.addf %while3A_858, %get3A_903 : vector<16xf32>
            %mul3A_905 = arith.mulf %get3A_903, %get3A_903 : vector<16xf32>
            %add3A_906 = arith.addf %while3A_859, %mul3A_905 : vector<16xf32>
            %get3A_907 = arith.index_cast %while3A_853 : i32 to index
            %get3A_908 = arith.constant 48 : index
            %get3A_909 = tpu.vector_load %arg7[%get3A_907, %get3A_908] {strides = array<i32>} : memref<72x256xf32, #tpu.memory_space<vmem>>, vector<1x16xf32>,
            %get3A_910 = vector.shape_cast %get3A_909 : vector<1x16xf32> to vector<16xf32>
            %add3A_911 = arith.addf %while3A_860, %get3A_910 : vector<16xf32>
            %mul3A_912 = arith.mulf %get3A_910, %get3A_910 : vector<16xf32>
            %add3A_913 = arith.addf %while3A_861, %mul3A_912 : vector<16xf32>
            %get3A_914 = arith.index_cast %while3A_853 : i32 to index
            %get3A_915 = arith.constant 64 : index
            %get3A_916 = tpu.vector_load %arg7[%get3A_914, %get3A_915] {strides = array<i32>} : memref<72x256xf32, #tpu.memory_space<vmem>>, vector<1x16xf32>,
            %get3A_917 = vector.shape_cast %get3A_916 : vector<1x16xf32> to vector<16xf32>
            %add3A_918 = arith.addf %while3A_862, %get3A_917 : vector<16xf32>
            %mul3A_919 = arith.mulf %get3A_917, %get3A_917 : vector<16xf32>
            %add3A_920 = arith.addf %while3A_863, %mul3A_919 : vector<16xf32>
            %get3A_921 = arith.index_cast %while3A_853 : i32 to index
            %get3A_922 = arith.constant 80 : index
            %get3A_923 = tpu.vector_load %arg7[%get3A_921, %get3A_922] {strides = array<i32>} : memref<72x256xf32, #tpu.memory_space<vmem>>, vector<1x16xf32>,
            %get3A_924 = vector.shape_cast %get3A_923 : vector<1x16xf32> to vector<16xf32>
            %add3A_925 = arith.addf %while3A_864, %get3A_924 : vector<16xf32>
            %mul3A_926 = arith.mulf %get3A_924, %get3A_924 : vector<16xf32>
            %add3A_927 = arith.addf %while3A_865, %mul3A_926 : vector<16xf32>
            %get3A_928 = arith.index_cast %while3A_853 : i32 to index
            %get3A_929 = arith.constant 96 : index
            %get3A_930 = tpu.vector_load %arg7[%get3A_928, %get3A_929] {strides = array<i32>} : memref<72x256xf32, #tpu.memory_space<vmem>>, vector<1x16xf32>,
            %get3A_931 = vector.shape_cast %get3A_930 : vector<1x16xf32> to vector<16xf32>
            %add3A_932 = arith.addf %while3A_866, %get3A_931 : vector<16xf32>
            %mul3A_933 = arith.mulf %get3A_931, %get3A_931 : vector<16xf32>
            %add3A_934 = arith.addf %while3A_867, %mul3A_933 : vector<16xf32>
            %get3A_935 = arith.index_cast %while3A_853 : i32 to index
            %get3A_936 = arith.constant 112 : index
            %get3A_937 = tpu.vector_load %arg7[%get3A_935, %get3A_936] {strides = array<i32>} : memref<72x256xf32, #tpu.memory_space<vmem>>, vector<1x16xf32>,
            %get3A_938 = vector.shape_cast %get3A_937 : vector<1x16xf32> to vector<16xf32>
            %add3A_939 = arith.addf %while3A_868, %get3A_938 : vector<16xf32>
            %mul3A_940 = arith.mulf %get3A_938, %get3A_938 : vector<16xf32>
            %add3A_941 = arith.addf %while3A_869, %mul3A_940 : vector<16xf32>
            %get3A_942 = arith.index_cast %while3A_853 : i32 to index
            %get3A_943 = arith.constant 128 : index
            %get3A_944 = tpu.vector_load %arg7[%get3A_942, %get3A_943] {strides = array<i32>} : memref<72x256xf32, #tpu.memory_space<vmem>>, vector<1x16xf32>,
            %get3A_945 = vector.shape_cast %get3A_944 : vector<1x16xf32> to vector<16xf32>
            %add3A_946 = arith.addf %while3A_870, %get3A_945 : vector<16xf32>
            %mul3A_947 = arith.mulf %get3A_945, %get3A_945 : vector<16xf32>
            %add3A_948 = arith.addf %while3A_871, %mul3A_947 : vector<16xf32>
            %get3A_949 = arith.index_cast %while3A_853 : i32 to index
            %get3A_950 = arith.constant 144 : index
            %get3A_951 = tpu.vector_load %arg7[%get3A_949, %get3A_950] {strides = array<i32>} : memref<72x256xf32, #tpu.memory_space<vmem>>, vector<1x16xf32>,
            %get3A_952 = vector.shape_cast %get3A_951 : vector<1x16xf32> to vector<16xf32>
            %add3A_953 = arith.addf %while3A_872, %get3A_952 : vector<16xf32>
            %mul3A_954 = arith.mulf %get3A_952, %get3A_952 : vector<16xf32>
            %add3A_955 = arith.addf %while3A_873, %mul3A_954 : vector<16xf32>
            %get3A_956 = arith.index_cast %while3A_853 : i32 to index
            %get3A_957 = arith.constant 160 : index
            %get3A_958 = tpu.vector_load %arg7[%get3A_956, %get3A_957] {strides = array<i32>} : memref<72x256xf32, #tpu.memory_space<vmem>>, vector<1x16xf32>,
            %get3A_959 = vector.shape_cast %get3A_958 : vector<1x16xf32> to vector<16xf32>
            %add3A_960 = arith.addf %while3A_874, %get3A_959 : vector<16xf32>
            %mul3A_961 = arith.mulf %get3A_959, %get3A_959 : vector<16xf32>
            %add3A_962 = arith.addf %while3A_875, %mul3A_961 : vector<16xf32>
            %get3A_963 = arith.index_cast %while3A_853 : i32 to index
            %get3A_964 = arith.constant 176 : index
            %get3A_965 = tpu.vector_load %arg7[%get3A_963, %get3A_964] {strides = array<i32>} : memref<72x256xf32, #tpu.memory_space<vmem>>, vector<1x16xf32>,
            %get3A_966 = vector.shape_cast %get3A_965 : vector<1x16xf32> to vector<16xf32>
            %add3A_967 = arith.addf %while3A_876, %get3A_966 : vector<16xf32>
            %mul3A_968 = arith.mulf %get3A_966, %get3A_966 : vector<16xf32>
            %add3A_969 = arith.addf %while3A_877, %mul3A_968 : vector<16xf32>
            %get3A_970 = arith.index_cast %while3A_853 : i32 to index
            %get3A_971 = arith.constant 192 : index
            %get3A_972 = tpu.vector_load %arg7[%get3A_970, %get3A_971] {strides = array<i32>} : memref<72x256xf32, #tpu.memory_space<vmem>>, vector<1x16xf32>,
            %get3A_973 = vector.shape_cast %get3A_972 : vector<1x16xf32> to vector<16xf32>
            %add3A_974 = arith.addf %while3A_878, %get3A_973 : vector<16xf32>
            %mul3A_975 = arith.mulf %get3A_973, %get3A_973 : vector<16xf32>
            %add3A_976 = arith.addf %while3A_879, %mul3A_975 : vector<16xf32>
            %get3A_977 = arith.index_cast %while3A_853 : i32 to index
            %get3A_978 = arith.constant 208 : index
            %get3A_979 = tpu.vector_load %arg7[%get3A_977, %get3A_978] {strides = array<i32>} : memref<72x256xf32, #tpu.memory_space<vmem>>, vector<1x16xf32>,
            %get3A_980 = vector.shape_cast %get3A_979 : vector<1x16xf32> to vector<16xf32>
            %add3A_981 = arith.addf %while3A_880, %get3A_980 : vector<16xf32>
            %mul3A_982 = arith.mulf %get3A_980, %get3A_980 : vector<16xf32>
            %add3A_983 = arith.addf %while3A_881, %mul3A_982 : vector<16xf32>
            %get3A_984 = arith.index_cast %while3A_853 : i32 to index
            %get3A_985 = arith.constant 224 : index
            %get3A_986 = tpu.vector_load %arg7[%get3A_984, %get3A_985] {strides = array<i32>} : memref<72x256xf32, #tpu.memory_space<vmem>>, vector<1x16xf32>,
            %get3A_987 = vector.shape_cast %get3A_986 : vector<1x16xf32> to vector<16xf32>
            %add3A_988 = arith.addf %while3A_882, %get3A_987 : vector<16xf32>
            %mul3A_989 = arith.mulf %get3A_987, %get3A_987 : vector<16xf32>
            %add3A_990 = arith.addf %while3A_883, %mul3A_989 : vector<16xf32>
            %get3A_991 = arith.index_cast %while3A_853 : i32 to index
            %get3A_992 = arith.constant 240 : index
            %get3A_993 = tpu.vector_load %arg7[%get3A_991, %get3A_992] {strides = array<i32>} : memref<72x256xf32, #tpu.memory_space<vmem>>, vector<1x16xf32>,
            %get3A_994 = vector.shape_cast %get3A_993 : vector<1x16xf32> to vector<16xf32>
            %add3A_995 = arith.addf %while3A_884, %get3A_994 : vector<16xf32>
            %mul3A_996 = arith.mulf %get3A_994, %get3A_994 : vector<16xf32>
            %add3A_997 = arith.addf %while3A_885, %mul3A_996 : vector<16xf32>
            scf.yield %add3A_890, %add3A_892, %add3A_897, %add3A_899, %add3A_904, %add3A_906, %add3A_911, %add3A_913, %add3A_918, %add3A_920, %add3A_925, %add3A_927, %add3A_932, %add3A_934, %add3A_939, %add3A_941, %add3A_946, %add3A_948, %add3A_953, %add3A_955, %add3A_960, %add3A_962, %add3A_967, %add3A_969, %add3A_974, %add3A_976, %add3A_981, %add3A_983, %add3A_988, %add3A_990, %add3A_995, %add3A_997 : vector<16xf32>, vector<16xf32>, vector<16xf32>, vector<16xf32>, vector<16xf32>, vector<16xf32>, vector<16xf32>, vector<16xf32>, vector<16xf32>, vector<16xf32>, vector<16xf32>, vector<16xf32>, vector<16xf32>, vector<16xf32>, vector<16xf32>, vector<16xf32>, vector<16xf32>, vector<16xf32>, vector<16xf32>, vector<16xf32>, vector<16xf32>, vector<16xf32>, vector<16xf32>, vector<16xf32>, vector<16xf32>, vector<16xf32>, vector<16xf32>, vector<16xf32>, vector<16xf32>, vector<16xf32>, vector<16xf32>, vector<16xf32>
          }
          %get3A_533 = arith.index_cast %scan3A_47 : i32 to index
          %get3A_534 = arith.constant 0 : index
          %get3A_535 = tpu.vector_load %arg8[%get3A_533, %get3A_534] {strides = array<i32>} : memref<16x256xf32, #tpu.memory_space<vmem>>, vector<1x16xf32>,
          %get3A_536 = vector.shape_cast %get3A_535 : vector<1x16xf32> to vector<16xf32>
          %add3A_537 = arith.addf %get3A_536, %while3A_532#0 : vector<16xf32>
          %swap3A_538 = arith.index_cast %scan3A_47 : i32 to index
          %swap3A_539 = arith.constant 0 : index
          %swap3A_540 = tpu.vector_load %arg8[%swap3A_538, %swap3A_539] {strides = array<i32>} : memref<16x256xf32, #tpu.memory_space<vmem>>, vector<1x16xf32>,
          %swap3A_541 = vector.shape_cast %swap3A_540 : vector<1x16xf32> to vector<16xf32>
          %swap3A_542 = vector.shape_cast %add3A_537 : vector<16xf32> to vector<1x16xf32>
          tpu.vector_store %arg8[%swap3A_538, %swap3A_539], %swap3A_542 {strides = array<i32>} : memref<16x256xf32, #tpu.memory_space<vmem>>, vector<1x16xf32>,
          %get3A_543 = arith.index_cast %scan3A_47 : i32 to index
          %get3A_544 = arith.constant 0 : index
          %get3A_545 = tpu.vector_load %arg9[%get3A_543, %get3A_544] {strides = array<i32>} : memref<16x256xf32, #tpu.memory_space<vmem>>, vector<1x16xf32>,
          %get3A_546 = vector.shape_cast %get3A_545 : vector<1x16xf32> to vector<16xf32>
          %add3A_547 = arith.addf %get3A_546, %while3A_532#1 : vector<16xf32>
          %swap3A_548 = arith.index_cast %scan3A_47 : i32 to index
          %swap3A_549 = arith.constant 0 : index
          %swap3A_550 = tpu.vector_load %arg9[%swap3A_548, %swap3A_549] {strides = array<i32>} : memref<16x256xf32, #tpu.memory_space<vmem>>, vector<1x16xf32>,
          %swap3A_551 = vector.shape_cast %swap3A_550 : vector<1x16xf32> to vector<16xf32>
          %swap3A_552 = vector.shape_cast %add3A_547 : vector<16xf32> to vector<1x16xf32>
          tpu.vector_store %arg9[%swap3A_548, %swap3A_549], %swap3A_552 {strides = array<i32>} : memref<16x256xf32, #tpu.memory_space<vmem>>, vector<1x16xf32>,
          %get3A_553 = arith.index_cast %scan3A_47 : i32 to index
          %get3A_554 = arith.constant 16 : index
          %get3A_555 = tpu.vector_load %arg8[%get3A_553, %get3A_554] {strides = array<i32>} : memref<16x256xf32, #tpu.memory_space<vmem>>, vector<1x16xf32>,
          %get3A_556 = vector.shape_cast %get3A_555 : vector<1x16xf32> to vector<16xf32>
          %add3A_557 = arith.addf %get3A_556, %while3A_532#2 : vector<16xf32>
          %swap3A_558 = arith.index_cast %scan3A_47 : i32 to index
          %swap3A_559 = arith.constant 16 : index
          %swap3A_560 = tpu.vector_load %arg8[%swap3A_558, %swap3A_559] {strides = array<i32>} : memref<16x256xf32, #tpu.memory_space<vmem>>, vector<1x16xf32>,
          %swap3A_561 = vector.shape_cast %swap3A_560 : vector<1x16xf32> to vector<16xf32>
          %swap3A_562 = vector.shape_cast %add3A_557 : vector<16xf32> to vector<1x16xf32>
          tpu.vector_store %arg8[%swap3A_558, %swap3A_559], %swap3A_562 {strides = array<i32>} : memref<16x256xf32, #tpu.memory_space<vmem>>, vector<1x16xf32>,
          %get3A_563 = arith.index_cast %scan3A_47 : i32 to index
          %get3A_564 = arith.constant 16 : index
          %get3A_565 = tpu.vector_load %arg9[%get3A_563, %get3A_564] {strides = array<i32>} : memref<16x256xf32, #tpu.memory_space<vmem>>, vector<1x16xf32>,
          %get3A_566 = vector.shape_cast %get3A_565 : vector<1x16xf32> to vector<16xf32>
          %add3A_567 = arith.addf %get3A_566, %while3A_532#3 : vector<16xf32>
          %swap3A_568 = arith.index_cast %scan3A_47 : i32 to index
          %swap3A_569 = arith.constant 16 : index
          %swap3A_570 = tpu.vector_load %arg9[%swap3A_568, %swap3A_569] {strides = array<i32>} : memref<16x256xf32, #tpu.memory_space<vmem>>, vector<1x16xf32>,
          %swap3A_571 = vector.shape_cast %swap3A_570 : vector<1x16xf32> to vector<16xf32>
          %swap3A_572 = vector.shape_cast %add3A_567 : vector<16xf32> to vector<1x16xf32>
          tpu.vector_store %arg9[%swap3A_568, %swap3A_569], %swap3A_572 {strides = array<i32>} : memref<16x256xf32, #tpu.memory_space<vmem>>, vector<1x16xf32>,
          %get3A_573 = arith.index_cast %scan3A_47 : i32 to index
          %get3A_574 = arith.constant 32 : index
          %get3A_575 = tpu.vector_load %arg8[%get3A_573, %get3A_574] {strides = array<i32>} : memref<16x256xf32, #tpu.memory_space<vmem>>, vector<1x16xf32>,
          %get3A_576 = vector.shape_cast %get3A_575 : vector<1x16xf32> to vector<16xf32>
          %add3A_577 = arith.addf %get3A_576, %while3A_532#4 : vector<16xf32>
          %swap3A_578 = arith.index_cast %scan3A_47 : i32 to index
          %swap3A_579 = arith.constant 32 : index
          %swap3A_580 = tpu.vector_load %arg8[%swap3A_578, %swap3A_579] {strides = array<i32>} : memref<16x256xf32, #tpu.memory_space<vmem>>, vector<1x16xf32>,
          %swap3A_581 = vector.shape_cast %swap3A_580 : vector<1x16xf32> to vector<16xf32>
          %swap3A_582 = vector.shape_cast %add3A_577 : vector<16xf32> to vector<1x16xf32>
          tpu.vector_store %arg8[%swap3A_578, %swap3A_579], %swap3A_582 {strides = array<i32>} : memref<16x256xf32, #tpu.memory_space<vmem>>, vector<1x16xf32>,
          %get3A_583 = arith.index_cast %scan3A_47 : i32 to index
          %get3A_584 = arith.constant 32 : index
          %get3A_585 = tpu.vector_load %arg9[%get3A_583, %get3A_584] {strides = array<i32>} : memref<16x256xf32, #tpu.memory_space<vmem>>, vector<1x16xf32>,
          %get3A_586 = vector.shape_cast %get3A_585 : vector<1x16xf32> to vector<16xf32>
          %add3A_587 = arith.addf %get3A_586, %while3A_532#5 : vector<16xf32>
          %swap3A_588 = arith.index_cast %scan3A_47 : i32 to index
          %swap3A_589 = arith.constant 32 : index
          %swap3A_590 = tpu.vector_load %arg9[%swap3A_588, %swap3A_589] {strides = array<i32>} : memref<16x256xf32, #tpu.memory_space<vmem>>, vector<1x16xf32>,
          %swap3A_591 = vector.shape_cast %swap3A_590 : vector<1x16xf32> to vector<16xf32>
          %swap3A_592 = vector.shape_cast %add3A_587 : vector<16xf32> to vector<1x16xf32>
          tpu.vector_store %arg9[%swap3A_588, %swap3A_589], %swap3A_592 {strides = array<i32>} : memref<16x256xf32, #tpu.memory_space<vmem>>, vector<1x16xf32>,
          %get3A_593 = arith.index_cast %scan3A_47 : i32 to index
          %get3A_594 = arith.constant 48 : index
          %get3A_595 = tpu.vector_load %arg8[%get3A_593, %get3A_594] {strides = array<i32>} : memref<16x256xf32, #tpu.memory_space<vmem>>, vector<1x16xf32>,
          %get3A_596 = vector.shape_cast %get3A_595 : vector<1x16xf32> to vector<16xf32>
          %add3A_597 = arith.addf %get3A_596, %while3A_532#6 : vector<16xf32>
          %swap3A_598 = arith.index_cast %scan3A_47 : i32 to index
          %swap3A_599 = arith.constant 48 : index
          %swap3A_600 = tpu.vector_load %arg8[%swap3A_598, %swap3A_599] {strides = array<i32>} : memref<16x256xf32, #tpu.memory_space<vmem>>, vector<1x16xf32>,
          %swap3A_601 = vector.shape_cast %swap3A_600 : vector<1x16xf32> to vector<16xf32>
          %swap3A_602 = vector.shape_cast %add3A_597 : vector<16xf32> to vector<1x16xf32>
          tpu.vector_store %arg8[%swap3A_598, %swap3A_599], %swap3A_602 {strides = array<i32>} : memref<16x256xf32, #tpu.memory_space<vmem>>, vector<1x16xf32>,
          %get3A_603 = arith.index_cast %scan3A_47 : i32 to index
          %get3A_604 = arith.constant 48 : index
          %get3A_605 = tpu.vector_load %arg9[%get3A_603, %get3A_604] {strides = array<i32>} : memref<16x256xf32, #tpu.memory_space<vmem>>, vector<1x16xf32>,
          %get3A_606 = vector.shape_cast %get3A_605 : vector<1x16xf32> to vector<16xf32>
          %add3A_607 = arith.addf %get3A_606, %while3A_532#7 : vector<16xf32>
          %swap3A_608 = arith.index_cast %scan3A_47 : i32 to index
          %swap3A_609 = arith.constant 48 : index
          %swap3A_610 = tpu.vector_load %arg9[%swap3A_608, %swap3A_609] {strides = array<i32>} : memref<16x256xf32, #tpu.memory_space<vmem>>, vector<1x16xf32>,
          %swap3A_611 = vector.shape_cast %swap3A_610 : vector<1x16xf32> to vector<16xf32>
          %swap3A_612 = vector.shape_cast %add3A_607 : vector<16xf32> to vector<1x16xf32>
          tpu.vector_store %arg9[%swap3A_608, %swap3A_609], %swap3A_612 {strides = array<i32>} : memref<16x256xf32, #tpu.memory_space<vmem>>, vector<1x16xf32>,
          %get3A_613 = arith.index_cast %scan3A_47 : i32 to index
          %get3A_614 = arith.constant 64 : index
          %get3A_615 = tpu.vector_load %arg8[%get3A_613, %get3A_614] {strides = array<i32>} : memref<16x256xf32, #tpu.memory_space<vmem>>, vector<1x16xf32>,
          %get3A_616 = vector.shape_cast %get3A_615 : vector<1x16xf32> to vector<16xf32>
          %add3A_617 = arith.addf %get3A_616, %while3A_532#8 : vector<16xf32>
          %swap3A_618 = arith.index_cast %scan3A_47 : i32 to index
          %swap3A_619 = arith.constant 64 : index
          %swap3A_620 = tpu.vector_load %arg8[%swap3A_618, %swap3A_619] {strides = array<i32>} : memref<16x256xf32, #tpu.memory_space<vmem>>, vector<1x16xf32>,
          %swap3A_621 = vector.shape_cast %swap3A_620 : vector<1x16xf32> to vector<16xf32>
          %swap3A_622 = vector.shape_cast %add3A_617 : vector<16xf32> to vector<1x16xf32>
          tpu.vector_store %arg8[%swap3A_618, %swap3A_619], %swap3A_622 {strides = array<i32>} : memref<16x256xf32, #tpu.memory_space<vmem>>, vector<1x16xf32>,
          %get3A_623 = arith.index_cast %scan3A_47 : i32 to index
          %get3A_624 = arith.constant 64 : index
          %get3A_625 = tpu.vector_load %arg9[%get3A_623, %get3A_624] {strides = array<i32>} : memref<16x256xf32, #tpu.memory_space<vmem>>, vector<1x16xf32>,
          %get3A_626 = vector.shape_cast %get3A_625 : vector<1x16xf32> to vector<16xf32>
          %add3A_627 = arith.addf %get3A_626, %while3A_532#9 : vector<16xf32>
          %swap3A_628 = arith.index_cast %scan3A_47 : i32 to index
          %swap3A_629 = arith.constant 64 : index
          %swap3A_630 = tpu.vector_load %arg9[%swap3A_628, %swap3A_629] {strides = array<i32>} : memref<16x256xf32, #tpu.memory_space<vmem>>, vector<1x16xf32>,
          %swap3A_631 = vector.shape_cast %swap3A_630 : vector<1x16xf32> to vector<16xf32>
          %swap3A_632 = vector.shape_cast %add3A_627 : vector<16xf32> to vector<1x16xf32>
          tpu.vector_store %arg9[%swap3A_628, %swap3A_629], %swap3A_632 {strides = array<i32>} : memref<16x256xf32, #tpu.memory_space<vmem>>, vector<1x16xf32>,
          %get3A_633 = arith.index_cast %scan3A_47 : i32 to index
          %get3A_634 = arith.constant 80 : index
          %get3A_635 = tpu.vector_load %arg8[%get3A_633, %get3A_634] {strides = array<i32>} : memref<16x256xf32, #tpu.memory_space<vmem>>, vector<1x16xf32>,
          %get3A_636 = vector.shape_cast %get3A_635 : vector<1x16xf32> to vector<16xf32>
          %add3A_637 = arith.addf %get3A_636, %while3A_532#10 : vector<16xf32>
          %swap3A_638 = arith.index_cast %scan3A_47 : i32 to index
          %swap3A_639 = arith.constant 80 : index
          %swap3A_640 = tpu.vector_load %arg8[%swap3A_638, %swap3A_639] {strides = array<i32>} : memref<16x256xf32, #tpu.memory_space<vmem>>, vector<1x16xf32>,
          %swap3A_641 = vector.shape_cast %swap3A_640 : vector<1x16xf32> to vector<16xf32>
          %swap3A_642 = vector.shape_cast %add3A_637 : vector<16xf32> to vector<1x16xf32>
          tpu.vector_store %arg8[%swap3A_638, %swap3A_639], %swap3A_642 {strides = array<i32>} : memref<16x256xf32, #tpu.memory_space<vmem>>, vector<1x16xf32>,
          %get3A_643 = arith.index_cast %scan3A_47 : i32 to index
          %get3A_644 = arith.constant 80 : index
          %get3A_645 = tpu.vector_load %arg9[%get3A_643, %get3A_644] {strides = array<i32>} : memref<16x256xf32, #tpu.memory_space<vmem>>, vector<1x16xf32>,
          %get3A_646 = vector.shape_cast %get3A_645 : vector<1x16xf32> to vector<16xf32>
          %add3A_647 = arith.addf %get3A_646, %while3A_532#11 : vector<16xf32>
          %swap3A_648 = arith.index_cast %scan3A_47 : i32 to index
          %swap3A_649 = arith.constant 80 : index
          %swap3A_650 = tpu.vector_load %arg9[%swap3A_648, %swap3A_649] {strides = array<i32>} : memref<16x256xf32, #tpu.memory_space<vmem>>, vector<1x16xf32>,
          %swap3A_651 = vector.shape_cast %swap3A_650 : vector<1x16xf32> to vector<16xf32>
          %swap3A_652 = vector.shape_cast %add3A_647 : vector<16xf32> to vector<1x16xf32>
          tpu.vector_store %arg9[%swap3A_648, %swap3A_649], %swap3A_652 {strides = array<i32>} : memref<16x256xf32, #tpu.memory_space<vmem>>, vector<1x16xf32>,
          %get3A_653 = arith.index_cast %scan3A_47 : i32 to index
          %get3A_654 = arith.constant 96 : index
          %get3A_655 = tpu.vector_load %arg8[%get3A_653, %get3A_654] {strides = array<i32>} : memref<16x256xf32, #tpu.memory_space<vmem>>, vector<1x16xf32>,
          %get3A_656 = vector.shape_cast %get3A_655 : vector<1x16xf32> to vector<16xf32>
          %add3A_657 = arith.addf %get3A_656, %while3A_532#12 : vector<16xf32>
          %swap3A_658 = arith.index_cast %scan3A_47 : i32 to index
          %swap3A_659 = arith.constant 96 : index
          %swap3A_660 = tpu.vector_load %arg8[%swap3A_658, %swap3A_659] {strides = array<i32>} : memref<16x256xf32, #tpu.memory_space<vmem>>, vector<1x16xf32>,
          %swap3A_661 = vector.shape_cast %swap3A_660 : vector<1x16xf32> to vector<16xf32>
          %swap3A_662 = vector.shape_cast %add3A_657 : vector<16xf32> to vector<1x16xf32>
          tpu.vector_store %arg8[%swap3A_658, %swap3A_659], %swap3A_662 {strides = array<i32>} : memref<16x256xf32, #tpu.memory_space<vmem>>, vector<1x16xf32>,
          %get3A_663 = arith.index_cast %scan3A_47 : i32 to index
          %get3A_664 = arith.constant 96 : index
          %get3A_665 = tpu.vector_load %arg9[%get3A_663, %get3A_664] {strides = array<i32>} : memref<16x256xf32, #tpu.memory_space<vmem>>, vector<1x16xf32>,
          %get3A_666 = vector.shape_cast %get3A_665 : vector<1x16xf32> to vector<16xf32>
          %add3A_667 = arith.addf %get3A_666, %while3A_532#13 : vector<16xf32>
          %swap3A_668 = arith.index_cast %scan3A_47 : i32 to index
          %swap3A_669 = arith.constant 96 : index
          %swap3A_670 = tpu.vector_load %arg9[%swap3A_668, %swap3A_669] {strides = array<i32>} : memref<16x256xf32, #tpu.memory_space<vmem>>, vector<1x16xf32>,
          %swap3A_671 = vector.shape_cast %swap3A_670 : vector<1x16xf32> to vector<16xf32>
          %swap3A_672 = vector.shape_cast %add3A_667 : vector<16xf32> to vector<1x16xf32>
          tpu.vector_store %arg9[%swap3A_668, %swap3A_669], %swap3A_672 {strides = array<i32>} : memref<16x256xf32, #tpu.memory_space<vmem>>, vector<1x16xf32>,
          %get3A_673 = arith.index_cast %scan3A_47 : i32 to index
          %get3A_674 = arith.constant 112 : index
          %get3A_675 = tpu.vector_load %arg8[%get3A_673, %get3A_674] {strides = array<i32>} : memref<16x256xf32, #tpu.memory_space<vmem>>, vector<1x16xf32>,
          %get3A_676 = vector.shape_cast %get3A_675 : vector<1x16xf32> to vector<16xf32>
          %add3A_677 = arith.addf %get3A_676, %while3A_532#14 : vector<16xf32>
          %swap3A_678 = arith.index_cast %scan3A_47 : i32 to index
          %swap3A_679 = arith.constant 112 : index
          %swap3A_680 = tpu.vector_load %arg8[%swap3A_678, %swap3A_679] {strides = array<i32>} : memref<16x256xf32, #tpu.memory_space<vmem>>, vector<1x16xf32>,
          %swap3A_681 = vector.shape_cast %swap3A_680 : vector<1x16xf32> to vector<16xf32>
          %swap3A_682 = vector.shape_cast %add3A_677 : vector<16xf32> to vector<1x16xf32>
          tpu.vector_store %arg8[%swap3A_678, %swap3A_679], %swap3A_682 {strides = array<i32>} : memref<16x256xf32, #tpu.memory_space<vmem>>, vector<1x16xf32>,
          %get3A_683 = arith.index_cast %scan3A_47 : i32 to index
          %get3A_684 = arith.constant 112 : index
          %get3A_685 = tpu.vector_load %arg9[%get3A_683, %get3A_684] {strides = array<i32>} : memref<16x256xf32, #tpu.memory_space<vmem>>, vector<1x16xf32>,
          %get3A_686 = vector.shape_cast %get3A_685 : vector<1x16xf32> to vector<16xf32>
          %add3A_687 = arith.addf %get3A_686, %while3A_532#15 : vector<16xf32>
          %swap3A_688 = arith.index_cast %scan3A_47 : i32 to index
          %swap3A_689 = arith.constant 112 : index
          %swap3A_690 = tpu.vector_load %arg9[%swap3A_688, %swap3A_689] {strides = array<i32>} : memref<16x256xf32, #tpu.memory_space<vmem>>, vector<1x16xf32>,
          %swap3A_691 = vector.shape_cast %swap3A_690 : vector<1x16xf32> to vector<16xf32>
          %swap3A_692 = vector.shape_cast %add3A_687 : vector<16xf32> to vector<1x16xf32>
          tpu.vector_store %arg9[%swap3A_688, %swap3A_689], %swap3A_692 {strides = array<i32>} : memref<16x256xf32, #tpu.memory_space<vmem>>, vector<1x16xf32>,
          %get3A_693 = arith.index_cast %scan3A_47 : i32 to index
          %get3A_694 = arith.constant 128 : index
          %get3A_695 = tpu.vector_load %arg8[%get3A_693, %get3A_694] {strides = array<i32>} : memref<16x256xf32, #tpu.memory_space<vmem>>, vector<1x16xf32>,
          %get3A_696 = vector.shape_cast %get3A_695 : vector<1x16xf32> to vector<16xf32>
          %add3A_697 = arith.addf %get3A_696, %while3A_532#16 : vector<16xf32>
          %swap3A_698 = arith.index_cast %scan3A_47 : i32 to index
          %swap3A_699 = arith.constant 128 : index
          %swap3A_700 = tpu.vector_load %arg8[%swap3A_698, %swap3A_699] {strides = array<i32>} : memref<16x256xf32, #tpu.memory_space<vmem>>, vector<1x16xf32>,
          %swap3A_701 = vector.shape_cast %swap3A_700 : vector<1x16xf32> to vector<16xf32>
          %swap3A_702 = vector.shape_cast %add3A_697 : vector<16xf32> to vector<1x16xf32>
          tpu.vector_store %arg8[%swap3A_698, %swap3A_699], %swap3A_702 {strides = array<i32>} : memref<16x256xf32, #tpu.memory_space<vmem>>, vector<1x16xf32>,
          %get3A_703 = arith.index_cast %scan3A_47 : i32 to index
          %get3A_704 = arith.constant 128 : index
          %get3A_705 = tpu.vector_load %arg9[%get3A_703, %get3A_704] {strides = array<i32>} : memref<16x256xf32, #tpu.memory_space<vmem>>, vector<1x16xf32>,
          %get3A_706 = vector.shape_cast %get3A_705 : vector<1x16xf32> to vector<16xf32>
          %add3A_707 = arith.addf %get3A_706, %while3A_532#17 : vector<16xf32>
          %swap3A_708 = arith.index_cast %scan3A_47 : i32 to index
          %swap3A_709 = arith.constant 128 : index
          %swap3A_710 = tpu.vector_load %arg9[%swap3A_708, %swap3A_709] {strides = array<i32>} : memref<16x256xf32, #tpu.memory_space<vmem>>, vector<1x16xf32>,
          %swap3A_711 = vector.shape_cast %swap3A_710 : vector<1x16xf32> to vector<16xf32>
          %swap3A_712 = vector.shape_cast %add3A_707 : vector<16xf32> to vector<1x16xf32>
          tpu.vector_store %arg9[%swap3A_708, %swap3A_709], %swap3A_712 {strides = array<i32>} : memref<16x256xf32, #tpu.memory_space<vmem>>, vector<1x16xf32>,
          %get3A_713 = arith.index_cast %scan3A_47 : i32 to index
          %get3A_714 = arith.constant 144 : index
          %get3A_715 = tpu.vector_load %arg8[%get3A_713, %get3A_714] {strides = array<i32>} : memref<16x256xf32, #tpu.memory_space<vmem>>, vector<1x16xf32>,
          %get3A_716 = vector.shape_cast %get3A_715 : vector<1x16xf32> to vector<16xf32>
          %add3A_717 = arith.addf %get3A_716, %while3A_532#18 : vector<16xf32>
          %swap3A_718 = arith.index_cast %scan3A_47 : i32 to index
          %swap3A_719 = arith.constant 144 : index
          %swap3A_720 = tpu.vector_load %arg8[%swap3A_718, %swap3A_719] {strides = array<i32>} : memref<16x256xf32, #tpu.memory_space<vmem>>, vector<1x16xf32>,
          %swap3A_721 = vector.shape_cast %swap3A_720 : vector<1x16xf32> to vector<16xf32>
          %swap3A_722 = vector.shape_cast %add3A_717 : vector<16xf32> to vector<1x16xf32>
          tpu.vector_store %arg8[%swap3A_718, %swap3A_719], %swap3A_722 {strides = array<i32>} : memref<16x256xf32, #tpu.memory_space<vmem>>, vector<1x16xf32>,
          %get3A_723 = arith.index_cast %scan3A_47 : i32 to index
          %get3A_724 = arith.constant 144 : index
          %get3A_725 = tpu.vector_load %arg9[%get3A_723, %get3A_724] {strides = array<i32>} : memref<16x256xf32, #tpu.memory_space<vmem>>, vector<1x16xf32>,
          %get3A_726 = vector.shape_cast %get3A_725 : vector<1x16xf32> to vector<16xf32>
          %add3A_727 = arith.addf %get3A_726, %while3A_532#19 : vector<16xf32>
          %swap3A_728 = arith.index_cast %scan3A_47 : i32 to index
          %swap3A_729 = arith.constant 144 : index
          %swap3A_730 = tpu.vector_load %arg9[%swap3A_728, %swap3A_729] {strides = array<i32>} : memref<16x256xf32, #tpu.memory_space<vmem>>, vector<1x16xf32>,
          %swap3A_731 = vector.shape_cast %swap3A_730 : vector<1x16xf32> to vector<16xf32>
          %swap3A_732 = vector.shape_cast %add3A_727 : vector<16xf32> to vector<1x16xf32>
          tpu.vector_store %arg9[%swap3A_728, %swap3A_729], %swap3A_732 {strides = array<i32>} : memref<16x256xf32, #tpu.memory_space<vmem>>, vector<1x16xf32>,
          %get3A_733 = arith.index_cast %scan3A_47 : i32 to index
          %get3A_734 = arith.constant 160 : index
          %get3A_735 = tpu.vector_load %arg8[%get3A_733, %get3A_734] {strides = array<i32>} : memref<16x256xf32, #tpu.memory_space<vmem>>, vector<1x16xf32>,
          %get3A_736 = vector.shape_cast %get3A_735 : vector<1x16xf32> to vector<16xf32>
          %add3A_737 = arith.addf %get3A_736, %while3A_532#20 : vector<16xf32>
          %swap3A_738 = arith.index_cast %scan3A_47 : i32 to index
          %swap3A_739 = arith.constant 160 : index
          %swap3A_740 = tpu.vector_load %arg8[%swap3A_738, %swap3A_739] {strides = array<i32>} : memref<16x256xf32, #tpu.memory_space<vmem>>, vector<1x16xf32>,
          %swap3A_741 = vector.shape_cast %swap3A_740 : vector<1x16xf32> to vector<16xf32>
          %swap3A_742 = vector.shape_cast %add3A_737 : vector<16xf32> to vector<1x16xf32>
          tpu.vector_store %arg8[%swap3A_738, %swap3A_739], %swap3A_742 {strides = array<i32>} : memref<16x256xf32, #tpu.memory_space<vmem>>, vector<1x16xf32>,
          %get3A_743 = arith.index_cast %scan3A_47 : i32 to index
          %get3A_744 = arith.constant 160 : index
          %get3A_745 = tpu.vector_load %arg9[%get3A_743, %get3A_744] {strides = array<i32>} : memref<16x256xf32, #tpu.memory_space<vmem>>, vector<1x16xf32>,
          %get3A_746 = vector.shape_cast %get3A_745 : vector<1x16xf32> to vector<16xf32>
          %add3A_747 = arith.addf %get3A_746, %while3A_532#21 : vector<16xf32>
          %swap3A_748 = arith.index_cast %scan3A_47 : i32 to index
          %swap3A_749 = arith.constant 160 : index
          %swap3A_750 = tpu.vector_load %arg9[%swap3A_748, %swap3A_749] {strides = array<i32>} : memref<16x256xf32, #tpu.memory_space<vmem>>, vector<1x16xf32>,
          %swap3A_751 = vector.shape_cast %swap3A_750 : vector<1x16xf32> to vector<16xf32>
          %swap3A_752 = vector.shape_cast %add3A_747 : vector<16xf32> to vector<1x16xf32>
          tpu.vector_store %arg9[%swap3A_748, %swap3A_749], %swap3A_752 {strides = array<i32>} : memref<16x256xf32, #tpu.memory_space<vmem>>, vector<1x16xf32>,
          %get3A_753 = arith.index_cast %scan3A_47 : i32 to index
          %get3A_754 = arith.constant 176 : index
          %get3A_755 = tpu.vector_load %arg8[%get3A_753, %get3A_754] {strides = array<i32>} : memref<16x256xf32, #tpu.memory_space<vmem>>, vector<1x16xf32>,
          %get3A_756 = vector.shape_cast %get3A_755 : vector<1x16xf32> to vector<16xf32>
          %add3A_757 = arith.addf %get3A_756, %while3A_532#22 : vector<16xf32>
          %swap3A_758 = arith.index_cast %scan3A_47 : i32 to index
          %swap3A_759 = arith.constant 176 : index
          %swap3A_760 = tpu.vector_load %arg8[%swap3A_758, %swap3A_759] {strides = array<i32>} : memref<16x256xf32, #tpu.memory_space<vmem>>, vector<1x16xf32>,
          %swap3A_761 = vector.shape_cast %swap3A_760 : vector<1x16xf32> to vector<16xf32>
          %swap3A_762 = vector.shape_cast %add3A_757 : vector<16xf32> to vector<1x16xf32>
          tpu.vector_store %arg8[%swap3A_758, %swap3A_759], %swap3A_762 {strides = array<i32>} : memref<16x256xf32, #tpu.memory_space<vmem>>, vector<1x16xf32>,
          %get3A_763 = arith.index_cast %scan3A_47 : i32 to index
          %get3A_764 = arith.constant 176 : index
          %get3A_765 = tpu.vector_load %arg9[%get3A_763, %get3A_764] {strides = array<i32>} : memref<16x256xf32, #tpu.memory_space<vmem>>, vector<1x16xf32>,
          %get3A_766 = vector.shape_cast %get3A_765 : vector<1x16xf32> to vector<16xf32>
          %add3A_767 = arith.addf %get3A_766, %while3A_532#23 : vector<16xf32>
          %swap3A_768 = arith.index_cast %scan3A_47 : i32 to index
          %swap3A_769 = arith.constant 176 : index
          %swap3A_770 = tpu.vector_load %arg9[%swap3A_768, %swap3A_769] {strides = array<i32>} : memref<16x256xf32, #tpu.memory_space<vmem>>, vector<1x16xf32>,
          %swap3A_771 = vector.shape_cast %swap3A_770 : vector<1x16xf32> to vector<16xf32>
          %swap3A_772 = vector.shape_cast %add3A_767 : vector<16xf32> to vector<1x16xf32>
          tpu.vector_store %arg9[%swap3A_768, %swap3A_769], %swap3A_772 {strides = array<i32>} : memref<16x256xf32, #tpu.memory_space<vmem>>, vector<1x16xf32>,
          %get3A_773 = arith.index_cast %scan3A_47 : i32 to index
          %get3A_774 = arith.constant 192 : index
          %get3A_775 = tpu.vector_load %arg8[%get3A_773, %get3A_774] {strides = array<i32>} : memref<16x256xf32, #tpu.memory_space<vmem>>, vector<1x16xf32>,
          %get3A_776 = vector.shape_cast %get3A_775 : vector<1x16xf32> to vector<16xf32>
          %add3A_777 = arith.addf %get3A_776, %while3A_532#24 : vector<16xf32>
          %swap3A_778 = arith.index_cast %scan3A_47 : i32 to index
          %swap3A_779 = arith.constant 192 : index
          %swap3A_780 = tpu.vector_load %arg8[%swap3A_778, %swap3A_779] {strides = array<i32>} : memref<16x256xf32, #tpu.memory_space<vmem>>, vector<1x16xf32>,
          %swap3A_781 = vector.shape_cast %swap3A_780 : vector<1x16xf32> to vector<16xf32>
          %swap3A_782 = vector.shape_cast %add3A_777 : vector<16xf32> to vector<1x16xf32>
          tpu.vector_store %arg8[%swap3A_778, %swap3A_779], %swap3A_782 {strides = array<i32>} : memref<16x256xf32, #tpu.memory_space<vmem>>, vector<1x16xf32>,
          %get3A_783 = arith.index_cast %scan3A_47 : i32 to index
          %get3A_784 = arith.constant 192 : index
          %get3A_785 = tpu.vector_load %arg9[%get3A_783, %get3A_784] {strides = array<i32>} : memref<16x256xf32, #tpu.memory_space<vmem>>, vector<1x16xf32>,
          %get3A_786 = vector.shape_cast %get3A_785 : vector<1x16xf32> to vector<16xf32>
          %add3A_787 = arith.addf %get3A_786, %while3A_532#25 : vector<16xf32>
          %swap3A_788 = arith.index_cast %scan3A_47 : i32 to index
          %swap3A_789 = arith.constant 192 : index
          %swap3A_790 = tpu.vector_load %arg9[%swap3A_788, %swap3A_789] {strides = array<i32>} : memref<16x256xf32, #tpu.memory_space<vmem>>, vector<1x16xf32>,
          %swap3A_791 = vector.shape_cast %swap3A_790 : vector<1x16xf32> to vector<16xf32>
          %swap3A_792 = vector.shape_cast %add3A_787 : vector<16xf32> to vector<1x16xf32>
          tpu.vector_store %arg9[%swap3A_788, %swap3A_789], %swap3A_792 {strides = array<i32>} : memref<16x256xf32, #tpu.memory_space<vmem>>, vector<1x16xf32>,
          %get3A_793 = arith.index_cast %scan3A_47 : i32 to index
          %get3A_794 = arith.constant 208 : index
          %get3A_795 = tpu.vector_load %arg8[%get3A_793, %get3A_794] {strides = array<i32>} : memref<16x256xf32, #tpu.memory_space<vmem>>, vector<1x16xf32>,
          %get3A_796 = vector.shape_cast %get3A_795 : vector<1x16xf32> to vector<16xf32>
          %add3A_797 = arith.addf %get3A_796, %while3A_532#26 : vector<16xf32>
          %swap3A_798 = arith.index_cast %scan3A_47 : i32 to index
          %swap3A_799 = arith.constant 208 : index
          %swap3A_800 = tpu.vector_load %arg8[%swap3A_798, %swap3A_799] {strides = array<i32>} : memref<16x256xf32, #tpu.memory_space<vmem>>, vector<1x16xf32>,
          %swap3A_801 = vector.shape_cast %swap3A_800 : vector<1x16xf32> to vector<16xf32>
          %swap3A_802 = vector.shape_cast %add3A_797 : vector<16xf32> to vector<1x16xf32>
          tpu.vector_store %arg8[%swap3A_798, %swap3A_799], %swap3A_802 {strides = array<i32>} : memref<16x256xf32, #tpu.memory_space<vmem>>, vector<1x16xf32>,
          %get3A_803 = arith.index_cast %scan3A_47 : i32 to index
          %get3A_804 = arith.constant 208 : index
          %get3A_805 = tpu.vector_load %arg9[%get3A_803, %get3A_804] {strides = array<i32>} : memref<16x256xf32, #tpu.memory_space<vmem>>, vector<1x16xf32>,
          %get3A_806 = vector.shape_cast %get3A_805 : vector<1x16xf32> to vector<16xf32>
          %add3A_807 = arith.addf %get3A_806, %while3A_532#27 : vector<16xf32>
          %swap3A_808 = arith.index_cast %scan3A_47 : i32 to index
          %swap3A_809 = arith.constant 208 : index
          %swap3A_810 = tpu.vector_load %arg9[%swap3A_808, %swap3A_809] {strides = array<i32>} : memref<16x256xf32, #tpu.memory_space<vmem>>, vector<1x16xf32>,
          %swap3A_811 = vector.shape_cast %swap3A_810 : vector<1x16xf32> to vector<16xf32>
          %swap3A_812 = vector.shape_cast %add3A_807 : vector<16xf32> to vector<1x16xf32>
          tpu.vector_store %arg9[%swap3A_808, %swap3A_809], %swap3A_812 {strides = array<i32>} : memref<16x256xf32, #tpu.memory_space<vmem>>, vector<1x16xf32>,
          %get3A_813 = arith.index_cast %scan3A_47 : i32 to index
          %get3A_814 = arith.constant 224 : index
          %get3A_815 = tpu.vector_load %arg8[%get3A_813, %get3A_814] {strides = array<i32>} : memref<16x256xf32, #tpu.memory_space<vmem>>, vector<1x16xf32>,
          %get3A_816 = vector.shape_cast %get3A_815 : vector<1x16xf32> to vector<16xf32>
          %add3A_817 = arith.addf %get3A_816, %while3A_532#28 : vector<16xf32>
          %swap3A_818 = arith.index_cast %scan3A_47 : i32 to index
          %swap3A_819 = arith.constant 224 : index
          %swap3A_820 = tpu.vector_load %arg8[%swap3A_818, %swap3A_819] {strides = array<i32>} : memref<16x256xf32, #tpu.memory_space<vmem>>, vector<1x16xf32>,
          %swap3A_821 = vector.shape_cast %swap3A_820 : vector<1x16xf32> to vector<16xf32>
          %swap3A_822 = vector.shape_cast %add3A_817 : vector<16xf32> to vector<1x16xf32>
          tpu.vector_store %arg8[%swap3A_818, %swap3A_819], %swap3A_822 {strides = array<i32>} : memref<16x256xf32, #tpu.memory_space<vmem>>, vector<1x16xf32>,
          %get3A_823 = arith.index_cast %scan3A_47 : i32 to index
          %get3A_824 = arith.constant 224 : index
          %get3A_825 = tpu.vector_load %arg9[%get3A_823, %get3A_824] {strides = array<i32>} : memref<16x256xf32, #tpu.memory_space<vmem>>, vector<1x16xf32>,
          %get3A_826 = vector.shape_cast %get3A_825 : vector<1x16xf32> to vector<16xf32>
          %add3A_827 = arith.addf %get3A_826, %while3A_532#29 : vector<16xf32>
          %swap3A_828 = arith.index_cast %scan3A_47 : i32 to index
          %swap3A_829 = arith.constant 224 : index
          %swap3A_830 = tpu.vector_load %arg9[%swap3A_828, %swap3A_829] {strides = array<i32>} : memref<16x256xf32, #tpu.memory_space<vmem>>, vector<1x16xf32>,
          %swap3A_831 = vector.shape_cast %swap3A_830 : vector<1x16xf32> to vector<16xf32>
          %swap3A_832 = vector.shape_cast %add3A_827 : vector<16xf32> to vector<1x16xf32>
          tpu.vector_store %arg9[%swap3A_828, %swap3A_829], %swap3A_832 {strides = array<i32>} : memref<16x256xf32, #tpu.memory_space<vmem>>, vector<1x16xf32>,
          %get3A_833 = arith.index_cast %scan3A_47 : i32 to index
          %get3A_834 = arith.constant 240 : index
          %get3A_835 = tpu.vector_load %arg8[%get3A_833, %get3A_834] {strides = array<i32>} : memref<16x256xf32, #tpu.memory_space<vmem>>, vector<1x16xf32>,
          %get3A_836 = vector.shape_cast %get3A_835 : vector<1x16xf32> to vector<16xf32>
          %add3A_837 = arith.addf %get3A_836, %while3A_532#30 : vector<16xf32>
          %swap3A_838 = arith.index_cast %scan3A_47 : i32 to index
          %swap3A_839 = arith.constant 240 : index
          %swap3A_840 = tpu.vector_load %arg8[%swap3A_838, %swap3A_839] {strides = array<i32>} : memref<16x256xf32, #tpu.memory_space<vmem>>, vector<1x16xf32>,
          %swap3A_841 = vector.shape_cast %swap3A_840 : vector<1x16xf32> to vector<16xf32>
          %swap3A_842 = vector.shape_cast %add3A_837 : vector<16xf32> to vector<1x16xf32>
          tpu.vector_store %arg8[%swap3A_838, %swap3A_839], %swap3A_842 {strides = array<i32>} : memref<16x256xf32, #tpu.memory_space<vmem>>, vector<1x16xf32>,
          %get3A_843 = arith.index_cast %scan3A_47 : i32 to index
          %get3A_844 = arith.constant 240 : index
          %get3A_845 = tpu.vector_load %arg9[%get3A_843, %get3A_844] {strides = array<i32>} : memref<16x256xf32, #tpu.memory_space<vmem>>, vector<1x16xf32>,
          %get3A_846 = vector.shape_cast %get3A_845 : vector<1x16xf32> to vector<16xf32>
          %add3A_847 = arith.addf %get3A_846, %while3A_532#31 : vector<16xf32>
          %swap3A_848 = arith.index_cast %scan3A_47 : i32 to index
          %swap3A_849 = arith.constant 240 : index
          %swap3A_850 = tpu.vector_load %arg9[%swap3A_848, %swap3A_849] {strides = array<i32>} : memref<16x256xf32, #tpu.memory_space<vmem>>, vector<1x16xf32>,
          %swap3A_851 = vector.shape_cast %swap3A_850 : vector<1x16xf32> to vector<16xf32>
          %swap3A_852 = vector.shape_cast %add3A_847 : vector<16xf32> to vector<1x16xf32>
          tpu.vector_store %arg9[%swap3A_848, %swap3A_849], %swap3A_852 {strides = array<i32>} : memref<16x256xf32, #tpu.memory_space<vmem>>, vector<1x16xf32>,
        }
        %while3A_87 = arith.constant 1 : i32
        scf.for %while3A_99 = %while3A_85 to %while3A_81 step %while3A_87  : i32 {
          %mul3A_100 = arith.constant 2 : i32
          %mul3A_101 = arith.muli %mul3A_100, %while3A_99 : i32
          %add3A_102 = arith.constant 0 : i32
          %add3A_103 = arith.addi %max3A, %add3A_102 : i32
          %and3A_104 = arith.constant -8 : i32
          %and3A_105 = arith.andi %add3A_103, %and3A_104 : i32
          %min3A_106 = arith.constant 32696 : i32
          %min3A_107 = arith.minsi %and3A_105, %min3A_106 : i32
          %multiple_of3A_108 = tpu.assume_multiple %min3A_107, 8 : i32
          %dma_wait3A_109 = arith.constant 0 : i32
          %dma_wait3A_110 = tpu.memref_slice %arg2[%multiple_of3A_108, %dma_wait3A_109] : memref<32768x256xf32, #tpu.memory_space<hbm>> -> memref<72x256xf32, #tpu.memory_space<hbm>>
          %dma_wait3A_111 = arith.constant 0 : i32
          %dma_wait3A_112 = tpu.memref_slice %arg2[%multiple_of3A_108, %dma_wait3A_111] : memref<32768x256xf32, #tpu.memory_space<hbm>> -> memref<72x256xf32, #tpu.memory_space<hbm>>
          tpu.wait_dma2 semaphore(%arg11 : memref<!tpu.dma_semaphore, #tpu.memory_space<semaphore_mem>>) src(%dma_wait3A_112 : memref<72x256xf32, #tpu.memory_space<hbm>>) dst(%arg6 : memref<72x256xf32, #tpu.memory_space<vmem>>)
          %add3A_113 = arith.constant 1 : i32
          %add3A_114 = arith.addi %mul3A_101, %add3A_113 : i32
          %sub3A_115 = arith.constant 1 : i32
          %sub3A_116 = arith.subi %shift_right_arithmetic3A_63, %sub3A_115 : i32
          %min3A_117 = arith.minsi %add3A_114, %sub3A_116 : i32
          %mul3A_118 = arith.constant 64 : i32
          %mul3A_119 = arith.muli %min3A_117, %mul3A_118 : i32
          %add3A_120 = arith.addi %max3A, %mul3A_119 : i32
          %and3A_121 = arith.constant -8 : i32
          %and3A_122 = arith.andi %add3A_120, %and3A_121 : i32
          %min3A_123 = arith.constant 32696 : i32
          %min3A_124 = arith.minsi %and3A_122, %min3A_123 : i32
          %multiple_of3A_125 = tpu.assume_multiple %min3A_124, 8 : i32
          %dma_start3A_126 = arith.constant 0 : i32
          %dma_start3A_127 = tpu.memref_slice %arg2[%multiple_of3A_125, %dma_start3A_126] : memref<32768x256xf32, #tpu.memory_space<hbm>> -> memref<72x256xf32, #tpu.memory_space<hbm>>
          %dma_start3A_128 = arith.constant 0 : i32
          %dma_start3A_129 = tpu.memref_slice %arg2[%multiple_of3A_125, %dma_start3A_128] : memref<32768x256xf32, #tpu.memory_space<hbm>> -> memref<72x256xf32, #tpu.memory_space<hbm>>
          tpu.enqueue_dma source(%dma_start3A_129 : memref<72x256xf32, #tpu.memory_space<hbm>>) target(%arg7 : memref<72x256xf32, #tpu.memory_space<vmem>>) target_semaphore(%arg12 : memref<!tpu.dma_semaphore, #tpu.memory_space<semaphore_mem>>)
          %mul3A_130 = arith.constant 64 : i32
          %mul3A_131 = arith.muli %mul3A_101, %mul3A_130 : i32
          %add3A_132 = arith.addi %max3A, %mul3A_131 : i32
          %mul3A_133 = arith.constant 64 : i32
          %mul3A_134 = arith.muli %mul3A_101, %mul3A_133 : i32
          %add3A_135 = arith.addi %max3A, %mul3A_134 : i32
          %and3A_136 = arith.constant -8 : i32
          %and3A_137 = arith.andi %add3A_135, %and3A_136 : i32
          %min3A_138 = arith.constant 32696 : i32
          %min3A_139 = arith.minsi %and3A_137, %min3A_138 : i32
          %multiple_of3A_140 = tpu.assume_multiple %min3A_139, 8 : i32
          %sub3A_141 = arith.subi %add3A_132, %multiple_of3A_140 : i32
          %add3A_142 = arith.constant 64 : i32
          %add3A_143 = arith.addi %add3A_132, %add3A_142 : i32
          %min3A_144 = arith.minsi %min3A, %add3A_143 : i32
          %sub3A_145 = arith.subi %min3A_144, %multiple_of3A_140 : i32
          %max3A_146 = arith.maxsi %sub3A_145, %sub3A_141 : i32
          %while3A_147 = arith.subi %max3A_146, %sub3A_141 : i32
          %while3A_148 = arith.addi %sub3A_141, %while3A_147 : i32
          %while3A_149 = arith.constant 1 : i32
          %while3A_150 = arith.divsi %while3A_147, %while3A_149 : i32
          %while3A_151 = arith.muli %while3A_150, %while3A_149 : i32
          %while3A_152 = arith.addi %sub3A_141, %while3A_151 : i32
          %while3A_153 = arith.constant 1 : i32
          %while3A_154:32 = scf.for %while3A_853 = %sub3A_141 to %while3A_152 step %while3A_153 iter_args(%while3A_854 = %broadcast_in_dim3A_3, %while3A_855 = %broadcast_in_dim3A_3, %while3A_856 = %broadcast_in_dim3A_3, %while3A_857 = %broadcast_in_dim3A_3, %while3A_858 = %broadcast_in_dim3A_3, %while3A_859 = %broadcast_in_dim3A_3, %while3A_860 = %broadcast_in_dim3A_3, %while3A_861 = %broadcast_in_dim3A_3, %while3A_862 = %broadcast_in_dim3A_3, %while3A_863 = %broadcast_in_dim3A_3, %while3A_864 = %broadcast_in_dim3A_3, %while3A_865 = %broadcast_in_dim3A_3, %while3A_866 = %broadcast_in_dim3A_3, %while3A_867 = %broadcast_in_dim3A_3, %while3A_868 = %broadcast_in_dim3A_3, %while3A_869 = %broadcast_in_dim3A_3, %while3A_870 = %broadcast_in_dim3A_3, %while3A_871 = %broadcast_in_dim3A_3, %while3A_872 = %broadcast_in_dim3A_3, %while3A_873 = %broadcast_in_dim3A_3, %while3A_874 = %broadcast_in_dim3A_3, %while3A_875 = %broadcast_in_dim3A_3, %while3A_876 = %broadcast_in_dim3A_3, %while3A_877 = %broadcast_in_dim3A_3, %while3A_878 = %broadcast_in_dim3A_3, %while3A_879 = %broadcast_in_dim3A_3, %while3A_880 = %broadcast_in_dim3A_3, %while3A_881 = %broadcast_in_dim3A_3, %while3A_882 = %broadcast_in_dim3A_3, %while3A_883 = %broadcast_in_dim3A_3, %while3A_884 = %broadcast_in_dim3A_3, %while3A_885 = %broadcast_in_dim3A_3) -> (vector<16xf32>, vector<16xf32>, vector<16xf32>, vector<16xf32>, vector<16xf32>, vector<16xf32>, vector<16xf32>, vector<16xf32>, vector<16xf32>, vector<16xf32>, vector<16xf32>, vector<16xf32>, vector<16xf32>, vector<16xf32>, vector<16xf32>, vector<16xf32>, vector<16xf32>, vector<16xf32>, vector<16xf32>, vector<16xf32>, vector<16xf32>, vector<16xf32>, vector<16xf32>, vector<16xf32>, vector<16xf32>, vector<16xf32>, vector<16xf32>, vector<16xf32>, vector<16xf32>, vector<16xf32>, vector<16xf32>, vector<16xf32>)  : i32 {
            %get3A_886 = arith.index_cast %while3A_853 : i32 to index
            %get3A_887 = arith.constant 0 : index
            %get3A_888 = tpu.vector_load %arg6[%get3A_886, %get3A_887] {strides = array<i32>} : memref<72x256xf32, #tpu.memory_space<vmem>>, vector<1x16xf32>,
            %get3A_889 = vector.shape_cast %get3A_888 : vector<1x16xf32> to vector<16xf32>
            %add3A_890 = arith.addf %while3A_854, %get3A_889 : vector<16xf32>
            %mul3A_891 = arith.mulf %get3A_889, %get3A_889 : vector<16xf32>
            %add3A_892 = arith.addf %while3A_855, %mul3A_891 : vector<16xf32>
            %get3A_893 = arith.index_cast %while3A_853 : i32 to index
            %get3A_894 = arith.constant 16 : index
            %get3A_895 = tpu.vector_load %arg6[%get3A_893, %get3A_894] {strides = array<i32>} : memref<72x256xf32, #tpu.memory_space<vmem>>, vector<1x16xf32>,
            %get3A_896 = vector.shape_cast %get3A_895 : vector<1x16xf32> to vector<16xf32>
            %add3A_897 = arith.addf %while3A_856, %get3A_896 : vector<16xf32>
            %mul3A_898 = arith.mulf %get3A_896, %get3A_896 : vector<16xf32>
            %add3A_899 = arith.addf %while3A_857, %mul3A_898 : vector<16xf32>
            %get3A_900 = arith.index_cast %while3A_853 : i32 to index
            %get3A_901 = arith.constant 32 : index
            %get3A_902 = tpu.vector_load %arg6[%get3A_900, %get3A_901] {strides = array<i32>} : memref<72x256xf32, #tpu.memory_space<vmem>>, vector<1x16xf32>,
            %get3A_903 = vector.shape_cast %get3A_902 : vector<1x16xf32> to vector<16xf32>
            %add3A_904 = arith.addf %while3A_858, %get3A_903 : vector<16xf32>
            %mul3A_905 = arith.mulf %get3A_903, %get3A_903 : vector<16xf32>
            %add3A_906 = arith.addf %while3A_859, %mul3A_905 : vector<16xf32>
            %get3A_907 = arith.index_cast %while3A_853 : i32 to index
            %get3A_908 = arith.constant 48 : index
            %get3A_909 = tpu.vector_load %arg6[%get3A_907, %get3A_908] {strides = array<i32>} : memref<72x256xf32, #tpu.memory_space<vmem>>, vector<1x16xf32>,
            %get3A_910 = vector.shape_cast %get3A_909 : vector<1x16xf32> to vector<16xf32>
            %add3A_911 = arith.addf %while3A_860, %get3A_910 : vector<16xf32>
            %mul3A_912 = arith.mulf %get3A_910, %get3A_910 : vector<16xf32>
            %add3A_913 = arith.addf %while3A_861, %mul3A_912 : vector<16xf32>
            %get3A_914 = arith.index_cast %while3A_853 : i32 to index
            %get3A_915 = arith.constant 64 : index
            %get3A_916 = tpu.vector_load %arg6[%get3A_914, %get3A_915] {strides = array<i32>} : memref<72x256xf32, #tpu.memory_space<vmem>>, vector<1x16xf32>,
            %get3A_917 = vector.shape_cast %get3A_916 : vector<1x16xf32> to vector<16xf32>
            %add3A_918 = arith.addf %while3A_862, %get3A_917 : vector<16xf32>
            %mul3A_919 = arith.mulf %get3A_917, %get3A_917 : vector<16xf32>
            %add3A_920 = arith.addf %while3A_863, %mul3A_919 : vector<16xf32>
            %get3A_921 = arith.index_cast %while3A_853 : i32 to index
            %get3A_922 = arith.constant 80 : index
            %get3A_923 = tpu.vector_load %arg6[%get3A_921, %get3A_922] {strides = array<i32>} : memref<72x256xf32, #tpu.memory_space<vmem>>, vector<1x16xf32>,
            %get3A_924 = vector.shape_cast %get3A_923 : vector<1x16xf32> to vector<16xf32>
            %add3A_925 = arith.addf %while3A_864, %get3A_924 : vector<16xf32>
            %mul3A_926 = arith.mulf %get3A_924, %get3A_924 : vector<16xf32>
            %add3A_927 = arith.addf %while3A_865, %mul3A_926 : vector<16xf32>
            %get3A_928 = arith.index_cast %while3A_853 : i32 to index
            %get3A_929 = arith.constant 96 : index
            %get3A_930 = tpu.vector_load %arg6[%get3A_928, %get3A_929] {strides = array<i32>} : memref<72x256xf32, #tpu.memory_space<vmem>>, vector<1x16xf32>,
            %get3A_931 = vector.shape_cast %get3A_930 : vector<1x16xf32> to vector<16xf32>
            %add3A_932 = arith.addf %while3A_866, %get3A_931 : vector<16xf32>
            %mul3A_933 = arith.mulf %get3A_931, %get3A_931 : vector<16xf32>
            %add3A_934 = arith.addf %while3A_867, %mul3A_933 : vector<16xf32>
            %get3A_935 = arith.index_cast %while3A_853 : i32 to index
            %get3A_936 = arith.constant 112 : index
            %get3A_937 = tpu.vector_load %arg6[%get3A_935, %get3A_936] {strides = array<i32>} : memref<72x256xf32, #tpu.memory_space<vmem>>, vector<1x16xf32>,
            %get3A_938 = vector.shape_cast %get3A_937 : vector<1x16xf32> to vector<16xf32>
            %add3A_939 = arith.addf %while3A_868, %get3A_938 : vector<16xf32>
            %mul3A_940 = arith.mulf %get3A_938, %get3A_938 : vector<16xf32>
            %add3A_941 = arith.addf %while3A_869, %mul3A_940 : vector<16xf32>
            %get3A_942 = arith.index_cast %while3A_853 : i32 to index
            %get3A_943 = arith.constant 128 : index
            %get3A_944 = tpu.vector_load %arg6[%get3A_942, %get3A_943] {strides = array<i32>} : memref<72x256xf32, #tpu.memory_space<vmem>>, vector<1x16xf32>,
            %get3A_945 = vector.shape_cast %get3A_944 : vector<1x16xf32> to vector<16xf32>
            %add3A_946 = arith.addf %while3A_870, %get3A_945 : vector<16xf32>
            %mul3A_947 = arith.mulf %get3A_945, %get3A_945 : vector<16xf32>
            %add3A_948 = arith.addf %while3A_871, %mul3A_947 : vector<16xf32>
            %get3A_949 = arith.index_cast %while3A_853 : i32 to index
            %get3A_950 = arith.constant 144 : index
            %get3A_951 = tpu.vector_load %arg6[%get3A_949, %get3A_950] {strides = array<i32>} : memref<72x256xf32, #tpu.memory_space<vmem>>, vector<1x16xf32>,
            %get3A_952 = vector.shape_cast %get3A_951 : vector<1x16xf32> to vector<16xf32>
            %add3A_953 = arith.addf %while3A_872, %get3A_952 : vector<16xf32>
            %mul3A_954 = arith.mulf %get3A_952, %get3A_952 : vector<16xf32>
            %add3A_955 = arith.addf %while3A_873, %mul3A_954 : vector<16xf32>
            %get3A_956 = arith.index_cast %while3A_853 : i32 to index
            %get3A_957 = arith.constant 160 : index
            %get3A_958 = tpu.vector_load %arg6[%get3A_956, %get3A_957] {strides = array<i32>} : memref<72x256xf32, #tpu.memory_space<vmem>>, vector<1x16xf32>,
            %get3A_959 = vector.shape_cast %get3A_958 : vector<1x16xf32> to vector<16xf32>
            %add3A_960 = arith.addf %while3A_874, %get3A_959 : vector<16xf32>
            %mul3A_961 = arith.mulf %get3A_959, %get3A_959 : vector<16xf32>
            %add3A_962 = arith.addf %while3A_875, %mul3A_961 : vector<16xf32>
            %get3A_963 = arith.index_cast %while3A_853 : i32 to index
            %get3A_964 = arith.constant 176 : index
            %get3A_965 = tpu.vector_load %arg6[%get3A_963, %get3A_964] {strides = array<i32>} : memref<72x256xf32, #tpu.memory_space<vmem>>, vector<1x16xf32>,
            %get3A_966 = vector.shape_cast %get3A_965 : vector<1x16xf32> to vector<16xf32>
            %add3A_967 = arith.addf %while3A_876, %get3A_966 : vector<16xf32>
            %mul3A_968 = arith.mulf %get3A_966, %get3A_966 : vector<16xf32>
            %add3A_969 = arith.addf %while3A_877, %mul3A_968 : vector<16xf32>
            %get3A_970 = arith.index_cast %while3A_853 : i32 to index
            %get3A_971 = arith.constant 192 : index
            %get3A_972 = tpu.vector_load %arg6[%get3A_970, %get3A_971] {strides = array<i32>} : memref<72x256xf32, #tpu.memory_space<vmem>>, vector<1x16xf32>,
            %get3A_973 = vector.shape_cast %get3A_972 : vector<1x16xf32> to vector<16xf32>
            %add3A_974 = arith.addf %while3A_878, %get3A_973 : vector<16xf32>
            %mul3A_975 = arith.mulf %get3A_973, %get3A_973 : vector<16xf32>
            %add3A_976 = arith.addf %while3A_879, %mul3A_975 : vector<16xf32>
            %get3A_977 = arith.index_cast %while3A_853 : i32 to index
            %get3A_978 = arith.constant 208 : index
            %get3A_979 = tpu.vector_load %arg6[%get3A_977, %get3A_978] {strides = array<i32>} : memref<72x256xf32, #tpu.memory_space<vmem>>, vector<1x16xf32>,
            %get3A_980 = vector.shape_cast %get3A_979 : vector<1x16xf32> to vector<16xf32>
            %add3A_981 = arith.addf %while3A_880, %get3A_980 : vector<16xf32>
            %mul3A_982 = arith.mulf %get3A_980, %get3A_980 : vector<16xf32>
            %add3A_983 = arith.addf %while3A_881, %mul3A_982 : vector<16xf32>
            %get3A_984 = arith.index_cast %while3A_853 : i32 to index
            %get3A_985 = arith.constant 224 : index
            %get3A_986 = tpu.vector_load %arg6[%get3A_984, %get3A_985] {strides = array<i32>} : memref<72x256xf32, #tpu.memory_space<vmem>>, vector<1x16xf32>,
            %get3A_987 = vector.shape_cast %get3A_986 : vector<1x16xf32> to vector<16xf32>
            %add3A_988 = arith.addf %while3A_882, %get3A_987 : vector<16xf32>
            %mul3A_989 = arith.mulf %get3A_987, %get3A_987 : vector<16xf32>
            %add3A_990 = arith.addf %while3A_883, %mul3A_989 : vector<16xf32>
            %get3A_991 = arith.index_cast %while3A_853 : i32 to index
            %get3A_992 = arith.constant 240 : index
            %get3A_993 = tpu.vector_load %arg6[%get3A_991, %get3A_992] {strides = array<i32>} : memref<72x256xf32, #tpu.memory_space<vmem>>, vector<1x16xf32>,
            %get3A_994 = vector.shape_cast %get3A_993 : vector<1x16xf32> to vector<16xf32>
            %add3A_995 = arith.addf %while3A_884, %get3A_994 : vector<16xf32>
            %mul3A_996 = arith.mulf %get3A_994, %get3A_994 : vector<16xf32>
            %add3A_997 = arith.addf %while3A_885, %mul3A_996 : vector<16xf32>
            scf.yield %add3A_890, %add3A_892, %add3A_897, %add3A_899, %add3A_904, %add3A_906, %add3A_911, %add3A_913, %add3A_918, %add3A_920, %add3A_925, %add3A_927, %add3A_932, %add3A_934, %add3A_939, %add3A_941, %add3A_946, %add3A_948, %add3A_953, %add3A_955, %add3A_960, %add3A_962, %add3A_967, %add3A_969, %add3A_974, %add3A_976, %add3A_981, %add3A_983, %add3A_988, %add3A_990, %add3A_995, %add3A_997 : vector<16xf32>, vector<16xf32>, vector<16xf32>, vector<16xf32>, vector<16xf32>, vector<16xf32>, vector<16xf32>, vector<16xf32>, vector<16xf32>, vector<16xf32>, vector<16xf32>, vector<16xf32>, vector<16xf32>, vector<16xf32>, vector<16xf32>, vector<16xf32>, vector<16xf32>, vector<16xf32>, vector<16xf32>, vector<16xf32>, vector<16xf32>, vector<16xf32>, vector<16xf32>, vector<16xf32>, vector<16xf32>, vector<16xf32>, vector<16xf32>, vector<16xf32>, vector<16xf32>, vector<16xf32>, vector<16xf32>, vector<16xf32>
          }
          %while3A_155 = arith.constant 1 : i32
          %while3A_156:32 = scf.for %while3A_853 = %while3A_152 to %while3A_148 step %while3A_155 iter_args(%while3A_854 = %while3A_154#0, %while3A_855 = %while3A_154#1, %while3A_856 = %while3A_154#2, %while3A_857 = %while3A_154#3, %while3A_858 = %while3A_154#4, %while3A_859 = %while3A_154#5, %while3A_860 = %while3A_154#6, %while3A_861 = %while3A_154#7, %while3A_862 = %while3A_154#8, %while3A_863 = %while3A_154#9, %while3A_864 = %while3A_154#10, %while3A_865 = %while3A_154#11, %while3A_866 = %while3A_154#12, %while3A_867 = %while3A_154#13, %while3A_868 = %while3A_154#14, %while3A_869 = %while3A_154#15, %while3A_870 = %while3A_154#16, %while3A_871 = %while3A_154#17, %while3A_872 = %while3A_154#18, %while3A_873 = %while3A_154#19, %while3A_874 = %while3A_154#20, %while3A_875 = %while3A_154#21, %while3A_876 = %while3A_154#22, %while3A_877 = %while3A_154#23, %while3A_878 = %while3A_154#24, %while3A_879 = %while3A_154#25, %while3A_880 = %while3A_154#26, %while3A_881 = %while3A_154#27, %while3A_882 = %while3A_154#28, %while3A_883 = %while3A_154#29, %while3A_884 = %while3A_154#30, %while3A_885 = %while3A_154#31) -> (vector<16xf32>, vector<16xf32>, vector<16xf32>, vector<16xf32>, vector<16xf32>, vector<16xf32>, vector<16xf32>, vector<16xf32>, vector<16xf32>, vector<16xf32>, vector<16xf32>, vector<16xf32>, vector<16xf32>, vector<16xf32>, vector<16xf32>, vector<16xf32>, vector<16xf32>, vector<16xf32>, vector<16xf32>, vector<16xf32>, vector<16xf32>, vector<16xf32>, vector<16xf32>, vector<16xf32>, vector<16xf32>, vector<16xf32>, vector<16xf32>, vector<16xf32>, vector<16xf32>, vector<16xf32>, vector<16xf32>, vector<16xf32>)  : i32 {
            %get3A_886 = arith.index_cast %while3A_853 : i32 to index
            %get3A_887 = arith.constant 0 : index
            %get3A_888 = tpu.vector_load %arg6[%get3A_886, %get3A_887] {strides = array<i32>} : memref<72x256xf32, #tpu.memory_space<vmem>>, vector<1x16xf32>,
            %get3A_889 = vector.shape_cast %get3A_888 : vector<1x16xf32> to vector<16xf32>
            %add3A_890 = arith.addf %while3A_854, %get3A_889 : vector<16xf32>
            %mul3A_891 = arith.mulf %get3A_889, %get3A_889 : vector<16xf32>
            %add3A_892 = arith.addf %while3A_855, %mul3A_891 : vector<16xf32>
            %get3A_893 = arith.index_cast %while3A_853 : i32 to index
            %get3A_894 = arith.constant 16 : index
            %get3A_895 = tpu.vector_load %arg6[%get3A_893, %get3A_894] {strides = array<i32>} : memref<72x256xf32, #tpu.memory_space<vmem>>, vector<1x16xf32>,
            %get3A_896 = vector.shape_cast %get3A_895 : vector<1x16xf32> to vector<16xf32>
            %add3A_897 = arith.addf %while3A_856, %get3A_896 : vector<16xf32>
            %mul3A_898 = arith.mulf %get3A_896, %get3A_896 : vector<16xf32>
            %add3A_899 = arith.addf %while3A_857, %mul3A_898 : vector<16xf32>
            %get3A_900 = arith.index_cast %while3A_853 : i32 to index
            %get3A_901 = arith.constant 32 : index
            %get3A_902 = tpu.vector_load %arg6[%get3A_900, %get3A_901] {strides = array<i32>} : memref<72x256xf32, #tpu.memory_space<vmem>>, vector<1x16xf32>,
            %get3A_903 = vector.shape_cast %get3A_902 : vector<1x16xf32> to vector<16xf32>
            %add3A_904 = arith.addf %while3A_858, %get3A_903 : vector<16xf32>
            %mul3A_905 = arith.mulf %get3A_903, %get3A_903 : vector<16xf32>
            %add3A_906 = arith.addf %while3A_859, %mul3A_905 : vector<16xf32>
            %get3A_907 = arith.index_cast %while3A_853 : i32 to index
            %get3A_908 = arith.constant 48 : index
            %get3A_909 = tpu.vector_load %arg6[%get3A_907, %get3A_908] {strides = array<i32>} : memref<72x256xf32, #tpu.memory_space<vmem>>, vector<1x16xf32>,
            %get3A_910 = vector.shape_cast %get3A_909 : vector<1x16xf32> to vector<16xf32>
            %add3A_911 = arith.addf %while3A_860, %get3A_910 : vector<16xf32>
            %mul3A_912 = arith.mulf %get3A_910, %get3A_910 : vector<16xf32>
            %add3A_913 = arith.addf %while3A_861, %mul3A_912 : vector<16xf32>
            %get3A_914 = arith.index_cast %while3A_853 : i32 to index
            %get3A_915 = arith.constant 64 : index
            %get3A_916 = tpu.vector_load %arg6[%get3A_914, %get3A_915] {strides = array<i32>} : memref<72x256xf32, #tpu.memory_space<vmem>>, vector<1x16xf32>,
            %get3A_917 = vector.shape_cast %get3A_916 : vector<1x16xf32> to vector<16xf32>
            %add3A_918 = arith.addf %while3A_862, %get3A_917 : vector<16xf32>
            %mul3A_919 = arith.mulf %get3A_917, %get3A_917 : vector<16xf32>
            %add3A_920 = arith.addf %while3A_863, %mul3A_919 : vector<16xf32>
            %get3A_921 = arith.index_cast %while3A_853 : i32 to index
            %get3A_922 = arith.constant 80 : index
            %get3A_923 = tpu.vector_load %arg6[%get3A_921, %get3A_922] {strides = array<i32>} : memref<72x256xf32, #tpu.memory_space<vmem>>, vector<1x16xf32>,
            %get3A_924 = vector.shape_cast %get3A_923 : vector<1x16xf32> to vector<16xf32>
            %add3A_925 = arith.addf %while3A_864, %get3A_924 : vector<16xf32>
            %mul3A_926 = arith.mulf %get3A_924, %get3A_924 : vector<16xf32>
            %add3A_927 = arith.addf %while3A_865, %mul3A_926 : vector<16xf32>
            %get3A_928 = arith.index_cast %while3A_853 : i32 to index
            %get3A_929 = arith.constant 96 : index
            %get3A_930 = tpu.vector_load %arg6[%get3A_928, %get3A_929] {strides = array<i32>} : memref<72x256xf32, #tpu.memory_space<vmem>>, vector<1x16xf32>,
            %get3A_931 = vector.shape_cast %get3A_930 : vector<1x16xf32> to vector<16xf32>
            %add3A_932 = arith.addf %while3A_866, %get3A_931 : vector<16xf32>
            %mul3A_933 = arith.mulf %get3A_931, %get3A_931 : vector<16xf32>
            %add3A_934 = arith.addf %while3A_867, %mul3A_933 : vector<16xf32>
            %get3A_935 = arith.index_cast %while3A_853 : i32 to index
            %get3A_936 = arith.constant 112 : index
            %get3A_937 = tpu.vector_load %arg6[%get3A_935, %get3A_936] {strides = array<i32>} : memref<72x256xf32, #tpu.memory_space<vmem>>, vector<1x16xf32>,
            %get3A_938 = vector.shape_cast %get3A_937 : vector<1x16xf32> to vector<16xf32>
            %add3A_939 = arith.addf %while3A_868, %get3A_938 : vector<16xf32>
            %mul3A_940 = arith.mulf %get3A_938, %get3A_938 : vector<16xf32>
            %add3A_941 = arith.addf %while3A_869, %mul3A_940 : vector<16xf32>
            %get3A_942 = arith.index_cast %while3A_853 : i32 to index
            %get3A_943 = arith.constant 128 : index
            %get3A_944 = tpu.vector_load %arg6[%get3A_942, %get3A_943] {strides = array<i32>} : memref<72x256xf32, #tpu.memory_space<vmem>>, vector<1x16xf32>,
            %get3A_945 = vector.shape_cast %get3A_944 : vector<1x16xf32> to vector<16xf32>
            %add3A_946 = arith.addf %while3A_870, %get3A_945 : vector<16xf32>
            %mul3A_947 = arith.mulf %get3A_945, %get3A_945 : vector<16xf32>
            %add3A_948 = arith.addf %while3A_871, %mul3A_947 : vector<16xf32>
            %get3A_949 = arith.index_cast %while3A_853 : i32 to index
            %get3A_950 = arith.constant 144 : index
            %get3A_951 = tpu.vector_load %arg6[%get3A_949, %get3A_950] {strides = array<i32>} : memref<72x256xf32, #tpu.memory_space<vmem>>, vector<1x16xf32>,
            %get3A_952 = vector.shape_cast %get3A_951 : vector<1x16xf32> to vector<16xf32>
            %add3A_953 = arith.addf %while3A_872, %get3A_952 : vector<16xf32>
            %mul3A_954 = arith.mulf %get3A_952, %get3A_952 : vector<16xf32>
            %add3A_955 = arith.addf %while3A_873, %mul3A_954 : vector<16xf32>
            %get3A_956 = arith.index_cast %while3A_853 : i32 to index
            %get3A_957 = arith.constant 160 : index
            %get3A_958 = tpu.vector_load %arg6[%get3A_956, %get3A_957] {strides = array<i32>} : memref<72x256xf32, #tpu.memory_space<vmem>>, vector<1x16xf32>,
            %get3A_959 = vector.shape_cast %get3A_958 : vector<1x16xf32> to vector<16xf32>
            %add3A_960 = arith.addf %while3A_874, %get3A_959 : vector<16xf32>
            %mul3A_961 = arith.mulf %get3A_959, %get3A_959 : vector<16xf32>
            %add3A_962 = arith.addf %while3A_875, %mul3A_961 : vector<16xf32>
            %get3A_963 = arith.index_cast %while3A_853 : i32 to index
            %get3A_964 = arith.constant 176 : index
            %get3A_965 = tpu.vector_load %arg6[%get3A_963, %get3A_964] {strides = array<i32>} : memref<72x256xf32, #tpu.memory_space<vmem>>, vector<1x16xf32>,
            %get3A_966 = vector.shape_cast %get3A_965 : vector<1x16xf32> to vector<16xf32>
            %add3A_967 = arith.addf %while3A_876, %get3A_966 : vector<16xf32>
            %mul3A_968 = arith.mulf %get3A_966, %get3A_966 : vector<16xf32>
            %add3A_969 = arith.addf %while3A_877, %mul3A_968 : vector<16xf32>
            %get3A_970 = arith.index_cast %while3A_853 : i32 to index
            %get3A_971 = arith.constant 192 : index
            %get3A_972 = tpu.vector_load %arg6[%get3A_970, %get3A_971] {strides = array<i32>} : memref<72x256xf32, #tpu.memory_space<vmem>>, vector<1x16xf32>,
            %get3A_973 = vector.shape_cast %get3A_972 : vector<1x16xf32> to vector<16xf32>
            %add3A_974 = arith.addf %while3A_878, %get3A_973 : vector<16xf32>
            %mul3A_975 = arith.mulf %get3A_973, %get3A_973 : vector<16xf32>
            %add3A_976 = arith.addf %while3A_879, %mul3A_975 : vector<16xf32>
            %get3A_977 = arith.index_cast %while3A_853 : i32 to index
            %get3A_978 = arith.constant 208 : index
            %get3A_979 = tpu.vector_load %arg6[%get3A_977, %get3A_978] {strides = array<i32>} : memref<72x256xf32, #tpu.memory_space<vmem>>, vector<1x16xf32>,
            %get3A_980 = vector.shape_cast %get3A_979 : vector<1x16xf32> to vector<16xf32>
            %add3A_981 = arith.addf %while3A_880, %get3A_980 : vector<16xf32>
            %mul3A_982 = arith.mulf %get3A_980, %get3A_980 : vector<16xf32>
            %add3A_983 = arith.addf %while3A_881, %mul3A_982 : vector<16xf32>
            %get3A_984 = arith.index_cast %while3A_853 : i32 to index
            %get3A_985 = arith.constant 224 : index
            %get3A_986 = tpu.vector_load %arg6[%get3A_984, %get3A_985] {strides = array<i32>} : memref<72x256xf32, #tpu.memory_space<vmem>>, vector<1x16xf32>,
            %get3A_987 = vector.shape_cast %get3A_986 : vector<1x16xf32> to vector<16xf32>
            %add3A_988 = arith.addf %while3A_882, %get3A_987 : vector<16xf32>
            %mul3A_989 = arith.mulf %get3A_987, %get3A_987 : vector<16xf32>
            %add3A_990 = arith.addf %while3A_883, %mul3A_989 : vector<16xf32>
            %get3A_991 = arith.index_cast %while3A_853 : i32 to index
            %get3A_992 = arith.constant 240 : index
            %get3A_993 = tpu.vector_load %arg6[%get3A_991, %get3A_992] {strides = array<i32>} : memref<72x256xf32, #tpu.memory_space<vmem>>, vector<1x16xf32>,
            %get3A_994 = vector.shape_cast %get3A_993 : vector<1x16xf32> to vector<16xf32>
            %add3A_995 = arith.addf %while3A_884, %get3A_994 : vector<16xf32>
            %mul3A_996 = arith.mulf %get3A_994, %get3A_994 : vector<16xf32>
            %add3A_997 = arith.addf %while3A_885, %mul3A_996 : vector<16xf32>
            scf.yield %add3A_890, %add3A_892, %add3A_897, %add3A_899, %add3A_904, %add3A_906, %add3A_911, %add3A_913, %add3A_918, %add3A_920, %add3A_925, %add3A_927, %add3A_932, %add3A_934, %add3A_939, %add3A_941, %add3A_946, %add3A_948, %add3A_953, %add3A_955, %add3A_960, %add3A_962, %add3A_967, %add3A_969, %add3A_974, %add3A_976, %add3A_981, %add3A_983, %add3A_988, %add3A_990, %add3A_995, %add3A_997 : vector<16xf32>, vector<16xf32>, vector<16xf32>, vector<16xf32>, vector<16xf32>, vector<16xf32>, vector<16xf32>, vector<16xf32>, vector<16xf32>, vector<16xf32>, vector<16xf32>, vector<16xf32>, vector<16xf32>, vector<16xf32>, vector<16xf32>, vector<16xf32>, vector<16xf32>, vector<16xf32>, vector<16xf32>, vector<16xf32>, vector<16xf32>, vector<16xf32>, vector<16xf32>, vector<16xf32>, vector<16xf32>, vector<16xf32>, vector<16xf32>, vector<16xf32>, vector<16xf32>, vector<16xf32>, vector<16xf32>, vector<16xf32>
          }
          %get3A_157 = arith.index_cast %scan3A_47 : i32 to index
          %get3A_158 = arith.constant 0 : index
          %get3A_159 = tpu.vector_load %arg8[%get3A_157, %get3A_158] {strides = array<i32>} : memref<16x256xf32, #tpu.memory_space<vmem>>, vector<1x16xf32>,
          %get3A_160 = vector.shape_cast %get3A_159 : vector<1x16xf32> to vector<16xf32>
          %add3A_161 = arith.addf %get3A_160, %while3A_156#0 : vector<16xf32>
          %swap3A = arith.index_cast %scan3A_47 : i32 to index
          %swap3A_162 = arith.constant 0 : index
          %swap3A_163 = tpu.vector_load %arg8[%swap3A, %swap3A_162] {strides = array<i32>} : memref<16x256xf32, #tpu.memory_space<vmem>>, vector<1x16xf32>,
          %swap3A_164 = vector.shape_cast %swap3A_163 : vector<1x16xf32> to vector<16xf32>
          %swap3A_165 = vector.shape_cast %add3A_161 : vector<16xf32> to vector<1x16xf32>
          tpu.vector_store %arg8[%swap3A, %swap3A_162], %swap3A_165 {strides = array<i32>} : memref<16x256xf32, #tpu.memory_space<vmem>>, vector<1x16xf32>,
          %get3A_166 = arith.index_cast %scan3A_47 : i32 to index
          %get3A_167 = arith.constant 0 : index
          %get3A_168 = tpu.vector_load %arg9[%get3A_166, %get3A_167] {strides = array<i32>} : memref<16x256xf32, #tpu.memory_space<vmem>>, vector<1x16xf32>,
          %get3A_169 = vector.shape_cast %get3A_168 : vector<1x16xf32> to vector<16xf32>
          %add3A_170 = arith.addf %get3A_169, %while3A_156#1 : vector<16xf32>
          %swap3A_171 = arith.index_cast %scan3A_47 : i32 to index
          %swap3A_172 = arith.constant 0 : index
          %swap3A_173 = tpu.vector_load %arg9[%swap3A_171, %swap3A_172] {strides = array<i32>} : memref<16x256xf32, #tpu.memory_space<vmem>>, vector<1x16xf32>,
          %swap3A_174 = vector.shape_cast %swap3A_173 : vector<1x16xf32> to vector<16xf32>
          %swap3A_175 = vector.shape_cast %add3A_170 : vector<16xf32> to vector<1x16xf32>
          tpu.vector_store %arg9[%swap3A_171, %swap3A_172], %swap3A_175 {strides = array<i32>} : memref<16x256xf32, #tpu.memory_space<vmem>>, vector<1x16xf32>,
          %get3A_176 = arith.index_cast %scan3A_47 : i32 to index
          %get3A_177 = arith.constant 16 : index
          %get3A_178 = tpu.vector_load %arg8[%get3A_176, %get3A_177] {strides = array<i32>} : memref<16x256xf32, #tpu.memory_space<vmem>>, vector<1x16xf32>,
          %get3A_179 = vector.shape_cast %get3A_178 : vector<1x16xf32> to vector<16xf32>
          %add3A_180 = arith.addf %get3A_179, %while3A_156#2 : vector<16xf32>
          %swap3A_181 = arith.index_cast %scan3A_47 : i32 to index
          %swap3A_182 = arith.constant 16 : index
          %swap3A_183 = tpu.vector_load %arg8[%swap3A_181, %swap3A_182] {strides = array<i32>} : memref<16x256xf32, #tpu.memory_space<vmem>>, vector<1x16xf32>,
          %swap3A_184 = vector.shape_cast %swap3A_183 : vector<1x16xf32> to vector<16xf32>
          %swap3A_185 = vector.shape_cast %add3A_180 : vector<16xf32> to vector<1x16xf32>
          tpu.vector_store %arg8[%swap3A_181, %swap3A_182], %swap3A_185 {strides = array<i32>} : memref<16x256xf32, #tpu.memory_space<vmem>>, vector<1x16xf32>,
          %get3A_186 = arith.index_cast %scan3A_47 : i32 to index
          %get3A_187 = arith.constant 16 : index
          %get3A_188 = tpu.vector_load %arg9[%get3A_186, %get3A_187] {strides = array<i32>} : memref<16x256xf32, #tpu.memory_space<vmem>>, vector<1x16xf32>,
          %get3A_189 = vector.shape_cast %get3A_188 : vector<1x16xf32> to vector<16xf32>
          %add3A_190 = arith.addf %get3A_189, %while3A_156#3 : vector<16xf32>
          %swap3A_191 = arith.index_cast %scan3A_47 : i32 to index
          %swap3A_192 = arith.constant 16 : index
          %swap3A_193 = tpu.vector_load %arg9[%swap3A_191, %swap3A_192] {strides = array<i32>} : memref<16x256xf32, #tpu.memory_space<vmem>>, vector<1x16xf32>,
          %swap3A_194 = vector.shape_cast %swap3A_193 : vector<1x16xf32> to vector<16xf32>
          %swap3A_195 = vector.shape_cast %add3A_190 : vector<16xf32> to vector<1x16xf32>
          tpu.vector_store %arg9[%swap3A_191, %swap3A_192], %swap3A_195 {strides = array<i32>} : memref<16x256xf32, #tpu.memory_space<vmem>>, vector<1x16xf32>,
          %get3A_196 = arith.index_cast %scan3A_47 : i32 to index
          %get3A_197 = arith.constant 32 : index
          %get3A_198 = tpu.vector_load %arg8[%get3A_196, %get3A_197] {strides = array<i32>} : memref<16x256xf32, #tpu.memory_space<vmem>>, vector<1x16xf32>,
          %get3A_199 = vector.shape_cast %get3A_198 : vector<1x16xf32> to vector<16xf32>
          %add3A_200 = arith.addf %get3A_199, %while3A_156#4 : vector<16xf32>
          %swap3A_201 = arith.index_cast %scan3A_47 : i32 to index
          %swap3A_202 = arith.constant 32 : index
          %swap3A_203 = tpu.vector_load %arg8[%swap3A_201, %swap3A_202] {strides = array<i32>} : memref<16x256xf32, #tpu.memory_space<vmem>>, vector<1x16xf32>,
          %swap3A_204 = vector.shape_cast %swap3A_203 : vector<1x16xf32> to vector<16xf32>
          %swap3A_205 = vector.shape_cast %add3A_200 : vector<16xf32> to vector<1x16xf32>
          tpu.vector_store %arg8[%swap3A_201, %swap3A_202], %swap3A_205 {strides = array<i32>} : memref<16x256xf32, #tpu.memory_space<vmem>>, vector<1x16xf32>,
          %get3A_206 = arith.index_cast %scan3A_47 : i32 to index
          %get3A_207 = arith.constant 32 : index
          %get3A_208 = tpu.vector_load %arg9[%get3A_206, %get3A_207] {strides = array<i32>} : memref<16x256xf32, #tpu.memory_space<vmem>>, vector<1x16xf32>,
          %get3A_209 = vector.shape_cast %get3A_208 : vector<1x16xf32> to vector<16xf32>
          %add3A_210 = arith.addf %get3A_209, %while3A_156#5 : vector<16xf32>
          %swap3A_211 = arith.index_cast %scan3A_47 : i32 to index
          %swap3A_212 = arith.constant 32 : index
          %swap3A_213 = tpu.vector_load %arg9[%swap3A_211, %swap3A_212] {strides = array<i32>} : memref<16x256xf32, #tpu.memory_space<vmem>>, vector<1x16xf32>,
          %swap3A_214 = vector.shape_cast %swap3A_213 : vector<1x16xf32> to vector<16xf32>
          %swap3A_215 = vector.shape_cast %add3A_210 : vector<16xf32> to vector<1x16xf32>
          tpu.vector_store %arg9[%swap3A_211, %swap3A_212], %swap3A_215 {strides = array<i32>} : memref<16x256xf32, #tpu.memory_space<vmem>>, vector<1x16xf32>,
          %get3A_216 = arith.index_cast %scan3A_47 : i32 to index
          %get3A_217 = arith.constant 48 : index
          %get3A_218 = tpu.vector_load %arg8[%get3A_216, %get3A_217] {strides = array<i32>} : memref<16x256xf32, #tpu.memory_space<vmem>>, vector<1x16xf32>,
          %get3A_219 = vector.shape_cast %get3A_218 : vector<1x16xf32> to vector<16xf32>
          %add3A_220 = arith.addf %get3A_219, %while3A_156#6 : vector<16xf32>
          %swap3A_221 = arith.index_cast %scan3A_47 : i32 to index
          %swap3A_222 = arith.constant 48 : index
          %swap3A_223 = tpu.vector_load %arg8[%swap3A_221, %swap3A_222] {strides = array<i32>} : memref<16x256xf32, #tpu.memory_space<vmem>>, vector<1x16xf32>,
          %swap3A_224 = vector.shape_cast %swap3A_223 : vector<1x16xf32> to vector<16xf32>
          %swap3A_225 = vector.shape_cast %add3A_220 : vector<16xf32> to vector<1x16xf32>
          tpu.vector_store %arg8[%swap3A_221, %swap3A_222], %swap3A_225 {strides = array<i32>} : memref<16x256xf32, #tpu.memory_space<vmem>>, vector<1x16xf32>,
          %get3A_226 = arith.index_cast %scan3A_47 : i32 to index
          %get3A_227 = arith.constant 48 : index
          %get3A_228 = tpu.vector_load %arg9[%get3A_226, %get3A_227] {strides = array<i32>} : memref<16x256xf32, #tpu.memory_space<vmem>>, vector<1x16xf32>,
          %get3A_229 = vector.shape_cast %get3A_228 : vector<1x16xf32> to vector<16xf32>
          %add3A_230 = arith.addf %get3A_229, %while3A_156#7 : vector<16xf32>
          %swap3A_231 = arith.index_cast %scan3A_47 : i32 to index
          %swap3A_232 = arith.constant 48 : index
          %swap3A_233 = tpu.vector_load %arg9[%swap3A_231, %swap3A_232] {strides = array<i32>} : memref<16x256xf32, #tpu.memory_space<vmem>>, vector<1x16xf32>,
          %swap3A_234 = vector.shape_cast %swap3A_233 : vector<1x16xf32> to vector<16xf32>
          %swap3A_235 = vector.shape_cast %add3A_230 : vector<16xf32> to vector<1x16xf32>
          tpu.vector_store %arg9[%swap3A_231, %swap3A_232], %swap3A_235 {strides = array<i32>} : memref<16x256xf32, #tpu.memory_space<vmem>>, vector<1x16xf32>,
          %get3A_236 = arith.index_cast %scan3A_47 : i32 to index
          %get3A_237 = arith.constant 64 : index
          %get3A_238 = tpu.vector_load %arg8[%get3A_236, %get3A_237] {strides = array<i32>} : memref<16x256xf32, #tpu.memory_space<vmem>>, vector<1x16xf32>,
          %get3A_239 = vector.shape_cast %get3A_238 : vector<1x16xf32> to vector<16xf32>
          %add3A_240 = arith.addf %get3A_239, %while3A_156#8 : vector<16xf32>
          %swap3A_241 = arith.index_cast %scan3A_47 : i32 to index
          %swap3A_242 = arith.constant 64 : index
          %swap3A_243 = tpu.vector_load %arg8[%swap3A_241, %swap3A_242] {strides = array<i32>} : memref<16x256xf32, #tpu.memory_space<vmem>>, vector<1x16xf32>,
          %swap3A_244 = vector.shape_cast %swap3A_243 : vector<1x16xf32> to vector<16xf32>
          %swap3A_245 = vector.shape_cast %add3A_240 : vector<16xf32> to vector<1x16xf32>
          tpu.vector_store %arg8[%swap3A_241, %swap3A_242], %swap3A_245 {strides = array<i32>} : memref<16x256xf32, #tpu.memory_space<vmem>>, vector<1x16xf32>,
          %get3A_246 = arith.index_cast %scan3A_47 : i32 to index
          %get3A_247 = arith.constant 64 : index
          %get3A_248 = tpu.vector_load %arg9[%get3A_246, %get3A_247] {strides = array<i32>} : memref<16x256xf32, #tpu.memory_space<vmem>>, vector<1x16xf32>,
          %get3A_249 = vector.shape_cast %get3A_248 : vector<1x16xf32> to vector<16xf32>
          %add3A_250 = arith.addf %get3A_249, %while3A_156#9 : vector<16xf32>
          %swap3A_251 = arith.index_cast %scan3A_47 : i32 to index
          %swap3A_252 = arith.constant 64 : index
          %swap3A_253 = tpu.vector_load %arg9[%swap3A_251, %swap3A_252] {strides = array<i32>} : memref<16x256xf32, #tpu.memory_space<vmem>>, vector<1x16xf32>,
          %swap3A_254 = vector.shape_cast %swap3A_253 : vector<1x16xf32> to vector<16xf32>
          %swap3A_255 = vector.shape_cast %add3A_250 : vector<16xf32> to vector<1x16xf32>
          tpu.vector_store %arg9[%swap3A_251, %swap3A_252], %swap3A_255 {strides = array<i32>} : memref<16x256xf32, #tpu.memory_space<vmem>>, vector<1x16xf32>,
          %get3A_256 = arith.index_cast %scan3A_47 : i32 to index
          %get3A_257 = arith.constant 80 : index
          %get3A_258 = tpu.vector_load %arg8[%get3A_256, %get3A_257] {strides = array<i32>} : memref<16x256xf32, #tpu.memory_space<vmem>>, vector<1x16xf32>,
          %get3A_259 = vector.shape_cast %get3A_258 : vector<1x16xf32> to vector<16xf32>
          %add3A_260 = arith.addf %get3A_259, %while3A_156#10 : vector<16xf32>
          %swap3A_261 = arith.index_cast %scan3A_47 : i32 to index
          %swap3A_262 = arith.constant 80 : index
          %swap3A_263 = tpu.vector_load %arg8[%swap3A_261, %swap3A_262] {strides = array<i32>} : memref<16x256xf32, #tpu.memory_space<vmem>>, vector<1x16xf32>,
          %swap3A_264 = vector.shape_cast %swap3A_263 : vector<1x16xf32> to vector<16xf32>
          %swap3A_265 = vector.shape_cast %add3A_260 : vector<16xf32> to vector<1x16xf32>
          tpu.vector_store %arg8[%swap3A_261, %swap3A_262], %swap3A_265 {strides = array<i32>} : memref<16x256xf32, #tpu.memory_space<vmem>>, vector<1x16xf32>,
          %get3A_266 = arith.index_cast %scan3A_47 : i32 to index
          %get3A_267 = arith.constant 80 : index
          %get3A_268 = tpu.vector_load %arg9[%get3A_266, %get3A_267] {strides = array<i32>} : memref<16x256xf32, #tpu.memory_space<vmem>>, vector<1x16xf32>,
          %get3A_269 = vector.shape_cast %get3A_268 : vector<1x16xf32> to vector<16xf32>
          %add3A_270 = arith.addf %get3A_269, %while3A_156#11 : vector<16xf32>
          %swap3A_271 = arith.index_cast %scan3A_47 : i32 to index
          %swap3A_272 = arith.constant 80 : index
          %swap3A_273 = tpu.vector_load %arg9[%swap3A_271, %swap3A_272] {strides = array<i32>} : memref<16x256xf32, #tpu.memory_space<vmem>>, vector<1x16xf32>,
          %swap3A_274 = vector.shape_cast %swap3A_273 : vector<1x16xf32> to vector<16xf32>
          %swap3A_275 = vector.shape_cast %add3A_270 : vector<16xf32> to vector<1x16xf32>
          tpu.vector_store %arg9[%swap3A_271, %swap3A_272], %swap3A_275 {strides = array<i32>} : memref<16x256xf32, #tpu.memory_space<vmem>>, vector<1x16xf32>,
          %get3A_276 = arith.index_cast %scan3A_47 : i32 to index
          %get3A_277 = arith.constant 96 : index
          %get3A_278 = tpu.vector_load %arg8[%get3A_276, %get3A_277] {strides = array<i32>} : memref<16x256xf32, #tpu.memory_space<vmem>>, vector<1x16xf32>,
          %get3A_279 = vector.shape_cast %get3A_278 : vector<1x16xf32> to vector<16xf32>
          %add3A_280 = arith.addf %get3A_279, %while3A_156#12 : vector<16xf32>
          %swap3A_281 = arith.index_cast %scan3A_47 : i32 to index
          %swap3A_282 = arith.constant 96 : index
          %swap3A_283 = tpu.vector_load %arg8[%swap3A_281, %swap3A_282] {strides = array<i32>} : memref<16x256xf32, #tpu.memory_space<vmem>>, vector<1x16xf32>,
          %swap3A_284 = vector.shape_cast %swap3A_283 : vector<1x16xf32> to vector<16xf32>
          %swap3A_285 = vector.shape_cast %add3A_280 : vector<16xf32> to vector<1x16xf32>
          tpu.vector_store %arg8[%swap3A_281, %swap3A_282], %swap3A_285 {strides = array<i32>} : memref<16x256xf32, #tpu.memory_space<vmem>>, vector<1x16xf32>,
          %get3A_286 = arith.index_cast %scan3A_47 : i32 to index
          %get3A_287 = arith.constant 96 : index
          %get3A_288 = tpu.vector_load %arg9[%get3A_286, %get3A_287] {strides = array<i32>} : memref<16x256xf32, #tpu.memory_space<vmem>>, vector<1x16xf32>,
          %get3A_289 = vector.shape_cast %get3A_288 : vector<1x16xf32> to vector<16xf32>
          %add3A_290 = arith.addf %get3A_289, %while3A_156#13 : vector<16xf32>
          %swap3A_291 = arith.index_cast %scan3A_47 : i32 to index
          %swap3A_292 = arith.constant 96 : index
          %swap3A_293 = tpu.vector_load %arg9[%swap3A_291, %swap3A_292] {strides = array<i32>} : memref<16x256xf32, #tpu.memory_space<vmem>>, vector<1x16xf32>,
          %swap3A_294 = vector.shape_cast %swap3A_293 : vector<1x16xf32> to vector<16xf32>
          %swap3A_295 = vector.shape_cast %add3A_290 : vector<16xf32> to vector<1x16xf32>
          tpu.vector_store %arg9[%swap3A_291, %swap3A_292], %swap3A_295 {strides = array<i32>} : memref<16x256xf32, #tpu.memory_space<vmem>>, vector<1x16xf32>,
          %get3A_296 = arith.index_cast %scan3A_47 : i32 to index
          %get3A_297 = arith.constant 112 : index
          %get3A_298 = tpu.vector_load %arg8[%get3A_296, %get3A_297] {strides = array<i32>} : memref<16x256xf32, #tpu.memory_space<vmem>>, vector<1x16xf32>,
          %get3A_299 = vector.shape_cast %get3A_298 : vector<1x16xf32> to vector<16xf32>
          %add3A_300 = arith.addf %get3A_299, %while3A_156#14 : vector<16xf32>
          %swap3A_301 = arith.index_cast %scan3A_47 : i32 to index
          %swap3A_302 = arith.constant 112 : index
          %swap3A_303 = tpu.vector_load %arg8[%swap3A_301, %swap3A_302] {strides = array<i32>} : memref<16x256xf32, #tpu.memory_space<vmem>>, vector<1x16xf32>,
          %swap3A_304 = vector.shape_cast %swap3A_303 : vector<1x16xf32> to vector<16xf32>
          %swap3A_305 = vector.shape_cast %add3A_300 : vector<16xf32> to vector<1x16xf32>
          tpu.vector_store %arg8[%swap3A_301, %swap3A_302], %swap3A_305 {strides = array<i32>} : memref<16x256xf32, #tpu.memory_space<vmem>>, vector<1x16xf32>,
          %get3A_306 = arith.index_cast %scan3A_47 : i32 to index
          %get3A_307 = arith.constant 112 : index
          %get3A_308 = tpu.vector_load %arg9[%get3A_306, %get3A_307] {strides = array<i32>} : memref<16x256xf32, #tpu.memory_space<vmem>>, vector<1x16xf32>,
          %get3A_309 = vector.shape_cast %get3A_308 : vector<1x16xf32> to vector<16xf32>
          %add3A_310 = arith.addf %get3A_309, %while3A_156#15 : vector<16xf32>
          %swap3A_311 = arith.index_cast %scan3A_47 : i32 to index
          %swap3A_312 = arith.constant 112 : index
          %swap3A_313 = tpu.vector_load %arg9[%swap3A_311, %swap3A_312] {strides = array<i32>} : memref<16x256xf32, #tpu.memory_space<vmem>>, vector<1x16xf32>,
          %swap3A_314 = vector.shape_cast %swap3A_313 : vector<1x16xf32> to vector<16xf32>
          %swap3A_315 = vector.shape_cast %add3A_310 : vector<16xf32> to vector<1x16xf32>
          tpu.vector_store %arg9[%swap3A_311, %swap3A_312], %swap3A_315 {strides = array<i32>} : memref<16x256xf32, #tpu.memory_space<vmem>>, vector<1x16xf32>,
          %get3A_316 = arith.index_cast %scan3A_47 : i32 to index
          %get3A_317 = arith.constant 128 : index
          %get3A_318 = tpu.vector_load %arg8[%get3A_316, %get3A_317] {strides = array<i32>} : memref<16x256xf32, #tpu.memory_space<vmem>>, vector<1x16xf32>,
          %get3A_319 = vector.shape_cast %get3A_318 : vector<1x16xf32> to vector<16xf32>
          %add3A_320 = arith.addf %get3A_319, %while3A_156#16 : vector<16xf32>
          %swap3A_321 = arith.index_cast %scan3A_47 : i32 to index
          %swap3A_322 = arith.constant 128 : index
          %swap3A_323 = tpu.vector_load %arg8[%swap3A_321, %swap3A_322] {strides = array<i32>} : memref<16x256xf32, #tpu.memory_space<vmem>>, vector<1x16xf32>,
          %swap3A_324 = vector.shape_cast %swap3A_323 : vector<1x16xf32> to vector<16xf32>
          %swap3A_325 = vector.shape_cast %add3A_320 : vector<16xf32> to vector<1x16xf32>
          tpu.vector_store %arg8[%swap3A_321, %swap3A_322], %swap3A_325 {strides = array<i32>} : memref<16x256xf32, #tpu.memory_space<vmem>>, vector<1x16xf32>,
          %get3A_326 = arith.index_cast %scan3A_47 : i32 to index
          %get3A_327 = arith.constant 128 : index
          %get3A_328 = tpu.vector_load %arg9[%get3A_326, %get3A_327] {strides = array<i32>} : memref<16x256xf32, #tpu.memory_space<vmem>>, vector<1x16xf32>,
          %get3A_329 = vector.shape_cast %get3A_328 : vector<1x16xf32> to vector<16xf32>
          %add3A_330 = arith.addf %get3A_329, %while3A_156#17 : vector<16xf32>
          %swap3A_331 = arith.index_cast %scan3A_47 : i32 to index
          %swap3A_332 = arith.constant 128 : index
          %swap3A_333 = tpu.vector_load %arg9[%swap3A_331, %swap3A_332] {strides = array<i32>} : memref<16x256xf32, #tpu.memory_space<vmem>>, vector<1x16xf32>,
          %swap3A_334 = vector.shape_cast %swap3A_333 : vector<1x16xf32> to vector<16xf32>
          %swap3A_335 = vector.shape_cast %add3A_330 : vector<16xf32> to vector<1x16xf32>
          tpu.vector_store %arg9[%swap3A_331, %swap3A_332], %swap3A_335 {strides = array<i32>} : memref<16x256xf32, #tpu.memory_space<vmem>>, vector<1x16xf32>,
          %get3A_336 = arith.index_cast %scan3A_47 : i32 to index
          %get3A_337 = arith.constant 144 : index
          %get3A_338 = tpu.vector_load %arg8[%get3A_336, %get3A_337] {strides = array<i32>} : memref<16x256xf32, #tpu.memory_space<vmem>>, vector<1x16xf32>,
          %get3A_339 = vector.shape_cast %get3A_338 : vector<1x16xf32> to vector<16xf32>
          %add3A_340 = arith.addf %get3A_339, %while3A_156#18 : vector<16xf32>
          %swap3A_341 = arith.index_cast %scan3A_47 : i32 to index
          %swap3A_342 = arith.constant 144 : index
          %swap3A_343 = tpu.vector_load %arg8[%swap3A_341, %swap3A_342] {strides = array<i32>} : memref<16x256xf32, #tpu.memory_space<vmem>>, vector<1x16xf32>,
          %swap3A_344 = vector.shape_cast %swap3A_343 : vector<1x16xf32> to vector<16xf32>
          %swap3A_345 = vector.shape_cast %add3A_340 : vector<16xf32> to vector<1x16xf32>
          tpu.vector_store %arg8[%swap3A_341, %swap3A_342], %swap3A_345 {strides = array<i32>} : memref<16x256xf32, #tpu.memory_space<vmem>>, vector<1x16xf32>,
          %get3A_346 = arith.index_cast %scan3A_47 : i32 to index
          %get3A_347 = arith.constant 144 : index
          %get3A_348 = tpu.vector_load %arg9[%get3A_346, %get3A_347] {strides = array<i32>} : memref<16x256xf32, #tpu.memory_space<vmem>>, vector<1x16xf32>,
          %get3A_349 = vector.shape_cast %get3A_348 : vector<1x16xf32> to vector<16xf32>
          %add3A_350 = arith.addf %get3A_349, %while3A_156#19 : vector<16xf32>
          %swap3A_351 = arith.index_cast %scan3A_47 : i32 to index
          %swap3A_352 = arith.constant 144 : index
          %swap3A_353 = tpu.vector_load %arg9[%swap3A_351, %swap3A_352] {strides = array<i32>} : memref<16x256xf32, #tpu.memory_space<vmem>>, vector<1x16xf32>,
          %swap3A_354 = vector.shape_cast %swap3A_353 : vector<1x16xf32> to vector<16xf32>
          %swap3A_355 = vector.shape_cast %add3A_350 : vector<16xf32> to vector<1x16xf32>
          tpu.vector_store %arg9[%swap3A_351, %swap3A_352], %swap3A_355 {strides = array<i32>} : memref<16x256xf32, #tpu.memory_space<vmem>>, vector<1x16xf32>,
          %get3A_356 = arith.index_cast %scan3A_47 : i32 to index
          %get3A_357 = arith.constant 160 : index
          %get3A_358 = tpu.vector_load %arg8[%get3A_356, %get3A_357] {strides = array<i32>} : memref<16x256xf32, #tpu.memory_space<vmem>>, vector<1x16xf32>,
          %get3A_359 = vector.shape_cast %get3A_358 : vector<1x16xf32> to vector<16xf32>
          %add3A_360 = arith.addf %get3A_359, %while3A_156#20 : vector<16xf32>
          %swap3A_361 = arith.index_cast %scan3A_47 : i32 to index
          %swap3A_362 = arith.constant 160 : index
          %swap3A_363 = tpu.vector_load %arg8[%swap3A_361, %swap3A_362] {strides = array<i32>} : memref<16x256xf32, #tpu.memory_space<vmem>>, vector<1x16xf32>,
          %swap3A_364 = vector.shape_cast %swap3A_363 : vector<1x16xf32> to vector<16xf32>
          %swap3A_365 = vector.shape_cast %add3A_360 : vector<16xf32> to vector<1x16xf32>
          tpu.vector_store %arg8[%swap3A_361, %swap3A_362], %swap3A_365 {strides = array<i32>} : memref<16x256xf32, #tpu.memory_space<vmem>>, vector<1x16xf32>,
          %get3A_366 = arith.index_cast %scan3A_47 : i32 to index
          %get3A_367 = arith.constant 160 : index
          %get3A_368 = tpu.vector_load %arg9[%get3A_366, %get3A_367] {strides = array<i32>} : memref<16x256xf32, #tpu.memory_space<vmem>>, vector<1x16xf32>,
          %get3A_369 = vector.shape_cast %get3A_368 : vector<1x16xf32> to vector<16xf32>
          %add3A_370 = arith.addf %get3A_369, %while3A_156#21 : vector<16xf32>
          %swap3A_371 = arith.index_cast %scan3A_47 : i32 to index
          %swap3A_372 = arith.constant 160 : index
          %swap3A_373 = tpu.vector_load %arg9[%swap3A_371, %swap3A_372] {strides = array<i32>} : memref<16x256xf32, #tpu.memory_space<vmem>>, vector<1x16xf32>,
          %swap3A_374 = vector.shape_cast %swap3A_373 : vector<1x16xf32> to vector<16xf32>
          %swap3A_375 = vector.shape_cast %add3A_370 : vector<16xf32> to vector<1x16xf32>
          tpu.vector_store %arg9[%swap3A_371, %swap3A_372], %swap3A_375 {strides = array<i32>} : memref<16x256xf32, #tpu.memory_space<vmem>>, vector<1x16xf32>,
          %get3A_376 = arith.index_cast %scan3A_47 : i32 to index
          %get3A_377 = arith.constant 176 : index
          %get3A_378 = tpu.vector_load %arg8[%get3A_376, %get3A_377] {strides = array<i32>} : memref<16x256xf32, #tpu.memory_space<vmem>>, vector<1x16xf32>,
          %get3A_379 = vector.shape_cast %get3A_378 : vector<1x16xf32> to vector<16xf32>
          %add3A_380 = arith.addf %get3A_379, %while3A_156#22 : vector<16xf32>
          %swap3A_381 = arith.index_cast %scan3A_47 : i32 to index
          %swap3A_382 = arith.constant 176 : index
          %swap3A_383 = tpu.vector_load %arg8[%swap3A_381, %swap3A_382] {strides = array<i32>} : memref<16x256xf32, #tpu.memory_space<vmem>>, vector<1x16xf32>,
          %swap3A_384 = vector.shape_cast %swap3A_383 : vector<1x16xf32> to vector<16xf32>
          %swap3A_385 = vector.shape_cast %add3A_380 : vector<16xf32> to vector<1x16xf32>
          tpu.vector_store %arg8[%swap3A_381, %swap3A_382], %swap3A_385 {strides = array<i32>} : memref<16x256xf32, #tpu.memory_space<vmem>>, vector<1x16xf32>,
          %get3A_386 = arith.index_cast %scan3A_47 : i32 to index
          %get3A_387 = arith.constant 176 : index
          %get3A_388 = tpu.vector_load %arg9[%get3A_386, %get3A_387] {strides = array<i32>} : memref<16x256xf32, #tpu.memory_space<vmem>>, vector<1x16xf32>,
          %get3A_389 = vector.shape_cast %get3A_388 : vector<1x16xf32> to vector<16xf32>
          %add3A_390 = arith.addf %get3A_389, %while3A_156#23 : vector<16xf32>
          %swap3A_391 = arith.index_cast %scan3A_47 : i32 to index
          %swap3A_392 = arith.constant 176 : index
          %swap3A_393 = tpu.vector_load %arg9[%swap3A_391, %swap3A_392] {strides = array<i32>} : memref<16x256xf32, #tpu.memory_space<vmem>>, vector<1x16xf32>,
          %swap3A_394 = vector.shape_cast %swap3A_393 : vector<1x16xf32> to vector<16xf32>
          %swap3A_395 = vector.shape_cast %add3A_390 : vector<16xf32> to vector<1x16xf32>
          tpu.vector_store %arg9[%swap3A_391, %swap3A_392], %swap3A_395 {strides = array<i32>} : memref<16x256xf32, #tpu.memory_space<vmem>>, vector<1x16xf32>,
          %get3A_396 = arith.index_cast %scan3A_47 : i32 to index
          %get3A_397 = arith.constant 192 : index
          %get3A_398 = tpu.vector_load %arg8[%get3A_396, %get3A_397] {strides = array<i32>} : memref<16x256xf32, #tpu.memory_space<vmem>>, vector<1x16xf32>,
          %get3A_399 = vector.shape_cast %get3A_398 : vector<1x16xf32> to vector<16xf32>
          %add3A_400 = arith.addf %get3A_399, %while3A_156#24 : vector<16xf32>
          %swap3A_401 = arith.index_cast %scan3A_47 : i32 to index
          %swap3A_402 = arith.constant 192 : index
          %swap3A_403 = tpu.vector_load %arg8[%swap3A_401, %swap3A_402] {strides = array<i32>} : memref<16x256xf32, #tpu.memory_space<vmem>>, vector<1x16xf32>,
          %swap3A_404 = vector.shape_cast %swap3A_403 : vector<1x16xf32> to vector<16xf32>
          %swap3A_405 = vector.shape_cast %add3A_400 : vector<16xf32> to vector<1x16xf32>
          tpu.vector_store %arg8[%swap3A_401, %swap3A_402], %swap3A_405 {strides = array<i32>} : memref<16x256xf32, #tpu.memory_space<vmem>>, vector<1x16xf32>,
          %get3A_406 = arith.index_cast %scan3A_47 : i32 to index
          %get3A_407 = arith.constant 192 : index
          %get3A_408 = tpu.vector_load %arg9[%get3A_406, %get3A_407] {strides = array<i32>} : memref<16x256xf32, #tpu.memory_space<vmem>>, vector<1x16xf32>,
          %get3A_409 = vector.shape_cast %get3A_408 : vector<1x16xf32> to vector<16xf32>
          %add3A_410 = arith.addf %get3A_409, %while3A_156#25 : vector<16xf32>
          %swap3A_411 = arith.index_cast %scan3A_47 : i32 to index
          %swap3A_412 = arith.constant 192 : index
          %swap3A_413 = tpu.vector_load %arg9[%swap3A_411, %swap3A_412] {strides = array<i32>} : memref<16x256xf32, #tpu.memory_space<vmem>>, vector<1x16xf32>,
          %swap3A_414 = vector.shape_cast %swap3A_413 : vector<1x16xf32> to vector<16xf32>
          %swap3A_415 = vector.shape_cast %add3A_410 : vector<16xf32> to vector<1x16xf32>
          tpu.vector_store %arg9[%swap3A_411, %swap3A_412], %swap3A_415 {strides = array<i32>} : memref<16x256xf32, #tpu.memory_space<vmem>>, vector<1x16xf32>,
          %get3A_416 = arith.index_cast %scan3A_47 : i32 to index
          %get3A_417 = arith.constant 208 : index
          %get3A_418 = tpu.vector_load %arg8[%get3A_416, %get3A_417] {strides = array<i32>} : memref<16x256xf32, #tpu.memory_space<vmem>>, vector<1x16xf32>,
          %get3A_419 = vector.shape_cast %get3A_418 : vector<1x16xf32> to vector<16xf32>
          %add3A_420 = arith.addf %get3A_419, %while3A_156#26 : vector<16xf32>
          %swap3A_421 = arith.index_cast %scan3A_47 : i32 to index
          %swap3A_422 = arith.constant 208 : index
          %swap3A_423 = tpu.vector_load %arg8[%swap3A_421, %swap3A_422] {strides = array<i32>} : memref<16x256xf32, #tpu.memory_space<vmem>>, vector<1x16xf32>,
          %swap3A_424 = vector.shape_cast %swap3A_423 : vector<1x16xf32> to vector<16xf32>
          %swap3A_425 = vector.shape_cast %add3A_420 : vector<16xf32> to vector<1x16xf32>
          tpu.vector_store %arg8[%swap3A_421, %swap3A_422], %swap3A_425 {strides = array<i32>} : memref<16x256xf32, #tpu.memory_space<vmem>>, vector<1x16xf32>,
          %get3A_426 = arith.index_cast %scan3A_47 : i32 to index
          %get3A_427 = arith.constant 208 : index
          %get3A_428 = tpu.vector_load %arg9[%get3A_426, %get3A_427] {strides = array<i32>} : memref<16x256xf32, #tpu.memory_space<vmem>>, vector<1x16xf32>,
          %get3A_429 = vector.shape_cast %get3A_428 : vector<1x16xf32> to vector<16xf32>
          %add3A_430 = arith.addf %get3A_429, %while3A_156#27 : vector<16xf32>
          %swap3A_431 = arith.index_cast %scan3A_47 : i32 to index
          %swap3A_432 = arith.constant 208 : index
          %swap3A_433 = tpu.vector_load %arg9[%swap3A_431, %swap3A_432] {strides = array<i32>} : memref<16x256xf32, #tpu.memory_space<vmem>>, vector<1x16xf32>,
          %swap3A_434 = vector.shape_cast %swap3A_433 : vector<1x16xf32> to vector<16xf32>
          %swap3A_435 = vector.shape_cast %add3A_430 : vector<16xf32> to vector<1x16xf32>
          tpu.vector_store %arg9[%swap3A_431, %swap3A_432], %swap3A_435 {strides = array<i32>} : memref<16x256xf32, #tpu.memory_space<vmem>>, vector<1x16xf32>,
          %get3A_436 = arith.index_cast %scan3A_47 : i32 to index
          %get3A_437 = arith.constant 224 : index
          %get3A_438 = tpu.vector_load %arg8[%get3A_436, %get3A_437] {strides = array<i32>} : memref<16x256xf32, #tpu.memory_space<vmem>>, vector<1x16xf32>,
          %get3A_439 = vector.shape_cast %get3A_438 : vector<1x16xf32> to vector<16xf32>
          %add3A_440 = arith.addf %get3A_439, %while3A_156#28 : vector<16xf32>
          %swap3A_441 = arith.index_cast %scan3A_47 : i32 to index
          %swap3A_442 = arith.constant 224 : index
          %swap3A_443 = tpu.vector_load %arg8[%swap3A_441, %swap3A_442] {strides = array<i32>} : memref<16x256xf32, #tpu.memory_space<vmem>>, vector<1x16xf32>,
          %swap3A_444 = vector.shape_cast %swap3A_443 : vector<1x16xf32> to vector<16xf32>
          %swap3A_445 = vector.shape_cast %add3A_440 : vector<16xf32> to vector<1x16xf32>
          tpu.vector_store %arg8[%swap3A_441, %swap3A_442], %swap3A_445 {strides = array<i32>} : memref<16x256xf32, #tpu.memory_space<vmem>>, vector<1x16xf32>,
          %get3A_446 = arith.index_cast %scan3A_47 : i32 to index
          %get3A_447 = arith.constant 224 : index
          %get3A_448 = tpu.vector_load %arg9[%get3A_446, %get3A_447] {strides = array<i32>} : memref<16x256xf32, #tpu.memory_space<vmem>>, vector<1x16xf32>,
          %get3A_449 = vector.shape_cast %get3A_448 : vector<1x16xf32> to vector<16xf32>
          %add3A_450 = arith.addf %get3A_449, %while3A_156#29 : vector<16xf32>
          %swap3A_451 = arith.index_cast %scan3A_47 : i32 to index
          %swap3A_452 = arith.constant 224 : index
          %swap3A_453 = tpu.vector_load %arg9[%swap3A_451, %swap3A_452] {strides = array<i32>} : memref<16x256xf32, #tpu.memory_space<vmem>>, vector<1x16xf32>,
          %swap3A_454 = vector.shape_cast %swap3A_453 : vector<1x16xf32> to vector<16xf32>
          %swap3A_455 = vector.shape_cast %add3A_450 : vector<16xf32> to vector<1x16xf32>
          tpu.vector_store %arg9[%swap3A_451, %swap3A_452], %swap3A_455 {strides = array<i32>} : memref<16x256xf32, #tpu.memory_space<vmem>>, vector<1x16xf32>,
          %get3A_456 = arith.index_cast %scan3A_47 : i32 to index
          %get3A_457 = arith.constant 240 : index
          %get3A_458 = tpu.vector_load %arg8[%get3A_456, %get3A_457] {strides = array<i32>} : memref<16x256xf32, #tpu.memory_space<vmem>>, vector<1x16xf32>,
          %get3A_459 = vector.shape_cast %get3A_458 : vector<1x16xf32> to vector<16xf32>
          %add3A_460 = arith.addf %get3A_459, %while3A_156#30 : vector<16xf32>
          %swap3A_461 = arith.index_cast %scan3A_47 : i32 to index
          %swap3A_462 = arith.constant 240 : index
          %swap3A_463 = tpu.vector_load %arg8[%swap3A_461, %swap3A_462] {strides = array<i32>} : memref<16x256xf32, #tpu.memory_space<vmem>>, vector<1x16xf32>,
          %swap3A_464 = vector.shape_cast %swap3A_463 : vector<1x16xf32> to vector<16xf32>
          %swap3A_465 = vector.shape_cast %add3A_460 : vector<16xf32> to vector<1x16xf32>
          tpu.vector_store %arg8[%swap3A_461, %swap3A_462], %swap3A_465 {strides = array<i32>} : memref<16x256xf32, #tpu.memory_space<vmem>>, vector<1x16xf32>,
          %get3A_466 = arith.index_cast %scan3A_47 : i32 to index
          %get3A_467 = arith.constant 240 : index
          %get3A_468 = tpu.vector_load %arg9[%get3A_466, %get3A_467] {strides = array<i32>} : memref<16x256xf32, #tpu.memory_space<vmem>>, vector<1x16xf32>,
          %get3A_469 = vector.shape_cast %get3A_468 : vector<1x16xf32> to vector<16xf32>
          %add3A_470 = arith.addf %get3A_469, %while3A_156#31 : vector<16xf32>
          %swap3A_471 = arith.index_cast %scan3A_47 : i32 to index
          %swap3A_472 = arith.constant 240 : index
          %swap3A_473 = tpu.vector_load %arg9[%swap3A_471, %swap3A_472] {strides = array<i32>} : memref<16x256xf32, #tpu.memory_space<vmem>>, vector<1x16xf32>,
          %swap3A_474 = vector.shape_cast %swap3A_473 : vector<1x16xf32> to vector<16xf32>
          %swap3A_475 = vector.shape_cast %add3A_470 : vector<16xf32> to vector<1x16xf32>
          tpu.vector_store %arg9[%swap3A_471, %swap3A_472], %swap3A_475 {strides = array<i32>} : memref<16x256xf32, #tpu.memory_space<vmem>>, vector<1x16xf32>,
          %add3A_476 = arith.constant 0 : i32
          %add3A_477 = arith.addi %max3A, %add3A_476 : i32
          %and3A_478 = arith.constant -8 : i32
          %and3A_479 = arith.andi %add3A_477, %and3A_478 : i32
          %min3A_480 = arith.constant 32696 : i32
          %min3A_481 = arith.minsi %and3A_479, %min3A_480 : i32
          %multiple_of3A_482 = tpu.assume_multiple %min3A_481, 8 : i32
          %dma_wait3A_483 = arith.constant 0 : i32
          %dma_wait3A_484 = tpu.memref_slice %arg2[%multiple_of3A_482, %dma_wait3A_483] : memref<32768x256xf32, #tpu.memory_space<hbm>> -> memref<72x256xf32, #tpu.memory_space<hbm>>
          %dma_wait3A_485 = arith.constant 0 : i32
          %dma_wait3A_486 = tpu.memref_slice %arg2[%multiple_of3A_482, %dma_wait3A_485] : memref<32768x256xf32, #tpu.memory_space<hbm>> -> memref<72x256xf32, #tpu.memory_space<hbm>>
          tpu.wait_dma2 semaphore(%arg12 : memref<!tpu.dma_semaphore, #tpu.memory_space<semaphore_mem>>) src(%dma_wait3A_486 : memref<72x256xf32, #tpu.memory_space<hbm>>) dst(%arg7 : memref<72x256xf32, #tpu.memory_space<vmem>>)
          %add3A_487 = arith.constant 2 : i32
          %add3A_488 = arith.addi %mul3A_101, %add3A_487 : i32
          %sub3A_489 = arith.constant 1 : i32
          %sub3A_490 = arith.subi %shift_right_arithmetic3A_63, %sub3A_489 : i32
          %min3A_491 = arith.minsi %add3A_488, %sub3A_490 : i32
          %mul3A_492 = arith.constant 64 : i32
          %mul3A_493 = arith.muli %min3A_491, %mul3A_492 : i32
          %add3A_494 = arith.addi %max3A, %mul3A_493 : i32
          %and3A_495 = arith.constant -8 : i32
          %and3A_496 = arith.andi %add3A_494, %and3A_495 : i32
          %min3A_497 = arith.constant 32696 : i32
          %min3A_498 = arith.minsi %and3A_496, %min3A_497 : i32
          %multiple_of3A_499 = tpu.assume_multiple %min3A_498, 8 : i32
          %dma_start3A_500 = arith.constant 0 : i32
          %dma_start3A_501 = tpu.memref_slice %arg2[%multiple_of3A_499, %dma_start3A_500] : memref<32768x256xf32, #tpu.memory_space<hbm>> -> memref<72x256xf32, #tpu.memory_space<hbm>>
          %dma_start3A_502 = arith.constant 0 : i32
          %dma_start3A_503 = tpu.memref_slice %arg2[%multiple_of3A_499, %dma_start3A_502] : memref<32768x256xf32, #tpu.memory_space<hbm>> -> memref<72x256xf32, #tpu.memory_space<hbm>>
          tpu.enqueue_dma source(%dma_start3A_503 : memref<72x256xf32, #tpu.memory_space<hbm>>) target(%arg6 : memref<72x256xf32, #tpu.memory_space<vmem>>) target_semaphore(%arg11 : memref<!tpu.dma_semaphore, #tpu.memory_space<semaphore_mem>>)
          %add3A_504 = arith.constant 1 : i32
          %add3A_505 = arith.addi %mul3A_101, %add3A_504 : i32
          %mul3A_506 = arith.constant 64 : i32
          %mul3A_507 = arith.muli %add3A_505, %mul3A_506 : i32
          %add3A_508 = arith.addi %max3A, %mul3A_507 : i32
          %mul3A_509 = arith.constant 64 : i32
          %mul3A_510 = arith.muli %add3A_505, %mul3A_509 : i32
          %add3A_511 = arith.addi %max3A, %mul3A_510 : i32
          %and3A_512 = arith.constant -8 : i32
          %and3A_513 = arith.andi %add3A_511, %and3A_512 : i32
          %min3A_514 = arith.constant 32696 : i32
          %min3A_515 = arith.minsi %and3A_513, %min3A_514 : i32
          %multiple_of3A_516 = tpu.assume_multiple %min3A_515, 8 : i32
          %sub3A_517 = arith.subi %add3A_508, %multiple_of3A_516 : i32
          %add3A_518 = arith.constant 64 : i32
          %add3A_519 = arith.addi %add3A_508, %add3A_518 : i32
          %min3A_520 = arith.minsi %min3A, %add3A_519 : i32
          %sub3A_521 = arith.subi %min3A_520, %multiple_of3A_516 : i32
          %max3A_522 = arith.maxsi %sub3A_521, %sub3A_517 : i32
          %while3A_523 = arith.subi %max3A_522, %sub3A_517 : i32
          %while3A_524 = arith.addi %sub3A_517, %while3A_523 : i32
          %while3A_525 = arith.constant 1 : i32
          %while3A_526 = arith.divsi %while3A_523, %while3A_525 : i32
          %while3A_527 = arith.muli %while3A_526, %while3A_525 : i32
          %while3A_528 = arith.addi %sub3A_517, %while3A_527 : i32
          %while3A_529 = arith.constant 1 : i32
          %while3A_530:32 = scf.for %while3A_853 = %sub3A_517 to %while3A_528 step %while3A_529 iter_args(%while3A_854 = %broadcast_in_dim3A_3, %while3A_855 = %broadcast_in_dim3A_3, %while3A_856 = %broadcast_in_dim3A_3, %while3A_857 = %broadcast_in_dim3A_3, %while3A_858 = %broadcast_in_dim3A_3, %while3A_859 = %broadcast_in_dim3A_3, %while3A_860 = %broadcast_in_dim3A_3, %while3A_861 = %broadcast_in_dim3A_3, %while3A_862 = %broadcast_in_dim3A_3, %while3A_863 = %broadcast_in_dim3A_3, %while3A_864 = %broadcast_in_dim3A_3, %while3A_865 = %broadcast_in_dim3A_3, %while3A_866 = %broadcast_in_dim3A_3, %while3A_867 = %broadcast_in_dim3A_3, %while3A_868 = %broadcast_in_dim3A_3, %while3A_869 = %broadcast_in_dim3A_3, %while3A_870 = %broadcast_in_dim3A_3, %while3A_871 = %broadcast_in_dim3A_3, %while3A_872 = %broadcast_in_dim3A_3, %while3A_873 = %broadcast_in_dim3A_3, %while3A_874 = %broadcast_in_dim3A_3, %while3A_875 = %broadcast_in_dim3A_3, %while3A_876 = %broadcast_in_dim3A_3, %while3A_877 = %broadcast_in_dim3A_3, %while3A_878 = %broadcast_in_dim3A_3, %while3A_879 = %broadcast_in_dim3A_3, %while3A_880 = %broadcast_in_dim3A_3, %while3A_881 = %broadcast_in_dim3A_3, %while3A_882 = %broadcast_in_dim3A_3, %while3A_883 = %broadcast_in_dim3A_3, %while3A_884 = %broadcast_in_dim3A_3, %while3A_885 = %broadcast_in_dim3A_3) -> (vector<16xf32>, vector<16xf32>, vector<16xf32>, vector<16xf32>, vector<16xf32>, vector<16xf32>, vector<16xf32>, vector<16xf32>, vector<16xf32>, vector<16xf32>, vector<16xf32>, vector<16xf32>, vector<16xf32>, vector<16xf32>, vector<16xf32>, vector<16xf32>, vector<16xf32>, vector<16xf32>, vector<16xf32>, vector<16xf32>, vector<16xf32>, vector<16xf32>, vector<16xf32>, vector<16xf32>, vector<16xf32>, vector<16xf32>, vector<16xf32>, vector<16xf32>, vector<16xf32>, vector<16xf32>, vector<16xf32>, vector<16xf32>)  : i32 {
            %get3A_886 = arith.index_cast %while3A_853 : i32 to index
            %get3A_887 = arith.constant 0 : index
            %get3A_888 = tpu.vector_load %arg7[%get3A_886, %get3A_887] {strides = array<i32>} : memref<72x256xf32, #tpu.memory_space<vmem>>, vector<1x16xf32>,
            %get3A_889 = vector.shape_cast %get3A_888 : vector<1x16xf32> to vector<16xf32>
            %add3A_890 = arith.addf %while3A_854, %get3A_889 : vector<16xf32>
            %mul3A_891 = arith.mulf %get3A_889, %get3A_889 : vector<16xf32>
            %add3A_892 = arith.addf %while3A_855, %mul3A_891 : vector<16xf32>
            %get3A_893 = arith.index_cast %while3A_853 : i32 to index
            %get3A_894 = arith.constant 16 : index
            %get3A_895 = tpu.vector_load %arg7[%get3A_893, %get3A_894] {strides = array<i32>} : memref<72x256xf32, #tpu.memory_space<vmem>>, vector<1x16xf32>,
            %get3A_896 = vector.shape_cast %get3A_895 : vector<1x16xf32> to vector<16xf32>
            %add3A_897 = arith.addf %while3A_856, %get3A_896 : vector<16xf32>
            %mul3A_898 = arith.mulf %get3A_896, %get3A_896 : vector<16xf32>
            %add3A_899 = arith.addf %while3A_857, %mul3A_898 : vector<16xf32>
            %get3A_900 = arith.index_cast %while3A_853 : i32 to index
            %get3A_901 = arith.constant 32 : index
            %get3A_902 = tpu.vector_load %arg7[%get3A_900, %get3A_901] {strides = array<i32>} : memref<72x256xf32, #tpu.memory_space<vmem>>, vector<1x16xf32>,
            %get3A_903 = vector.shape_cast %get3A_902 : vector<1x16xf32> to vector<16xf32>
            %add3A_904 = arith.addf %while3A_858, %get3A_903 : vector<16xf32>
            %mul3A_905 = arith.mulf %get3A_903, %get3A_903 : vector<16xf32>
            %add3A_906 = arith.addf %while3A_859, %mul3A_905 : vector<16xf32>
            %get3A_907 = arith.index_cast %while3A_853 : i32 to index
            %get3A_908 = arith.constant 48 : index
            %get3A_909 = tpu.vector_load %arg7[%get3A_907, %get3A_908] {strides = array<i32>} : memref<72x256xf32, #tpu.memory_space<vmem>>, vector<1x16xf32>,
            %get3A_910 = vector.shape_cast %get3A_909 : vector<1x16xf32> to vector<16xf32>
            %add3A_911 = arith.addf %while3A_860, %get3A_910 : vector<16xf32>
            %mul3A_912 = arith.mulf %get3A_910, %get3A_910 : vector<16xf32>
            %add3A_913 = arith.addf %while3A_861, %mul3A_912 : vector<16xf32>
            %get3A_914 = arith.index_cast %while3A_853 : i32 to index
            %get3A_915 = arith.constant 64 : index
            %get3A_916 = tpu.vector_load %arg7[%get3A_914, %get3A_915] {strides = array<i32>} : memref<72x256xf32, #tpu.memory_space<vmem>>, vector<1x16xf32>,
            %get3A_917 = vector.shape_cast %get3A_916 : vector<1x16xf32> to vector<16xf32>
            %add3A_918 = arith.addf %while3A_862, %get3A_917 : vector<16xf32>
            %mul3A_919 = arith.mulf %get3A_917, %get3A_917 : vector<16xf32>
            %add3A_920 = arith.addf %while3A_863, %mul3A_919 : vector<16xf32>
            %get3A_921 = arith.index_cast %while3A_853 : i32 to index
            %get3A_922 = arith.constant 80 : index
            %get3A_923 = tpu.vector_load %arg7[%get3A_921, %get3A_922] {strides = array<i32>} : memref<72x256xf32, #tpu.memory_space<vmem>>, vector<1x16xf32>,
            %get3A_924 = vector.shape_cast %get3A_923 : vector<1x16xf32> to vector<16xf32>
            %add3A_925 = arith.addf %while3A_864, %get3A_924 : vector<16xf32>
            %mul3A_926 = arith.mulf %get3A_924, %get3A_924 : vector<16xf32>
            %add3A_927 = arith.addf %while3A_865, %mul3A_926 : vector<16xf32>
            %get3A_928 = arith.index_cast %while3A_853 : i32 to index
            %get3A_929 = arith.constant 96 : index
            %get3A_930 = tpu.vector_load %arg7[%get3A_928, %get3A_929] {strides = array<i32>} : memref<72x256xf32, #tpu.memory_space<vmem>>, vector<1x16xf32>,
            %get3A_931 = vector.shape_cast %get3A_930 : vector<1x16xf32> to vector<16xf32>
            %add3A_932 = arith.addf %while3A_866, %get3A_931 : vector<16xf32>
            %mul3A_933 = arith.mulf %get3A_931, %get3A_931 : vector<16xf32>
            %add3A_934 = arith.addf %while3A_867, %mul3A_933 : vector<16xf32>
            %get3A_935 = arith.index_cast %while3A_853 : i32 to index
            %get3A_936 = arith.constant 112 : index
            %get3A_937 = tpu.vector_load %arg7[%get3A_935, %get3A_936] {strides = array<i32>} : memref<72x256xf32, #tpu.memory_space<vmem>>, vector<1x16xf32>,
            %get3A_938 = vector.shape_cast %get3A_937 : vector<1x16xf32> to vector<16xf32>
            %add3A_939 = arith.addf %while3A_868, %get3A_938 : vector<16xf32>
            %mul3A_940 = arith.mulf %get3A_938, %get3A_938 : vector<16xf32>
            %add3A_941 = arith.addf %while3A_869, %mul3A_940 : vector<16xf32>
            %get3A_942 = arith.index_cast %while3A_853 : i32 to index
            %get3A_943 = arith.constant 128 : index
            %get3A_944 = tpu.vector_load %arg7[%get3A_942, %get3A_943] {strides = array<i32>} : memref<72x256xf32, #tpu.memory_space<vmem>>, vector<1x16xf32>,
            %get3A_945 = vector.shape_cast %get3A_944 : vector<1x16xf32> to vector<16xf32>
            %add3A_946 = arith.addf %while3A_870, %get3A_945 : vector<16xf32>
            %mul3A_947 = arith.mulf %get3A_945, %get3A_945 : vector<16xf32>
            %add3A_948 = arith.addf %while3A_871, %mul3A_947 : vector<16xf32>
            %get3A_949 = arith.index_cast %while3A_853 : i32 to index
            %get3A_950 = arith.constant 144 : index
            %get3A_951 = tpu.vector_load %arg7[%get3A_949, %get3A_950] {strides = array<i32>} : memref<72x256xf32, #tpu.memory_space<vmem>>, vector<1x16xf32>,
            %get3A_952 = vector.shape_cast %get3A_951 : vector<1x16xf32> to vector<16xf32>
            %add3A_953 = arith.addf %while3A_872, %get3A_952 : vector<16xf32>
            %mul3A_954 = arith.mulf %get3A_952, %get3A_952 : vector<16xf32>
            %add3A_955 = arith.addf %while3A_873, %mul3A_954 : vector<16xf32>
            %get3A_956 = arith.index_cast %while3A_853 : i32 to index
            %get3A_957 = arith.constant 160 : index
            %get3A_958 = tpu.vector_load %arg7[%get3A_956, %get3A_957] {strides = array<i32>} : memref<72x256xf32, #tpu.memory_space<vmem>>, vector<1x16xf32>,
            %get3A_959 = vector.shape_cast %get3A_958 : vector<1x16xf32> to vector<16xf32>
            %add3A_960 = arith.addf %while3A_874, %get3A_959 : vector<16xf32>
            %mul3A_961 = arith.mulf %get3A_959, %get3A_959 : vector<16xf32>
            %add3A_962 = arith.addf %while3A_875, %mul3A_961 : vector<16xf32>
            %get3A_963 = arith.index_cast %while3A_853 : i32 to index
            %get3A_964 = arith.constant 176 : index
            %get3A_965 = tpu.vector_load %arg7[%get3A_963, %get3A_964] {strides = array<i32>} : memref<72x256xf32, #tpu.memory_space<vmem>>, vector<1x16xf32>,
            %get3A_966 = vector.shape_cast %get3A_965 : vector<1x16xf32> to vector<16xf32>
            %add3A_967 = arith.addf %while3A_876, %get3A_966 : vector<16xf32>
            %mul3A_968 = arith.mulf %get3A_966, %get3A_966 : vector<16xf32>
            %add3A_969 = arith.addf %while3A_877, %mul3A_968 : vector<16xf32>
            %get3A_970 = arith.index_cast %while3A_853 : i32 to index
            %get3A_971 = arith.constant 192 : index
            %get3A_972 = tpu.vector_load %arg7[%get3A_970, %get3A_971] {strides = array<i32>} : memref<72x256xf32, #tpu.memory_space<vmem>>, vector<1x16xf32>,
            %get3A_973 = vector.shape_cast %get3A_972 : vector<1x16xf32> to vector<16xf32>
            %add3A_974 = arith.addf %while3A_878, %get3A_973 : vector<16xf32>
            %mul3A_975 = arith.mulf %get3A_973, %get3A_973 : vector<16xf32>
            %add3A_976 = arith.addf %while3A_879, %mul3A_975 : vector<16xf32>
            %get3A_977 = arith.index_cast %while3A_853 : i32 to index
            %get3A_978 = arith.constant 208 : index
            %get3A_979 = tpu.vector_load %arg7[%get3A_977, %get3A_978] {strides = array<i32>} : memref<72x256xf32, #tpu.memory_space<vmem>>, vector<1x16xf32>,
            %get3A_980 = vector.shape_cast %get3A_979 : vector<1x16xf32> to vector<16xf32>
            %add3A_981 = arith.addf %while3A_880, %get3A_980 : vector<16xf32>
            %mul3A_982 = arith.mulf %get3A_980, %get3A_980 : vector<16xf32>
            %add3A_983 = arith.addf %while3A_881, %mul3A_982 : vector<16xf32>
            %get3A_984 = arith.index_cast %while3A_853 : i32 to index
            %get3A_985 = arith.constant 224 : index
            %get3A_986 = tpu.vector_load %arg7[%get3A_984, %get3A_985] {strides = array<i32>} : memref<72x256xf32, #tpu.memory_space<vmem>>, vector<1x16xf32>,
            %get3A_987 = vector.shape_cast %get3A_986 : vector<1x16xf32> to vector<16xf32>
            %add3A_988 = arith.addf %while3A_882, %get3A_987 : vector<16xf32>
            %mul3A_989 = arith.mulf %get3A_987, %get3A_987 : vector<16xf32>
            %add3A_990 = arith.addf %while3A_883, %mul3A_989 : vector<16xf32>
            %get3A_991 = arith.index_cast %while3A_853 : i32 to index
            %get3A_992 = arith.constant 240 : index
            %get3A_993 = tpu.vector_load %arg7[%get3A_991, %get3A_992] {strides = array<i32>} : memref<72x256xf32, #tpu.memory_space<vmem>>, vector<1x16xf32>,
            %get3A_994 = vector.shape_cast %get3A_993 : vector<1x16xf32> to vector<16xf32>
            %add3A_995 = arith.addf %while3A_884, %get3A_994 : vector<16xf32>
            %mul3A_996 = arith.mulf %get3A_994, %get3A_994 : vector<16xf32>
            %add3A_997 = arith.addf %while3A_885, %mul3A_996 : vector<16xf32>
            scf.yield %add3A_890, %add3A_892, %add3A_897, %add3A_899, %add3A_904, %add3A_906, %add3A_911, %add3A_913, %add3A_918, %add3A_920, %add3A_925, %add3A_927, %add3A_932, %add3A_934, %add3A_939, %add3A_941, %add3A_946, %add3A_948, %add3A_953, %add3A_955, %add3A_960, %add3A_962, %add3A_967, %add3A_969, %add3A_974, %add3A_976, %add3A_981, %add3A_983, %add3A_988, %add3A_990, %add3A_995, %add3A_997 : vector<16xf32>, vector<16xf32>, vector<16xf32>, vector<16xf32>, vector<16xf32>, vector<16xf32>, vector<16xf32>, vector<16xf32>, vector<16xf32>, vector<16xf32>, vector<16xf32>, vector<16xf32>, vector<16xf32>, vector<16xf32>, vector<16xf32>, vector<16xf32>, vector<16xf32>, vector<16xf32>, vector<16xf32>, vector<16xf32>, vector<16xf32>, vector<16xf32>, vector<16xf32>, vector<16xf32>, vector<16xf32>, vector<16xf32>, vector<16xf32>, vector<16xf32>, vector<16xf32>, vector<16xf32>, vector<16xf32>, vector<16xf32>
          }
          %while3A_531 = arith.constant 1 : i32
          %while3A_532:32 = scf.for %while3A_853 = %while3A_528 to %while3A_524 step %while3A_531 iter_args(%while3A_854 = %while3A_530#0, %while3A_855 = %while3A_530#1, %while3A_856 = %while3A_530#2, %while3A_857 = %while3A_530#3, %while3A_858 = %while3A_530#4, %while3A_859 = %while3A_530#5, %while3A_860 = %while3A_530#6, %while3A_861 = %while3A_530#7, %while3A_862 = %while3A_530#8, %while3A_863 = %while3A_530#9, %while3A_864 = %while3A_530#10, %while3A_865 = %while3A_530#11, %while3A_866 = %while3A_530#12, %while3A_867 = %while3A_530#13, %while3A_868 = %while3A_530#14, %while3A_869 = %while3A_530#15, %while3A_870 = %while3A_530#16, %while3A_871 = %while3A_530#17, %while3A_872 = %while3A_530#18, %while3A_873 = %while3A_530#19, %while3A_874 = %while3A_530#20, %while3A_875 = %while3A_530#21, %while3A_876 = %while3A_530#22, %while3A_877 = %while3A_530#23, %while3A_878 = %while3A_530#24, %while3A_879 = %while3A_530#25, %while3A_880 = %while3A_530#26, %while3A_881 = %while3A_530#27, %while3A_882 = %while3A_530#28, %while3A_883 = %while3A_530#29, %while3A_884 = %while3A_530#30, %while3A_885 = %while3A_530#31) -> (vector<16xf32>, vector<16xf32>, vector<16xf32>, vector<16xf32>, vector<16xf32>, vector<16xf32>, vector<16xf32>, vector<16xf32>, vector<16xf32>, vector<16xf32>, vector<16xf32>, vector<16xf32>, vector<16xf32>, vector<16xf32>, vector<16xf32>, vector<16xf32>, vector<16xf32>, vector<16xf32>, vector<16xf32>, vector<16xf32>, vector<16xf32>, vector<16xf32>, vector<16xf32>, vector<16xf32>, vector<16xf32>, vector<16xf32>, vector<16xf32>, vector<16xf32>, vector<16xf32>, vector<16xf32>, vector<16xf32>, vector<16xf32>)  : i32 {
            %get3A_886 = arith.index_cast %while3A_853 : i32 to index
            %get3A_887 = arith.constant 0 : index
            %get3A_888 = tpu.vector_load %arg7[%get3A_886, %get3A_887] {strides = array<i32>} : memref<72x256xf32, #tpu.memory_space<vmem>>, vector<1x16xf32>,
            %get3A_889 = vector.shape_cast %get3A_888 : vector<1x16xf32> to vector<16xf32>
            %add3A_890 = arith.addf %while3A_854, %get3A_889 : vector<16xf32>
            %mul3A_891 = arith.mulf %get3A_889, %get3A_889 : vector<16xf32>
            %add3A_892 = arith.addf %while3A_855, %mul3A_891 : vector<16xf32>
            %get3A_893 = arith.index_cast %while3A_853 : i32 to index
            %get3A_894 = arith.constant 16 : index
            %get3A_895 = tpu.vector_load %arg7[%get3A_893, %get3A_894] {strides = array<i32>} : memref<72x256xf32, #tpu.memory_space<vmem>>, vector<1x16xf32>,
            %get3A_896 = vector.shape_cast %get3A_895 : vector<1x16xf32> to vector<16xf32>
            %add3A_897 = arith.addf %while3A_856, %get3A_896 : vector<16xf32>
            %mul3A_898 = arith.mulf %get3A_896, %get3A_896 : vector<16xf32>
            %add3A_899 = arith.addf %while3A_857, %mul3A_898 : vector<16xf32>
            %get3A_900 = arith.index_cast %while3A_853 : i32 to index
            %get3A_901 = arith.constant 32 : index
            %get3A_902 = tpu.vector_load %arg7[%get3A_900, %get3A_901] {strides = array<i32>} : memref<72x256xf32, #tpu.memory_space<vmem>>, vector<1x16xf32>,
            %get3A_903 = vector.shape_cast %get3A_902 : vector<1x16xf32> to vector<16xf32>
            %add3A_904 = arith.addf %while3A_858, %get3A_903 : vector<16xf32>
            %mul3A_905 = arith.mulf %get3A_903, %get3A_903 : vector<16xf32>
            %add3A_906 = arith.addf %while3A_859, %mul3A_905 : vector<16xf32>
            %get3A_907 = arith.index_cast %while3A_853 : i32 to index
            %get3A_908 = arith.constant 48 : index
            %get3A_909 = tpu.vector_load %arg7[%get3A_907, %get3A_908] {strides = array<i32>} : memref<72x256xf32, #tpu.memory_space<vmem>>, vector<1x16xf32>,
            %get3A_910 = vector.shape_cast %get3A_909 : vector<1x16xf32> to vector<16xf32>
            %add3A_911 = arith.addf %while3A_860, %get3A_910 : vector<16xf32>
            %mul3A_912 = arith.mulf %get3A_910, %get3A_910 : vector<16xf32>
            %add3A_913 = arith.addf %while3A_861, %mul3A_912 : vector<16xf32>
            %get3A_914 = arith.index_cast %while3A_853 : i32 to index
            %get3A_915 = arith.constant 64 : index
            %get3A_916 = tpu.vector_load %arg7[%get3A_914, %get3A_915] {strides = array<i32>} : memref<72x256xf32, #tpu.memory_space<vmem>>, vector<1x16xf32>,
            %get3A_917 = vector.shape_cast %get3A_916 : vector<1x16xf32> to vector<16xf32>
            %add3A_918 = arith.addf %while3A_862, %get3A_917 : vector<16xf32>
            %mul3A_919 = arith.mulf %get3A_917, %get3A_917 : vector<16xf32>
            %add3A_920 = arith.addf %while3A_863, %mul3A_919 : vector<16xf32>
            %get3A_921 = arith.index_cast %while3A_853 : i32 to index
            %get3A_922 = arith.constant 80 : index
            %get3A_923 = tpu.vector_load %arg7[%get3A_921, %get3A_922] {strides = array<i32>} : memref<72x256xf32, #tpu.memory_space<vmem>>, vector<1x16xf32>,
            %get3A_924 = vector.shape_cast %get3A_923 : vector<1x16xf32> to vector<16xf32>
            %add3A_925 = arith.addf %while3A_864, %get3A_924 : vector<16xf32>
            %mul3A_926 = arith.mulf %get3A_924, %get3A_924 : vector<16xf32>
            %add3A_927 = arith.addf %while3A_865, %mul3A_926 : vector<16xf32>
            %get3A_928 = arith.index_cast %while3A_853 : i32 to index
            %get3A_929 = arith.constant 96 : index
            %get3A_930 = tpu.vector_load %arg7[%get3A_928, %get3A_929] {strides = array<i32>} : memref<72x256xf32, #tpu.memory_space<vmem>>, vector<1x16xf32>,
            %get3A_931 = vector.shape_cast %get3A_930 : vector<1x16xf32> to vector<16xf32>
            %add3A_932 = arith.addf %while3A_866, %get3A_931 : vector<16xf32>
            %mul3A_933 = arith.mulf %get3A_931, %get3A_931 : vector<16xf32>
            %add3A_934 = arith.addf %while3A_867, %mul3A_933 : vector<16xf32>
            %get3A_935 = arith.index_cast %while3A_853 : i32 to index
            %get3A_936 = arith.constant 112 : index
            %get3A_937 = tpu.vector_load %arg7[%get3A_935, %get3A_936] {strides = array<i32>} : memref<72x256xf32, #tpu.memory_space<vmem>>, vector<1x16xf32>,
            %get3A_938 = vector.shape_cast %get3A_937 : vector<1x16xf32> to vector<16xf32>
            %add3A_939 = arith.addf %while3A_868, %get3A_938 : vector<16xf32>
            %mul3A_940 = arith.mulf %get3A_938, %get3A_938 : vector<16xf32>
            %add3A_941 = arith.addf %while3A_869, %mul3A_940 : vector<16xf32>
            %get3A_942 = arith.index_cast %while3A_853 : i32 to index
            %get3A_943 = arith.constant 128 : index
            %get3A_944 = tpu.vector_load %arg7[%get3A_942, %get3A_943] {strides = array<i32>} : memref<72x256xf32, #tpu.memory_space<vmem>>, vector<1x16xf32>,
            %get3A_945 = vector.shape_cast %get3A_944 : vector<1x16xf32> to vector<16xf32>
            %add3A_946 = arith.addf %while3A_870, %get3A_945 : vector<16xf32>
            %mul3A_947 = arith.mulf %get3A_945, %get3A_945 : vector<16xf32>
            %add3A_948 = arith.addf %while3A_871, %mul3A_947 : vector<16xf32>
            %get3A_949 = arith.index_cast %while3A_853 : i32 to index
            %get3A_950 = arith.constant 144 : index
            %get3A_951 = tpu.vector_load %arg7[%get3A_949, %get3A_950] {strides = array<i32>} : memref<72x256xf32, #tpu.memory_space<vmem>>, vector<1x16xf32>,
            %get3A_952 = vector.shape_cast %get3A_951 : vector<1x16xf32> to vector<16xf32>
            %add3A_953 = arith.addf %while3A_872, %get3A_952 : vector<16xf32>
            %mul3A_954 = arith.mulf %get3A_952, %get3A_952 : vector<16xf32>
            %add3A_955 = arith.addf %while3A_873, %mul3A_954 : vector<16xf32>
            %get3A_956 = arith.index_cast %while3A_853 : i32 to index
            %get3A_957 = arith.constant 160 : index
            %get3A_958 = tpu.vector_load %arg7[%get3A_956, %get3A_957] {strides = array<i32>} : memref<72x256xf32, #tpu.memory_space<vmem>>, vector<1x16xf32>,
            %get3A_959 = vector.shape_cast %get3A_958 : vector<1x16xf32> to vector<16xf32>
            %add3A_960 = arith.addf %while3A_874, %get3A_959 : vector<16xf32>
            %mul3A_961 = arith.mulf %get3A_959, %get3A_959 : vector<16xf32>
            %add3A_962 = arith.addf %while3A_875, %mul3A_961 : vector<16xf32>
            %get3A_963 = arith.index_cast %while3A_853 : i32 to index
            %get3A_964 = arith.constant 176 : index
            %get3A_965 = tpu.vector_load %arg7[%get3A_963, %get3A_964] {strides = array<i32>} : memref<72x256xf32, #tpu.memory_space<vmem>>, vector<1x16xf32>,
            %get3A_966 = vector.shape_cast %get3A_965 : vector<1x16xf32> to vector<16xf32>
            %add3A_967 = arith.addf %while3A_876, %get3A_966 : vector<16xf32>
            %mul3A_968 = arith.mulf %get3A_966, %get3A_966 : vector<16xf32>
            %add3A_969 = arith.addf %while3A_877, %mul3A_968 : vector<16xf32>
            %get3A_970 = arith.index_cast %while3A_853 : i32 to index
            %get3A_971 = arith.constant 192 : index
            %get3A_972 = tpu.vector_load %arg7[%get3A_970, %get3A_971] {strides = array<i32>} : memref<72x256xf32, #tpu.memory_space<vmem>>, vector<1x16xf32>,
            %get3A_973 = vector.shape_cast %get3A_972 : vector<1x16xf32> to vector<16xf32>
            %add3A_974 = arith.addf %while3A_878, %get3A_973 : vector<16xf32>
            %mul3A_975 = arith.mulf %get3A_973, %get3A_973 : vector<16xf32>
            %add3A_976 = arith.addf %while3A_879, %mul3A_975 : vector<16xf32>
            %get3A_977 = arith.index_cast %while3A_853 : i32 to index
            %get3A_978 = arith.constant 208 : index
            %get3A_979 = tpu.vector_load %arg7[%get3A_977, %get3A_978] {strides = array<i32>} : memref<72x256xf32, #tpu.memory_space<vmem>>, vector<1x16xf32>,
            %get3A_980 = vector.shape_cast %get3A_979 : vector<1x16xf32> to vector<16xf32>
            %add3A_981 = arith.addf %while3A_880, %get3A_980 : vector<16xf32>
            %mul3A_982 = arith.mulf %get3A_980, %get3A_980 : vector<16xf32>
            %add3A_983 = arith.addf %while3A_881, %mul3A_982 : vector<16xf32>
            %get3A_984 = arith.index_cast %while3A_853 : i32 to index
            %get3A_985 = arith.constant 224 : index
            %get3A_986 = tpu.vector_load %arg7[%get3A_984, %get3A_985] {strides = array<i32>} : memref<72x256xf32, #tpu.memory_space<vmem>>, vector<1x16xf32>,
            %get3A_987 = vector.shape_cast %get3A_986 : vector<1x16xf32> to vector<16xf32>
            %add3A_988 = arith.addf %while3A_882, %get3A_987 : vector<16xf32>
            %mul3A_989 = arith.mulf %get3A_987, %get3A_987 : vector<16xf32>
            %add3A_990 = arith.addf %while3A_883, %mul3A_989 : vector<16xf32>
            %get3A_991 = arith.index_cast %while3A_853 : i32 to index
            %get3A_992 = arith.constant 240 : index
            %get3A_993 = tpu.vector_load %arg7[%get3A_991, %get3A_992] {strides = array<i32>} : memref<72x256xf32, #tpu.memory_space<vmem>>, vector<1x16xf32>,
            %get3A_994 = vector.shape_cast %get3A_993 : vector<1x16xf32> to vector<16xf32>
            %add3A_995 = arith.addf %while3A_884, %get3A_994 : vector<16xf32>
            %mul3A_996 = arith.mulf %get3A_994, %get3A_994 : vector<16xf32>
            %add3A_997 = arith.addf %while3A_885, %mul3A_996 : vector<16xf32>
            scf.yield %add3A_890, %add3A_892, %add3A_897, %add3A_899, %add3A_904, %add3A_906, %add3A_911, %add3A_913, %add3A_918, %add3A_920, %add3A_925, %add3A_927, %add3A_932, %add3A_934, %add3A_939, %add3A_941, %add3A_946, %add3A_948, %add3A_953, %add3A_955, %add3A_960, %add3A_962, %add3A_967, %add3A_969, %add3A_974, %add3A_976, %add3A_981, %add3A_983, %add3A_988, %add3A_990, %add3A_995, %add3A_997 : vector<16xf32>, vector<16xf32>, vector<16xf32>, vector<16xf32>, vector<16xf32>, vector<16xf32>, vector<16xf32>, vector<16xf32>, vector<16xf32>, vector<16xf32>, vector<16xf32>, vector<16xf32>, vector<16xf32>, vector<16xf32>, vector<16xf32>, vector<16xf32>, vector<16xf32>, vector<16xf32>, vector<16xf32>, vector<16xf32>, vector<16xf32>, vector<16xf32>, vector<16xf32>, vector<16xf32>, vector<16xf32>, vector<16xf32>, vector<16xf32>, vector<16xf32>, vector<16xf32>, vector<16xf32>, vector<16xf32>, vector<16xf32>
          }
          %get3A_533 = arith.index_cast %scan3A_47 : i32 to index
          %get3A_534 = arith.constant 0 : index
          %get3A_535 = tpu.vector_load %arg8[%get3A_533, %get3A_534] {strides = array<i32>} : memref<16x256xf32, #tpu.memory_space<vmem>>, vector<1x16xf32>,
          %get3A_536 = vector.shape_cast %get3A_535 : vector<1x16xf32> to vector<16xf32>
          %add3A_537 = arith.addf %get3A_536, %while3A_532#0 : vector<16xf32>
          %swap3A_538 = arith.index_cast %scan3A_47 : i32 to index
          %swap3A_539 = arith.constant 0 : index
          %swap3A_540 = tpu.vector_load %arg8[%swap3A_538, %swap3A_539] {strides = array<i32>} : memref<16x256xf32, #tpu.memory_space<vmem>>, vector<1x16xf32>,
          %swap3A_541 = vector.shape_cast %swap3A_540 : vector<1x16xf32> to vector<16xf32>
          %swap3A_542 = vector.shape_cast %add3A_537 : vector<16xf32> to vector<1x16xf32>
          tpu.vector_store %arg8[%swap3A_538, %swap3A_539], %swap3A_542 {strides = array<i32>} : memref<16x256xf32, #tpu.memory_space<vmem>>, vector<1x16xf32>,
          %get3A_543 = arith.index_cast %scan3A_47 : i32 to index
          %get3A_544 = arith.constant 0 : index
          %get3A_545 = tpu.vector_load %arg9[%get3A_543, %get3A_544] {strides = array<i32>} : memref<16x256xf32, #tpu.memory_space<vmem>>, vector<1x16xf32>,
          %get3A_546 = vector.shape_cast %get3A_545 : vector<1x16xf32> to vector<16xf32>
          %add3A_547 = arith.addf %get3A_546, %while3A_532#1 : vector<16xf32>
          %swap3A_548 = arith.index_cast %scan3A_47 : i32 to index
          %swap3A_549 = arith.constant 0 : index
          %swap3A_550 = tpu.vector_load %arg9[%swap3A_548, %swap3A_549] {strides = array<i32>} : memref<16x256xf32, #tpu.memory_space<vmem>>, vector<1x16xf32>,
          %swap3A_551 = vector.shape_cast %swap3A_550 : vector<1x16xf32> to vector<16xf32>
          %swap3A_552 = vector.shape_cast %add3A_547 : vector<16xf32> to vector<1x16xf32>
          tpu.vector_store %arg9[%swap3A_548, %swap3A_549], %swap3A_552 {strides = array<i32>} : memref<16x256xf32, #tpu.memory_space<vmem>>, vector<1x16xf32>,
          %get3A_553 = arith.index_cast %scan3A_47 : i32 to index
          %get3A_554 = arith.constant 16 : index
          %get3A_555 = tpu.vector_load %arg8[%get3A_553, %get3A_554] {strides = array<i32>} : memref<16x256xf32, #tpu.memory_space<vmem>>, vector<1x16xf32>,
          %get3A_556 = vector.shape_cast %get3A_555 : vector<1x16xf32> to vector<16xf32>
          %add3A_557 = arith.addf %get3A_556, %while3A_532#2 : vector<16xf32>
          %swap3A_558 = arith.index_cast %scan3A_47 : i32 to index
          %swap3A_559 = arith.constant 16 : index
          %swap3A_560 = tpu.vector_load %arg8[%swap3A_558, %swap3A_559] {strides = array<i32>} : memref<16x256xf32, #tpu.memory_space<vmem>>, vector<1x16xf32>,
          %swap3A_561 = vector.shape_cast %swap3A_560 : vector<1x16xf32> to vector<16xf32>
          %swap3A_562 = vector.shape_cast %add3A_557 : vector<16xf32> to vector<1x16xf32>
          tpu.vector_store %arg8[%swap3A_558, %swap3A_559], %swap3A_562 {strides = array<i32>} : memref<16x256xf32, #tpu.memory_space<vmem>>, vector<1x16xf32>,
          %get3A_563 = arith.index_cast %scan3A_47 : i32 to index
          %get3A_564 = arith.constant 16 : index
          %get3A_565 = tpu.vector_load %arg9[%get3A_563, %get3A_564] {strides = array<i32>} : memref<16x256xf32, #tpu.memory_space<vmem>>, vector<1x16xf32>,
          %get3A_566 = vector.shape_cast %get3A_565 : vector<1x16xf32> to vector<16xf32>
          %add3A_567 = arith.addf %get3A_566, %while3A_532#3 : vector<16xf32>
          %swap3A_568 = arith.index_cast %scan3A_47 : i32 to index
          %swap3A_569 = arith.constant 16 : index
          %swap3A_570 = tpu.vector_load %arg9[%swap3A_568, %swap3A_569] {strides = array<i32>} : memref<16x256xf32, #tpu.memory_space<vmem>>, vector<1x16xf32>,
          %swap3A_571 = vector.shape_cast %swap3A_570 : vector<1x16xf32> to vector<16xf32>
          %swap3A_572 = vector.shape_cast %add3A_567 : vector<16xf32> to vector<1x16xf32>
          tpu.vector_store %arg9[%swap3A_568, %swap3A_569], %swap3A_572 {strides = array<i32>} : memref<16x256xf32, #tpu.memory_space<vmem>>, vector<1x16xf32>,
          %get3A_573 = arith.index_cast %scan3A_47 : i32 to index
          %get3A_574 = arith.constant 32 : index
          %get3A_575 = tpu.vector_load %arg8[%get3A_573, %get3A_574] {strides = array<i32>} : memref<16x256xf32, #tpu.memory_space<vmem>>, vector<1x16xf32>,
          %get3A_576 = vector.shape_cast %get3A_575 : vector<1x16xf32> to vector<16xf32>
          %add3A_577 = arith.addf %get3A_576, %while3A_532#4 : vector<16xf32>
          %swap3A_578 = arith.index_cast %scan3A_47 : i32 to index
          %swap3A_579 = arith.constant 32 : index
          %swap3A_580 = tpu.vector_load %arg8[%swap3A_578, %swap3A_579] {strides = array<i32>} : memref<16x256xf32, #tpu.memory_space<vmem>>, vector<1x16xf32>,
          %swap3A_581 = vector.shape_cast %swap3A_580 : vector<1x16xf32> to vector<16xf32>
          %swap3A_582 = vector.shape_cast %add3A_577 : vector<16xf32> to vector<1x16xf32>
          tpu.vector_store %arg8[%swap3A_578, %swap3A_579], %swap3A_582 {strides = array<i32>} : memref<16x256xf32, #tpu.memory_space<vmem>>, vector<1x16xf32>,
          %get3A_583 = arith.index_cast %scan3A_47 : i32 to index
          %get3A_584 = arith.constant 32 : index
          %get3A_585 = tpu.vector_load %arg9[%get3A_583, %get3A_584] {strides = array<i32>} : memref<16x256xf32, #tpu.memory_space<vmem>>, vector<1x16xf32>,
          %get3A_586 = vector.shape_cast %get3A_585 : vector<1x16xf32> to vector<16xf32>
          %add3A_587 = arith.addf %get3A_586, %while3A_532#5 : vector<16xf32>
          %swap3A_588 = arith.index_cast %scan3A_47 : i32 to index
          %swap3A_589 = arith.constant 32 : index
          %swap3A_590 = tpu.vector_load %arg9[%swap3A_588, %swap3A_589] {strides = array<i32>} : memref<16x256xf32, #tpu.memory_space<vmem>>, vector<1x16xf32>,
          %swap3A_591 = vector.shape_cast %swap3A_590 : vector<1x16xf32> to vector<16xf32>
          %swap3A_592 = vector.shape_cast %add3A_587 : vector<16xf32> to vector<1x16xf32>
          tpu.vector_store %arg9[%swap3A_588, %swap3A_589], %swap3A_592 {strides = array<i32>} : memref<16x256xf32, #tpu.memory_space<vmem>>, vector<1x16xf32>,
          %get3A_593 = arith.index_cast %scan3A_47 : i32 to index
          %get3A_594 = arith.constant 48 : index
          %get3A_595 = tpu.vector_load %arg8[%get3A_593, %get3A_594] {strides = array<i32>} : memref<16x256xf32, #tpu.memory_space<vmem>>, vector<1x16xf32>,
          %get3A_596 = vector.shape_cast %get3A_595 : vector<1x16xf32> to vector<16xf32>
          %add3A_597 = arith.addf %get3A_596, %while3A_532#6 : vector<16xf32>
          %swap3A_598 = arith.index_cast %scan3A_47 : i32 to index
          %swap3A_599 = arith.constant 48 : index
          %swap3A_600 = tpu.vector_load %arg8[%swap3A_598, %swap3A_599] {strides = array<i32>} : memref<16x256xf32, #tpu.memory_space<vmem>>, vector<1x16xf32>,
          %swap3A_601 = vector.shape_cast %swap3A_600 : vector<1x16xf32> to vector<16xf32>
          %swap3A_602 = vector.shape_cast %add3A_597 : vector<16xf32> to vector<1x16xf32>
          tpu.vector_store %arg8[%swap3A_598, %swap3A_599], %swap3A_602 {strides = array<i32>} : memref<16x256xf32, #tpu.memory_space<vmem>>, vector<1x16xf32>,
          %get3A_603 = arith.index_cast %scan3A_47 : i32 to index
          %get3A_604 = arith.constant 48 : index
          %get3A_605 = tpu.vector_load %arg9[%get3A_603, %get3A_604] {strides = array<i32>} : memref<16x256xf32, #tpu.memory_space<vmem>>, vector<1x16xf32>,
          %get3A_606 = vector.shape_cast %get3A_605 : vector<1x16xf32> to vector<16xf32>
          %add3A_607 = arith.addf %get3A_606, %while3A_532#7 : vector<16xf32>
          %swap3A_608 = arith.index_cast %scan3A_47 : i32 to index
          %swap3A_609 = arith.constant 48 : index
          %swap3A_610 = tpu.vector_load %arg9[%swap3A_608, %swap3A_609] {strides = array<i32>} : memref<16x256xf32, #tpu.memory_space<vmem>>, vector<1x16xf32>,
          %swap3A_611 = vector.shape_cast %swap3A_610 : vector<1x16xf32> to vector<16xf32>
          %swap3A_612 = vector.shape_cast %add3A_607 : vector<16xf32> to vector<1x16xf32>
          tpu.vector_store %arg9[%swap3A_608, %swap3A_609], %swap3A_612 {strides = array<i32>} : memref<16x256xf32, #tpu.memory_space<vmem>>, vector<1x16xf32>,
          %get3A_613 = arith.index_cast %scan3A_47 : i32 to index
          %get3A_614 = arith.constant 64 : index
          %get3A_615 = tpu.vector_load %arg8[%get3A_613, %get3A_614] {strides = array<i32>} : memref<16x256xf32, #tpu.memory_space<vmem>>, vector<1x16xf32>,
          %get3A_616 = vector.shape_cast %get3A_615 : vector<1x16xf32> to vector<16xf32>
          %add3A_617 = arith.addf %get3A_616, %while3A_532#8 : vector<16xf32>
          %swap3A_618 = arith.index_cast %scan3A_47 : i32 to index
          %swap3A_619 = arith.constant 64 : index
          %swap3A_620 = tpu.vector_load %arg8[%swap3A_618, %swap3A_619] {strides = array<i32>} : memref<16x256xf32, #tpu.memory_space<vmem>>, vector<1x16xf32>,
          %swap3A_621 = vector.shape_cast %swap3A_620 : vector<1x16xf32> to vector<16xf32>
          %swap3A_622 = vector.shape_cast %add3A_617 : vector<16xf32> to vector<1x16xf32>
          tpu.vector_store %arg8[%swap3A_618, %swap3A_619], %swap3A_622 {strides = array<i32>} : memref<16x256xf32, #tpu.memory_space<vmem>>, vector<1x16xf32>,
          %get3A_623 = arith.index_cast %scan3A_47 : i32 to index
          %get3A_624 = arith.constant 64 : index
          %get3A_625 = tpu.vector_load %arg9[%get3A_623, %get3A_624] {strides = array<i32>} : memref<16x256xf32, #tpu.memory_space<vmem>>, vector<1x16xf32>,
          %get3A_626 = vector.shape_cast %get3A_625 : vector<1x16xf32> to vector<16xf32>
          %add3A_627 = arith.addf %get3A_626, %while3A_532#9 : vector<16xf32>
          %swap3A_628 = arith.index_cast %scan3A_47 : i32 to index
          %swap3A_629 = arith.constant 64 : index
          %swap3A_630 = tpu.vector_load %arg9[%swap3A_628, %swap3A_629] {strides = array<i32>} : memref<16x256xf32, #tpu.memory_space<vmem>>, vector<1x16xf32>,
          %swap3A_631 = vector.shape_cast %swap3A_630 : vector<1x16xf32> to vector<16xf32>
          %swap3A_632 = vector.shape_cast %add3A_627 : vector<16xf32> to vector<1x16xf32>
          tpu.vector_store %arg9[%swap3A_628, %swap3A_629], %swap3A_632 {strides = array<i32>} : memref<16x256xf32, #tpu.memory_space<vmem>>, vector<1x16xf32>,
          %get3A_633 = arith.index_cast %scan3A_47 : i32 to index
          %get3A_634 = arith.constant 80 : index
          %get3A_635 = tpu.vector_load %arg8[%get3A_633, %get3A_634] {strides = array<i32>} : memref<16x256xf32, #tpu.memory_space<vmem>>, vector<1x16xf32>,
          %get3A_636 = vector.shape_cast %get3A_635 : vector<1x16xf32> to vector<16xf32>
          %add3A_637 = arith.addf %get3A_636, %while3A_532#10 : vector<16xf32>
          %swap3A_638 = arith.index_cast %scan3A_47 : i32 to index
          %swap3A_639 = arith.constant 80 : index
          %swap3A_640 = tpu.vector_load %arg8[%swap3A_638, %swap3A_639] {strides = array<i32>} : memref<16x256xf32, #tpu.memory_space<vmem>>, vector<1x16xf32>,
          %swap3A_641 = vector.shape_cast %swap3A_640 : vector<1x16xf32> to vector<16xf32>
          %swap3A_642 = vector.shape_cast %add3A_637 : vector<16xf32> to vector<1x16xf32>
          tpu.vector_store %arg8[%swap3A_638, %swap3A_639], %swap3A_642 {strides = array<i32>} : memref<16x256xf32, #tpu.memory_space<vmem>>, vector<1x16xf32>,
          %get3A_643 = arith.index_cast %scan3A_47 : i32 to index
          %get3A_644 = arith.constant 80 : index
          %get3A_645 = tpu.vector_load %arg9[%get3A_643, %get3A_644] {strides = array<i32>} : memref<16x256xf32, #tpu.memory_space<vmem>>, vector<1x16xf32>,
          %get3A_646 = vector.shape_cast %get3A_645 : vector<1x16xf32> to vector<16xf32>
          %add3A_647 = arith.addf %get3A_646, %while3A_532#11 : vector<16xf32>
          %swap3A_648 = arith.index_cast %scan3A_47 : i32 to index
          %swap3A_649 = arith.constant 80 : index
          %swap3A_650 = tpu.vector_load %arg9[%swap3A_648, %swap3A_649] {strides = array<i32>} : memref<16x256xf32, #tpu.memory_space<vmem>>, vector<1x16xf32>,
          %swap3A_651 = vector.shape_cast %swap3A_650 : vector<1x16xf32> to vector<16xf32>
          %swap3A_652 = vector.shape_cast %add3A_647 : vector<16xf32> to vector<1x16xf32>
          tpu.vector_store %arg9[%swap3A_648, %swap3A_649], %swap3A_652 {strides = array<i32>} : memref<16x256xf32, #tpu.memory_space<vmem>>, vector<1x16xf32>,
          %get3A_653 = arith.index_cast %scan3A_47 : i32 to index
          %get3A_654 = arith.constant 96 : index
          %get3A_655 = tpu.vector_load %arg8[%get3A_653, %get3A_654] {strides = array<i32>} : memref<16x256xf32, #tpu.memory_space<vmem>>, vector<1x16xf32>,
          %get3A_656 = vector.shape_cast %get3A_655 : vector<1x16xf32> to vector<16xf32>
          %add3A_657 = arith.addf %get3A_656, %while3A_532#12 : vector<16xf32>
          %swap3A_658 = arith.index_cast %scan3A_47 : i32 to index
          %swap3A_659 = arith.constant 96 : index
          %swap3A_660 = tpu.vector_load %arg8[%swap3A_658, %swap3A_659] {strides = array<i32>} : memref<16x256xf32, #tpu.memory_space<vmem>>, vector<1x16xf32>,
          %swap3A_661 = vector.shape_cast %swap3A_660 : vector<1x16xf32> to vector<16xf32>
          %swap3A_662 = vector.shape_cast %add3A_657 : vector<16xf32> to vector<1x16xf32>
          tpu.vector_store %arg8[%swap3A_658, %swap3A_659], %swap3A_662 {strides = array<i32>} : memref<16x256xf32, #tpu.memory_space<vmem>>, vector<1x16xf32>,
          %get3A_663 = arith.index_cast %scan3A_47 : i32 to index
          %get3A_664 = arith.constant 96 : index
          %get3A_665 = tpu.vector_load %arg9[%get3A_663, %get3A_664] {strides = array<i32>} : memref<16x256xf32, #tpu.memory_space<vmem>>, vector<1x16xf32>,
          %get3A_666 = vector.shape_cast %get3A_665 : vector<1x16xf32> to vector<16xf32>
          %add3A_667 = arith.addf %get3A_666, %while3A_532#13 : vector<16xf32>
          %swap3A_668 = arith.index_cast %scan3A_47 : i32 to index
          %swap3A_669 = arith.constant 96 : index
          %swap3A_670 = tpu.vector_load %arg9[%swap3A_668, %swap3A_669] {strides = array<i32>} : memref<16x256xf32, #tpu.memory_space<vmem>>, vector<1x16xf32>,
          %swap3A_671 = vector.shape_cast %swap3A_670 : vector<1x16xf32> to vector<16xf32>
          %swap3A_672 = vector.shape_cast %add3A_667 : vector<16xf32> to vector<1x16xf32>
          tpu.vector_store %arg9[%swap3A_668, %swap3A_669], %swap3A_672 {strides = array<i32>} : memref<16x256xf32, #tpu.memory_space<vmem>>, vector<1x16xf32>,
          %get3A_673 = arith.index_cast %scan3A_47 : i32 to index
          %get3A_674 = arith.constant 112 : index
          %get3A_675 = tpu.vector_load %arg8[%get3A_673, %get3A_674] {strides = array<i32>} : memref<16x256xf32, #tpu.memory_space<vmem>>, vector<1x16xf32>,
          %get3A_676 = vector.shape_cast %get3A_675 : vector<1x16xf32> to vector<16xf32>
          %add3A_677 = arith.addf %get3A_676, %while3A_532#14 : vector<16xf32>
          %swap3A_678 = arith.index_cast %scan3A_47 : i32 to index
          %swap3A_679 = arith.constant 112 : index
          %swap3A_680 = tpu.vector_load %arg8[%swap3A_678, %swap3A_679] {strides = array<i32>} : memref<16x256xf32, #tpu.memory_space<vmem>>, vector<1x16xf32>,
          %swap3A_681 = vector.shape_cast %swap3A_680 : vector<1x16xf32> to vector<16xf32>
          %swap3A_682 = vector.shape_cast %add3A_677 : vector<16xf32> to vector<1x16xf32>
          tpu.vector_store %arg8[%swap3A_678, %swap3A_679], %swap3A_682 {strides = array<i32>} : memref<16x256xf32, #tpu.memory_space<vmem>>, vector<1x16xf32>,
          %get3A_683 = arith.index_cast %scan3A_47 : i32 to index
          %get3A_684 = arith.constant 112 : index
          %get3A_685 = tpu.vector_load %arg9[%get3A_683, %get3A_684] {strides = array<i32>} : memref<16x256xf32, #tpu.memory_space<vmem>>, vector<1x16xf32>,
          %get3A_686 = vector.shape_cast %get3A_685 : vector<1x16xf32> to vector<16xf32>
          %add3A_687 = arith.addf %get3A_686, %while3A_532#15 : vector<16xf32>
          %swap3A_688 = arith.index_cast %scan3A_47 : i32 to index
          %swap3A_689 = arith.constant 112 : index
          %swap3A_690 = tpu.vector_load %arg9[%swap3A_688, %swap3A_689] {strides = array<i32>} : memref<16x256xf32, #tpu.memory_space<vmem>>, vector<1x16xf32>,
          %swap3A_691 = vector.shape_cast %swap3A_690 : vector<1x16xf32> to vector<16xf32>
          %swap3A_692 = vector.shape_cast %add3A_687 : vector<16xf32> to vector<1x16xf32>
          tpu.vector_store %arg9[%swap3A_688, %swap3A_689], %swap3A_692 {strides = array<i32>} : memref<16x256xf32, #tpu.memory_space<vmem>>, vector<1x16xf32>,
          %get3A_693 = arith.index_cast %scan3A_47 : i32 to index
          %get3A_694 = arith.constant 128 : index
          %get3A_695 = tpu.vector_load %arg8[%get3A_693, %get3A_694] {strides = array<i32>} : memref<16x256xf32, #tpu.memory_space<vmem>>, vector<1x16xf32>,
          %get3A_696 = vector.shape_cast %get3A_695 : vector<1x16xf32> to vector<16xf32>
          %add3A_697 = arith.addf %get3A_696, %while3A_532#16 : vector<16xf32>
          %swap3A_698 = arith.index_cast %scan3A_47 : i32 to index
          %swap3A_699 = arith.constant 128 : index
          %swap3A_700 = tpu.vector_load %arg8[%swap3A_698, %swap3A_699] {strides = array<i32>} : memref<16x256xf32, #tpu.memory_space<vmem>>, vector<1x16xf32>,
          %swap3A_701 = vector.shape_cast %swap3A_700 : vector<1x16xf32> to vector<16xf32>
          %swap3A_702 = vector.shape_cast %add3A_697 : vector<16xf32> to vector<1x16xf32>
          tpu.vector_store %arg8[%swap3A_698, %swap3A_699], %swap3A_702 {strides = array<i32>} : memref<16x256xf32, #tpu.memory_space<vmem>>, vector<1x16xf32>,
          %get3A_703 = arith.index_cast %scan3A_47 : i32 to index
          %get3A_704 = arith.constant 128 : index
          %get3A_705 = tpu.vector_load %arg9[%get3A_703, %get3A_704] {strides = array<i32>} : memref<16x256xf32, #tpu.memory_space<vmem>>, vector<1x16xf32>,
          %get3A_706 = vector.shape_cast %get3A_705 : vector<1x16xf32> to vector<16xf32>
          %add3A_707 = arith.addf %get3A_706, %while3A_532#17 : vector<16xf32>
          %swap3A_708 = arith.index_cast %scan3A_47 : i32 to index
          %swap3A_709 = arith.constant 128 : index
          %swap3A_710 = tpu.vector_load %arg9[%swap3A_708, %swap3A_709] {strides = array<i32>} : memref<16x256xf32, #tpu.memory_space<vmem>>, vector<1x16xf32>,
          %swap3A_711 = vector.shape_cast %swap3A_710 : vector<1x16xf32> to vector<16xf32>
          %swap3A_712 = vector.shape_cast %add3A_707 : vector<16xf32> to vector<1x16xf32>
          tpu.vector_store %arg9[%swap3A_708, %swap3A_709], %swap3A_712 {strides = array<i32>} : memref<16x256xf32, #tpu.memory_space<vmem>>, vector<1x16xf32>,
          %get3A_713 = arith.index_cast %scan3A_47 : i32 to index
          %get3A_714 = arith.constant 144 : index
          %get3A_715 = tpu.vector_load %arg8[%get3A_713, %get3A_714] {strides = array<i32>} : memref<16x256xf32, #tpu.memory_space<vmem>>, vector<1x16xf32>,
          %get3A_716 = vector.shape_cast %get3A_715 : vector<1x16xf32> to vector<16xf32>
          %add3A_717 = arith.addf %get3A_716, %while3A_532#18 : vector<16xf32>
          %swap3A_718 = arith.index_cast %scan3A_47 : i32 to index
          %swap3A_719 = arith.constant 144 : index
          %swap3A_720 = tpu.vector_load %arg8[%swap3A_718, %swap3A_719] {strides = array<i32>} : memref<16x256xf32, #tpu.memory_space<vmem>>, vector<1x16xf32>,
          %swap3A_721 = vector.shape_cast %swap3A_720 : vector<1x16xf32> to vector<16xf32>
          %swap3A_722 = vector.shape_cast %add3A_717 : vector<16xf32> to vector<1x16xf32>
          tpu.vector_store %arg8[%swap3A_718, %swap3A_719], %swap3A_722 {strides = array<i32>} : memref<16x256xf32, #tpu.memory_space<vmem>>, vector<1x16xf32>,
          %get3A_723 = arith.index_cast %scan3A_47 : i32 to index
          %get3A_724 = arith.constant 144 : index
          %get3A_725 = tpu.vector_load %arg9[%get3A_723, %get3A_724] {strides = array<i32>} : memref<16x256xf32, #tpu.memory_space<vmem>>, vector<1x16xf32>,
          %get3A_726 = vector.shape_cast %get3A_725 : vector<1x16xf32> to vector<16xf32>
          %add3A_727 = arith.addf %get3A_726, %while3A_532#19 : vector<16xf32>
          %swap3A_728 = arith.index_cast %scan3A_47 : i32 to index
          %swap3A_729 = arith.constant 144 : index
          %swap3A_730 = tpu.vector_load %arg9[%swap3A_728, %swap3A_729] {strides = array<i32>} : memref<16x256xf32, #tpu.memory_space<vmem>>, vector<1x16xf32>,
          %swap3A_731 = vector.shape_cast %swap3A_730 : vector<1x16xf32> to vector<16xf32>
          %swap3A_732 = vector.shape_cast %add3A_727 : vector<16xf32> to vector<1x16xf32>
          tpu.vector_store %arg9[%swap3A_728, %swap3A_729], %swap3A_732 {strides = array<i32>} : memref<16x256xf32, #tpu.memory_space<vmem>>, vector<1x16xf32>,
          %get3A_733 = arith.index_cast %scan3A_47 : i32 to index
          %get3A_734 = arith.constant 160 : index
          %get3A_735 = tpu.vector_load %arg8[%get3A_733, %get3A_734] {strides = array<i32>} : memref<16x256xf32, #tpu.memory_space<vmem>>, vector<1x16xf32>,
          %get3A_736 = vector.shape_cast %get3A_735 : vector<1x16xf32> to vector<16xf32>
          %add3A_737 = arith.addf %get3A_736, %while3A_532#20 : vector<16xf32>
          %swap3A_738 = arith.index_cast %scan3A_47 : i32 to index
          %swap3A_739 = arith.constant 160 : index
          %swap3A_740 = tpu.vector_load %arg8[%swap3A_738, %swap3A_739] {strides = array<i32>} : memref<16x256xf32, #tpu.memory_space<vmem>>, vector<1x16xf32>,
          %swap3A_741 = vector.shape_cast %swap3A_740 : vector<1x16xf32> to vector<16xf32>
          %swap3A_742 = vector.shape_cast %add3A_737 : vector<16xf32> to vector<1x16xf32>
          tpu.vector_store %arg8[%swap3A_738, %swap3A_739], %swap3A_742 {strides = array<i32>} : memref<16x256xf32, #tpu.memory_space<vmem>>, vector<1x16xf32>,
          %get3A_743 = arith.index_cast %scan3A_47 : i32 to index
          %get3A_744 = arith.constant 160 : index
          %get3A_745 = tpu.vector_load %arg9[%get3A_743, %get3A_744] {strides = array<i32>} : memref<16x256xf32, #tpu.memory_space<vmem>>, vector<1x16xf32>,
          %get3A_746 = vector.shape_cast %get3A_745 : vector<1x16xf32> to vector<16xf32>
          %add3A_747 = arith.addf %get3A_746, %while3A_532#21 : vector<16xf32>
          %swap3A_748 = arith.index_cast %scan3A_47 : i32 to index
          %swap3A_749 = arith.constant 160 : index
          %swap3A_750 = tpu.vector_load %arg9[%swap3A_748, %swap3A_749] {strides = array<i32>} : memref<16x256xf32, #tpu.memory_space<vmem>>, vector<1x16xf32>,
          %swap3A_751 = vector.shape_cast %swap3A_750 : vector<1x16xf32> to vector<16xf32>
          %swap3A_752 = vector.shape_cast %add3A_747 : vector<16xf32> to vector<1x16xf32>
          tpu.vector_store %arg9[%swap3A_748, %swap3A_749], %swap3A_752 {strides = array<i32>} : memref<16x256xf32, #tpu.memory_space<vmem>>, vector<1x16xf32>,
          %get3A_753 = arith.index_cast %scan3A_47 : i32 to index
          %get3A_754 = arith.constant 176 : index
          %get3A_755 = tpu.vector_load %arg8[%get3A_753, %get3A_754] {strides = array<i32>} : memref<16x256xf32, #tpu.memory_space<vmem>>, vector<1x16xf32>,
          %get3A_756 = vector.shape_cast %get3A_755 : vector<1x16xf32> to vector<16xf32>
          %add3A_757 = arith.addf %get3A_756, %while3A_532#22 : vector<16xf32>
          %swap3A_758 = arith.index_cast %scan3A_47 : i32 to index
          %swap3A_759 = arith.constant 176 : index
          %swap3A_760 = tpu.vector_load %arg8[%swap3A_758, %swap3A_759] {strides = array<i32>} : memref<16x256xf32, #tpu.memory_space<vmem>>, vector<1x16xf32>,
          %swap3A_761 = vector.shape_cast %swap3A_760 : vector<1x16xf32> to vector<16xf32>
          %swap3A_762 = vector.shape_cast %add3A_757 : vector<16xf32> to vector<1x16xf32>
          tpu.vector_store %arg8[%swap3A_758, %swap3A_759], %swap3A_762 {strides = array<i32>} : memref<16x256xf32, #tpu.memory_space<vmem>>, vector<1x16xf32>,
          %get3A_763 = arith.index_cast %scan3A_47 : i32 to index
          %get3A_764 = arith.constant 176 : index
          %get3A_765 = tpu.vector_load %arg9[%get3A_763, %get3A_764] {strides = array<i32>} : memref<16x256xf32, #tpu.memory_space<vmem>>, vector<1x16xf32>,
          %get3A_766 = vector.shape_cast %get3A_765 : vector<1x16xf32> to vector<16xf32>
          %add3A_767 = arith.addf %get3A_766, %while3A_532#23 : vector<16xf32>
          %swap3A_768 = arith.index_cast %scan3A_47 : i32 to index
          %swap3A_769 = arith.constant 176 : index
          %swap3A_770 = tpu.vector_load %arg9[%swap3A_768, %swap3A_769] {strides = array<i32>} : memref<16x256xf32, #tpu.memory_space<vmem>>, vector<1x16xf32>,
          %swap3A_771 = vector.shape_cast %swap3A_770 : vector<1x16xf32> to vector<16xf32>
          %swap3A_772 = vector.shape_cast %add3A_767 : vector<16xf32> to vector<1x16xf32>
          tpu.vector_store %arg9[%swap3A_768, %swap3A_769], %swap3A_772 {strides = array<i32>} : memref<16x256xf32, #tpu.memory_space<vmem>>, vector<1x16xf32>,
          %get3A_773 = arith.index_cast %scan3A_47 : i32 to index
          %get3A_774 = arith.constant 192 : index
          %get3A_775 = tpu.vector_load %arg8[%get3A_773, %get3A_774] {strides = array<i32>} : memref<16x256xf32, #tpu.memory_space<vmem>>, vector<1x16xf32>,
          %get3A_776 = vector.shape_cast %get3A_775 : vector<1x16xf32> to vector<16xf32>
          %add3A_777 = arith.addf %get3A_776, %while3A_532#24 : vector<16xf32>
          %swap3A_778 = arith.index_cast %scan3A_47 : i32 to index
          %swap3A_779 = arith.constant 192 : index
          %swap3A_780 = tpu.vector_load %arg8[%swap3A_778, %swap3A_779] {strides = array<i32>} : memref<16x256xf32, #tpu.memory_space<vmem>>, vector<1x16xf32>,
          %swap3A_781 = vector.shape_cast %swap3A_780 : vector<1x16xf32> to vector<16xf32>
          %swap3A_782 = vector.shape_cast %add3A_777 : vector<16xf32> to vector<1x16xf32>
          tpu.vector_store %arg8[%swap3A_778, %swap3A_779], %swap3A_782 {strides = array<i32>} : memref<16x256xf32, #tpu.memory_space<vmem>>, vector<1x16xf32>,
          %get3A_783 = arith.index_cast %scan3A_47 : i32 to index
          %get3A_784 = arith.constant 192 : index
          %get3A_785 = tpu.vector_load %arg9[%get3A_783, %get3A_784] {strides = array<i32>} : memref<16x256xf32, #tpu.memory_space<vmem>>, vector<1x16xf32>,
          %get3A_786 = vector.shape_cast %get3A_785 : vector<1x16xf32> to vector<16xf32>
          %add3A_787 = arith.addf %get3A_786, %while3A_532#25 : vector<16xf32>
          %swap3A_788 = arith.index_cast %scan3A_47 : i32 to index
          %swap3A_789 = arith.constant 192 : index
          %swap3A_790 = tpu.vector_load %arg9[%swap3A_788, %swap3A_789] {strides = array<i32>} : memref<16x256xf32, #tpu.memory_space<vmem>>, vector<1x16xf32>,
          %swap3A_791 = vector.shape_cast %swap3A_790 : vector<1x16xf32> to vector<16xf32>
          %swap3A_792 = vector.shape_cast %add3A_787 : vector<16xf32> to vector<1x16xf32>
          tpu.vector_store %arg9[%swap3A_788, %swap3A_789], %swap3A_792 {strides = array<i32>} : memref<16x256xf32, #tpu.memory_space<vmem>>, vector<1x16xf32>,
          %get3A_793 = arith.index_cast %scan3A_47 : i32 to index
          %get3A_794 = arith.constant 208 : index
          %get3A_795 = tpu.vector_load %arg8[%get3A_793, %get3A_794] {strides = array<i32>} : memref<16x256xf32, #tpu.memory_space<vmem>>, vector<1x16xf32>,
          %get3A_796 = vector.shape_cast %get3A_795 : vector<1x16xf32> to vector<16xf32>
          %add3A_797 = arith.addf %get3A_796, %while3A_532#26 : vector<16xf32>
          %swap3A_798 = arith.index_cast %scan3A_47 : i32 to index
          %swap3A_799 = arith.constant 208 : index
          %swap3A_800 = tpu.vector_load %arg8[%swap3A_798, %swap3A_799] {strides = array<i32>} : memref<16x256xf32, #tpu.memory_space<vmem>>, vector<1x16xf32>,
          %swap3A_801 = vector.shape_cast %swap3A_800 : vector<1x16xf32> to vector<16xf32>
          %swap3A_802 = vector.shape_cast %add3A_797 : vector<16xf32> to vector<1x16xf32>
          tpu.vector_store %arg8[%swap3A_798, %swap3A_799], %swap3A_802 {strides = array<i32>} : memref<16x256xf32, #tpu.memory_space<vmem>>, vector<1x16xf32>,
          %get3A_803 = arith.index_cast %scan3A_47 : i32 to index
          %get3A_804 = arith.constant 208 : index
          %get3A_805 = tpu.vector_load %arg9[%get3A_803, %get3A_804] {strides = array<i32>} : memref<16x256xf32, #tpu.memory_space<vmem>>, vector<1x16xf32>,
          %get3A_806 = vector.shape_cast %get3A_805 : vector<1x16xf32> to vector<16xf32>
          %add3A_807 = arith.addf %get3A_806, %while3A_532#27 : vector<16xf32>
          %swap3A_808 = arith.index_cast %scan3A_47 : i32 to index
          %swap3A_809 = arith.constant 208 : index
          %swap3A_810 = tpu.vector_load %arg9[%swap3A_808, %swap3A_809] {strides = array<i32>} : memref<16x256xf32, #tpu.memory_space<vmem>>, vector<1x16xf32>,
          %swap3A_811 = vector.shape_cast %swap3A_810 : vector<1x16xf32> to vector<16xf32>
          %swap3A_812 = vector.shape_cast %add3A_807 : vector<16xf32> to vector<1x16xf32>
          tpu.vector_store %arg9[%swap3A_808, %swap3A_809], %swap3A_812 {strides = array<i32>} : memref<16x256xf32, #tpu.memory_space<vmem>>, vector<1x16xf32>,
          %get3A_813 = arith.index_cast %scan3A_47 : i32 to index
          %get3A_814 = arith.constant 224 : index
          %get3A_815 = tpu.vector_load %arg8[%get3A_813, %get3A_814] {strides = array<i32>} : memref<16x256xf32, #tpu.memory_space<vmem>>, vector<1x16xf32>,
          %get3A_816 = vector.shape_cast %get3A_815 : vector<1x16xf32> to vector<16xf32>
          %add3A_817 = arith.addf %get3A_816, %while3A_532#28 : vector<16xf32>
          %swap3A_818 = arith.index_cast %scan3A_47 : i32 to index
          %swap3A_819 = arith.constant 224 : index
          %swap3A_820 = tpu.vector_load %arg8[%swap3A_818, %swap3A_819] {strides = array<i32>} : memref<16x256xf32, #tpu.memory_space<vmem>>, vector<1x16xf32>,
          %swap3A_821 = vector.shape_cast %swap3A_820 : vector<1x16xf32> to vector<16xf32>
          %swap3A_822 = vector.shape_cast %add3A_817 : vector<16xf32> to vector<1x16xf32>
          tpu.vector_store %arg8[%swap3A_818, %swap3A_819], %swap3A_822 {strides = array<i32>} : memref<16x256xf32, #tpu.memory_space<vmem>>, vector<1x16xf32>,
          %get3A_823 = arith.index_cast %scan3A_47 : i32 to index
          %get3A_824 = arith.constant 224 : index
          %get3A_825 = tpu.vector_load %arg9[%get3A_823, %get3A_824] {strides = array<i32>} : memref<16x256xf32, #tpu.memory_space<vmem>>, vector<1x16xf32>,
          %get3A_826 = vector.shape_cast %get3A_825 : vector<1x16xf32> to vector<16xf32>
          %add3A_827 = arith.addf %get3A_826, %while3A_532#29 : vector<16xf32>
          %swap3A_828 = arith.index_cast %scan3A_47 : i32 to index
          %swap3A_829 = arith.constant 224 : index
          %swap3A_830 = tpu.vector_load %arg9[%swap3A_828, %swap3A_829] {strides = array<i32>} : memref<16x256xf32, #tpu.memory_space<vmem>>, vector<1x16xf32>,
          %swap3A_831 = vector.shape_cast %swap3A_830 : vector<1x16xf32> to vector<16xf32>
          %swap3A_832 = vector.shape_cast %add3A_827 : vector<16xf32> to vector<1x16xf32>
          tpu.vector_store %arg9[%swap3A_828, %swap3A_829], %swap3A_832 {strides = array<i32>} : memref<16x256xf32, #tpu.memory_space<vmem>>, vector<1x16xf32>,
          %get3A_833 = arith.index_cast %scan3A_47 : i32 to index
          %get3A_834 = arith.constant 240 : index
          %get3A_835 = tpu.vector_load %arg8[%get3A_833, %get3A_834] {strides = array<i32>} : memref<16x256xf32, #tpu.memory_space<vmem>>, vector<1x16xf32>,
          %get3A_836 = vector.shape_cast %get3A_835 : vector<1x16xf32> to vector<16xf32>
          %add3A_837 = arith.addf %get3A_836, %while3A_532#30 : vector<16xf32>
          %swap3A_838 = arith.index_cast %scan3A_47 : i32 to index
          %swap3A_839 = arith.constant 240 : index
          %swap3A_840 = tpu.vector_load %arg8[%swap3A_838, %swap3A_839] {strides = array<i32>} : memref<16x256xf32, #tpu.memory_space<vmem>>, vector<1x16xf32>,
          %swap3A_841 = vector.shape_cast %swap3A_840 : vector<1x16xf32> to vector<16xf32>
          %swap3A_842 = vector.shape_cast %add3A_837 : vector<16xf32> to vector<1x16xf32>
          tpu.vector_store %arg8[%swap3A_838, %swap3A_839], %swap3A_842 {strides = array<i32>} : memref<16x256xf32, #tpu.memory_space<vmem>>, vector<1x16xf32>,
          %get3A_843 = arith.index_cast %scan3A_47 : i32 to index
          %get3A_844 = arith.constant 240 : index
          %get3A_845 = tpu.vector_load %arg9[%get3A_843, %get3A_844] {strides = array<i32>} : memref<16x256xf32, #tpu.memory_space<vmem>>, vector<1x16xf32>,
          %get3A_846 = vector.shape_cast %get3A_845 : vector<1x16xf32> to vector<16xf32>
          %add3A_847 = arith.addf %get3A_846, %while3A_532#31 : vector<16xf32>
          %swap3A_848 = arith.index_cast %scan3A_47 : i32 to index
          %swap3A_849 = arith.constant 240 : index
          %swap3A_850 = tpu.vector_load %arg9[%swap3A_848, %swap3A_849] {strides = array<i32>} : memref<16x256xf32, #tpu.memory_space<vmem>>, vector<1x16xf32>,
          %swap3A_851 = vector.shape_cast %swap3A_850 : vector<1x16xf32> to vector<16xf32>
          %swap3A_852 = vector.shape_cast %add3A_847 : vector<16xf32> to vector<1x16xf32>
          tpu.vector_store %arg9[%swap3A_848, %swap3A_849], %swap3A_852 {strides = array<i32>} : memref<16x256xf32, #tpu.memory_space<vmem>>, vector<1x16xf32>,
        }
        %add3A_88 = arith.constant 0 : i32
        %add3A_89 = arith.addi %max3A, %add3A_88 : i32
        %and3A_90 = arith.constant -8 : i32
        %and3A_91 = arith.andi %add3A_89, %and3A_90 : i32
        %min3A_92 = arith.constant 32696 : i32
        %min3A_93 = arith.minsi %and3A_91, %min3A_92 : i32
        %multiple_of3A_94 = tpu.assume_multiple %min3A_93, 8 : i32
        %dma_wait3A_95 = arith.constant 0 : i32
        %dma_wait3A_96 = tpu.memref_slice %arg2[%multiple_of3A_94, %dma_wait3A_95] : memref<32768x256xf32, #tpu.memory_space<hbm>> -> memref<72x256xf32, #tpu.memory_space<hbm>>
        %dma_wait3A_97 = arith.constant 0 : i32
        %dma_wait3A_98 = tpu.memref_slice %arg2[%multiple_of3A_94, %dma_wait3A_97] : memref<32768x256xf32, #tpu.memory_space<hbm>> -> memref<72x256xf32, #tpu.memory_space<hbm>>
        tpu.wait_dma2 semaphore(%arg11 : memref<!tpu.dma_semaphore, #tpu.memory_space<semaphore_mem>>) src(%dma_wait3A_98 : memref<72x256xf32, #tpu.memory_space<hbm>>) dst(%arg6 : memref<72x256xf32, #tpu.memory_space<vmem>>)
      } else {
      }
    }
    %scan3A_16 = arith.constant 16 : i32
    %dma_start3A = arith.constant 0 : i32
    %dma_start3A_17 = arith.constant 0 : i32
    %dma_start3A_18 = tpu.memref_slice %arg4[%add3A, %dma_start3A, %dma_start3A_17] : memref<32x16x256xf32, #tpu.memory_space<hbm>> -> memref<1x16x256xf32, #tpu.memory_space<hbm>>
    %dma_start3A_19 = tpu.memref_squeeze %dma_start3A_18 : memref<1x16x256xf32, #tpu.memory_space<hbm>> -> memref<16x256xf32, #tpu.memory_space<hbm>>
    %dma_start3A_20 = arith.constant 0 : i32
    %dma_start3A_21 = arith.constant 0 : i32
    %dma_start3A_22 = tpu.memref_slice %arg4[%add3A, %dma_start3A_20, %dma_start3A_21] : memref<32x16x256xf32, #tpu.memory_space<hbm>> -> memref<1x16x256xf32, #tpu.memory_space<hbm>>
    %dma_start3A_23 = tpu.memref_squeeze %dma_start3A_22 : memref<1x16x256xf32, #tpu.memory_space<hbm>> -> memref<16x256xf32, #tpu.memory_space<hbm>>
    tpu.enqueue_dma source(%arg8 : memref<16x256xf32, #tpu.memory_space<vmem>>) target(%dma_start3A_23 : memref<16x256xf32, #tpu.memory_space<hbm>>) target_semaphore(%arg11 : memref<!tpu.dma_semaphore, #tpu.memory_space<semaphore_mem>>)
    %dma_start3A_24 = arith.constant 0 : i32
    %dma_start3A_25 = arith.constant 0 : i32
    %dma_start3A_26 = tpu.memref_slice %arg5[%add3A, %dma_start3A_24, %dma_start3A_25] : memref<32x16x256xf32, #tpu.memory_space<hbm>> -> memref<1x16x256xf32, #tpu.memory_space<hbm>>
    %dma_start3A_27 = tpu.memref_squeeze %dma_start3A_26 : memref<1x16x256xf32, #tpu.memory_space<hbm>> -> memref<16x256xf32, #tpu.memory_space<hbm>>
    %dma_start3A_28 = arith.constant 0 : i32
    %dma_start3A_29 = arith.constant 0 : i32
    %dma_start3A_30 = tpu.memref_slice %arg5[%add3A, %dma_start3A_28, %dma_start3A_29] : memref<32x16x256xf32, #tpu.memory_space<hbm>> -> memref<1x16x256xf32, #tpu.memory_space<hbm>>
    %dma_start3A_31 = tpu.memref_squeeze %dma_start3A_30 : memref<1x16x256xf32, #tpu.memory_space<hbm>> -> memref<16x256xf32, #tpu.memory_space<hbm>>
    tpu.enqueue_dma source(%arg9 : memref<16x256xf32, #tpu.memory_space<vmem>>) target(%dma_start3A_31 : memref<16x256xf32, #tpu.memory_space<hbm>>) target_semaphore(%arg12 : memref<!tpu.dma_semaphore, #tpu.memory_space<semaphore_mem>>)
    %dma_wait3A = arith.constant 0 : i32
    %dma_wait3A_32 = arith.constant 0 : i32
    %dma_wait3A_33 = tpu.memref_slice %arg4[%add3A, %dma_wait3A, %dma_wait3A_32] : memref<32x16x256xf32, #tpu.memory_space<hbm>> -> memref<1x16x256xf32, #tpu.memory_space<hbm>>
    %dma_wait3A_34 = tpu.memref_squeeze %dma_wait3A_33 : memref<1x16x256xf32, #tpu.memory_space<hbm>> -> memref<16x256xf32, #tpu.memory_space<hbm>>
    %dma_wait3A_35 = arith.constant 0 : i32
    %dma_wait3A_36 = arith.constant 0 : i32
    %dma_wait3A_37 = tpu.memref_slice %arg4[%add3A, %dma_wait3A_35, %dma_wait3A_36] : memref<32x16x256xf32, #tpu.memory_space<hbm>> -> memref<1x16x256xf32, #tpu.memory_space<hbm>>
    %dma_wait3A_38 = tpu.memref_squeeze %dma_wait3A_37 : memref<1x16x256xf32, #tpu.memory_space<hbm>> -> memref<16x256xf32, #tpu.memory_space<hbm>>
    tpu.wait_dma2 semaphore(%arg11 : memref<!tpu.dma_semaphore, #tpu.memory_space<semaphore_mem>>) src(%arg8 : memref<16x256xf32, #tpu.memory_space<vmem>>) dst(%dma_wait3A_38 : memref<16x256xf32, #tpu.memory_space<hbm>>)
    %dma_wait3A_39 = arith.constant 0 : i32
    %dma_wait3A_40 = arith.constant 0 : i32
    %dma_wait3A_41 = tpu.memref_slice %arg5[%add3A, %dma_wait3A_39, %dma_wait3A_40] : memref<32x16x256xf32, #tpu.memory_space<hbm>> -> memref<1x16x256xf32, #tpu.memory_space<hbm>>
    %dma_wait3A_42 = tpu.memref_squeeze %dma_wait3A_41 : memref<1x16x256xf32, #tpu.memory_space<hbm>> -> memref<16x256xf32, #tpu.memory_space<hbm>>
    %dma_wait3A_43 = arith.constant 0 : i32
    %dma_wait3A_44 = arith.constant 0 : i32
    %dma_wait3A_45 = tpu.memref_slice %arg5[%add3A, %dma_wait3A_43, %dma_wait3A_44] : memref<32x16x256xf32, #tpu.memory_space<hbm>> -> memref<1x16x256xf32, #tpu.memory_space<hbm>>
    %dma_wait3A_46 = tpu.memref_squeeze %dma_wait3A_45 : memref<1x16x256xf32, #tpu.memory_space<hbm>> -> memref<16x256xf32, #tpu.memory_space<hbm>>
    tpu.wait_dma2 semaphore(%arg12 : memref<!tpu.dma_semaphore, #tpu.memory_space<semaphore_mem>>) src(%arg9 : memref<16x256xf32, #tpu.memory_space<vmem>>) dst(%dma_wait3A_46 : memref<16x256xf32, #tpu.memory_space<hbm>>)
    return
  }
}

module attributes {stable_mosaic.version = 14 : i64} {
  func.func @_tc_part_body(%arg0: i32, %arg1: memref<32xi32, #tpu.memory_space<smem>>, %arg2: memref<4096x256xf32, #tpu.memory_space<vmem>>, %arg3: memref<16x256xf32, #tpu.memory_space<vmem>>, %arg4: memref<16x256xf32, #tpu.memory_space<vmem>>, %arg5: memref<16x256xf32, #tpu.memory_space<vmem>>, %arg6: memref<16x256xf32, #tpu.memory_space<vmem>>) attributes {dimension_semantics = [#tpu.dimension_semantics<arbitrary>], iteration_bounds = array<i64: 6>, scalar_prefetch = 0 : i64, scratch_operands = 2 : i64, tpu.core_type = #tpu.core_type<tc>, window_params = [{transform_indices = @transform_0, window_bounds = array<i64: 32>}, {transform_indices = @transform_1, window_bounds = array<i64: 4096, 256>}, {pipeline_mode = #tpu.pipeline_mode<synchronous>, transform_indices = @transform_2, window_bounds = array<i64: 16, 256>}, {pipeline_mode = #tpu.pipeline_mode<synchronous>, transform_indices = @transform_3, window_bounds = array<i64: 16, 256>}]} {
    %mul3A = arith.constant 4096 : i32
    %mul3A_0 = arith.muli %arg0, %mul3A : i32
    %add3A = arith.constant 8192 : i32
    %add3A_1 = arith.addi %add3A, %mul3A_0 : i32
    %iota3A = tpu.iota {dimensions = array<i32: 0>} : vector<4096x1xi32>
    %add3A_2 = vector.broadcast %add3A_1 : i32 to vector<4096x1xi32>
    %add3A_3 = arith.addi %add3A_2, %iota3A : vector<4096x1xi32>
    %broadcast_in_dim3A = arith.constant 0 : i32
    %broadcast_in_dim3A_4 = vector.broadcast %broadcast_in_dim3A : i32 to vector<4096x1xi32>
    %get3A = arith.constant 1 : index
    %get3A_5 = memref.load %arg1[%get3A] : memref<32xi32, #tpu.memory_space<smem>>
    %ge3A = vector.broadcast %get3A_5 : i32 to vector<4096x1xi32>
    %ge3A_6 = arith.cmpi sge, %add3A_3, %ge3A : vector<4096x1xi32>
    %convert_element_type3A = arith.extui %ge3A_6 : vector<4096x1xi1> to vector<4096x1xi32>
    %add3A_7 = arith.addi %broadcast_in_dim3A_4, %convert_element_type3A : vector<4096x1xi32>
    %get3A_8 = arith.constant 2 : index
    %get3A_9 = memref.load %arg1[%get3A_8] : memref<32xi32, #tpu.memory_space<smem>>
    %ge3A_10 = vector.broadcast %get3A_9 : i32 to vector<4096x1xi32>
    %ge3A_11 = arith.cmpi sge, %add3A_3, %ge3A_10 : vector<4096x1xi32>
    %convert_element_type3A_12 = arith.extui %ge3A_11 : vector<4096x1xi1> to vector<4096x1xi32>
    %add3A_13 = arith.addi %add3A_7, %convert_element_type3A_12 : vector<4096x1xi32>
    %get3A_14 = arith.constant 3 : index
    %get3A_15 = memref.load %arg1[%get3A_14] : memref<32xi32, #tpu.memory_space<smem>>
    %ge3A_16 = vector.broadcast %get3A_15 : i32 to vector<4096x1xi32>
    %ge3A_17 = arith.cmpi sge, %add3A_3, %ge3A_16 : vector<4096x1xi32>
    %convert_element_type3A_18 = arith.extui %ge3A_17 : vector<4096x1xi1> to vector<4096x1xi32>
    %add3A_19 = arith.addi %add3A_13, %convert_element_type3A_18 : vector<4096x1xi32>
    %get3A_20 = arith.constant 4 : index
    %get3A_21 = memref.load %arg1[%get3A_20] : memref<32xi32, #tpu.memory_space<smem>>
    %ge3A_22 = vector.broadcast %get3A_21 : i32 to vector<4096x1xi32>
    %ge3A_23 = arith.cmpi sge, %add3A_3, %ge3A_22 : vector<4096x1xi32>
    %convert_element_type3A_24 = arith.extui %ge3A_23 : vector<4096x1xi1> to vector<4096x1xi32>
    %add3A_25 = arith.addi %add3A_19, %convert_element_type3A_24 : vector<4096x1xi32>
    %get3A_26 = arith.constant 5 : index
    %get3A_27 = memref.load %arg1[%get3A_26] : memref<32xi32, #tpu.memory_space<smem>>
    %ge3A_28 = vector.broadcast %get3A_27 : i32 to vector<4096x1xi32>
    %ge3A_29 = arith.cmpi sge, %add3A_3, %ge3A_28 : vector<4096x1xi32>
    %convert_element_type3A_30 = arith.extui %ge3A_29 : vector<4096x1xi1> to vector<4096x1xi32>
    %add3A_31 = arith.addi %add3A_25, %convert_element_type3A_30 : vector<4096x1xi32>
    %get3A_32 = arith.constant 6 : index
    %get3A_33 = memref.load %arg1[%get3A_32] : memref<32xi32, #tpu.memory_space<smem>>
    %ge3A_34 = vector.broadcast %get3A_33 : i32 to vector<4096x1xi32>
    %ge3A_35 = arith.cmpi sge, %add3A_3, %ge3A_34 : vector<4096x1xi32>
    %convert_element_type3A_36 = arith.extui %ge3A_35 : vector<4096x1xi1> to vector<4096x1xi32>
    %add3A_37 = arith.addi %add3A_31, %convert_element_type3A_36 : vector<4096x1xi32>
    %get3A_38 = arith.constant 7 : index
    %get3A_39 = memref.load %arg1[%get3A_38] : memref<32xi32, #tpu.memory_space<smem>>
    %ge3A_40 = vector.broadcast %get3A_39 : i32 to vector<4096x1xi32>
    %ge3A_41 = arith.cmpi sge, %add3A_3, %ge3A_40 : vector<4096x1xi32>
    %convert_element_type3A_42 = arith.extui %ge3A_41 : vector<4096x1xi1> to vector<4096x1xi32>
    %add3A_43 = arith.addi %add3A_37, %convert_element_type3A_42 : vector<4096x1xi32>
    %get3A_44 = arith.constant 8 : index
    %get3A_45 = memref.load %arg1[%get3A_44] : memref<32xi32, #tpu.memory_space<smem>>
    %ge3A_46 = vector.broadcast %get3A_45 : i32 to vector<4096x1xi32>
    %ge3A_47 = arith.cmpi sge, %add3A_3, %ge3A_46 : vector<4096x1xi32>
    %convert_element_type3A_48 = arith.extui %ge3A_47 : vector<4096x1xi1> to vector<4096x1xi32>
    %add3A_49 = arith.addi %add3A_43, %convert_element_type3A_48 : vector<4096x1xi32>
    %get3A_50 = arith.constant 9 : index
    %get3A_51 = memref.load %arg1[%get3A_50] : memref<32xi32, #tpu.memory_space<smem>>
    %ge3A_52 = vector.broadcast %get3A_51 : i32 to vector<4096x1xi32>
    %ge3A_53 = arith.cmpi sge, %add3A_3, %ge3A_52 : vector<4096x1xi32>
    %convert_element_type3A_54 = arith.extui %ge3A_53 : vector<4096x1xi1> to vector<4096x1xi32>
    %add3A_55 = arith.addi %add3A_49, %convert_element_type3A_54 : vector<4096x1xi32>
    %get3A_56 = arith.constant 10 : index
    %get3A_57 = memref.load %arg1[%get3A_56] : memref<32xi32, #tpu.memory_space<smem>>
    %ge3A_58 = vector.broadcast %get3A_57 : i32 to vector<4096x1xi32>
    %ge3A_59 = arith.cmpi sge, %add3A_3, %ge3A_58 : vector<4096x1xi32>
    %convert_element_type3A_60 = arith.extui %ge3A_59 : vector<4096x1xi1> to vector<4096x1xi32>
    %add3A_61 = arith.addi %add3A_55, %convert_element_type3A_60 : vector<4096x1xi32>
    %get3A_62 = arith.constant 11 : index
    %get3A_63 = memref.load %arg1[%get3A_62] : memref<32xi32, #tpu.memory_space<smem>>
    %ge3A_64 = vector.broadcast %get3A_63 : i32 to vector<4096x1xi32>
    %ge3A_65 = arith.cmpi sge, %add3A_3, %ge3A_64 : vector<4096x1xi32>
    %convert_element_type3A_66 = arith.extui %ge3A_65 : vector<4096x1xi1> to vector<4096x1xi32>
    %add3A_67 = arith.addi %add3A_61, %convert_element_type3A_66 : vector<4096x1xi32>
    %get3A_68 = arith.constant 12 : index
    %get3A_69 = memref.load %arg1[%get3A_68] : memref<32xi32, #tpu.memory_space<smem>>
    %ge3A_70 = vector.broadcast %get3A_69 : i32 to vector<4096x1xi32>
    %ge3A_71 = arith.cmpi sge, %add3A_3, %ge3A_70 : vector<4096x1xi32>
    %convert_element_type3A_72 = arith.extui %ge3A_71 : vector<4096x1xi1> to vector<4096x1xi32>
    %add3A_73 = arith.addi %add3A_67, %convert_element_type3A_72 : vector<4096x1xi32>
    %get3A_74 = arith.constant 13 : index
    %get3A_75 = memref.load %arg1[%get3A_74] : memref<32xi32, #tpu.memory_space<smem>>
    %ge3A_76 = vector.broadcast %get3A_75 : i32 to vector<4096x1xi32>
    %ge3A_77 = arith.cmpi sge, %add3A_3, %ge3A_76 : vector<4096x1xi32>
    %convert_element_type3A_78 = arith.extui %ge3A_77 : vector<4096x1xi1> to vector<4096x1xi32>
    %add3A_79 = arith.addi %add3A_73, %convert_element_type3A_78 : vector<4096x1xi32>
    %get3A_80 = arith.constant 14 : index
    %get3A_81 = memref.load %arg1[%get3A_80] : memref<32xi32, #tpu.memory_space<smem>>
    %ge3A_82 = vector.broadcast %get3A_81 : i32 to vector<4096x1xi32>
    %ge3A_83 = arith.cmpi sge, %add3A_3, %ge3A_82 : vector<4096x1xi32>
    %convert_element_type3A_84 = arith.extui %ge3A_83 : vector<4096x1xi1> to vector<4096x1xi32>
    %add3A_85 = arith.addi %add3A_79, %convert_element_type3A_84 : vector<4096x1xi32>
    %get3A_86 = arith.constant 15 : index
    %get3A_87 = memref.load %arg1[%get3A_86] : memref<32xi32, #tpu.memory_space<smem>>
    %ge3A_88 = vector.broadcast %get3A_87 : i32 to vector<4096x1xi32>
    %ge3A_89 = arith.cmpi sge, %add3A_3, %ge3A_88 : vector<4096x1xi32>
    %convert_element_type3A_90 = arith.extui %ge3A_89 : vector<4096x1xi1> to vector<4096x1xi32>
    %add3A_91 = arith.addi %add3A_85, %convert_element_type3A_90 : vector<4096x1xi32>
    %iota3A_92 = tpu.iota {dimensions = array<i32: 1>} : vector<1x16xi32>
    %eq3A = vector.broadcast %add3A_91 : vector<4096x1xi32> to vector<4096x16xi32>
    %eq3A_93 = vector.broadcast %iota3A_92 : vector<1x16xi32> to vector<4096x16xi32>
    %eq3A_94 = arith.cmpi eq, %eq3A, %eq3A_93 : vector<4096x16xi32>
    %convert_element_type3A_95 = arith.extui %eq3A_94 : vector<4096x16xi1> to vector<4096x16xi32>
    %convert_element_type3A_96 = arith.sitofp %convert_element_type3A_95 : vector<4096x16xi32> to vector<4096x16xf32>
    %get3A_97 = arith.constant 0 : index
    %get3A_98 = arith.constant 0 : index
    %get3A_99 = vector.load %arg2[%get3A_97, %get3A_98] : memref<4096x256xf32, #tpu.memory_space<vmem>>, vector<4096x256xf32>
    %dot_general3A = arith.constant dense<0.000000e+00> : vector<16x256xf32>
    %dot_general3A_100 = tpu.matmul %convert_element_type3A_96, %get3A_99, %dot_general3A {dimension_numbers = #tpu.dot_dimension_numbers<[0], [0], [1], [1], [0, 1, 1, 1], [], []>, transpose_lhs_hint = false} : vector<4096x16xf32>, vector<4096x256xf32>, vector<16x256xf32> -> vector<16x256xf32>
    %mul3A_101 = arith.mulf %get3A_99, %get3A_99 : vector<4096x256xf32>
    %dot_general3A_102 = arith.constant dense<0.000000e+00> : vector<16x256xf32>
    %dot_general3A_103 = tpu.matmul %convert_element_type3A_96, %mul3A_101, %dot_general3A_102 {dimension_numbers = #tpu.dot_dimension_numbers<[0], [0], [1], [1], [0, 1, 1, 1], [], []>, transpose_lhs_hint = false} : vector<4096x16xf32>, vector<4096x256xf32>, vector<16x256xf32> -> vector<16x256xf32>
    %eq3A_104 = arith.constant 0 : i32
    %eq3A_105 = arith.cmpi eq, %arg0, %eq3A_104 : i32
    %convert_element_type3A_106 = arith.extui %eq3A_105 : i1 to i32
    %cond3A = arith.constant 0 : i32
    %cond3A_107 = arith.cmpi ne, %convert_element_type3A_106, %cond3A : i32
    scf.if %cond3A_107 {
      %swap3A = arith.constant 0 : index
      %swap3A_117 = arith.constant 0 : index
      %swap3A_118 = vector.load %arg5[%swap3A, %swap3A_117] : memref<16x256xf32, #tpu.memory_space<vmem>>, vector<16x256xf32>
      tpu.vector_store %arg5[%swap3A, %swap3A_117], %dot_general3A_100 {strides = array<i32>} : memref<16x256xf32, #tpu.memory_space<vmem>>, vector<16x256xf32>,
      %swap3A_119 = arith.constant 0 : index
      %swap3A_120 = arith.constant 0 : index
      %swap3A_121 = vector.load %arg6[%swap3A_119, %swap3A_120] : memref<16x256xf32, #tpu.memory_space<vmem>>, vector<16x256xf32>
      tpu.vector_store %arg6[%swap3A_119, %swap3A_120], %dot_general3A_103 {strides = array<i32>} : memref<16x256xf32, #tpu.memory_space<vmem>>, vector<16x256xf32>,
    } else {
    }
    %gt3A = arith.constant 0 : i32
    %gt3A_108 = arith.cmpi sgt, %arg0, %gt3A : i32
    %convert_element_type3A_109 = arith.extui %gt3A_108 : i1 to i32
    %cond3A_110 = arith.constant 0 : i32
    %cond3A_111 = arith.cmpi ne, %convert_element_type3A_109, %cond3A_110 : i32
    scf.if %cond3A_111 {
      %get3A_117 = arith.constant 0 : index
      %get3A_118 = arith.constant 0 : index
      %get3A_119 = vector.load %arg5[%get3A_117, %get3A_118] : memref<16x256xf32, #tpu.memory_space<vmem>>, vector<16x256xf32>
      %add3A_120 = arith.addf %get3A_119, %dot_general3A_100 : vector<16x256xf32>
      %swap3A = arith.constant 0 : index
      %swap3A_121 = arith.constant 0 : index
      %swap3A_122 = vector.load %arg5[%swap3A, %swap3A_121] : memref<16x256xf32, #tpu.memory_space<vmem>>, vector<16x256xf32>
      tpu.vector_store %arg5[%swap3A, %swap3A_121], %add3A_120 {strides = array<i32>} : memref<16x256xf32, #tpu.memory_space<vmem>>, vector<16x256xf32>,
      %get3A_123 = arith.constant 0 : index
      %get3A_124 = arith.constant 0 : index
      %get3A_125 = vector.load %arg6[%get3A_123, %get3A_124] : memref<16x256xf32, #tpu.memory_space<vmem>>, vector<16x256xf32>
      %add3A_126 = arith.addf %get3A_125, %dot_general3A_103 : vector<16x256xf32>
      %swap3A_127 = arith.constant 0 : index
      %swap3A_128 = arith.constant 0 : index
      %swap3A_129 = vector.load %arg6[%swap3A_127, %swap3A_128] : memref<16x256xf32, #tpu.memory_space<vmem>>, vector<16x256xf32>
      tpu.vector_store %arg6[%swap3A_127, %swap3A_128], %add3A_126 {strides = array<i32>} : memref<16x256xf32, #tpu.memory_space<vmem>>, vector<16x256xf32>,
    } else {
    }
    %eq3A_112 = arith.constant 5 : i32
    %eq3A_113 = arith.cmpi eq, %arg0, %eq3A_112 : i32
    %convert_element_type3A_114 = arith.extui %eq3A_113 : i1 to i32
    %cond3A_115 = arith.constant 0 : i32
    %cond3A_116 = arith.cmpi ne, %convert_element_type3A_114, %cond3A_115 : i32
    scf.if %cond3A_116 {
      %get3A_117 = arith.constant 0 : index
      %get3A_118 = arith.constant 0 : index
      %get3A_119 = vector.load %arg5[%get3A_117, %get3A_118] : memref<16x256xf32, #tpu.memory_space<vmem>>, vector<16x256xf32>
      %swap3A = arith.constant 0 : index
      %swap3A_120 = arith.constant 0 : index
      %swap3A_121 = vector.load %arg3[%swap3A, %swap3A_120] : memref<16x256xf32, #tpu.memory_space<vmem>>, vector<16x256xf32>
      tpu.vector_store %arg3[%swap3A, %swap3A_120], %get3A_119 {strides = array<i32>} : memref<16x256xf32, #tpu.memory_space<vmem>>, vector<16x256xf32>,
      %get3A_122 = arith.constant 0 : index
      %get3A_123 = arith.constant 0 : index
      %get3A_124 = vector.load %arg6[%get3A_122, %get3A_123] : memref<16x256xf32, #tpu.memory_space<vmem>>, vector<16x256xf32>
      %swap3A_125 = arith.constant 0 : index
      %swap3A_126 = arith.constant 0 : index
      %swap3A_127 = vector.load %arg4[%swap3A_125, %swap3A_126] : memref<16x256xf32, #tpu.memory_space<vmem>>, vector<16x256xf32>
      tpu.vector_store %arg4[%swap3A_125, %swap3A_126], %get3A_124 {strides = array<i32>} : memref<16x256xf32, #tpu.memory_space<vmem>>, vector<16x256xf32>,
    } else {
    }
    return
  }
  func.func @transform_0(%arg0: i32) -> i32 {
    %c0_i32 = arith.constant 0 : i32
    %c0_i32_0 = arith.constant 0 : i32
    return %c0_i32 : i32
  }
  func.func @transform_1(%arg0: i32) -> (i32, i32) {
    %add3A = arith.constant 2 : i32
    %add3A_0 = arith.addi %arg0, %add3A : i32
    %c0_i32 = arith.constant 0 : i32
    %c0_i32_1 = arith.constant 0 : i32
    return %add3A_0, %c0_i32 : i32, i32
  }
  func.func @transform_2(%arg0: i32) -> (i32, i32) {
    %c0_i32 = arith.constant 0 : i32
    %c0_i32_0 = arith.constant 0 : i32
    %c0_i32_1 = arith.constant 0 : i32
    return %c0_i32, %c0_i32_0 : i32, i32
  }
  func.func @transform_3(%arg0: i32) -> (i32, i32) {
    %c0_i32 = arith.constant 0 : i32
    %c0_i32_0 = arith.constant 0 : i32
    %c0_i32_1 = arith.constant 0 : i32
    return %c0_i32, %c0_i32_0 : i32, i32
  }
}

module attributes {stable_mosaic.version = 14 : i64} {
  func.func @_tc_body(%arg0: i32, %arg1: memref<32xi32, #tpu.memory_space<smem>>, %arg2: memref<32x16x256xf32, #tpu.memory_space<vmem>>, %arg3: memref<32x16x256xf32, #tpu.memory_space<vmem>>, %arg4: memref<16x256xf32, #tpu.memory_space<vmem>>, %arg5: memref<16x256xf32, #tpu.memory_space<vmem>>, %arg6: memref<4096x256xf32, #tpu.memory_space<vmem>>, %arg7: memref<4096x256xf32, #tpu.memory_space<vmem>>, %arg8: memref<16x256xf32, #tpu.memory_space<vmem>>, %arg9: memref<16x256xf32, #tpu.memory_space<vmem>>) attributes {dimension_semantics = [#tpu.dimension_semantics<arbitrary>], iteration_bounds = array<i64: 8>, scalar_prefetch = 0 : i64, scratch_operands = 2 : i64, tpu.core_type = #tpu.core_type<tc>, window_params = [{transform_indices = @transform_0, window_bounds = array<i64: 32>}, {pipeline_mode = #tpu.pipeline_mode<synchronous>, transform_indices = @transform_1, window_bounds = array<i64: 32, 16, 256>}, {pipeline_mode = #tpu.pipeline_mode<synchronous>, transform_indices = @transform_2, window_bounds = array<i64: 32, 16, 256>}, {pipeline_mode = #tpu.pipeline_mode<synchronous>, transform_indices = @transform_3, window_bounds = array<i64: 16, 256>}, {pipeline_mode = #tpu.pipeline_mode<synchronous>, transform_indices = @transform_4, window_bounds = array<i64: 16, 256>}, {transform_indices = @transform_5, window_bounds = array<i64: 4096, 256>}, {transform_indices = @transform_6, window_bounds = array<i64: 4096, 256>}]} {
    %eq3A = arith.constant 0 : i32
    %eq3A_0 = arith.cmpi eq, %arg0, %eq3A : i32
    %convert_element_type3A = arith.extui %eq3A_0 : i1 to i32
    %cond3A = arith.constant 0 : i32
    %cond3A_1 = arith.cmpi ne, %convert_element_type3A, %cond3A : i32
    scf.if %cond3A_1 {
      %get3A_114 = arith.constant 0 : index
      %get3A_115 = arith.constant 0 : index
      %get3A_116 = arith.constant 0 : index
      %get3A_117 = vector.load %arg2[%get3A_114, %get3A_115, %get3A_116] : memref<32x16x256xf32, #tpu.memory_space<vmem>>, vector<32x16x256xf32>
      %reduce_sum3A = arith.constant dense<0.000000e+00> : vector<16x256xf32>
      %reduce_sum3A_118 = vector.multi_reduction <add>, %get3A_117, %reduce_sum3A [0] : vector<32x16x256xf32> to vector<16x256xf32>
      %get3A_119 = arith.constant 0 : index
      %get3A_120 = arith.constant 0 : index
      %get3A_121 = vector.load %arg4[%get3A_119, %get3A_120] : memref<16x256xf32, #tpu.memory_space<vmem>>, vector<16x256xf32>
      %add3A_122 = arith.addf %reduce_sum3A_118, %get3A_121 : vector<16x256xf32>
      %get3A_123 = arith.constant 0 : index
      %get3A_124 = arith.constant 0 : index
      %get3A_125 = arith.constant 0 : index
      %get3A_126 = vector.load %arg3[%get3A_123, %get3A_124, %get3A_125] : memref<32x16x256xf32, #tpu.memory_space<vmem>>, vector<32x16x256xf32>
      %reduce_sum3A_127 = arith.constant dense<0.000000e+00> : vector<16x256xf32>
      %reduce_sum3A_128 = vector.multi_reduction <add>, %get3A_126, %reduce_sum3A_127 [0] : vector<32x16x256xf32> to vector<16x256xf32>
      %get3A_129 = arith.constant 0 : index
      %get3A_130 = arith.constant 0 : index
      %get3A_131 = vector.load %arg5[%get3A_129, %get3A_130] : memref<16x256xf32, #tpu.memory_space<vmem>>, vector<16x256xf32>
      %add3A_132 = arith.addf %reduce_sum3A_128, %get3A_131 : vector<16x256xf32>
      %get3A_133 = arith.constant 1 : index
      %get3A_134 = memref.load %arg1[%get3A_133] : memref<32xi32, #tpu.memory_space<smem>>
      %get3A_135 = arith.constant 0 : index
      %get3A_136 = memref.load %arg1[%get3A_135] : memref<32xi32, #tpu.memory_space<smem>>
      %sub3A_137 = arith.subi %get3A_134, %get3A_136 : i32
      %max3A = arith.constant 1 : i32
      %max3A_138 = arith.maxsi %sub3A_137, %max3A : i32
      %get3A_139 = arith.constant 2 : index
      %get3A_140 = memref.load %arg1[%get3A_139] : memref<32xi32, #tpu.memory_space<smem>>
      %get3A_141 = arith.constant 1 : index
      %get3A_142 = memref.load %arg1[%get3A_141] : memref<32xi32, #tpu.memory_space<smem>>
      %sub3A_143 = arith.subi %get3A_140, %get3A_142 : i32
      %max3A_144 = arith.constant 1 : i32
      %max3A_145 = arith.maxsi %sub3A_143, %max3A_144 : i32
      %get3A_146 = arith.constant 3 : index
      %get3A_147 = memref.load %arg1[%get3A_146] : memref<32xi32, #tpu.memory_space<smem>>
      %get3A_148 = arith.constant 2 : index
      %get3A_149 = memref.load %arg1[%get3A_148] : memref<32xi32, #tpu.memory_space<smem>>
      %sub3A_150 = arith.subi %get3A_147, %get3A_149 : i32
      %max3A_151 = arith.constant 1 : i32
      %max3A_152 = arith.maxsi %sub3A_150, %max3A_151 : i32
      %get3A_153 = arith.constant 4 : index
      %get3A_154 = memref.load %arg1[%get3A_153] : memref<32xi32, #tpu.memory_space<smem>>
      %get3A_155 = arith.constant 3 : index
      %get3A_156 = memref.load %arg1[%get3A_155] : memref<32xi32, #tpu.memory_space<smem>>
      %sub3A_157 = arith.subi %get3A_154, %get3A_156 : i32
      %max3A_158 = arith.constant 1 : i32
      %max3A_159 = arith.maxsi %sub3A_157, %max3A_158 : i32
      %get3A_160 = arith.constant 5 : index
      %get3A_161 = memref.load %arg1[%get3A_160] : memref<32xi32, #tpu.memory_space<smem>>
      %get3A_162 = arith.constant 4 : index
      %get3A_163 = memref.load %arg1[%get3A_162] : memref<32xi32, #tpu.memory_space<smem>>
      %sub3A_164 = arith.subi %get3A_161, %get3A_163 : i32
      %max3A_165 = arith.constant 1 : i32
      %max3A_166 = arith.maxsi %sub3A_164, %max3A_165 : i32
      %get3A_167 = arith.constant 6 : index
      %get3A_168 = memref.load %arg1[%get3A_167] : memref<32xi32, #tpu.memory_space<smem>>
      %get3A_169 = arith.constant 5 : index
      %get3A_170 = memref.load %arg1[%get3A_169] : memref<32xi32, #tpu.memory_space<smem>>
      %sub3A_171 = arith.subi %get3A_168, %get3A_170 : i32
      %max3A_172 = arith.constant 1 : i32
      %max3A_173 = arith.maxsi %sub3A_171, %max3A_172 : i32
      %get3A_174 = arith.constant 7 : index
      %get3A_175 = memref.load %arg1[%get3A_174] : memref<32xi32, #tpu.memory_space<smem>>
      %get3A_176 = arith.constant 6 : index
      %get3A_177 = memref.load %arg1[%get3A_176] : memref<32xi32, #tpu.memory_space<smem>>
      %sub3A_178 = arith.subi %get3A_175, %get3A_177 : i32
      %max3A_179 = arith.constant 1 : i32
      %max3A_180 = arith.maxsi %sub3A_178, %max3A_179 : i32
      %get3A_181 = arith.constant 8 : index
      %get3A_182 = memref.load %arg1[%get3A_181] : memref<32xi32, #tpu.memory_space<smem>>
      %get3A_183 = arith.constant 7 : index
      %get3A_184 = memref.load %arg1[%get3A_183] : memref<32xi32, #tpu.memory_space<smem>>
      %sub3A_185 = arith.subi %get3A_182, %get3A_184 : i32
      %max3A_186 = arith.constant 1 : i32
      %max3A_187 = arith.maxsi %sub3A_185, %max3A_186 : i32
      %get3A_188 = arith.constant 9 : index
      %get3A_189 = memref.load %arg1[%get3A_188] : memref<32xi32, #tpu.memory_space<smem>>
      %get3A_190 = arith.constant 8 : index
      %get3A_191 = memref.load %arg1[%get3A_190] : memref<32xi32, #tpu.memory_space<smem>>
      %sub3A_192 = arith.subi %get3A_189, %get3A_191 : i32
      %max3A_193 = arith.constant 1 : i32
      %max3A_194 = arith.maxsi %sub3A_192, %max3A_193 : i32
      %get3A_195 = arith.constant 10 : index
      %get3A_196 = memref.load %arg1[%get3A_195] : memref<32xi32, #tpu.memory_space<smem>>
      %get3A_197 = arith.constant 9 : index
      %get3A_198 = memref.load %arg1[%get3A_197] : memref<32xi32, #tpu.memory_space<smem>>
      %sub3A_199 = arith.subi %get3A_196, %get3A_198 : i32
      %max3A_200 = arith.constant 1 : i32
      %max3A_201 = arith.maxsi %sub3A_199, %max3A_200 : i32
      %get3A_202 = arith.constant 11 : index
      %get3A_203 = memref.load %arg1[%get3A_202] : memref<32xi32, #tpu.memory_space<smem>>
      %get3A_204 = arith.constant 10 : index
      %get3A_205 = memref.load %arg1[%get3A_204] : memref<32xi32, #tpu.memory_space<smem>>
      %sub3A_206 = arith.subi %get3A_203, %get3A_205 : i32
      %max3A_207 = arith.constant 1 : i32
      %max3A_208 = arith.maxsi %sub3A_206, %max3A_207 : i32
      %get3A_209 = arith.constant 12 : index
      %get3A_210 = memref.load %arg1[%get3A_209] : memref<32xi32, #tpu.memory_space<smem>>
      %get3A_211 = arith.constant 11 : index
      %get3A_212 = memref.load %arg1[%get3A_211] : memref<32xi32, #tpu.memory_space<smem>>
      %sub3A_213 = arith.subi %get3A_210, %get3A_212 : i32
      %max3A_214 = arith.constant 1 : i32
      %max3A_215 = arith.maxsi %sub3A_213, %max3A_214 : i32
      %get3A_216 = arith.constant 13 : index
      %get3A_217 = memref.load %arg1[%get3A_216] : memref<32xi32, #tpu.memory_space<smem>>
      %get3A_218 = arith.constant 12 : index
      %get3A_219 = memref.load %arg1[%get3A_218] : memref<32xi32, #tpu.memory_space<smem>>
      %sub3A_220 = arith.subi %get3A_217, %get3A_219 : i32
      %max3A_221 = arith.constant 1 : i32
      %max3A_222 = arith.maxsi %sub3A_220, %max3A_221 : i32
      %get3A_223 = arith.constant 14 : index
      %get3A_224 = memref.load %arg1[%get3A_223] : memref<32xi32, #tpu.memory_space<smem>>
      %get3A_225 = arith.constant 13 : index
      %get3A_226 = memref.load %arg1[%get3A_225] : memref<32xi32, #tpu.memory_space<smem>>
      %sub3A_227 = arith.subi %get3A_224, %get3A_226 : i32
      %max3A_228 = arith.constant 1 : i32
      %max3A_229 = arith.maxsi %sub3A_227, %max3A_228 : i32
      %get3A_230 = arith.constant 15 : index
      %get3A_231 = memref.load %arg1[%get3A_230] : memref<32xi32, #tpu.memory_space<smem>>
      %get3A_232 = arith.constant 14 : index
      %get3A_233 = memref.load %arg1[%get3A_232] : memref<32xi32, #tpu.memory_space<smem>>
      %sub3A_234 = arith.subi %get3A_231, %get3A_233 : i32
      %max3A_235 = arith.constant 1 : i32
      %max3A_236 = arith.maxsi %sub3A_234, %max3A_235 : i32
      %get3A_237 = arith.constant 16 : index
      %get3A_238 = memref.load %arg1[%get3A_237] : memref<32xi32, #tpu.memory_space<smem>>
      %get3A_239 = arith.constant 15 : index
      %get3A_240 = memref.load %arg1[%get3A_239] : memref<32xi32, #tpu.memory_space<smem>>
      %sub3A_241 = arith.subi %get3A_238, %get3A_240 : i32
      %max3A_242 = arith.constant 1 : i32
      %max3A_243 = arith.maxsi %sub3A_241, %max3A_242 : i32
      %stack3A = vector.broadcast %max3A_138 : i32 to vector<1xi32>
      %stack3A_244 = vector.broadcast %max3A_145 : i32 to vector<1xi32>
      %stack3A_245 = vector.broadcast %max3A_152 : i32 to vector<1xi32>
      %stack3A_246 = vector.broadcast %max3A_159 : i32 to vector<1xi32>
      %stack3A_247 = vector.broadcast %max3A_166 : i32 to vector<1xi32>
      %stack3A_248 = vector.broadcast %max3A_173 : i32 to vector<1xi32>
      %stack3A_249 = vector.broadcast %max3A_180 : i32 to vector<1xi32>
      %stack3A_250 = vector.broadcast %max3A_187 : i32 to vector<1xi32>
      %stack3A_251 = vector.broadcast %max3A_194 : i32 to vector<1xi32>
      %stack3A_252 = vector.broadcast %max3A_201 : i32 to vector<1xi32>
      %stack3A_253 = vector.broadcast %max3A_208 : i32 to vector<1xi32>
      %stack3A_254 = vector.broadcast %max3A_215 : i32 to vector<1xi32>
      %stack3A_255 = vector.broadcast %max3A_222 : i32 to vector<1xi32>
      %stack3A_256 = vector.broadcast %max3A_229 : i32 to vector<1xi32>
      %stack3A_257 = vector.broadcast %max3A_236 : i32 to vector<1xi32>
      %stack3A_258 = vector.broadcast %max3A_243 : i32 to vector<1xi32>
      %stack3A_259 = tpu.concatenate %stack3A, %stack3A_244, %stack3A_245, %stack3A_246, %stack3A_247, %stack3A_248, %stack3A_249, %stack3A_250, %stack3A_251, %stack3A_252, %stack3A_253, %stack3A_254, %stack3A_255, %stack3A_256, %stack3A_257, %stack3A_258 in 0 : vector<1xi32>, vector<1xi32>, vector<1xi32>, vector<1xi32>, vector<1xi32>, vector<1xi32>, vector<1xi32>, vector<1xi32>, vector<1xi32>, vector<1xi32>, vector<1xi32>, vector<1xi32>, vector<1xi32>, vector<1xi32>, vector<1xi32>, vector<1xi32> -> vector<16xi32>
      %convert_element_type3A_260 = arith.sitofp %stack3A_259 : vector<16xi32> to vector<16xf32>
      %reshape3A = vector.shape_cast %convert_element_type3A_260 : vector<16xf32> to vector<16x1xf32>
      %div3A = vector.broadcast %reshape3A : vector<16x1xf32> to vector<16x256xf32>
      %div3A_261 = arith.divf %add3A_122, %div3A : vector<16x256xf32>
      %div3A_262 = vector.broadcast %reshape3A : vector<16x1xf32> to vector<16x256xf32>
      %div3A_263 = arith.divf %add3A_132, %div3A_262 : vector<16x256xf32>
      %mul3A_264 = arith.mulf %div3A_261, %div3A_261 : vector<16x256xf32>
      %sub3A_265 = arith.subf %div3A_263, %mul3A_264 : vector<16x256xf32>
      %max3A_266 = arith.constant 0.000000e+00 : f32
      %max3A_267 = vector.broadcast %max3A_266 : f32 to vector<16x256xf32>
      %max3A_268 = arith.maximumf %sub3A_265, %max3A_267 : vector<16x256xf32>
      %swap3A_269 = arith.constant 0 : index
      %swap3A_270 = arith.constant 0 : index
      %swap3A_271 = vector.load %arg8[%swap3A_269, %swap3A_270] : memref<16x256xf32, #tpu.memory_space<vmem>>, vector<16x256xf32>
      tpu.vector_store %arg8[%swap3A_269, %swap3A_270], %div3A_261 {strides = array<i32>} : memref<16x256xf32, #tpu.memory_space<vmem>>, vector<16x256xf32>,
      %add3A_272 = arith.constant 9.99999974E-6 : f32
      %add3A_273 = vector.broadcast %add3A_272 : f32 to vector<16x256xf32>
      %add3A_274 = arith.addf %max3A_268, %add3A_273 : vector<16x256xf32>
      %rsqrt3A = math.rsqrt %add3A_274 : vector<16x256xf32>
      %swap3A_275 = arith.constant 0 : index
      %swap3A_276 = arith.constant 0 : index
      %swap3A_277 = vector.load %arg9[%swap3A_275, %swap3A_276] : memref<16x256xf32, #tpu.memory_space<vmem>>, vector<16x256xf32>
      tpu.vector_store %arg9[%swap3A_275, %swap3A_276], %rsqrt3A {strides = array<i32>} : memref<16x256xf32, #tpu.memory_space<vmem>>, vector<16x256xf32>,
    } else {
    }
    %mul3A = arith.constant 4096 : i32
    %mul3A_2 = arith.muli %arg0, %mul3A : i32
    %iota3A = tpu.iota {dimensions = array<i32: 0>} : vector<4096x1xi32>
    %add3A = vector.broadcast %mul3A_2 : i32 to vector<4096x1xi32>
    %add3A_3 = arith.addi %add3A, %iota3A : vector<4096x1xi32>
    %broadcast_in_dim3A = arith.constant 0 : i32
    %broadcast_in_dim3A_4 = vector.broadcast %broadcast_in_dim3A : i32 to vector<4096x1xi32>
    %get3A = arith.constant 1 : index
    %get3A_5 = memref.load %arg1[%get3A] : memref<32xi32, #tpu.memory_space<smem>>
    %ge3A = vector.broadcast %get3A_5 : i32 to vector<4096x1xi32>
    %ge3A_6 = arith.cmpi sge, %add3A_3, %ge3A : vector<4096x1xi32>
    %convert_element_type3A_7 = arith.extui %ge3A_6 : vector<4096x1xi1> to vector<4096x1xi32>
    %add3A_8 = arith.addi %broadcast_in_dim3A_4, %convert_element_type3A_7 : vector<4096x1xi32>
    %get3A_9 = arith.constant 2 : index
    %get3A_10 = memref.load %arg1[%get3A_9] : memref<32xi32, #tpu.memory_space<smem>>
    %ge3A_11 = vector.broadcast %get3A_10 : i32 to vector<4096x1xi32>
    %ge3A_12 = arith.cmpi sge, %add3A_3, %ge3A_11 : vector<4096x1xi32>
    %convert_element_type3A_13 = arith.extui %ge3A_12 : vector<4096x1xi1> to vector<4096x1xi32>
    %add3A_14 = arith.addi %add3A_8, %convert_element_type3A_13 : vector<4096x1xi32>
    %get3A_15 = arith.constant 3 : index
    %get3A_16 = memref.load %arg1[%get3A_15] : memref<32xi32, #tpu.memory_space<smem>>
    %ge3A_17 = vector.broadcast %get3A_16 : i32 to vector<4096x1xi32>
    %ge3A_18 = arith.cmpi sge, %add3A_3, %ge3A_17 : vector<4096x1xi32>
    %convert_element_type3A_19 = arith.extui %ge3A_18 : vector<4096x1xi1> to vector<4096x1xi32>
    %add3A_20 = arith.addi %add3A_14, %convert_element_type3A_19 : vector<4096x1xi32>
    %get3A_21 = arith.constant 4 : index
    %get3A_22 = memref.load %arg1[%get3A_21] : memref<32xi32, #tpu.memory_space<smem>>
    %ge3A_23 = vector.broadcast %get3A_22 : i32 to vector<4096x1xi32>
    %ge3A_24 = arith.cmpi sge, %add3A_3, %ge3A_23 : vector<4096x1xi32>
    %convert_element_type3A_25 = arith.extui %ge3A_24 : vector<4096x1xi1> to vector<4096x1xi32>
    %add3A_26 = arith.addi %add3A_20, %convert_element_type3A_25 : vector<4096x1xi32>
    %get3A_27 = arith.constant 5 : index
    %get3A_28 = memref.load %arg1[%get3A_27] : memref<32xi32, #tpu.memory_space<smem>>
    %ge3A_29 = vector.broadcast %get3A_28 : i32 to vector<4096x1xi32>
    %ge3A_30 = arith.cmpi sge, %add3A_3, %ge3A_29 : vector<4096x1xi32>
    %convert_element_type3A_31 = arith.extui %ge3A_30 : vector<4096x1xi1> to vector<4096x1xi32>
    %add3A_32 = arith.addi %add3A_26, %convert_element_type3A_31 : vector<4096x1xi32>
    %get3A_33 = arith.constant 6 : index
    %get3A_34 = memref.load %arg1[%get3A_33] : memref<32xi32, #tpu.memory_space<smem>>
    %ge3A_35 = vector.broadcast %get3A_34 : i32 to vector<4096x1xi32>
    %ge3A_36 = arith.cmpi sge, %add3A_3, %ge3A_35 : vector<4096x1xi32>
    %convert_element_type3A_37 = arith.extui %ge3A_36 : vector<4096x1xi1> to vector<4096x1xi32>
    %add3A_38 = arith.addi %add3A_32, %convert_element_type3A_37 : vector<4096x1xi32>
    %get3A_39 = arith.constant 7 : index
    %get3A_40 = memref.load %arg1[%get3A_39] : memref<32xi32, #tpu.memory_space<smem>>
    %ge3A_41 = vector.broadcast %get3A_40 : i32 to vector<4096x1xi32>
    %ge3A_42 = arith.cmpi sge, %add3A_3, %ge3A_41 : vector<4096x1xi32>
    %convert_element_type3A_43 = arith.extui %ge3A_42 : vector<4096x1xi1> to vector<4096x1xi32>
    %add3A_44 = arith.addi %add3A_38, %convert_element_type3A_43 : vector<4096x1xi32>
    %get3A_45 = arith.constant 8 : index
    %get3A_46 = memref.load %arg1[%get3A_45] : memref<32xi32, #tpu.memory_space<smem>>
    %ge3A_47 = vector.broadcast %get3A_46 : i32 to vector<4096x1xi32>
    %ge3A_48 = arith.cmpi sge, %add3A_3, %ge3A_47 : vector<4096x1xi32>
    %convert_element_type3A_49 = arith.extui %ge3A_48 : vector<4096x1xi1> to vector<4096x1xi32>
    %add3A_50 = arith.addi %add3A_44, %convert_element_type3A_49 : vector<4096x1xi32>
    %get3A_51 = arith.constant 9 : index
    %get3A_52 = memref.load %arg1[%get3A_51] : memref<32xi32, #tpu.memory_space<smem>>
    %ge3A_53 = vector.broadcast %get3A_52 : i32 to vector<4096x1xi32>
    %ge3A_54 = arith.cmpi sge, %add3A_3, %ge3A_53 : vector<4096x1xi32>
    %convert_element_type3A_55 = arith.extui %ge3A_54 : vector<4096x1xi1> to vector<4096x1xi32>
    %add3A_56 = arith.addi %add3A_50, %convert_element_type3A_55 : vector<4096x1xi32>
    %get3A_57 = arith.constant 10 : index
    %get3A_58 = memref.load %arg1[%get3A_57] : memref<32xi32, #tpu.memory_space<smem>>
    %ge3A_59 = vector.broadcast %get3A_58 : i32 to vector<4096x1xi32>
    %ge3A_60 = arith.cmpi sge, %add3A_3, %ge3A_59 : vector<4096x1xi32>
    %convert_element_type3A_61 = arith.extui %ge3A_60 : vector<4096x1xi1> to vector<4096x1xi32>
    %add3A_62 = arith.addi %add3A_56, %convert_element_type3A_61 : vector<4096x1xi32>
    %get3A_63 = arith.constant 11 : index
    %get3A_64 = memref.load %arg1[%get3A_63] : memref<32xi32, #tpu.memory_space<smem>>
    %ge3A_65 = vector.broadcast %get3A_64 : i32 to vector<4096x1xi32>
    %ge3A_66 = arith.cmpi sge, %add3A_3, %ge3A_65 : vector<4096x1xi32>
    %convert_element_type3A_67 = arith.extui %ge3A_66 : vector<4096x1xi1> to vector<4096x1xi32>
    %add3A_68 = arith.addi %add3A_62, %convert_element_type3A_67 : vector<4096x1xi32>
    %get3A_69 = arith.constant 12 : index
    %get3A_70 = memref.load %arg1[%get3A_69] : memref<32xi32, #tpu.memory_space<smem>>
    %ge3A_71 = vector.broadcast %get3A_70 : i32 to vector<4096x1xi32>
    %ge3A_72 = arith.cmpi sge, %add3A_3, %ge3A_71 : vector<4096x1xi32>
    %convert_element_type3A_73 = arith.extui %ge3A_72 : vector<4096x1xi1> to vector<4096x1xi32>
    %add3A_74 = arith.addi %add3A_68, %convert_element_type3A_73 : vector<4096x1xi32>
    %get3A_75 = arith.constant 13 : index
    %get3A_76 = memref.load %arg1[%get3A_75] : memref<32xi32, #tpu.memory_space<smem>>
    %ge3A_77 = vector.broadcast %get3A_76 : i32 to vector<4096x1xi32>
    %ge3A_78 = arith.cmpi sge, %add3A_3, %ge3A_77 : vector<4096x1xi32>
    %convert_element_type3A_79 = arith.extui %ge3A_78 : vector<4096x1xi1> to vector<4096x1xi32>
    %add3A_80 = arith.addi %add3A_74, %convert_element_type3A_79 : vector<4096x1xi32>
    %get3A_81 = arith.constant 14 : index
    %get3A_82 = memref.load %arg1[%get3A_81] : memref<32xi32, #tpu.memory_space<smem>>
    %ge3A_83 = vector.broadcast %get3A_82 : i32 to vector<4096x1xi32>
    %ge3A_84 = arith.cmpi sge, %add3A_3, %ge3A_83 : vector<4096x1xi32>
    %convert_element_type3A_85 = arith.extui %ge3A_84 : vector<4096x1xi1> to vector<4096x1xi32>
    %add3A_86 = arith.addi %add3A_80, %convert_element_type3A_85 : vector<4096x1xi32>
    %get3A_87 = arith.constant 15 : index
    %get3A_88 = memref.load %arg1[%get3A_87] : memref<32xi32, #tpu.memory_space<smem>>
    %ge3A_89 = vector.broadcast %get3A_88 : i32 to vector<4096x1xi32>
    %ge3A_90 = arith.cmpi sge, %add3A_3, %ge3A_89 : vector<4096x1xi32>
    %convert_element_type3A_91 = arith.extui %ge3A_90 : vector<4096x1xi1> to vector<4096x1xi32>
    %add3A_92 = arith.addi %add3A_86, %convert_element_type3A_91 : vector<4096x1xi32>
    %iota3A_93 = tpu.iota {dimensions = array<i32: 1>} : vector<1x16xi32>
    %eq3A_94 = vector.broadcast %add3A_92 : vector<4096x1xi32> to vector<4096x16xi32>
    %eq3A_95 = vector.broadcast %iota3A_93 : vector<1x16xi32> to vector<4096x16xi32>
    %eq3A_96 = arith.cmpi eq, %eq3A_94, %eq3A_95 : vector<4096x16xi32>
    %convert_element_type3A_97 = arith.extui %eq3A_96 : vector<4096x16xi1> to vector<4096x16xi32>
    %convert_element_type3A_98 = arith.sitofp %convert_element_type3A_97 : vector<4096x16xi32> to vector<4096x16xf32>
    %get3A_99 = arith.constant 0 : index
    %get3A_100 = arith.constant 0 : index
    %get3A_101 = vector.load %arg8[%get3A_99, %get3A_100] : memref<16x256xf32, #tpu.memory_space<vmem>>, vector<16x256xf32>
    %dot_general3A = arith.constant dense<0.000000e+00> : vector<4096x256xf32>
    %dot_general3A_102 = tpu.matmul %convert_element_type3A_98, %get3A_101, %dot_general3A {dimension_numbers = #tpu.dot_dimension_numbers<[1], [0], [0], [1], [0, 0, 1, 1], [], []>, transpose_lhs_hint = false} : vector<4096x16xf32>, vector<16x256xf32>, vector<4096x256xf32> -> vector<4096x256xf32>
    %get3A_103 = arith.constant 0 : index
    %get3A_104 = arith.constant 0 : index
    %get3A_105 = vector.load %arg9[%get3A_103, %get3A_104] : memref<16x256xf32, #tpu.memory_space<vmem>>, vector<16x256xf32>
    %dot_general3A_106 = arith.constant dense<0.000000e+00> : vector<4096x256xf32>
    %dot_general3A_107 = tpu.matmul %convert_element_type3A_98, %get3A_105, %dot_general3A_106 {dimension_numbers = #tpu.dot_dimension_numbers<[1], [0], [0], [1], [0, 0, 1, 1], [], []>, transpose_lhs_hint = false} : vector<4096x16xf32>, vector<16x256xf32>, vector<4096x256xf32> -> vector<4096x256xf32>
    %get3A_108 = arith.constant 0 : index
    %get3A_109 = arith.constant 0 : index
    %get3A_110 = vector.load %arg6[%get3A_108, %get3A_109] : memref<4096x256xf32, #tpu.memory_space<vmem>>, vector<4096x256xf32>
    %sub3A = arith.subf %get3A_110, %dot_general3A_102 : vector<4096x256xf32>
    %mul3A_111 = arith.mulf %sub3A, %dot_general3A_107 : vector<4096x256xf32>
    %swap3A = arith.constant 0 : index
    %swap3A_112 = arith.constant 0 : index
    %swap3A_113 = vector.load %arg7[%swap3A, %swap3A_112] : memref<4096x256xf32, #tpu.memory_space<vmem>>, vector<4096x256xf32>
    tpu.vector_store %arg7[%swap3A, %swap3A_112], %mul3A_111 {strides = array<i32>} : memref<4096x256xf32, #tpu.memory_space<vmem>>, vector<4096x256xf32>,
    return
  }
  func.func @transform_0(%arg0: i32) -> i32 {
    %c0_i32 = arith.constant 0 : i32
    %c0_i32_0 = arith.constant 0 : i32
    return %c0_i32 : i32
  }
  func.func @transform_1(%arg0: i32) -> (i32, i32, i32) {
    %c0_i32 = arith.constant 0 : i32
    %c0_i32_0 = arith.constant 0 : i32
    %c0_i32_1 = arith.constant 0 : i32
    %c0_i32_2 = arith.constant 0 : i32
    return %c0_i32, %c0_i32_0, %c0_i32_1 : i32, i32, i32
  }
  func.func @transform_2(%arg0: i32) -> (i32, i32, i32) {
    %c0_i32 = arith.constant 0 : i32
    %c0_i32_0 = arith.constant 0 : i32
    %c0_i32_1 = arith.constant 0 : i32
    %c0_i32_2 = arith.constant 0 : i32
    return %c0_i32, %c0_i32_0, %c0_i32_1 : i32, i32, i32
  }
  func.func @transform_3(%arg0: i32) -> (i32, i32) {
    %c0_i32 = arith.constant 0 : i32
    %c0_i32_0 = arith.constant 0 : i32
    %c0_i32_1 = arith.constant 0 : i32
    return %c0_i32, %c0_i32_0 : i32, i32
  }
  func.func @transform_4(%arg0: i32) -> (i32, i32) {
    %c0_i32 = arith.constant 0 : i32
    %c0_i32_0 = arith.constant 0 : i32
    %c0_i32_1 = arith.constant 0 : i32
    return %c0_i32, %c0_i32_0 : i32, i32
  }
  func.func @transform_5(%arg0: i32) -> (i32, i32) {
    %c0_i32 = arith.constant 0 : i32
    %c0_i32_0 = arith.constant 0 : i32
    return %arg0, %c0_i32 : i32, i32
  }
  func.func @transform_6(%arg0: i32) -> (i32, i32) {
    %c0_i32 = arith.constant 0 : i32
    %c0_i32_0 = arith.constant 0 : i32
    return %arg0, %c0_i32 : i32, i32
  }
}

</mosaic_0001>

<sc_bundles>
// kernel: kernel.5.cloned.1.call-start
scs
__scs_entry_jumppad:
0x0: {  	(pc) =	sbr.rel $0x88, $3  }
0x1: {  	(tag) =	ssettag $0x0;
	lr =	simm.s32 $0x1  }
0x2: {  	[smem:$0x3F9F] =	sst lr;
	_ =	strace $0xD0000000  }
0x3: {  	_ = 	snop  }
0x4: {  	_ = 	snop  }
0x5: {  	_ = 	snop  }
0x6: {  	_ = 	snop  }
0x7: {  	_ = 	snop  }
__scs_overlays_trampoline_lowered:
0x8: {  	[smem:$0x3FAE] =	sst s0  }
0x9: {  	[smem:$0x3FAF] =	sst s1  }
0xa: {  	[smem:$0x3FB0] =	sst s2  }
0xb: {  	[smem:$0x3FB1] =	sst s3  }
0xc: {  	[smem:$0x3FB2] =	sst s4  }
0xd: {  	[smem:$0x3FB3] =	sst s5  }
0xe: {  	[smem:$0x3FB4] =	sst s6  }
0xf: {  	[smem:$0x3FB5] =	sst s7  }
0x10: {  	[smem:$0x3FB6] =	sst s8  }
0x11: {  	[smem:$0x3FB7] =	sst s9;
	s0 =	simm.s32 @!p0 $0x0  }
0x12: {  	s1 =	sld [smem:$0x3F9D];
	s0 =	simm.s32 @p0 $0x1  }
0x13: {  	[smem:$0x3FB8] =	sst s0;
	s0 =	simm.s32 @!p1 $0x0  }
0x14: {  	s2 =	sld [smem:$0x3F9C];
	s0 =	simm.s32 @p1 $0x1  }
0x15: {  	[smem:$0x3FB9] =	sst s0;
	s0 =	simm.s32 @!p2 $0x0  }
0x16: {  	s3 =	sld [smem:$0x3FDB];
	s0 =	simm.s32 @p2 $0x1  }
0x17: {  	s4 =	simm.s32 $0x1BF5;
	[smem:$0x3FBB] =	sst s0  }
0x18: {  	s0 =	sld [smem:$0x3F9E];
	_ =	swait.ge [sflag:s4], $0x0  }
0x19: {  	s7 =	sld [smem:$0x3F9F]  }
0x1a: {  	s8 =	sadd.s32 $0xFFFFE003, lr  }
0x1b: {  	s9 =	sadd.s32 $0xFFFFFEF7, lr;
	s5 =	simm.s32 $0xFFFFFFFF;
	p2 =	slt.u32 s8, $0xFFFFF086  }
0x1c: {  	p1 =	slt.u32 s9, $0xF7A;
	s5 =	simm.s32 @!p2 $0x0  }
0x1d: {  	s5 =	simm.s32 @p1 $0x1;
	p0 =	seq.s32 s7, s2  }
0x1e: {  	s7 =	smul.u32 @!p0 $0xF7A, s2;
	p2 =	seq.s32 @!p0 s5, $0x0  }
0x1f: {  	s9 =	smul.u32 $0xF7A, s1;
	s8 =	simm.s32 @!p0 $0x1BF5;
	p2 =	por !p2, p0  }
0x20: {  	[sflag:s8] =	ssyncset.s32 @!p0 $0xFFFFF086;
	s6 =	sadd.s32 @!p0 s3, s7;
	s7 =	simm.s32 @!p0 $0x108  }
0x21: {  	s3 =	sadd.s32 s3, s9;
	s6 =	sadd.s32 @!p0 $0x88, s6;
	s7 =	simm.s32 @p2 $0x1082  }
0x22: {  	[simem:s7], [sflag:s8] =	dma.local @!p0 [hbm:s6], $0xF7A  }
0x23: {  	s9 =	sor.u32 $0xD0000000, s2;
	s6 =	simm.s32 $0x108;
	_ =	swait.ge @!p0 [sflag:s8], $0x0  }
0x24: {  	s3 =	sadd.s32 $0x88, s3;
	s6 =	simm.s32 @!p1 $0x1082;
	[sflag:s4] =	ssyncset.s32 $0xFFFFF086  }
0x25: {  	[simem:s6], [sflag:s4] =	dma.local [hbm:s3], $0xF7A  }
0x26: {  	[smem:$0x3F9F] =	sst s1;
	(tag) =	ssettag s2;
	_ =	strace s9  }
0x27: {  	s1 =	sld [smem:$0x3FAF]  }
0x28: {  	s2 =	sld [smem:$0x3FB0]  }
0x29: {  	s4 =	sld [smem:$0x3FB2]  }
0x2a: {  	p0 =	seq.s32 s5, $0x0;
	s5 =	sld [smem:$0x3FB3]  }
0x2b: {  	s6 =	sld [smem:$0x3FB4]  }
0x2c: {  	s7 =	sld [smem:$0x3FB5]  }
0x2d: {  	s3 =	simm.s32 $0x108;
	s8 =	sld [smem:$0x3FB6]  }
0x2e: {  	s3 =	simm.s32 @!p0 $0x1082;
	s9 =	sld [smem:$0x3FB7]  }
0x2f: {  	lr =	sadd.s32 s0, s3;
	s0 =	sld [smem:$0x3FAE]  }
0x30: {  	s3 =	sld [smem:$0x3FB1]  }
0x31: {  	[smem:$0x3FBA] =	sst s10  }
0x32: {  	s10 =	sld [smem:$0x3FB8];
	_ =	sdelay $0x3  }
0x33: {  	p0 =	seq.s32 s10, $0x1;
	s10 =	sld [smem:$0x3FBA];
	_ =	sdelay $0x3  }
0x34: {  	[smem:$0x3FBA] =	sst s10  }
0x35: {  	s10 =	sld [smem:$0x3FB9];
	_ =	sdelay $0x3  }
0x36: {  	p1 =	seq.s32 s10, $0x1;
	s10 =	sld [smem:$0x3FBA];
	_ =	sdelay $0x3  }
0x37: {  	[smem:$0x3FBA] =	sst s10  }
0x38: {  	s10 =	sld [smem:$0x3FBB]  }
0x39: {  	_ = 	snop;
	(pc) =	sbr.ind lr, $3  }
0x3a: {  	_ = 	snop  }
0x3b: {  	_ = 	snop  }
0x3c: {  	p2 =	seq.s32 s10, $0x1;
	s10 =	sld [smem:$0x3FBA]  }
0x3d: {  	_ =	shalt  }
0x3e: {  	_ =	shalt  }
0x3f: {  	_ =	shalt  }
0x40: {  	_ =	shalt  }
0x41: {  	_ =	shalt  }
0x42: {  	_ =	shalt  }
0x43: {  	_ =	shalt  }
0x44: {  	_ =	shalt  }
0x45: {  	_ =	shalt  }
0x46: {  	_ =	shalt  }
0x47: {  	_ =	shalt  }
0x48: {  	_ =	shalt  }
0x49: {  	_ =	shalt  }
0x4a: {  	_ =	shalt  }
0x4b: {  	_ =	shalt  }
0x4c: {  	_ =	shalt  }
0x4d: {  	_ =	shalt  }
0x4e: {  	_ =	shalt  }
0x4f: {  	_ =	shalt  }
0x50: {  	_ =	shalt  }
0x51: {  	_ =	shalt  }
0x52: {  	_ =	shalt  }
0x53: {  	_ =	shalt  }
0x54: {  	_ =	shalt  }
0x55: {  	_ =	shalt  }
0x56: {  	_ =	shalt  }
0x57: {  	_ =	shalt  }
0x58: {  	_ =	shalt  }
0x59: {  	_ =	shalt  }
0x5a: {  	_ =	shalt  }
0x5b: {  	_ =	shalt  }
0x5c: {  	_ =	shalt  }
0x5d: {  	_ =	shalt  }
0x5e: {  	_ =	shalt  }
0x5f: {  	_ =	shalt  }
0x60: {  	_ =	shalt  }
0x61: {  	_ =	shalt  }
0x62: {  	_ =	shalt  }
0x63: {  	_ =	shalt  }
0x64: {  	_ =	shalt  }
0x65: {  	_ =	shalt  }
0x66: {  	_ =	shalt  }
0x67: {  	_ =	shalt  }
0x68: {  	_ =	shalt  }
0x69: {  	_ =	shalt  }
0x6a: {  	_ =	shalt  }
0x6b: {  	_ =	shalt  }
0x6c: {  	_ =	shalt  }
0x6d: {  	_ =	shalt  }
0x6e: {  	_ =	shalt  }
0x6f: {  	_ =	shalt  }
0x70: {  	_ =	shalt  }
0x71: {  	_ =	shalt  }
0x72: {  	_ =	shalt  }
0x73: {  	_ =	shalt  }
0x74: {  	_ =	shalt  }
0x75: {  	_ =	shalt  }
0x76: {  	_ =	shalt  }
0x77: {  	_ =	shalt  }
0x78: {  	_ =	shalt  }
0x79: {  	_ =	shalt  }
0x7a: {  	_ =	shalt  }
0x7b: {  	_ =	shalt  }
0x7c: {  	_ =	shalt  }
0x7d: {  	_ =	shalt  }
0x7e: {  	_ =	shalt  }
0x7f: {  	_ =	shalt  }
0x80: {  	_ =	shalt  }
0x81: {  	_ =	shalt  }
0x82: {  	_ =	shalt  }
0x83: {  	_ =	shalt  }
0x84: {  	_ =	shalt  }
0x85: {  	_ =	shalt  }
0x86: {  	_ =	shalt  }
0x87: {  	_ =	shalt  }
.Lfunc_end0:
.L_simem_size_0:
called_computation_lowered:
.L_overlay_start_0:
0x88: {  	s2 =	sld [smem:$0x3FD9]  }
0x89: {  	s3 =	sld [smem:$0x3FFE];
	_ =	sdelay $0x1  }
0x8a: {  	s1 =	srdreg.scid  }
0x8b: {  	s0 =	sand.u32 $0x1, s1  }
0x8c: {  	s17 =	sshll.u32 s0, $0xA;
	s2 =	sadd.s32 s3, s2  }
0x8d: {  	s2 =	sadd.s32 s2, s17  }
0x8e: {  	[smem:$0x3FC6] =	sst s2  }
0x8f: {  	_ = 	snop  }
0x90: {  	s2 =	sld [smem:$0x3FC9]  }
0x91: {  	s18 =	sld [smem:$0x3FD0];
	(tm) =	ssettm $0x1  }
0x92: {  	s4 =	sld [smem:$0x3FFB];
	_ =	sdelay $0x3  }
0x93: {  	_ =	strace s4  }
0x94: {  	s4 =	sld [smem:$0x3FFC];
	_ =	sdelay $0x3  }
0x95: {  	_ =	strace s4  }
0x96: {  	s4 =	sld [smem:$0x3FFD];
	_ =	sdelay $0x3  }
0x97: {  	_ =	strace s4  }
0x98: {  	_ =	strace $0x8FFFFFFF  }
0x99: {  	s19 =	sld [smem:$0x3FDB];
	_ =	sdelay $0x1  }
0x9a: {  	s5 =	simm.s32 $_scs_section_size  }
0x9b: {  	s6 =	simm.s32 $_size__tile_overlayer_lowered;
	s7 =	simm.s32 $_tile_overlayer_lowered  }
0x9c: {  	s22 =	simm.s32 $0x1BFF;
	s21 =	sshll.u32 s7, $0x1;
	s4 =	sadd.s32 s5, s19  }
0x9d: {  	s8 =	simm.s32 $0x0;
	s20 =	sshll.u32 s6, $0x1;
	s6 =	sadd.s32 s21, s4  }
0x9e: {  	[timem:s8], [sflag:s22] =	dma.local [hbm:s6], s20  }
0x9f: {  	_ =	swait.ge [sflag:s22], s20  }
0xa0: {  	s5 =	ssub.s32 $0x0, s20;
	[sflag:s22] =	ssyncset.done $0x0  }
0xa1: {  	[sflag:s22] =	ssyncadd.s32 s5;
	_ =	sdelay $0x1  }
0xa2: {  	s23 =	simm.s32 $0x1B8B  }
0xa3: {  	_ =	swait.ge [sflag:s23], $0x1  }
0xa4: {  	[sflag:s23] =	ssyncset.done $0x0  }
0xa5: {  	s25 =	simm.s32 $0x1B8E;
	s24 =	sld [smem:$0x3FFE];
	[sflag:s23] =	ssyncadd.s32 $0xFFFFFFFF  }
0xa6: {  	s26 =	simm.s32 $execute0_lowered;
	[smem:$0x3FD2] =	sst s25  }
0xa7: {  	s6 =	sshll.u32 s26, $0x1;
	_ =	strace $0x80000046;
	[dreg:$0x1] =	wrdreg $0xFFFFFFFF  }
0xa8: {  	s28 =	simm.s32 $_size_execute0_lowered;
	s4 =	sadd.s32 s4, s6;
	[dreg:$0x0] =	wrdreg $0x0  }
0xa9: {  	s6 =	sshll.u32 s28, $0x1;
	[dreg:$0x2] =	wrdreg s4  }
0xaa: {  	[dreg:$0x3] =	wrdreg s6  }
0xab: {  	[dreg:$0x4] =	wrdreg $0xC0  }
0xac: {  	_ =	task [dreg:s8], $0x5FFFF  }
0xad: {  	[dreg:$0x1] =	wrdreg $0xFFFFFFFF  }
0xae: {  	[dreg:$0x0] =	wrdreg $0x60  }
0xaf: {  	[dreg:$0x2] =	wrdreg s2  }
0xb0: {  	[dreg:$0x3] =	wrdreg s24  }
0xb1: {  	[dreg:$0x4] =	wrdreg s18  }
0xb2: {  	[dreg:$0x5] =	wrdreg $0x9  }
0xb3: {  	_ =	task.clear_ibuf [dreg:s8], $0x6FFFF;
	_ =	strace $0x90000046  }
0xb4: {  	s29 =	simm.s32 $0x9;
	_ =	strace $0x80000048  }
0xb5: {  	_ =	swait.ge [sflag:s29], $0x1  }
0xb6: {  	[sflag:s29] =	ssyncadd.s32 $0xFFFFFFFF  }
0xb7: {  	_ =	strace $0x90000048  }
0xb8: {  	_ =	sfence  }
0xb9: {  	s30 =	sld [smem:$0x0];
	_ =	sdelay $0x2  }
0xba: {  	s31 =	sshll.u32 s1, $0xD;
	s1 =	sshrl.u32 s1, $0x2  }
0xbb: {  	s3 =	sand.u32 $0x4000, s31;
	s1 =	sadd.s32 s1, s30  }
0xbc: {  	s0 =	sor.u32 s3, s0;
	s1 =	sshll.u32 s1, $0x11  }
0xbd: {  	s0 =	sor.u32 s1, s0  }
0xbe: {  	s0 =	sadd.s32 $0x8F2B, s0  }
0xbf: {  	[sflag:s0] =	ssyncadd.remote.s32 $0x1  }
0xc0: {  	_ =	sfence.sel $0xFFFF  }
0xc1: {  	[dreg:$0x0] =	wrdreg $0xFFFFFFFF;
	(pc) =	sbr.abs _section_cstart, $3  }
0xc2: {  	[dreg:$0x1] =	wrdreg $0xFFFFFFFF  }
0xc3: {  	_ =	task.clear_ibuf [dreg:s8], $0x2FFFF;
	_ =	strace $0x9FFFFFFF  }
0xc4: {  	(tm) =	ssettm $0x7FFFFFFF  }
0xc5: {  	_ =	shalt  }
tec
execute0_lowered:
.L_overlay_start_1:
0x0: {  	(tag) =	ssettag $0x1  }
0x1: {  	s19 =	rddreg [dreg:$0x0]  }
0x2: {  	s0 =	rddreg [dreg:$0x1]  }
0x3: {  	s1 =	rddreg [dreg:$0x2];
	s9 =	simm.s32 $0x0;
	s2 =	srdreg.scid  }
0x4: {  	s3 =	stileid.u32;
	[smem:$0x7FF] =	sst s9;
	s2 =	sand.u32 $0x1, s2  }
0x5: {  	s3 =	sshll.u32 s3, $0x1;
	s4 =	sadd.s32 $0x1000, s0;
	_ =	strace $0x80000047  }
0x6: {  	s3 =	sor.u32 s2, s3;
	[dreg:$0x6] =	wrdreg s4;
	s2 =	ssub.s32 $0x2, s2  }
0x7: {  	s30 =	sshll.u32 s3, $0x9;
	s5 =	sshrl.u32 s2, $0x1;
	s3 =	sshll.u32 s3, $0x8  }
.Ltmp0:
0x8: {  	[dreg:$0x7] =	wrdreg s3;
	s3 =	sadd.s32 $0x100, s3;
	(pc) =	sbr.rel .LBB2_1-.Ltmp0, $4  }
0x9: {  	s0 =	sadd.s32 s30, s0;
	s1 =	sadd.s32 s1, s30;
	[dreg:$0x8] =	wrdreg s3  }
0xa: {  	s2 =	ssub.s32 s2, s5;
	[dreg:$0x9] =	wrdreg s1;
	s0 =	sadd.s32 $0x1200, s0  }
0xb: {  	s31 =	smax.u32 s2, $0x1;
	[dreg:$0xa] =	wrdreg s0  }
0xc: {  	v0 =	vimm.f32 $0.0e+00;
	s2 =	simm.s32 $0x0;
	[dreg:$0xb] =	wrdreg s31  }
.LBB2_18:
0xd: {  	s0 =	rddreg [dreg:$0x9];
	s1 =	simm.s32 $0x9000  }
0xe: {  	[hbm4b:s0+s9] =	stream.linear.scatter [tilespmem:s1], [sflag:$0x1], $0x1000, $0x38;
	[tilespmem:$0xB080] =	vst v63  }
0xf: {  	s26 =	rddreg [dreg:$0xa];
	s28 =	simm.s32 $0xA000;
	s29 =	simm.s32 $0x1  }
0x10: {  	[hbm4b:s26+s9] =	stream.linear.scatter [tilespmem:s28], [sflag:$0x2], $0x1000, $0x38;
	[tilespmem:$0xB080] =	vst v63  }
0x11: {  	_ =	swait.ge [sflag:s29], $0x1000  }
0x12: {  	[sflag:s29] =	ssyncset.done $0x0  }
0x13: {  	s30 =	simm.s32 $0x2;
	[sflag:s29] =	ssyncadd.s32 $0xFFFFF000  }
0x14: {  	_ =	swait.ge [sflag:s30], $0x1000  }
0x15: {  	s2 =	rddreg [dreg:$0xc]  }
0x16: {  	s31 =	rddreg [dreg:$0xb];
	s2 =	sadd.s32 $0x1, s2  }
0x17: {  	p0 =	sne.s32 s2, s31  }
.Ltmp1:
0x18: {  	_ = 	snop;
	(pc) =	sbr.rel @!p0 .LBB2_19-.Ltmp1, $3  }
0x19: {  	_ =	sdelay $0x1  }
0x1a: {  	[sflag:s30] =	ssyncset.done $0x0  }
0x1b: {  	[sflag:s30] =	ssyncadd.s32 $0xFFFFF000  }
.LBB2_1:
0x1c: {  	s0 =	rddreg [dreg:$0x6]  }
0x1d: {  	s1 =	simm.s32 $0xB000;
	s29 =	sand.u32 $0x800, s9;
	s30 =	sand.u32 $0x380, s9  }
0x1e: {  	[tilespmem:s1], [sflag:$0x1] =	stream.linear.gather [hbm4b:s0+s9], $0x80, $0x38;
	[tilespmem:$0xB080] =	vst v63  }
0x1f: {  	s0 =	sor.u32 s30, s29  }
0x20: {  	[tilespmem:s0+$0xA470] =	vst v0  }
0x21: {  	[tilespmem:s0+$0x9000] =	vst v0  }
0x22: {  	[tilespmem:s0+$0xA000] =	vst v0  }
0x23: {  	[tilespmem:s0+$0x9010] =	vst v0  }
0x24: {  	[tilespmem:s0+$0xA010] =	vst v0  }
0x25: {  	[tilespmem:s0+$0x9020] =	vst v0  }
0x26: {  	[tilespmem:s0+$0xA020] =	vst v0  }
0x27: {  	[tilespmem:s0+$0x9030] =	vst v0  }
0x28: {  	[tilespmem:s0+$0xA030] =	vst v0  }
0x29: {  	[tilespmem:s0+$0x9040] =	vst v0  }
0x2a: {  	[tilespmem:s0+$0xA040] =	vst v0  }
0x2b: {  	[tilespmem:s0+$0x9050] =	vst v0  }
0x2c: {  	[tilespmem:s0+$0xA050] =	vst v0  }
0x2d: {  	[tilespmem:s0+$0x9060] =	vst v0  }
0x2e: {  	[tilespmem:s0+$0xA060] =	vst v0  }
0x2f: {  	[tilespmem:s0+$0x9070] =	vst v0  }
0x30: {  	[tilespmem:s0+$0xA070] =	vst v0  }
0x31: {  	[tilespmem:s0+$0x9400] =	vst v0  }
0x32: {  	[tilespmem:s0+$0xA400] =	vst v0  }
0x33: {  	[tilespmem:s0+$0x9410] =	vst v0  }
0x34: {  	[tilespmem:s0+$0xA410] =	vst v0  }
0x35: {  	[tilespmem:s0+$0x9420] =	vst v0  }
0x36: {  	[tilespmem:s0+$0xA420] =	vst v0  }
0x37: {  	[tilespmem:s0+$0x9430] =	vst v0  }
0x38: {  	[tilespmem:s0+$0xA430] =	vst v0  }
0x39: {  	[tilespmem:s0+$0x9440] =	vst v0  }
0x3a: {  	[tilespmem:s0+$0xA440] =	vst v0  }
0x3b: {  	[tilespmem:s0+$0x9450] =	vst v0  }
0x3c: {  	[tilespmem:s0+$0xA450] =	vst v0  }
0x3d: {  	[dreg:$0xc] =	wrdreg s2;
	s31 =	simm.s32 $0x100;
	s1 =	simm.s32 $0x80;
	[tilespmem:s0+$0x9460] =	vst v0  }
0x3e: {  	s2 =	simm.s32 $0x200;
	s3 =	sand.u32 $0x800, s31;
	s4 =	sand.u32 $0x380, s1;
	[tilespmem:s0+$0xA460] =	vst v0  }
.LBB2_2:
0x3f: {  	p0 =	sne.s32 s2, $0xF00;
	[tilespmem:s0+$0x9470] =	vst v0;
	s0 =	sor.u32 s4, s3  }
0x40: {  	[tilespmem:s0+$0xA470] =	vst v0  }
0x41: {  	[tilespmem:s0+$0x9000] =	vst v0  }
0x42: {  	[tilespmem:s0+$0xA000] =	vst v0  }
0x43: {  	[tilespmem:s0+$0x9010] =	vst v0  }
0x44: {  	[tilespmem:s0+$0xA010] =	vst v0  }
0x45: {  	[tilespmem:s0+$0x9020] =	vst v0  }
0x46: {  	[tilespmem:s0+$0xA020] =	vst v0  }
0x47: {  	[tilespmem:s0+$0x9030] =	vst v0  }
0x48: {  	[tilespmem:s0+$0xA030] =	vst v0  }
0x49: {  	[tilespmem:s0+$0x9040] =	vst v0  }
0x4a: {  	[tilespmem:s0+$0xA040] =	vst v0  }
0x4b: {  	[tilespmem:s0+$0x9050] =	vst v0  }
0x4c: {  	[tilespmem:s0+$0xA050] =	vst v0  }
0x4d: {  	[tilespmem:s0+$0x9060] =	vst v0  }
0x4e: {  	[tilespmem:s0+$0xA060] =	vst v0  }
0x4f: {  	[tilespmem:s0+$0x9070] =	vst v0  }
0x50: {  	[tilespmem:s0+$0xA070] =	vst v0  }
0x51: {  	[tilespmem:s0+$0x9400] =	vst v0  }
0x52: {  	[tilespmem:s0+$0xA400] =	vst v0  }
0x53: {  	[tilespmem:s0+$0x9410] =	vst v0  }
0x54: {  	[tilespmem:s0+$0xA410] =	vst v0  }
0x55: {  	[tilespmem:s0+$0x9420] =	vst v0  }
0x56: {  	[tilespmem:s0+$0xA420] =	vst v0  }
0x57: {  	[tilespmem:s0+$0x9430] =	vst v0  }
0x58: {  	[tilespmem:s0+$0xA430] =	vst v0  }
0x59: {  	[tilespmem:s0+$0x9440] =	vst v0  }
.Ltmp2:
0x5a: {  	[tilespmem:s0+$0xA440] =	vst v0;
	(pc) =	sbr.rel @p0 .LBB2_2-.Ltmp2, $4  }
0x5b: {  	[tilespmem:s0+$0x9450] =	vst v0  }
0x5c: {  	[tilespmem:s0+$0xA450] =	vst v0  }
0x5d: {  	s1 =	sadd.s32 $0x80, s1;
	[tilespmem:s0+$0x9460] =	vst v0  }
0x5e: {  	s3 =	sand.u32 $0x800, s2;
	s2 =	sadd.s32 $0x100, s2;
	s4 =	sand.u32 $0x380, s1;
	[tilespmem:s0+$0xA460] =	vst v0  }
0x5f: {  	s1 =	sor.u32 s4, s3;
	[tilespmem:s0+$0x9470] =	vst v0  }
0x60: {  	[tilespmem:s1+$0xA470] =	vst v0  }
0x61: {  	[tilespmem:s1+$0x9000] =	vst v0  }
0x62: {  	[tilespmem:s1+$0xA000] =	vst v0  }
0x63: {  	[tilespmem:s1+$0x9010] =	vst v0  }
0x64: {  	[tilespmem:s1+$0xA010] =	vst v0  }
0x65: {  	[tilespmem:s1+$0x9020] =	vst v0  }
0x66: {  	[tilespmem:s1+$0xA020] =	vst v0  }
0x67: {  	[tilespmem:s1+$0x9030] =	vst v0  }
0x68: {  	[tilespmem:s1+$0xA030] =	vst v0  }
0x69: {  	[tilespmem:s1+$0x9040] =	vst v0  }
0x6a: {  	[tilespmem:s1+$0xA040] =	vst v0  }
0x6b: {  	[tilespmem:s1+$0x9050] =	vst v0  }
0x6c: {  	[tilespmem:s1+$0xA050] =	vst v0  }
0x6d: {  	[tilespmem:s1+$0x9060] =	vst v0  }
0x6e: {  	[tilespmem:s1+$0xA060] =	vst v0  }
0x6f: {  	[tilespmem:s1+$0x9070] =	vst v0  }
0x70: {  	[tilespmem:s1+$0xA070] =	vst v0  }
0x71: {  	[tilespmem:s1+$0x9400] =	vst v0  }
0x72: {  	[tilespmem:s1+$0xA400] =	vst v0  }
0x73: {  	[tilespmem:s1+$0x9410] =	vst v0  }
0x74: {  	[tilespmem:s1+$0xA410] =	vst v0  }
0x75: {  	[tilespmem:s1+$0x9420] =	vst v0  }
0x76: {  	[tilespmem:s1+$0xA420] =	vst v0  }
0x77: {  	[tilespmem:s1+$0x9430] =	vst v0  }
0x78: {  	[tilespmem:s1+$0xA430] =	vst v0  }
0x79: {  	[tilespmem:s1+$0x9440] =	vst v0  }
0x7a: {  	[tilespmem:s1+$0xA440] =	vst v0  }
0x7b: {  	[tilespmem:s1+$0x9450] =	vst v0  }
0x7c: {  	[tilespmem:s1+$0xA450] =	vst v0  }
0x7d: {  	[tilespmem:s1+$0x9460] =	vst v0  }
.Ltmp3:
0x7e: {  	[tilespmem:s1+$0xA460] =	vst v0;
	(pc) =	sbr.rel .LBB2_4-.Ltmp3, $4  }
0x7f: {  	s31 =	simm.s32 $0x1;
	[tilespmem:s1+$0x9470] =	vst v0  }
0x80: {  	_ =	swait.ge [sflag:s31], $0x80  }
0x81: {  	[sflag:s31] =	ssyncset.done $0x0  }
0x82: {  	s3 =	simm.s32 $0x0;
	[sflag:s31] =	ssyncadd.s32 $0xFFFFFF80  }
.LBB2_16:
0x83: {  	s0 =	simm.s32 $0x1  }
0x84: {  	_ =	swait.ge [sflag:s0], $0x4800  }
0x85: {  	[sflag:s0] =	ssyncset.done $0x0  }
0x86: {  	s3 =	rddreg [dreg:$0xd];
	[sflag:s0] =	ssyncadd.s32 $0xFFFFB800  }
.LBB2_17:
0x87: {  	s3 =	sadd.s32 $0x1, s3  }
0x88: {  	p0 =	sne.s32 s3, $0x10  }
.Ltmp4:
0x89: {  	_ = 	snop;
	(pc) =	sbr.rel @!p0 .LBB2_18-.Ltmp4, $1  }
0x8a: {  	_ =	sdelay $0x3  }
.LBB2_4:
0x8b: {  	v1 =	vld [tilespmem:s3+$0xB000]  }
0x8c: {  	v2 =	vld [tilespmem:s3+$0xB001];
	_ =	sdelay $0x3  }
0x8d: {  	(v2sf) =	vpush v1, $0x0  }
0x8e: {  	(v2sf) =	vpush v2, $0x0;
	_ =	sdelay $0xd  }
0x8f: {  	s18 =	rddreg [dreg:$0x7];
	s0 =	spop (v2sf)  }
0x90: {  	s2 =	rddreg [dreg:$0x8];
	s1 =	spop (v2sf)  }
0x91: {  	s15 =	smov.u32 s2;
	p0 =	sgt.s32 s0, s18;
	p1 =	slt.s32 s1, s2  }
0x92: {  	s18 =	smov.u32 @p0 s0;
	s15 =	smov.u32 @p1 s1  }
0x93: {  	s0 =	ssub.s32 s15, s18  }
0x94: {  	p0 =	sgt.s32 s0, $0x0  }
0x95: {  	s0 =	simm.s32 @!p0 $0x0  }
0x96: {  	s0 =	sadd.s32 $0x3F, s0  }
0x97: {  	s0 =	sshra.s32 s0, $0x6  }
0x98: {  	p0 =	slt.s32 s0, $0x1  }
.Ltmp5:
0x99: {  	_ = 	snop;
	(pc) =	sbr.rel @p0 .LBB2_17-.Ltmp5, $1  }
0x9a: {  	_ =	sdelay $0x3  }
0x9b: {  	s1 =	sand.u32 $0x7FFFFFF8, s18  }
0x9c: {  	s20 =	simm.s32 $0x0;
	s16 =	sshll.u32 s3, $0x8;
	s1 =	smin.u32 s1, $0x7FB8  }
0x9d: {  	[dreg:$0xd] =	wrdreg s3;
	s2 =	sshll.u32 s3, $0x7;
	s1 =	sshll.u32 s1, $0x5  }
0x9e: {  	s17 =	sadd.s32 $0x1, s0;
	s21 =	sadd.s32 $0xFFFFFFFF, s0;
	s1 =	sadd.s32 s19, s1  }
0x9f: {  	[tilespmem:s20], [sflag:$0x1] =	stream.linear.gather [hbm4b:s1+s20], $0x4800, $0x38;
	[tilespmem:$0xB080] =	vst v63  }
0xa0: {  	[dreg:$0xe] =	wrdreg s15;
	s2 =	sand.u32 $0x380, s2;
	s1 =	sand.u32 $0x800, s16  }
0xa1: {  	s3 =	sshrl.u32 s17, $0x1;
	[dreg:$0x10] =	wrdreg s21;
	s22 =	sor.u32 s2, s1  }
0xa2: {  	[dreg:$0xf] =	wrdreg s3;
	s1 =	sor.u32 $0x9000, s22  }
0xa3: {  	s26 =	sor.u32 $0xA000, s22;
	[dreg:$0x11] =	wrdreg s1  }
0xa4: {  	s2 =	sor.u32 $0x9010, s22;
	[dreg:$0x12] =	wrdreg s26  }
0xa5: {  	s3 =	sor.u32 $0xA010, s22;
	[dreg:$0x13] =	wrdreg s2  }
0xa6: {  	s4 =	sor.u32 $0x9020, s22;
	[dreg:$0x14] =	wrdreg s3  }
0xa7: {  	s5 =	sor.u32 $0xA020, s22;
	[dreg:$0x15] =	wrdreg s4  }
0xa8: {  	s6 =	sor.u32 $0x9030, s22;
	[dreg:$0x16] =	wrdreg s5  }
0xa9: {  	s7 =	sor.u32 $0xA030, s22;
	[dreg:$0x17] =	wrdreg s6  }
0xaa: {  	s30 =	sshll.u32 s18, $0x8;
	s8 =	sor.u32 $0x9040, s22;
	[dreg:$0x18] =	wrdreg s7  }
0xab: {  	s31 =	sand.u32 $0xFFFFFFF8, s18;
	s11 =	sor.u32 $0x9050, s22;
	[dreg:$0x19] =	wrdreg s8  }
0xac: {  	s10 =	sor.u32 $0xA040, s22;
	s12 =	sor.u32 $0xA050, s22;
	[dreg:$0x1b] =	wrdreg s11  }
0xad: {  	s13 =	sor.u32 $0x9060, s22;
	s14 =	sor.u32 $0xA060, s22;
	[dreg:$0x1c] =	wrdreg s12  }
0xae: {  	s16 =	sor.u32 $0x9070, s22;
	s17 =	sor.u32 $0xA070, s22;
	[dreg:$0x1d] =	wrdreg s13  }
0xaf: {  	s21 =	sor.u32 $0x9400, s22;
	s23 =	sor.u32 $0xA450, s22;
	[dreg:$0x1f] =	wrdreg s16  }
0xb0: {  	s24 =	sor.u32 $0x9460, s22;
	s25 =	sor.u32 $0xA460, s22;
	[smem:$0x7FC] =	sst s17  }
0xb1: {  	s28 =	sor.u32 $0xA470, s22;
	[smem:$0x7FD] =	sst s21;
	s16 =	sor.u32 $0xA400, s22  }
0xb2: {  	s5 =	sor.u32 $0x9410, s22;
	s6 =	sor.u32 $0xA410, s22;
	s12 =	sor.u32 $0x9420, s22  }
.Ltmp6:
0xb3: {  	s17 =	sor.u32 $0xA420, s22;
	s3 =	sor.u32 $0x9430, s22;
	(pc) =	sbr.rel .LBB2_6-.Ltmp6, $4  }
0xb4: {  	s1 =	sor.u32 $0xA430, s22;
	s21 =	sor.u32 $0x9440, s22;
	s13 =	sor.u32 $0xA440, s22  }
0xb5: {  	s11 =	sor.u32 $0x9450, s22;
	s26 =	sor.u32 $0x9470, s22;
	s22 =	sadd.s32 $0x40, s18  }
0xb6: {  	[dreg:$0x1a] =	wrdreg s10;
	s29 =	sand.u32 $0xFFFFFFF8, s22;
	s22 =	sshll.u32 s18, $0x7  }
0xb7: {  	[dreg:$0x1e] =	wrdreg s14;
	s2 =	sadd.s32 $0x4000, s30;
	s0 =	sadd.s32 $0x2000, s22  }
.LBB2_11:
0xb8: {  	v12 =	vimm.f32 $0.0e+00  }
0xb9: {  	v4 =	vimm.f32 $0.0e+00;
	v13 =	vimm.f32 $0.0e+00;
	v6 =	vimm.f32 $0.0e+00  }
0xba: {  	v11 =	vimm.f32 $0.0e+00;
	v7 =	vimm.f32 $0.0e+00;
	v14 =	vimm.f32 $0.0e+00  }
0xbb: {  	v5 =	vimm.f32 $0.0e+00;
	v15 =	vimm.f32 $0.0e+00;
	v8 =	vimm.f32 $0.0e+00  }
0xbc: {  	v16 =	vimm.f32 $0.0e+00;
	v9 =	vimm.f32 $0.0e+00;
	v35 =	vimm.f32 $0.0e+00  }
0xbd: {  	v10 =	vimm.f32 $0.0e+00;
	v36 =	vimm.f32 $0.0e+00;
	v28 =	vimm.f32 $0.0e+00  }
0xbe: {  	v37 =	vimm.f32 $0.0e+00;
	v29 =	vimm.f32 $0.0e+00;
	v34 =	vimm.f32 $0.0e+00  }
0xbf: {  	v25 =	vimm.f32 $0.0e+00;
	v33 =	vimm.f32 $0.0e+00;
	v22 =	vimm.f32 $0.0e+00  }
0xc0: {  	v24 =	vimm.f32 $0.0e+00;
	v21 =	vimm.f32 $0.0e+00;
	v26 =	vimm.f32 $0.0e+00  }
0xc1: {  	v19 =	vimm.f32 $0.0e+00;
	v23 =	vimm.f32 $0.0e+00;
	v18 =	vimm.f32 $0.0e+00  }
0xc2: {  	v20 =	vimm.f32 $0.0e+00;
	v2 =	vimm.f32 $0.0e+00;
	v3 =	vimm.f32 $0.0e+00  }
.LBB2_15:
0xc3: {  	s4 =	rddreg [dreg:$0x11]  }
0xc4: {  	v17 =	vld [tilespmem:s4+$0x0];
	_ =	sdelay $0x4  }
0xc5: {  	v1 =	vadd.f32 v17, v1;
	_ =	sdelay $0x1  }
0xc6: {  	s14 =	rddreg [dreg:$0x12];
	[tilespmem:s4+$0x0] =	vst v1  }
0xc7: {  	v1 =	vld [tilespmem:s14+$0x0];
	_ =	sdelay $0x4  }
0xc8: {  	v1 =	vadd.f32 v1, v12;
	_ =	sdelay $0x1  }
0xc9: {  	s7 =	rddreg [dreg:$0x13];
	[tilespmem:s14+$0x0] =	vst v1  }
0xca: {  	v1 =	vld [tilespmem:s7+$0x0];
	_ =	sdelay $0x4  }
0xcb: {  	v1 =	vadd.f32 v1, v4;
	_ =	sdelay $0x1  }
0xcc: {  	s8 =	rddreg [dreg:$0x14];
	[tilespmem:s7+$0x0] =	vst v1  }
0xcd: {  	v1 =	vld [tilespmem:s8+$0x0];
	_ =	sdelay $0x4  }
0xce: {  	v1 =	vadd.f32 v1, v13;
	_ =	sdelay $0x1  }
0xcf: {  	s10 =	rddreg [dreg:$0x15];
	[tilespmem:s8+$0x0] =	vst v1  }
0xd0: {  	v1 =	vld [tilespmem:s10+$0x0];
	_ =	sdelay $0x4  }
0xd1: {  	v1 =	vadd.f32 v1, v6;
	_ =	sdelay $0x1  }
0xd2: {  	s14 =	rddreg [dreg:$0x16];
	[tilespmem:s10+$0x0] =	vst v1  }
0xd3: {  	v1 =	vld [tilespmem:s14+$0x0];
	_ =	sdelay $0x4  }
0xd4: {  	v1 =	vadd.f32 v1, v11;
	_ =	sdelay $0x1  }
0xd5: {  	s7 =	rddreg [dreg:$0x17];
	[tilespmem:s14+$0x0] =	vst v1  }
0xd6: {  	v1 =	vld [tilespmem:s7+$0x0];
	_ =	sdelay $0x4  }
0xd7: {  	v1 =	vadd.f32 v1, v7;
	_ =	sdelay $0x1  }
0xd8: {  	s8 =	rddreg [dreg:$0x18];
	[tilespmem:s7+$0x0] =	vst v1  }
0xd9: {  	v1 =	vld [tilespmem:s8+$0x0];
	_ =	sdelay $0x4  }
0xda: {  	v1 =	vadd.f32 v1, v14;
	_ =	sdelay $0x1  }
0xdb: {  	s10 =	rddreg [dreg:$0x19];
	[tilespmem:s8+$0x0] =	vst v1  }
0xdc: {  	v1 =	vld [tilespmem:s10+$0x0];
	_ =	sdelay $0x4  }
0xdd: {  	v1 =	vadd.f32 v1, v5;
	_ =	sdelay $0x1  }
0xde: {  	s14 =	rddreg [dreg:$0x1a];
	[tilespmem:s10+$0x0] =	vst v1  }
0xdf: {  	v1 =	vld [tilespmem:s14+$0x0];
	_ =	sdelay $0x4  }
0xe0: {  	v1 =	vadd.f32 v1, v15;
	_ =	sdelay $0x1  }
0xe1: {  	s7 =	rddreg [dreg:$0x1b];
	[tilespmem:s14+$0x0] =	vst v1  }
0xe2: {  	v1 =	vld [tilespmem:s7+$0x0];
	_ =	sdelay $0x4  }
0xe3: {  	v1 =	vadd.f32 v1, v8;
	_ =	sdelay $0x1  }
0xe4: {  	s8 =	rddreg [dreg:$0x1c];
	[tilespmem:s7+$0x0] =	vst v1  }
0xe5: {  	v1 =	vld [tilespmem:s8+$0x0];
	_ =	sdelay $0x4  }
0xe6: {  	v1 =	vadd.f32 v1, v16;
	_ =	sdelay $0x1  }
0xe7: {  	s10 =	rddreg [dreg:$0x1d];
	[tilespmem:s8+$0x0] =	vst v1  }
0xe8: {  	v1 =	vld [tilespmem:s10+$0x0];
	_ =	sdelay $0x4  }
0xe9: {  	v1 =	vadd.f32 v1, v9;
	_ =	sdelay $0x1  }
0xea: {  	s14 =	rddreg [dreg:$0x1e];
	[tilespmem:s10+$0x0] =	vst v1  }
0xeb: {  	v1 =	vld [tilespmem:s14+$0x0];
	_ =	sdelay $0x4  }
0xec: {  	v1 =	vadd.f32 v1, v35;
	_ =	sdelay $0x1  }
0xed: {  	s7 =	rddreg [dreg:$0x1f];
	[tilespmem:s14+$0x0] =	vst v1  }
0xee: {  	v1 =	vld [tilespmem:s7+$0x0];
	_ =	sdelay $0x4  }
0xef: {  	s8 =	sld [smem:$0x7FC];
	v1 =	vadd.f32 v1, v10;
	_ =	sdelay $0x1  }
0xf0: {  	[tilespmem:s7+$0x0] =	vst v1  }
0xf1: {  	v1 =	vld [tilespmem:s8+$0x0];
	_ =	sdelay $0x4  }
0xf2: {  	s10 =	sld [smem:$0x7FD];
	v1 =	vadd.f32 v1, v36;
	_ =	sdelay $0x1  }
0xf3: {  	[tilespmem:s8+$0x0] =	vst v1  }
0xf4: {  	v1 =	vld [tilespmem:s10+$0x0];
	_ =	sdelay $0x4  }
0xf5: {  	v1 =	vadd.f32 v1, v28;
	_ =	sdelay $0x1  }
0xf6: {  	[tilespmem:s10+$0x0] =	vst v1  }
0xf7: {  	v1 =	vld [tilespmem:s16+$0x0];
	_ =	sdelay $0x4  }
0xf8: {  	v1 =	vadd.f32 v1, v37;
	_ =	sdelay $0x1  }
0xf9: {  	[tilespmem:s16+$0x0] =	vst v1  }
0xfa: {  	v1 =	vld [tilespmem:s5+$0x0];
	_ =	sdelay $0x4  }
0xfb: {  	v1 =	vadd.f32 v1, v29;
	_ =	sdelay $0x1  }
0xfc: {  	[tilespmem:s5+$0x0] =	vst v1  }
0xfd: {  	v1 =	vld [tilespmem:s6+$0x0];
	_ =	sdelay $0x4  }
0xfe: {  	v1 =	vadd.f32 v1, v34;
	_ =	sdelay $0x1  }
0xff: {  	[tilespmem:s6+$0x0] =	vst v1  }
0x100: {  	v1 =	vld [tilespmem:s12+$0x0];
	_ =	sdelay $0x4  }
0x101: {  	v1 =	vadd.f32 v1, v25;
	_ =	sdelay $0x1  }
0x102: {  	[tilespmem:s12+$0x0] =	vst v1  }
0x103: {  	v1 =	vld [tilespmem:s17+$0x0];
	_ =	sdelay $0x4  }
0x104: {  	v1 =	vadd.f32 v1, v33;
	_ =	sdelay $0x1  }
0x105: {  	[tilespmem:s17+$0x0] =	vst v1  }
0x106: {  	v1 =	vld [tilespmem:s3+$0x0];
	_ =	sdelay $0x4  }
0x107: {  	v1 =	vadd.f32 v1, v22;
	_ =	sdelay $0x1  }
0x108: {  	[tilespmem:s3+$0x0] =	vst v1  }
0x109: {  	v1 =	vld [tilespmem:s1+$0x0];
	_ =	sdelay $0x4  }
0x10a: {  	v1 =	vadd.f32 v1, v24;
	_ =	sdelay $0x1  }
0x10b: {  	[tilespmem:s1+$0x0] =	vst v1  }
0x10c: {  	v1 =	vld [tilespmem:s21+$0x0];
	_ =	sdelay $0x4  }
0x10d: {  	v1 =	vadd.f32 v1, v21;
	_ =	sdelay $0x1  }
0x10e: {  	[tilespmem:s21+$0x0] =	vst v1  }
0x10f: {  	v1 =	vld [tilespmem:s13+$0x0];
	_ =	sdelay $0x4  }
0x110: {  	v1 =	vadd.f32 v1, v26;
	_ =	sdelay $0x1  }
0x111: {  	[tilespmem:s13+$0x0] =	vst v1  }
0x112: {  	v1 =	vld [tilespmem:s11+$0x0];
	_ =	sdelay $0x4  }
0x113: {  	v1 =	vadd.f32 v1, v19;
	_ =	sdelay $0x1  }
0x114: {  	[tilespmem:s11+$0x0] =	vst v1  }
0x115: {  	v1 =	vld [tilespmem:s23+$0x0];
	_ =	sdelay $0x4  }
0x116: {  	v1 =	vadd.f32 v1, v23;
	_ =	sdelay $0x1  }
0x117: {  	[tilespmem:s23+$0x0] =	vst v1  }
0x118: {  	v1 =	vld [tilespmem:s24+$0x0];
	_ =	sdelay $0x4  }
0x119: {  	v1 =	vadd.f32 v1, v18;
	_ =	sdelay $0x1  }
0x11a: {  	[tilespmem:s24+$0x0] =	vst v1  }
0x11b: {  	v1 =	vld [tilespmem:s25+$0x0];
	_ =	sdelay $0x4  }
0x11c: {  	v1 =	vadd.f32 v1, v20;
	_ =	sdelay $0x1  }
0x11d: {  	[tilespmem:s25+$0x0] =	vst v1  }
0x11e: {  	v1 =	vld [tilespmem:s26+$0x0];
	_ =	sdelay $0x4  }
0x11f: {  	v1 =	vadd.f32 v1, v2;
	_ =	sdelay $0x1  }
0x120: {  	[tilespmem:s26+$0x0] =	vst v1  }
0x121: {  	v1 =	vld [tilespmem:s28+$0x0]  }
0x122: {  	s20 =	sadd.s32 $0x1, s20;
	s14 =	rddreg [dreg:$0xf]  }
0x123: {  	p0 =	sne.s32 s20, s14  }
.Ltmp7:
0x124: {  	_ = 	snop;
	(pc) =	sbr.rel @!p0 .LBB2_16-.Ltmp7, $4  }
0x125: {  	_ = 	snop  }
0x126: {  	v1 =	vadd.f32 v1, v3  }
0x127: {  	s22 =	sadd.s32 $0x4000, s22;
	s31 =	sadd.s32 $0x80, s31;
	s30 =	sadd.s32 $0x8000, s30  }
0x128: {  	s0 =	sadd.s32 $0x4000, s0;
	s29 =	sadd.s32 $0x80, s29;
	s2 =	sadd.s32 $0x8000, s2;
	[tilespmem:s28+$0x0] =	vst v1  }
.LBB2_6:
0x129: {  	s10 =	sshllo.u32 s20, $0x1;
	s4 =	rddreg [dreg:$0x10]  }
0x12a: {  	p0 =	slt.s32 s10, s4  }
0x12b: {  	s4 =	smov.u32 @p0 s10  }
0x12c: {  	s4 =	sshll.u32 s4, $0x6  }
0x12d: {  	s4 =	sadd.s32 s18, s4  }
0x12e: {  	s4 =	sand.u32 $0xFFFFFFF8, s4  }
0x12f: {  	s7 =	simm.s32 $0x1;
	p0 =	slt.s32 s4, $0x7FB8  }
0x130: {  	_ =	swait.ge [sflag:s7], $0x4800;
	s4 =	simm.s32 @!p0 $0x7FB8  }
0x131: {  	s8 =	simm.s32 $0x4800;
	[sflag:s7] =	ssyncset.done $0x0;
	s4 =	sshll.u32 s4, $0x5  }
0x132: {  	s14 =	sshll.u32 s20, $0x7;
	[sflag:s7] =	ssyncadd.s32 $0xFFFFB800;
	s4 =	sadd.s32 s19, s4  }
0x133: {  	[tilespmem:s8], [sflag:$0x2] =	stream.linear.gather [hbm4b:s4+s9], $0x4800, $0x38;
	[tilespmem:$0xB080] =	vst v63  }
0x134: {  	v1 =	vimm.f32 $0.0e+00;
	v5 =	vimm.f32 $0.0e+00;
	v9 =	vimm.f32 $0.0e+00;
	s4 =	sadd.s32 s18, s14  }
0x135: {  	v4 =	vimm.f32 $0.0e+00;
	v13 =	vimm.f32 $0.0e+00;
	v6 =	vimm.f32 $0.0e+00;
	s8 =	sand.u32 $0xFFFFFFF8, s4;
	s14 =	sadd.s32 $0x40, s4  }
0x136: {  	v14 =	vimm.f32 $0.0e+00;
	v7 =	vimm.f32 $0.0e+00;
	v12 =	vimm.f32 $0.0e+00;
	p0 =	slt.s32 s8, $0x7FB8;
	p1 =	slt.s32 s15, s14  }
0x137: {  	v8 =	vimm.f32 $0.0e+00;
	v16 =	vimm.f32 $0.0e+00;
	v10 =	vimm.f32 $0.0e+00;
	s8 =	simm.s32 @!p0 $0x7FB8;
	s14 =	smov.u32 @p1 s15  }
0x138: {  	v17 =	vimm.f32 $0.0e+00;
	v11 =	vimm.f32 $0.0e+00;
	v34 =	vimm.f32 $0.0e+00;
	s7 =	ssub.s32 s4, s8;
	s8 =	ssub.s32 s14, s8  }
0x139: {  	v15 =	vimm.f32 $0.0e+00;
	v29 =	vimm.f32 $0.0e+00;
	v28 =	vimm.f32 $0.0e+00;
	p0 =	sle.s32 s8, s7  }
.Ltmp8:
0x13a: {  	v35 =	vimm.f32 $0.0e+00;
	v19 =	vimm.f32 $0.0e+00;
	v30 =	vimm.f32 $0.0e+00;
	(pc) =	sbr.rel @p0 .LBB2_10-.Ltmp8, $4  }
0x13b: {  	v25 =	vimm.f32 $0.0e+00;
	v36 =	vimm.f32 $0.0e+00;
	v20 =	vimm.f32 $0.0e+00  }
0x13c: {  	v26 =	vimm.f32 $0.0e+00;
	v21 =	vimm.f32 $0.0e+00;
	v27 =	vimm.f32 $0.0e+00  }
0x13d: {  	v22 =	vimm.f32 $0.0e+00;
	v24 =	vimm.f32 $0.0e+00;
	v18 =	vimm.f32 $0.0e+00  }
0x13e: {  	v23 =	vimm.f32 $0.0e+00;
	v2 =	vimm.f32 $0.0e+00;
	v3 =	vimm.f32 $0.0e+00  }
0x13f: {  	p0 =	slt.s32 s31, $0x7FB8;
	s4 =	smov.u32 s31  }
0x140: {  	s4 =	simm.s32 @!p0 $0x7FB8  }
0x141: {  	s14 =	sshll.u32 s4, $0x7;
	s15 =	sshll.u32 s4, $0x8  }
0x142: {  	s4 =	ssub.s32 s22, s14;
	s19 =	ssub.s32 s30, s15  }
0x143: {  	s15 =	sand.u32 $0xFFFFF800, s19;
	s9 =	sand.u32 $0x380, s4  }
0x144: {  	s14 =	sor.u32 s9, s15  }
0x145: {  	v3 =	vld [tilespmem:s14+$0x470]  }
0x146: {  	v4 =	vld [tilespmem:s14+$0x0]  }
0x147: {  	v28 =	vimm.f32 $0.0e+00;
	v29 =	vimm.f32 $0.0e+00;
	v6 =	vld [tilespmem:s14+$0x10]  }
0x148: {  	v30 =	vimm.f32 $0.0e+00;
	v19 =	vimm.f32 $0.0e+00;
	v25 =	vimm.f32 $0.0e+00;
	v7 =	vld [tilespmem:s14+$0x20]  }
0x149: {  	v20 =	vimm.f32 $0.0e+00;
	v21 =	vimm.f32 $0.0e+00;
	v22 =	vimm.f32 $0.0e+00;
	v8 =	vld [tilespmem:s14+$0x30]  }
0x14a: {  	v23 =	vimm.f32 $0.0e+00;
	v24 =	vimm.f32 $0.0e+00;
	v26 =	vimm.f32 $0.0e+00;
	v10 =	vld [tilespmem:s14+$0x40]  }
0x14b: {  	v27 =	vimm.f32 $0.0e+00;
	v31 =	vimm.f32 $0.0e+00;
	v32 =	vimm.f32 $0.0e+00;
	p0 =	sgt.s32 s8, s7;
	v11 =	vld [tilespmem:s14+$0x50]  }
0x14c: {  	v33 =	vimm.f32 $0.0e+00;
	s15 =	sadd.s32 $0x1, s7;
	s7 =	smov.u32 @p0 s8;
	v2 =	vadd.f32 v3, v1;
	v3 =	vmul.f32 v3, v3  }
0x14d: {  	v15 =	vld [tilespmem:s14+$0x60];
	[dreg:$0x4] =	wrdreg s7;
	v9 =	vmul.f32 v4, v4;
	v5 =	vadd.f32 v4, v1;
	v4 =	vadd.f32 v6, v1  }
0x14e: {  	v18 =	vld [tilespmem:s14+$0x70];
	s7 =	rddreg [dreg:$0x4];
	v12 =	vmul.f32 v6, v6;
	v14 =	vmul.f32 v7, v7;
	v6 =	vadd.f32 v7, v1  }
0x14f: {  	p0 =	slt.s32 s15, s7;
	v7 =	vadd.f32 v8, v1;
	v16 =	vmul.f32 v10, v10;
	v3 =	vadd.f32 v3, v1  }
.Ltmp9:
0x150: {  	v35 =	vld [tilespmem:s14+$0x400];
	v17 =	vmul.f32 v11, v11;
	v9 =	vadd.f32 v9, v1;
	v13 =	vadd.f32 v12, v1;
	(pc) =	sbr.rel @!p0 .LBB2_9-.Ltmp9, $4  }
0x151: {  	v38 =	vld [tilespmem:s14+$0x410];
	v12 =	vmul.f32 v8, v8;
	v14 =	vadd.f32 v14, v1;
	v8 =	vadd.f32 v10, v1  }
0x152: {  	v36 =	vld [tilespmem:s14+$0x420];
	v34 =	vmul.f32 v15, v15;
	v10 =	vadd.f32 v11, v1;
	v16 =	vadd.f32 v16, v1  }
0x153: {  	v37 =	vld [tilespmem:s14+$0x430];
	v40 =	vmul.f32 v18, v18;
	v11 =	vadd.f32 v15, v1;
	v17 =	vadd.f32 v17, v1  }
0x154: {  	s4 =	sadd.s32 $0x80, s4;
	s19 =	sadd.s32 $0x100, s19;
	v39 =	vld [tilespmem:s14+$0x440];
	v15 =	vadd.f32 v18, v1;
	v18 =	vimm.f32 $0.0e+00;
	v12 =	vadd.f32 v12, v1  }
.LBB2_8:
0x155: {  	_ = 	snop  }
0x156: {  	s7 =	sand.u32 $0xFFFFF800, s19;
	s8 =	sand.u32 $0x380, s4;
	v44 =	vld [tilespmem:s14+$0x450]  }
0x157: {  	v46 =	vld [tilespmem:s14+$0x460];
	s14 =	sor.u32 s8, s7  }
0x158: {  	v28 =	vadd.f32 v34, v28;
	v41 =	vld [tilespmem:s14+$0x470]  }
0x159: {  	v30 =	vadd.f32 v40, v30;
	v48 =	vld [tilespmem:s14+$0x0];
	v29 =	vadd.f32 v35, v29  }
0x15a: {  	v50 =	vld [tilespmem:s14+$0x10];
	v63 =	vmul.f32 v35, v35;
	v19 =	vadd.f32 v38, v19;
	v45 =	vmul.f32 v38, v38  }
0x15b: {  	v52 =	vld [tilespmem:s14+$0x20];
	v20 =	vadd.f32 v36, v20;
	v47 =	vmul.f32 v36, v36;
	v22 =	vadd.f32 v37, v22  }
0x15c: {  	v53 =	vld [tilespmem:s14+$0x30];
	v49 =	vmul.f32 v37, v37;
	v24 =	vadd.f32 v39, v24;
	v27 =	vadd.f32 v44, v27  }
0x15d: {  	v55 =	vld [tilespmem:s14+$0x40];
	v51 =	vmul.f32 v39, v39;
	v31 =	vadd.f32 v46, v31;
	v25 =	vadd.f32 v63, v25  }
0x15e: {  	v57 =	vld [tilespmem:s14+$0x50];
	v35 =	vmul.f32 v44, v44;
	v21 =	vadd.f32 v45, v21;
	v23 =	vadd.f32 v47, v23  }
0x15f: {  	v42 =	vld [tilespmem:s14+$0x60];
	v54 =	vmul.f32 v46, v46;
	v26 =	vadd.f32 v49, v26;
	v18 =	vadd.f32 v51, v18  }
0x160: {  	v60 =	vld [tilespmem:s14+$0x70];
	v2 =	vadd.f32 v41, v2;
	v41 =	vmul.f32 v41, v41;
	v32 =	vadd.f32 v35, v32  }
0x161: {  	v5 =	vadd.f32 v48, v5;
	v56 =	vmul.f32 v48, v48;
	v33 =	vadd.f32 v54, v33  }
0x162: {  	s9 =	rddreg [dreg:$0x4];
	s15 =	sadd.s32 $0x1, s15;
	v4 =	vadd.f32 v50, v4;
	v58 =	vmul.f32 v50, v50;
	v6 =	vadd.f32 v52, v6  }
0x163: {  	p0 =	slt.s32 s15, s9;
	v59 =	vmul.f32 v52, v52;
	v7 =	vadd.f32 v53, v7;
	v8 =	vadd.f32 v55, v8  }
.Ltmp10:
0x164: {  	v38 =	vld [tilespmem:s14+$0x410];
	v61 =	vmul.f32 v53, v53;
	v10 =	vadd.f32 v57, v10;
	v11 =	vadd.f32 v42, v11;
	(pc) =	sbr.rel @p0 .LBB2_8-.Ltmp10, $4  }
0x165: {  	v36 =	vld [tilespmem:s14+$0x420];
	v62 =	vmul.f32 v55, v55;
	v15 =	vadd.f32 v60, v15;
	v3 =	vadd.f32 v41, v3  }
0x166: {  	v37 =	vld [tilespmem:s14+$0x430];
	v63 =	vmul.f32 v57, v57;
	v9 =	vadd.f32 v56, v9;
	v13 =	vadd.f32 v58, v13  }
0x167: {  	v39 =	vld [tilespmem:s14+$0x440];
	v34 =	vmul.f32 v42, v42;
	v14 =	vadd.f32 v59, v14;
	v12 =	vadd.f32 v61, v12  }
0x168: {  	s4 =	sadd.s32 $0x80, s4;
	s19 =	sadd.s32 $0x100, s19;
	v35 =	vld [tilespmem:s14+$0x400];
	v40 =	vmul.f32 v60, v60;
	v16 =	vadd.f32 v62, v16;
	v17 =	vadd.f32 v63, v17  }
.LBB2_9:
0x169: {  	_ =	sdelay $0x1  }
0x16a: {  	v60 =	vld [tilespmem:s14+$0x460]  }
0x16b: {  	v34 =	vadd.f32 v34, v28  }
0x16c: {  	v42 =	vld [tilespmem:s14+$0x450];
	v19 =	vadd.f32 v38, v19;
	v62 =	vmul.f32 v37, v37;
	v41 =	vmul.f32 v35, v35  }
0x16d: {  	v28 =	vadd.f32 v35, v29;
	v29 =	vadd.f32 v40, v30;
	v30 =	vmul.f32 v38, v38  }
0x16e: {  	v61 =	vmul.f32 v36, v36;
	v26 =	vadd.f32 v62, v26;
	v35 =	vadd.f32 v41, v25  }
0x16f: {  	v63 =	vmul.f32 v60, v60;
	v25 =	vadd.f32 v36, v20;
	v30 =	vadd.f32 v30, v21  }
0x170: {  	v20 =	vadd.f32 v37, v22;
	v36 =	vadd.f32 v61, v23;
	v23 =	vmul.f32 v39, v39  }
0x171: {  	v21 =	vadd.f32 v39, v24;
	v22 =	vadd.f32 v42, v27;
	v24 =	vmul.f32 v42, v42  }
0x172: {  	s19 =	rddreg [dreg:$0x0];
	v27 =	vadd.f32 v23, v18;
	v18 =	vadd.f32 v60, v31  }
0x173: {  	s9 =	simm.s32 $0x0;
	s15 =	rddreg [dreg:$0xe];
	v24 =	vadd.f32 v24, v32;
	v23 =	vadd.f32 v63, v33  }
.LBB2_10:
0x174: {  	s4 =	rddreg [dreg:$0x11]  }
0x175: {  	v31 =	vld [tilespmem:s4+$0x0];
	_ =	sdelay $0x4  }
0x176: {  	v5 =	vadd.f32 v31, v5;
	_ =	sdelay $0x1  }
0x177: {  	s14 =	rddreg [dreg:$0x12];
	[tilespmem:s4+$0x0] =	vst v5  }
0x178: {  	v5 =	vld [tilespmem:s14+$0x0];
	_ =	sdelay $0x4  }
0x179: {  	v5 =	vadd.f32 v5, v9;
	_ =	sdelay $0x1  }
0x17a: {  	s7 =	rddreg [dreg:$0x13];
	[tilespmem:s14+$0x0] =	vst v5  }
0x17b: {  	v5 =	vld [tilespmem:s7+$0x0];
	_ =	sdelay $0x4  }
0x17c: {  	v4 =	vadd.f32 v5, v4;
	_ =	sdelay $0x1  }
0x17d: {  	s8 =	rddreg [dreg:$0x14];
	[tilespmem:s7+$0x0] =	vst v4  }
0x17e: {  	v4 =	vld [tilespmem:s8+$0x0];
	_ =	sdelay $0x4  }
0x17f: {  	v4 =	vadd.f32 v4, v13;
	_ =	sdelay $0x1  }
0x180: {  	s14 =	rddreg [dreg:$0x15];
	[tilespmem:s8+$0x0] =	vst v4  }
0x181: {  	v4 =	vld [tilespmem:s14+$0x0];
	_ =	sdelay $0x4  }
0x182: {  	v4 =	vadd.f32 v4, v6;
	_ =	sdelay $0x1  }
0x183: {  	s7 =	rddreg [dreg:$0x16];
	[tilespmem:s14+$0x0] =	vst v4  }
0x184: {  	v4 =	vld [tilespmem:s7+$0x0];
	_ =	sdelay $0x4  }
0x185: {  	v4 =	vadd.f32 v4, v14;
	_ =	sdelay $0x1  }
0x186: {  	s8 =	rddreg [dreg:$0x17];
	[tilespmem:s7+$0x0] =	vst v4  }
0x187: {  	v4 =	vld [tilespmem:s8+$0x0];
	_ =	sdelay $0x4  }
0x188: {  	v4 =	vadd.f32 v4, v7;
	_ =	sdelay $0x1  }
0x189: {  	s14 =	rddreg [dreg:$0x18];
	[tilespmem:s8+$0x0] =	vst v4  }
0x18a: {  	v4 =	vld [tilespmem:s14+$0x0];
	_ =	sdelay $0x4  }
0x18b: {  	v4 =	vadd.f32 v4, v12;
	_ =	sdelay $0x1  }
0x18c: {  	s7 =	rddreg [dreg:$0x19];
	[tilespmem:s14+$0x0] =	vst v4  }
0x18d: {  	v4 =	vld [tilespmem:s7+$0x0];
	_ =	sdelay $0x4  }
0x18e: {  	v4 =	vadd.f32 v4, v8;
	_ =	sdelay $0x1  }
0x18f: {  	s8 =	rddreg [dreg:$0x1a];
	[tilespmem:s7+$0x0] =	vst v4  }
0x190: {  	v4 =	vld [tilespmem:s8+$0x0];
	_ =	sdelay $0x4  }
0x191: {  	v4 =	vadd.f32 v4, v16;
	_ =	sdelay $0x1  }
0x192: {  	s14 =	rddreg [dreg:$0x1b];
	[tilespmem:s8+$0x0] =	vst v4  }
0x193: {  	v4 =	vld [tilespmem:s14+$0x0];
	_ =	sdelay $0x4  }
0x194: {  	v4 =	vadd.f32 v4, v10;
	_ =	sdelay $0x1  }
0x195: {  	s7 =	rddreg [dreg:$0x1c];
	[tilespmem:s14+$0x0] =	vst v4  }
0x196: {  	v4 =	vld [tilespmem:s7+$0x0];
	_ =	sdelay $0x4  }
0x197: {  	v4 =	vadd.f32 v4, v17;
	_ =	sdelay $0x1  }
0x198: {  	s8 =	rddreg [dreg:$0x1d];
	[tilespmem:s7+$0x0] =	vst v4  }
0x199: {  	v4 =	vld [tilespmem:s8+$0x0];
	_ =	sdelay $0x4  }
0x19a: {  	v4 =	vadd.f32 v4, v11;
	_ =	sdelay $0x1  }
0x19b: {  	s14 =	rddreg [dreg:$0x1e];
	[tilespmem:s8+$0x0] =	vst v4  }
0x19c: {  	v4 =	vld [tilespmem:s14+$0x0];
	_ =	sdelay $0x4  }
0x19d: {  	v4 =	vadd.f32 v4, v34;
	_ =	sdelay $0x1  }
0x19e: {  	s7 =	rddreg [dreg:$0x1f];
	[tilespmem:s14+$0x0] =	vst v4  }
0x19f: {  	v4 =	vld [tilespmem:s7+$0x0];
	_ =	sdelay $0x4  }
0x1a0: {  	s8 =	sld [smem:$0x7FC];
	v4 =	vadd.f32 v4, v15;
	_ =	sdelay $0x1  }
0x1a1: {  	[tilespmem:s7+$0x0] =	vst v4  }
0x1a2: {  	v4 =	vld [tilespmem:s8+$0x0];
	_ =	sdelay $0x4  }
0x1a3: {  	s14 =	sld [smem:$0x7FD];
	v4 =	vadd.f32 v4, v29;
	_ =	sdelay $0x1  }
0x1a4: {  	[tilespmem:s8+$0x0] =	vst v4  }
0x1a5: {  	v4 =	vld [tilespmem:s14+$0x0];
	_ =	sdelay $0x4  }
0x1a6: {  	v4 =	vadd.f32 v4, v28;
	_ =	sdelay $0x1  }
0x1a7: {  	[tilespmem:s14+$0x0] =	vst v4  }
0x1a8: {  	v4 =	vld [tilespmem:s16+$0x0];
	_ =	sdelay $0x4  }
0x1a9: {  	v4 =	vadd.f32 v4, v35;
	_ =	sdelay $0x1  }
0x1aa: {  	[tilespmem:s16+$0x0] =	vst v4  }
0x1ab: {  	v4 =	vld [tilespmem:s5+$0x0];
	_ =	sdelay $0x4  }
0x1ac: {  	v4 =	vadd.f32 v4, v19;
	_ =	sdelay $0x1  }
0x1ad: {  	[tilespmem:s5+$0x0] =	vst v4  }
0x1ae: {  	v4 =	vld [tilespmem:s6+$0x0];
	_ =	sdelay $0x4  }
0x1af: {  	v4 =	vadd.f32 v4, v30;
	_ =	sdelay $0x1  }
0x1b0: {  	[tilespmem:s6+$0x0] =	vst v4  }
0x1b1: {  	v4 =	vld [tilespmem:s12+$0x0];
	_ =	sdelay $0x4  }
0x1b2: {  	v4 =	vadd.f32 v4, v25;
	_ =	sdelay $0x1  }
0x1b3: {  	[tilespmem:s12+$0x0] =	vst v4  }
0x1b4: {  	v4 =	vld [tilespmem:s17+$0x0];
	_ =	sdelay $0x4  }
0x1b5: {  	v4 =	vadd.f32 v4, v36;
	_ =	sdelay $0x1  }
0x1b6: {  	[tilespmem:s17+$0x0] =	vst v4  }
0x1b7: {  	v4 =	vld [tilespmem:s3+$0x0];
	_ =	sdelay $0x4  }
0x1b8: {  	v4 =	vadd.f32 v4, v20;
	_ =	sdelay $0x1  }
0x1b9: {  	[tilespmem:s3+$0x0] =	vst v4  }
0x1ba: {  	v4 =	vld [tilespmem:s1+$0x0];
	_ =	sdelay $0x4  }
0x1bb: {  	v4 =	vadd.f32 v4, v26;
	_ =	sdelay $0x1  }
0x1bc: {  	[tilespmem:s1+$0x0] =	vst v4  }
0x1bd: {  	v4 =	vld [tilespmem:s21+$0x0];
	_ =	sdelay $0x4  }
0x1be: {  	v4 =	vadd.f32 v4, v21;
	_ =	sdelay $0x1  }
0x1bf: {  	[tilespmem:s21+$0x0] =	vst v4  }
0x1c0: {  	v4 =	vld [tilespmem:s13+$0x0];
	_ =	sdelay $0x4  }
0x1c1: {  	v4 =	vadd.f32 v4, v27;
	_ =	sdelay $0x1  }
0x1c2: {  	[tilespmem:s13+$0x0] =	vst v4  }
0x1c3: {  	v4 =	vld [tilespmem:s11+$0x0];
	_ =	sdelay $0x4  }
0x1c4: {  	v4 =	vadd.f32 v4, v22;
	_ =	sdelay $0x1  }
0x1c5: {  	[tilespmem:s11+$0x0] =	vst v4  }
0x1c6: {  	v4 =	vld [tilespmem:s23+$0x0];
	_ =	sdelay $0x4  }
0x1c7: {  	v4 =	vadd.f32 v4, v24;
	_ =	sdelay $0x1  }
0x1c8: {  	[tilespmem:s23+$0x0] =	vst v4  }
0x1c9: {  	v4 =	vld [tilespmem:s24+$0x0];
	_ =	sdelay $0x4  }
0x1ca: {  	v4 =	vadd.f32 v4, v18;
	_ =	sdelay $0x1  }
0x1cb: {  	[tilespmem:s24+$0x0] =	vst v4  }
0x1cc: {  	v4 =	vld [tilespmem:s25+$0x0];
	_ =	sdelay $0x4  }
0x1cd: {  	v4 =	vadd.f32 v4, v23;
	_ =	sdelay $0x1  }
0x1ce: {  	[tilespmem:s25+$0x0] =	vst v4  }
0x1cf: {  	v4 =	vld [tilespmem:s26+$0x0];
	_ =	sdelay $0x4  }
0x1d0: {  	v2 =	vadd.f32 v4, v2;
	_ =	sdelay $0x1  }
0x1d1: {  	[tilespmem:s26+$0x0] =	vst v2  }
0x1d2: {  	s7 =	sshll.u32 s20, $0x1;
	v2 =	vld [tilespmem:s28+$0x0]  }
0x1d3: {  	s4 =	sadd.s32 $0x2, s7;
	s7 =	rddreg [dreg:$0x10]  }
0x1d4: {  	p0 =	slt.s32 s4, s7  }
0x1d5: {  	s7 =	smov.u32 @p0 s4  }
0x1d6: {  	s4 =	sshll.u32 s7, $0x6  }
0x1d7: {  	s4 =	sadd.s32 s18, s4;
	v2 =	vadd.f32 v2, v3  }
0x1d8: {  	s4 =	sand.u32 $0xFFFFFFF8, s4  }
0x1d9: {  	p0 =	slt.s32 s4, $0x7FB8;
	s8 =	simm.s32 $0x2;
	[tilespmem:s28+$0x0] =	vst v2  }
0x1da: {  	s4 =	simm.s32 @!p0 $0x7FB8;
	_ =	swait.ge [sflag:s8], $0x4800  }
0x1db: {  	s4 =	sshll.u32 s4, $0x5;
	[sflag:s8] =	ssyncset.done $0x0  }
0x1dc: {  	s4 =	sadd.s32 s19, s4;
	s14 =	sshll.u32 s10, $0x6;
	[sflag:s8] =	ssyncadd.s32 $0xFFFFB800  }
0x1dd: {  	[tilespmem:s9], [sflag:$0x1] =	stream.linear.gather [hbm4b:s4+s9], $0x4800, $0x38;
	[tilespmem:$0xB080] =	vst v63  }
0x1de: {  	s4 =	sadd.s32 s18, s14  }
0x1df: {  	s7 =	sand.u32 $0xFFFFFFF8, s4;
	s8 =	sadd.s32 $0x40, s4  }
0x1e0: {  	p0 =	slt.s32 s7, $0x7FB8;
	p1 =	slt.s32 s15, s8  }
0x1e1: {  	s7 =	simm.s32 @!p0 $0x7FB8;
	s8 =	smov.u32 @p1 s15  }
0x1e2: {  	s4 =	ssub.s32 s4, s7;
	s7 =	ssub.s32 s8, s7  }
0x1e3: {  	p0 =	sle.s32 s7, s4  }
.Ltmp11:
0x1e4: {  	_ = 	snop;
	(pc) =	sbr.rel @p0 .LBB2_11-.Ltmp11, $1  }
0x1e5: {  	_ =	sdelay $0x3  }
0x1e6: {  	p0 =	slt.s32 s29, $0x7FB8;
	s8 =	smov.u32 s29  }
0x1e7: {  	s8 =	simm.s32 @!p0 $0x7FB8  }
0x1e8: {  	s9 =	sshll.u32 s8, $0x7;
	s8 =	sshll.u32 s8, $0x8  }
0x1e9: {  	s9 =	ssub.s32 s0, s9;
	s8 =	ssub.s32 s2, s8  }
0x1ea: {  	s10 =	sand.u32 $0xFFFFF800, s8;
	s14 =	sand.u32 $0x380, s9  }
0x1eb: {  	s10 =	sor.u32 s14, s10  }
0x1ec: {  	v2 =	vld [tilespmem:s10+$0x4C70]  }
0x1ed: {  	v28 =	vimm.f32 $0.0e+00;
	v3 =	vld [tilespmem:s10+$0x4800]  }
0x1ee: {  	v29 =	vimm.f32 $0.0e+00;
	v19 =	vimm.f32 $0.0e+00;
	v25 =	vimm.f32 $0.0e+00;
	v5 =	vld [tilespmem:s10+$0x4810]  }
0x1ef: {  	v20 =	vimm.f32 $0.0e+00;
	v21 =	vimm.f32 $0.0e+00;
	v22 =	vimm.f32 $0.0e+00;
	v16 =	vld [tilespmem:s10+$0x4860]  }
0x1f0: {  	v23 =	vimm.f32 $0.0e+00;
	v24 =	vimm.f32 $0.0e+00;
	v26 =	vimm.f32 $0.0e+00;
	v7 =	vld [tilespmem:s10+$0x4820]  }
0x1f1: {  	v27 =	vimm.f32 $0.0e+00;
	v30 =	vimm.f32 $0.0e+00;
	v31 =	vimm.f32 $0.0e+00;
	p0 =	sgt.s32 s7, s4;
	v8 =	vld [tilespmem:s10+$0x4830]  }
0x1f2: {  	v32 =	vimm.f32 $0.0e+00;
	s14 =	sadd.s32 $0x1, s4;
	s4 =	smov.u32 @p0 s7;
	v9 =	vld [tilespmem:s10+$0x4840];
	v6 =	vmul.f32 v2, v2;
	v2 =	vadd.f32 v2, v1  }
0x1f3: {  	v15 =	vld [tilespmem:s10+$0x4850];
	[dreg:$0x5] =	wrdreg s4;
	v17 =	vadd.f32 v3, v1;
	v10 =	vmul.f32 v3, v3;
	v4 =	vadd.f32 v5, v1  }
0x1f4: {  	v18 =	vld [tilespmem:s10+$0x4870];
	s4 =	rddreg [dreg:$0x5];
	v5 =	vmul.f32 v5, v5;
	v35 =	vmul.f32 v16, v16;
	v3 =	vadd.f32 v6, v1  }
0x1f5: {  	p0 =	slt.s32 s14, s4;
	v12 =	vadd.f32 v10, v1;
	v6 =	vadd.f32 v7, v1;
	v10 =	vmul.f32 v7, v7  }
.Ltmp12:
0x1f6: {  	v34 =	vld [tilespmem:s10+$0x4C00];
	v13 =	vadd.f32 v5, v1;
	v7 =	vadd.f32 v8, v1;
	v8 =	vmul.f32 v8, v8;
	(pc) =	sbr.rel @!p0 .LBB2_14-.Ltmp12, $4  }
0x1f7: {  	v37 =	vld [tilespmem:s10+$0x4C10];
	v5 =	vadd.f32 v9, v1;
	v9 =	vmul.f32 v9, v9;
	v11 =	vadd.f32 v10, v1  }
0x1f8: {  	v33 =	vld [tilespmem:s10+$0x4C20];
	v14 =	vadd.f32 v8, v1;
	v8 =	vadd.f32 v15, v1;
	v10 =	vmul.f32 v15, v15  }
0x1f9: {  	v38 =	vld [tilespmem:s10+$0x4C30];
	v36 =	vmul.f32 v18, v18;
	v15 =	vadd.f32 v9, v1;
	v9 =	vadd.f32 v16, v1  }
0x1fa: {  	s15 =	sadd.s32 $0x100, s8;
	v39 =	vld [tilespmem:s10+$0x4C40];
	s4 =	sadd.s32 $0x80, s9;
	v16 =	vadd.f32 v10, v1;
	v10 =	vadd.f32 v18, v1;
	v18 =	vimm.f32 $0.0e+00  }
.LBB2_13:
0x1fb: {  	s7 =	sand.u32 $0xFFFFF800, s15;
	s8 =	sand.u32 $0x380, s4;
	v45 =	vld [tilespmem:s10+$0x4C50]  }
0x1fc: {  	v47 =	vld [tilespmem:s10+$0x4C60];
	s10 =	sor.u32 s8, s7  }
0x1fd: {  	v1 =	vadd.f32 v35, v1;
	v40 =	vld [tilespmem:s10+$0x4C70]  }
0x1fe: {  	v29 =	vadd.f32 v36, v29;
	v49 =	vld [tilespmem:s10+$0x4800];
	v28 =	vadd.f32 v34, v28  }
0x1ff: {  	v51 =	vld [tilespmem:s10+$0x4810];
	v44 =	vmul.f32 v34, v34;
	v19 =	vadd.f32 v37, v19;
	v46 =	vmul.f32 v37, v37  }
0x200: {  	v53 =	vld [tilespmem:s10+$0x4820];
	v20 =	vadd.f32 v33, v20;
	v48 =	vmul.f32 v33, v33;
	v22 =	vadd.f32 v38, v22  }
0x201: {  	v54 =	vld [tilespmem:s10+$0x4830];
	v50 =	vmul.f32 v38, v38;
	v24 =	vadd.f32 v39, v24;
	v27 =	vadd.f32 v45, v27  }
0x202: {  	v56 =	vld [tilespmem:s10+$0x4840];
	v52 =	vmul.f32 v39, v39;
	v30 =	vadd.f32 v47, v30;
	v25 =	vadd.f32 v44, v25  }
0x203: {  	v57 =	vld [tilespmem:s10+$0x4850];
	v35 =	vmul.f32 v45, v45;
	v21 =	vadd.f32 v46, v21;
	v23 =	vadd.f32 v48, v23  }
0x204: {  	v59 =	vld [tilespmem:s10+$0x4860];
	v55 =	vmul.f32 v47, v47;
	v26 =	vadd.f32 v50, v26;
	v18 =	vadd.f32 v52, v18  }
0x205: {  	v60 =	vld [tilespmem:s10+$0x4870];
	v2 =	vadd.f32 v40, v2;
	v40 =	vmul.f32 v40, v40;
	v31 =	vadd.f32 v35, v31  }
0x206: {  	v17 =	vadd.f32 v49, v17;
	v34 =	vmul.f32 v49, v49;
	v32 =	vadd.f32 v55, v32  }
0x207: {  	s9 =	rddreg [dreg:$0x5];
	s14 =	sadd.s32 $0x1, s14;
	v4 =	vadd.f32 v51, v4;
	v58 =	vmul.f32 v51, v51;
	v6 =	vadd.f32 v53, v6  }
0x208: {  	p0 =	slt.s32 s14, s9;
	v39 =	vmul.f32 v53, v53;
	v7 =	vadd.f32 v54, v7;
	v5 =	vadd.f32 v56, v5  }
.Ltmp13:
0x209: {  	v37 =	vld [tilespmem:s10+$0x4C10];
	v61 =	vmul.f32 v54, v54;
	v8 =	vadd.f32 v57, v8;
	v9 =	vadd.f32 v59, v9;
	(pc) =	sbr.rel @p0 .LBB2_13-.Ltmp13, $4  }
0x20a: {  	v33 =	vld [tilespmem:s10+$0x4C20];
	v62 =	vmul.f32 v56, v56;
	v10 =	vadd.f32 v60, v10;
	v3 =	vadd.f32 v40, v3  }
0x20b: {  	v38 =	vld [tilespmem:s10+$0x4C30];
	v63 =	vmul.f32 v57, v57;
	v12 =	vadd.f32 v34, v12;
	v13 =	vadd.f32 v58, v13  }
0x20c: {  	v35 =	vmul.f32 v59, v59;
	v34 =	vld [tilespmem:s10+$0x4C00];
	v11 =	vadd.f32 v39, v11;
	v14 =	vadd.f32 v61, v14  }
0x20d: {  	s4 =	sadd.s32 $0x80, s4;
	s15 =	sadd.s32 $0x100, s15;
	v36 =	vmul.f32 v60, v60;
	v15 =	vadd.f32 v62, v15;
	v16 =	vadd.f32 v63, v16;
	v39 =	vld [tilespmem:s10+$0x4C40]  }
.LBB2_14:
0x20e: {  	_ =	sdelay $0x1  }
0x20f: {  	v35 =	vadd.f32 v35, v1;
	v40 =	vld [tilespmem:s10+$0x4C50];
	v63 =	vmul.f32 v37, v37  }
0x210: {  	v41 =	vld [tilespmem:s10+$0x4C60];
	v36 =	vadd.f32 v36, v29;
	v29 =	vadd.f32 v37, v19;
	v1 =	vmul.f32 v34, v34  }
0x211: {  	v28 =	vadd.f32 v34, v28;
	v34 =	vadd.f32 v63, v21  }
0x212: {  	v19 =	vmul.f32 v38, v38;
	v37 =	vadd.f32 v1, v25;
	v1 =	vmul.f32 v33, v33  }
0x213: {  	v21 =	vadd.f32 v39, v24;
	v25 =	vadd.f32 v33, v20  }
.Ltmp14:
0x214: {  	v24 =	vadd.f32 v19, v26;
	v33 =	vadd.f32 v1, v23;
	v1 =	vmul.f32 v39, v39;
	(pc) =	sbr.rel .LBB2_15-.Ltmp14, $4  }
0x215: {  	v19 =	vadd.f32 v40, v27;
	v20 =	vmul.f32 v40, v40;
	v27 =	vmul.f32 v41, v41  }
0x216: {  	v22 =	vadd.f32 v38, v22  }
0x217: {  	v23 =	vadd.f32 v20, v31;
	v20 =	vadd.f32 v27, v32  }
0x218: {  	s9 =	simm.s32 $0x0;
	s15 =	rddreg [dreg:$0xe];
	v26 =	vadd.f32 v1, v18;
	v18 =	vadd.f32 v41, v30;
	v1 =	vmov v17  }
.LBB2_19:
0x219: {  	_ =	sfence.sel $0x180000  }
0x21a: {  	[bflag:$0x0] =	sbarrier.arrive $0xFFFF  }
0x21b: {  	_ =	strace $0x90000047  }
0x21c: {  	s0 =	stileid.u32;
	[bflag:$0x2] =	sbarrier.arrive $0xFFFF  }
0x21d: {  	p0 =	sne.s32 s0, $0x0;
	s0 =	rddreg [dreg:$0x3]  }
0x21e: {  	s0 =	sadd.s32 @!p0 $0x100000, s0  }
0x21f: {  	[sflag:s0] =	ssyncadd.tile.s32 @!p0 $0x1;
	_ =	shalt  }
.Lfunc_end2:
_tile_overlayer_lowered:
.L_overlay_start_2:
0x220: {  	(tag) =	ssettag $0x2  }
0x221: {  	s0 =	rddreg [dreg:$0x0];
	s2 =	stileid.u32  }
0x222: {  	s1 =	rddreg [dreg:$0x1];
	p0 =	sne.s32 s2, $0x0  }
0x223: {  	s3 =	rddreg [dreg:$0x2];
	[bflag:$0x3] =	sbarrier.arrive $0xFFFF;
	s2 =	simm.s32 @!p0 $0x1C03  }
0x224: {  	[timem:s3], [sflag:s2] =	dma.local @!p0 [hbm:s0], s1  }
0x225: {  	s0 =	simm.s32 @!p0 $0x3  }
0x226: {  	_ =	swait.ge @!p0 [sflag:s0], s1  }
0x227: {  	s1 =	ssub.s32 @!p0 $0x0, s1;
	[sflag:s0] =	ssyncset.done @!p0 $0x0  }
0x228: {  	[sflag:s0] =	ssyncadd.s32 @!p0 s1  }
0x229: {  	[bflag:$0x3] =	sbarrier.arrive $0xFFFF  }
0x22a: {  	_ =	shalt  }

</sc_bundles>
